<compile_context>
chip_gen: v7x
topology: tpu7x:2x2x1
jax: 0.10.2.dev20260603
libtpu: 0.0.44.dev20260713+nightly
codegen_flags: <defaults>
</compile_context>

<pallas_src>
import functools

import numpy as np

import jax
import jax.numpy as jnp
from jax import lax
from jax.experimental import pallas as pl
from jax.experimental.pallas import tpu as pltpu
from jax.experimental.pallas import tpu_sc as plsc

N = 10000
E = 160000
D_IN = 256
D_H = 256
D_OUT = 128

NP = 10240
EP = 163840
PAD_E = EP - E
ROWS_PER_TILE = NP // 16
CHUNK = 128
NCH16 = EP // 16 // CHUNK
NCH32 = EP // 32 // CHUNK

F32 = jnp.float32
I32 = jnp.int32


def _mesh():
    return plsc.VectorSubcoreMesh(
        core_axis_name="c", subcore_axis_name="s", num_cores=2, num_subcores=16
    )


def _zero_rows(buf, nrows, width):
    zero16 = jnp.zeros((16,), F32)

    def zrow(r, carry):
        for l in range(width // 16):
            buf[r, pl.ds(l * 16, 16)] = zero16
        return carry

    lax.fori_loop(jnp.int32(0), jnp.int32(nrows), zrow, jnp.int32(0))


def _make_sc_count():
    @functools.partial(
        pl.kernel,
        out_type=jax.ShapeDtypeStruct((2 * NP, 128), F32),
        mesh=_mesh(),
        scratch_types=[
            pltpu.VMEM((NCH16, CHUNK), I32),
            pltpu.VMEM((CHUNK, 128), F32),
            pltpu.VMEM_SHARED((NP, 128), F32),
        ],
    )
    def k(dst2, out, dstbuf, onesbuf, acc):
        c = lax.axis_index("c")
        s = lax.axis_index("s")
        pltpu.sync_copy(dst2.at[pl.ds(s * NCH16, NCH16)], dstbuf)
        _zero_rows(onesbuf, CHUNK, 128)
        base = s * ROWS_PER_TILE
        for j in range(ROWS_PER_TILE // CHUNK):
            pltpu.sync_copy(onesbuf, acc.at[pl.ds(base + j * CHUNK, CHUNK)])

        one16 = jnp.ones((16,), F32)

        def orow(r, carry):
            for l in range(128 // 16):
                onesbuf[r, pl.ds(l * 16, 16)] = one16
            return carry

        lax.fori_loop(jnp.int32(0), jnp.int32(CHUNK), orow, jnp.int32(0))
        plsc.subcore_barrier()

        def step(j, carry):
            pltpu.sync_copy(onesbuf, acc.at[dstbuf.at[j]], add=True)
            return carry

        lax.fori_loop(jnp.int32(0), jnp.int32(NCH16), step, jnp.int32(0))
        plsc.subcore_barrier()

        obase = c * NP + base
        for j in range(ROWS_PER_TILE // CHUNK):
            pltpu.sync_copy(
                acc.at[pl.ds(base + j * CHUNK, CHUNK)],
                out.at[pl.ds(obase + j * CHUNK, CHUNK)],
            )

    return k


def _make_sc_agg():
    NCHP = NCH16 // 2

    @functools.partial(
        pl.kernel,
        out_type=jax.ShapeDtypeStruct((2 * NP, 128), F32),
        mesh=_mesh(),
        scratch_types=[
            pltpu.VMEM((NCHP, CHUNK), I32),
            pltpu.VMEM((NCHP, CHUNK), I32),
            pltpu.VMEM((CHUNK, 128), F32),
            pltpu.VMEM((CHUNK, 128), F32),
            pltpu.VMEM_SHARED((NP, 128), F32),
            pltpu.SemaphoreType.DMA,
            pltpu.SemaphoreType.DMA,
        ],
    )
    def k(ys0, ys1, src2, dst2, out, srcbuf, dstbuf, msgs, msgs1, acc, sem0, sem1):
        c = lax.axis_index("c")
        s = lax.axis_index("s")
        _zero_rows(msgs, CHUNK, 128)
        base = s * ROWS_PER_TILE
        for j in range(ROWS_PER_TILE // CHUNK):
            pltpu.sync_copy(msgs, acc.at[pl.ds(base + j * CHUNK, CHUNK)])
        plsc.subcore_barrier()

        def run_phase(ys_ref, phase):
            pbase = s * NCH16 + phase * NCHP
            pltpu.sync_copy(src2.at[pl.ds(pbase, NCHP)], srcbuf)
            pltpu.sync_copy(dst2.at[pl.ds(pbase, NCHP)], dstbuf)
            pltpu.async_copy(ys_ref.at[srcbuf.at[jnp.int32(0)]], msgs, sem0)

            def step(i, carry):
                j0 = jnp.int32(2) * i
                j1 = j0 + jnp.int32(1)
                jn = jnp.minimum(j0 + jnp.int32(2), jnp.int32(NCHP - 1))
                pltpu.make_async_copy(ys_ref.at[srcbuf.at[j0]], msgs, sem0).wait()
                pltpu.async_copy(ys_ref.at[srcbuf.at[j1]], msgs1, sem1)
                pltpu.sync_copy(msgs, acc.at[dstbuf.at[j0]], add=True)
                pltpu.make_async_copy(ys_ref.at[srcbuf.at[j1]], msgs1, sem1).wait()
                pltpu.async_copy(ys_ref.at[srcbuf.at[jn]], msgs, sem0)
                pltpu.sync_copy(msgs1, acc.at[dstbuf.at[j1]], add=True)
                return carry

            lax.fori_loop(jnp.int32(0), jnp.int32(NCHP // 2), step, jnp.int32(0))
            pltpu.make_async_copy(
                ys_ref.at[srcbuf.at[jnp.int32(NCHP - 1)]], msgs, sem0).wait()

        @pl.when(c == 0)
        def _():
            for phase in range(2):
                run_phase(ys0, phase)

        @pl.when(c == 1)
        def _():
            for phase in range(2):
                run_phase(ys1, phase)

        plsc.subcore_barrier()
        obase = c * NP + base
        for j in range(ROWS_PER_TILE // CHUNK):
            pltpu.sync_copy(
                acc.at[pl.ds(base + j * CHUNK, CHUNK)],
                out.at[pl.ds(obase + j * CHUNK, CHUNK)],
            )

    return k


def _make_sc_agg3():
    @functools.partial(
        pl.kernel,
        out_type=jax.ShapeDtypeStruct((2 * NP, 128), F32),
        mesh=_mesh(),
        scratch_types=[
            pltpu.VMEM((NCH32, CHUNK), I32),
            pltpu.VMEM((NCH32, CHUNK), I32),
            pltpu.VMEM((CHUNK, 128), F32),
            pltpu.VMEM((CHUNK, 128), F32),
            pltpu.VMEM_SHARED((NP, 128), F32),
            pltpu.SemaphoreType.DMA,
            pltpu.SemaphoreType.DMA,
        ],
    )
    def k(ys3, src2, dst2, out, srcbuf, dstbuf, msgs, msgs1, acc, sem0, sem1):
        c = lax.axis_index("c")
        s = lax.axis_index("s")
        w = c * 16 + s
        pltpu.sync_copy(src2.at[pl.ds(w * NCH32, NCH32)], srcbuf)
        pltpu.sync_copy(dst2.at[pl.ds(w * NCH32, NCH32)], dstbuf)
        _zero_rows(msgs, CHUNK, 128)
        base = s * ROWS_PER_TILE
        for j in range(ROWS_PER_TILE // CHUNK):
            pltpu.sync_copy(msgs, acc.at[pl.ds(base + j * CHUNK, CHUNK)])
        plsc.subcore_barrier()

        pltpu.async_copy(ys3.at[srcbuf.at[jnp.int32(0)]], msgs, sem0)

        def step(i, carry):
            j0 = jnp.int32(2) * i
            j1 = j0 + jnp.int32(1)
            jn = jnp.minimum(j0 + jnp.int32(2), jnp.int32(NCH32 - 1))
            pltpu.make_async_copy(ys3.at[srcbuf.at[j0]], msgs, sem0).wait()
            pltpu.async_copy(ys3.at[srcbuf.at[j1]], msgs1, sem1)
            pltpu.sync_copy(msgs, acc.at[dstbuf.at[j0]], add=True)
            pltpu.make_async_copy(ys3.at[srcbuf.at[j1]], msgs1, sem1).wait()
            pltpu.async_copy(ys3.at[srcbuf.at[jn]], msgs, sem0)
            pltpu.sync_copy(msgs1, acc.at[dstbuf.at[j1]], add=True)
            return carry

        lax.fori_loop(jnp.int32(0), jnp.int32(NCH32 // 2), step, jnp.int32(0))
        pltpu.make_async_copy(ys3.at[srcbuf.at[jnp.int32(NCH32 - 1)]], msgs, sem0).wait()
        plsc.subcore_barrier()
        obase = c * NP + base
        for j in range(ROWS_PER_TILE // CHUNK):
            pltpu.sync_copy(
                acc.at[pl.ds(base + j * CHUNK, CHUNK)],
                out.at[pl.ds(obase + j * CHUNK, CHUNK)],
            )

    return k


_GRID = NP // 512
_I0 = np.int32(0)


def _norm_tile(d_ref):
    d = d_ref[...]
    return jnp.where(d > 0.5, lax.rsqrt(d), 0.0).astype(F32)


def _tc1(featp, W1, degb):
    def body(f_ref, w_ref, d_ref, o0_ref, o1_ref):
        nb = _norm_tile(d_ref)
        y = jnp.dot(f_ref[...], w_ref[...], preferred_element_type=F32)
        o0_ref[...] = y[:, :128] * nb
        o1_ref[...] = y[:, 128:] * nb

    return pl.pallas_call(
        body,
        grid=(_GRID,),
        in_specs=[
            pl.BlockSpec((512, D_IN), lambda i: (i, _I0)),
            pl.BlockSpec((D_IN, D_H), lambda i: (_I0, _I0)),
            pl.BlockSpec((512, 128), lambda i: (i, _I0)),
        ],
        out_specs=[
            pl.BlockSpec((512, 128), lambda i: (i, _I0)),
            pl.BlockSpec((512, 128), lambda i: (i, _I0)),
        ],
        out_shape=[
            jax.ShapeDtypeStruct((NP, 128), F32),
            jax.ShapeDtypeStruct((NP, 128), F32),
        ],
    )(featp, W1, degb)


def _tc_mid(agg, W, b, degb):

    def body(a_ref, w_ref, b_ref, d_ref, o0_ref, o1_ref):
        nb = _norm_tile(d_ref)
        nb2 = jnp.concatenate([nb, nb], axis=1)
        h = jnp.concatenate([a_ref[0], a_ref[1]], axis=1)
        h = jnp.maximum(h * nb2 + b_ref[...], 0.0)
        y = jnp.dot(h, w_ref[...], preferred_element_type=F32)
        o0_ref[...] = y[:, :128] * nb
        o1_ref[...] = y[:, 128:] * nb

    return pl.pallas_call(
        body,
        grid=(_GRID,),
        in_specs=[
            pl.BlockSpec((2, 512, 128), lambda i: (_I0, i, _I0)),
            pl.BlockSpec((D_H, D_H), lambda i: (_I0, _I0)),
            pl.BlockSpec((1, D_H), lambda i: (_I0, _I0)),
            pl.BlockSpec((512, 128), lambda i: (i, _I0)),
        ],
        out_specs=[
            pl.BlockSpec((512, 128), lambda i: (i, _I0)),
            pl.BlockSpec((512, 128), lambda i: (i, _I0)),
        ],
        out_shape=[
            jax.ShapeDtypeStruct((NP, 128), F32),
            jax.ShapeDtypeStruct((NP, 128), F32),
        ],
    )(agg, W, b, degb)


def _tc3(agg, W, b, degb):

    def body(a_ref, w_ref, b_ref, d_ref, o_ref):
        nb = _norm_tile(d_ref)
        nb2 = jnp.concatenate([nb, nb], axis=1)
        h = jnp.concatenate([a_ref[0], a_ref[1]], axis=1)
        h = jnp.maximum(h * nb2 + b_ref[...], 0.0)
        y = jnp.dot(h, w_ref[...], preferred_element_type=F32)
        o_ref[...] = y * nb

    return pl.pallas_call(
        body,
        grid=(_GRID,),
        in_specs=[
            pl.BlockSpec((2, 512, 128), lambda i: (_I0, i, _I0)),
            pl.BlockSpec((D_H, D_OUT), lambda i: (_I0, _I0)),
            pl.BlockSpec((1, D_H), lambda i: (_I0, _I0)),
            pl.BlockSpec((512, 128), lambda i: (i, _I0)),
        ],
        out_specs=pl.BlockSpec((512, 128), lambda i: (i, _I0)),
        out_shape=jax.ShapeDtypeStruct((NP, 128), F32),
    )(agg, W, b, degb)


def _tc_final(agg3, b3, degb):
    def body(a_ref, b_ref, d_ref, o_ref):
        nb = _norm_tile(d_ref)
        o_ref[...] = (a_ref[0] + a_ref[1]) * nb + b_ref[...]

    return pl.pallas_call(
        body,
        grid=(_GRID,),
        in_specs=[
            pl.BlockSpec((2, 512, 128), lambda i: (_I0, i, _I0)),
            pl.BlockSpec((1, D_OUT), lambda i: (_I0, _I0)),
            pl.BlockSpec((512, 128), lambda i: (i, _I0)),
        ],
        out_specs=pl.BlockSpec((512, 128), lambda i: (i, _I0)),
        out_shape=jax.ShapeDtypeStruct((NP, 128), F32),
    )(agg3, b3, degb)


def kernel(features, edge_index, W1, b1, W2, b2, W3, b3):
    ei = edge_index.astype(I32)
    src = jnp.concatenate([ei[0], jnp.zeros((PAD_E,), I32)])
    dst = jnp.concatenate([ei[1], jnp.full((PAD_E,), NP - 1, I32)])
    src2 = src.reshape(EP // CHUNK, CHUNK)
    dst2 = dst.reshape(EP // CHUNK, CHUNK)

    featp = jnp.pad(features.astype(F32), ((0, NP - N), (0, 0)))
    W1 = W1.astype(F32)
    W2 = W2.astype(F32)
    W3 = W3.astype(F32)

    degb = _make_sc_count()(dst2)[:NP]

    ys0, ys1 = _tc1(featp, W1, degb)
    agg1 = _make_sc_agg()(ys0, ys1, src2, dst2).reshape(2, NP, 128)
    ys0, ys1 = _tc_mid(agg1, W2, b1.reshape(1, D_H).astype(F32), degb)
    agg2 = _make_sc_agg()(ys0, ys1, src2, dst2).reshape(2, NP, 128)
    ys3 = _tc3(agg2, W3, b2.reshape(1, D_H).astype(F32), degb)
    agg3 = _make_sc_agg3()(ys3, src2, dst2).reshape(2, NP, 128)
    out = _tc_final(agg3, b3.reshape(1, D_OUT).astype(F32), degb)
    return out[:N].astype(jnp.float64)

# --- scband reference (transcript-rebuilt; emitter-appended) ---
"""Pipeline reference for scband-gcn-17806934409397 (READ-ONLY COPY).

The authoritative reference and input builder live on the scoring server;
editing this copy changes nothing except your own understanding.
"""

import jax
jax.config.update("jax_enable_x64", True)
import jax.numpy as jnp
import numpy as np

N = 10000
E = 160000
D_IN = 256
D_H = 256
D_OUT = 128


def setup_inputs(seed: int = 0) -> dict:
    key = jax.random.key(seed)
    ks = jax.random.split(key, 10)
    features = jax.random.normal(ks[0], (N, D_IN), dtype=jnp.float32)
    edge_index = jax.random.randint(ks[1], (2, E), 0, N, dtype=jnp.int64)
    W1 = jax.random.normal(ks[2], (D_IN, D_H), dtype=jnp.float32) * (1.0 / np.sqrt(D_IN))
    b1 = jnp.zeros((D_H,), dtype=jnp.float32)
    W2 = jax.random.normal(ks[3], (D_H, D_H), dtype=jnp.float32) * (1.0 / np.sqrt(D_H))
    b2 = jnp.zeros((D_H,), dtype=jnp.float32)
    W3 = jax.random.normal(ks[4], (D_H, D_OUT), dtype=jnp.float32) * (1.0 / np.sqrt(D_H))
    b3 = jnp.zeros((D_OUT,), dtype=jnp.float32)
    return {"features": features, "edge_index": edge_index,
            "W1": W1, "b1": b1, "W2": W2, "b2": b2, "W3": W3, "b3": b3}


def reference(features, edge_index, W1, b1, W2, b2, W3, b3):
    # GCN with symmetric normalization: H' = act( D^-1/2 A D^-1/2 H W + b )
    src = edge_index[0]
    dst = edge_index[1]
    deg = jnp.zeros((N,), dtype=jnp.float32).at[dst].add(1.0)
    norm = jnp.where(deg > 0, jnp.power(deg, -0.5), 0.0)[:, None]

    def graph_conv(h, W, b, act):
        h = h * norm                      # pre-normalize
        h = h @ W                         # dense transform
        msgs = jnp.take(h, src, axis=0)   # gather source features
        agg = jax.ops.segment_sum(msgs, dst, num_segments=N)  # scatter-add to dst
        agg = agg * norm                  # post-normalize
        agg = agg + b[None, :]
        return jax.nn.relu(agg) if act else agg

    h = graph_conv(features, W1, b1, True)
    # dropout layers are identity in eval mode
    h = graph_conv(h, W2, b2, True)
    h = graph_conv(h, W3, b3, False)
    return h

if __name__ == "__main__":
    import jax
    _d = setup_inputs()
    print(jax.jit(kernel)(*tuple(_d.values())))

</pallas_src>

<mosaic_0001>
#map = affine_map<(d0, d1) -> (0, 0)>
module attributes {stable_mosaic.version = 14 : i64} {
  func.func @k(%arg0: i32, %arg1: i32, %arg2: memref<10240x128xf32, #tpu.memory_space<hbm>>, %arg3: memref<10240x128xf32, #tpu.memory_space<hbm>>, %arg4: memref<1280x128xi32, #tpu.memory_space<hbm>>, %arg5: memref<1280x128xi32, #tpu.memory_space<hbm>>, %arg6: memref<20480x128xf32, #tpu.memory_space<hbm>>, %arg7: memref<40x128xi32, #tpu.memory_space<vmem>>, %arg8: memref<40x128xi32, #tpu.memory_space<vmem>>, %arg9: memref<128x128xf32, #tpu.memory_space<vmem>>, %arg10: memref<128x128xf32, #tpu.memory_space<vmem>>, %arg11: memref<10240x128xf32, #tpu.memory_space<vmem_shared>>, %arg12: memref<!tpu.dma_semaphore, #tpu.memory_space<semaphore_mem>>, %arg13: memref<!tpu.dma_semaphore, #tpu.memory_space<semaphore_mem>>) attributes {dimension_semantics = [#tpu.dimension_semantics<core_parallel>, #tpu.dimension_semantics<subcore_parallel>], iteration_bounds = array<i64: 2, 16>, scalar_prefetch = 0 : i64, scratch_operands = 7 : i64, tpu.core_type = #tpu.core_type<sc_vector_subcore>, window_params = [{transform_indices = #map}, {transform_indices = #map}, {transform_indices = #map}, {transform_indices = #map}, {transform_indices = #map}]} {
    %broadcast_in_dim3A = arith.constant 0.000000e+00 : f32
    %broadcast_in_dim3A_0 = vector.broadcast %broadcast_in_dim3A : f32 to vector<16xf32>
    %while3A = arith.constant 0 : i32
    %while3A_1 = arith.constant 0 : i32
    %while3A_2 = arith.constant 128 : i32
    %while3A_3 = arith.subi %while3A_2, %while3A_1 : i32
    %while3A_4 = arith.addi %while3A_1, %while3A_3 : i32
    %while3A_5 = arith.constant 1 : i32
    %while3A_6 = arith.divsi %while3A_3, %while3A_5 : i32
    %while3A_7 = arith.muli %while3A_6, %while3A_5 : i32
    %while3A_8 = arith.addi %while3A_1, %while3A_7 : i32
    %while3A_9 = arith.constant 1 : i32
    scf.for %while3A_52 = %while3A_1 to %while3A_8 step %while3A_9  : i32 {
      %swap3A = arith.index_cast %while3A_52 : i32 to index
      %swap3A_53 = arith.constant 0 : index
      %swap3A_54 = tpu.vector_load %arg9[%swap3A, %swap3A_53] {strides = array<i32>} : memref<128x128xf32, #tpu.memory_space<vmem>>, vector<1x16xf32>,
      %swap3A_55 = vector.shape_cast %swap3A_54 : vector<1x16xf32> to vector<16xf32>
      %swap3A_56 = vector.shape_cast %broadcast_in_dim3A_0 : vector<16xf32> to vector<1x16xf32>
      tpu.vector_store %arg9[%swap3A, %swap3A_53], %swap3A_56 {strides = array<i32>} : memref<128x128xf32, #tpu.memory_space<vmem>>, vector<1x16xf32>,
      %swap3A_57 = arith.index_cast %while3A_52 : i32 to index
      %swap3A_58 = arith.constant 16 : index
      %swap3A_59 = tpu.vector_load %arg9[%swap3A_57, %swap3A_58] {strides = array<i32>} : memref<128x128xf32, #tpu.memory_space<vmem>>, vector<1x16xf32>,
      %swap3A_60 = vector.shape_cast %swap3A_59 : vector<1x16xf32> to vector<16xf32>
      %swap3A_61 = vector.shape_cast %broadcast_in_dim3A_0 : vector<16xf32> to vector<1x16xf32>
      tpu.vector_store %arg9[%swap3A_57, %swap3A_58], %swap3A_61 {strides = array<i32>} : memref<128x128xf32, #tpu.memory_space<vmem>>, vector<1x16xf32>,
      %swap3A_62 = arith.index_cast %while3A_52 : i32 to index
      %swap3A_63 = arith.constant 32 : index
      %swap3A_64 = tpu.vector_load %arg9[%swap3A_62, %swap3A_63] {strides = array<i32>} : memref<128x128xf32, #tpu.memory_space<vmem>>, vector<1x16xf32>,
      %swap3A_65 = vector.shape_cast %swap3A_64 : vector<1x16xf32> to vector<16xf32>
      %swap3A_66 = vector.shape_cast %broadcast_in_dim3A_0 : vector<16xf32> to vector<1x16xf32>
      tpu.vector_store %arg9[%swap3A_62, %swap3A_63], %swap3A_66 {strides = array<i32>} : memref<128x128xf32, #tpu.memory_space<vmem>>, vector<1x16xf32>,
      %swap3A_67 = arith.index_cast %while3A_52 : i32 to index
      %swap3A_68 = arith.constant 48 : index
      %swap3A_69 = tpu.vector_load %arg9[%swap3A_67, %swap3A_68] {strides = array<i32>} : memref<128x128xf32, #tpu.memory_space<vmem>>, vector<1x16xf32>,
      %swap3A_70 = vector.shape_cast %swap3A_69 : vector<1x16xf32> to vector<16xf32>
      %swap3A_71 = vector.shape_cast %broadcast_in_dim3A_0 : vector<16xf32> to vector<1x16xf32>
      tpu.vector_store %arg9[%swap3A_67, %swap3A_68], %swap3A_71 {strides = array<i32>} : memref<128x128xf32, #tpu.memory_space<vmem>>, vector<1x16xf32>,
      %swap3A_72 = arith.index_cast %while3A_52 : i32 to index
      %swap3A_73 = arith.constant 64 : index
      %swap3A_74 = tpu.vector_load %arg9[%swap3A_72, %swap3A_73] {strides = array<i32>} : memref<128x128xf32, #tpu.memory_space<vmem>>, vector<1x16xf32>,
      %swap3A_75 = vector.shape_cast %swap3A_74 : vector<1x16xf32> to vector<16xf32>
      %swap3A_76 = vector.shape_cast %broadcast_in_dim3A_0 : vector<16xf32> to vector<1x16xf32>
      tpu.vector_store %arg9[%swap3A_72, %swap3A_73], %swap3A_76 {strides = array<i32>} : memref<128x128xf32, #tpu.memory_space<vmem>>, vector<1x16xf32>,
      %swap3A_77 = arith.index_cast %while3A_52 : i32 to index
      %swap3A_78 = arith.constant 80 : index
      %swap3A_79 = tpu.vector_load %arg9[%swap3A_77, %swap3A_78] {strides = array<i32>} : memref<128x128xf32, #tpu.memory_space<vmem>>, vector<1x16xf32>,
      %swap3A_80 = vector.shape_cast %swap3A_79 : vector<1x16xf32> to vector<16xf32>
      %swap3A_81 = vector.shape_cast %broadcast_in_dim3A_0 : vector<16xf32> to vector<1x16xf32>
      tpu.vector_store %arg9[%swap3A_77, %swap3A_78], %swap3A_81 {strides = array<i32>} : memref<128x128xf32, #tpu.memory_space<vmem>>, vector<1x16xf32>,
      %swap3A_82 = arith.index_cast %while3A_52 : i32 to index
      %swap3A_83 = arith.constant 96 : index
      %swap3A_84 = tpu.vector_load %arg9[%swap3A_82, %swap3A_83] {strides = array<i32>} : memref<128x128xf32, #tpu.memory_space<vmem>>, vector<1x16xf32>,
      %swap3A_85 = vector.shape_cast %swap3A_84 : vector<1x16xf32> to vector<16xf32>
      %swap3A_86 = vector.shape_cast %broadcast_in_dim3A_0 : vector<16xf32> to vector<1x16xf32>
      tpu.vector_store %arg9[%swap3A_82, %swap3A_83], %swap3A_86 {strides = array<i32>} : memref<128x128xf32, #tpu.memory_space<vmem>>, vector<1x16xf32>,
      %swap3A_87 = arith.index_cast %while3A_52 : i32 to index
      %swap3A_88 = arith.constant 112 : index
      %swap3A_89 = tpu.vector_load %arg9[%swap3A_87, %swap3A_88] {strides = array<i32>} : memref<128x128xf32, #tpu.memory_space<vmem>>, vector<1x16xf32>,
      %swap3A_90 = vector.shape_cast %swap3A_89 : vector<1x16xf32> to vector<16xf32>
      %swap3A_91 = vector.shape_cast %broadcast_in_dim3A_0 : vector<16xf32> to vector<1x16xf32>
      tpu.vector_store %arg9[%swap3A_87, %swap3A_88], %swap3A_91 {strides = array<i32>} : memref<128x128xf32, #tpu.memory_space<vmem>>, vector<1x16xf32>,
    }
    %while3A_10 = arith.constant 1 : i32
    scf.for %while3A_52 = %while3A_8 to %while3A_4 step %while3A_10  : i32 {
      %swap3A = arith.index_cast %while3A_52 : i32 to index
      %swap3A_53 = arith.constant 0 : index
      %swap3A_54 = tpu.vector_load %arg9[%swap3A, %swap3A_53] {strides = array<i32>} : memref<128x128xf32, #tpu.memory_space<vmem>>, vector<1x16xf32>,
      %swap3A_55 = vector.shape_cast %swap3A_54 : vector<1x16xf32> to vector<16xf32>
      %swap3A_56 = vector.shape_cast %broadcast_in_dim3A_0 : vector<16xf32> to vector<1x16xf32>
      tpu.vector_store %arg9[%swap3A, %swap3A_53], %swap3A_56 {strides = array<i32>} : memref<128x128xf32, #tpu.memory_space<vmem>>, vector<1x16xf32>,
      %swap3A_57 = arith.index_cast %while3A_52 : i32 to index
      %swap3A_58 = arith.constant 16 : index
      %swap3A_59 = tpu.vector_load %arg9[%swap3A_57, %swap3A_58] {strides = array<i32>} : memref<128x128xf32, #tpu.memory_space<vmem>>, vector<1x16xf32>,
      %swap3A_60 = vector.shape_cast %swap3A_59 : vector<1x16xf32> to vector<16xf32>
      %swap3A_61 = vector.shape_cast %broadcast_in_dim3A_0 : vector<16xf32> to vector<1x16xf32>
      tpu.vector_store %arg9[%swap3A_57, %swap3A_58], %swap3A_61 {strides = array<i32>} : memref<128x128xf32, #tpu.memory_space<vmem>>, vector<1x16xf32>,
      %swap3A_62 = arith.index_cast %while3A_52 : i32 to index
      %swap3A_63 = arith.constant 32 : index
      %swap3A_64 = tpu.vector_load %arg9[%swap3A_62, %swap3A_63] {strides = array<i32>} : memref<128x128xf32, #tpu.memory_space<vmem>>, vector<1x16xf32>,
      %swap3A_65 = vector.shape_cast %swap3A_64 : vector<1x16xf32> to vector<16xf32>
      %swap3A_66 = vector.shape_cast %broadcast_in_dim3A_0 : vector<16xf32> to vector<1x16xf32>
      tpu.vector_store %arg9[%swap3A_62, %swap3A_63], %swap3A_66 {strides = array<i32>} : memref<128x128xf32, #tpu.memory_space<vmem>>, vector<1x16xf32>,
      %swap3A_67 = arith.index_cast %while3A_52 : i32 to index
      %swap3A_68 = arith.constant 48 : index
      %swap3A_69 = tpu.vector_load %arg9[%swap3A_67, %swap3A_68] {strides = array<i32>} : memref<128x128xf32, #tpu.memory_space<vmem>>, vector<1x16xf32>,
      %swap3A_70 = vector.shape_cast %swap3A_69 : vector<1x16xf32> to vector<16xf32>
      %swap3A_71 = vector.shape_cast %broadcast_in_dim3A_0 : vector<16xf32> to vector<1x16xf32>
      tpu.vector_store %arg9[%swap3A_67, %swap3A_68], %swap3A_71 {strides = array<i32>} : memref<128x128xf32, #tpu.memory_space<vmem>>, vector<1x16xf32>,
      %swap3A_72 = arith.index_cast %while3A_52 : i32 to index
      %swap3A_73 = arith.constant 64 : index
      %swap3A_74 = tpu.vector_load %arg9[%swap3A_72, %swap3A_73] {strides = array<i32>} : memref<128x128xf32, #tpu.memory_space<vmem>>, vector<1x16xf32>,
      %swap3A_75 = vector.shape_cast %swap3A_74 : vector<1x16xf32> to vector<16xf32>
      %swap3A_76 = vector.shape_cast %broadcast_in_dim3A_0 : vector<16xf32> to vector<1x16xf32>
      tpu.vector_store %arg9[%swap3A_72, %swap3A_73], %swap3A_76 {strides = array<i32>} : memref<128x128xf32, #tpu.memory_space<vmem>>, vector<1x16xf32>,
      %swap3A_77 = arith.index_cast %while3A_52 : i32 to index
      %swap3A_78 = arith.constant 80 : index
      %swap3A_79 = tpu.vector_load %arg9[%swap3A_77, %swap3A_78] {strides = array<i32>} : memref<128x128xf32, #tpu.memory_space<vmem>>, vector<1x16xf32>,
      %swap3A_80 = vector.shape_cast %swap3A_79 : vector<1x16xf32> to vector<16xf32>
      %swap3A_81 = vector.shape_cast %broadcast_in_dim3A_0 : vector<16xf32> to vector<1x16xf32>
      tpu.vector_store %arg9[%swap3A_77, %swap3A_78], %swap3A_81 {strides = array<i32>} : memref<128x128xf32, #tpu.memory_space<vmem>>, vector<1x16xf32>,
      %swap3A_82 = arith.index_cast %while3A_52 : i32 to index
      %swap3A_83 = arith.constant 96 : index
      %swap3A_84 = tpu.vector_load %arg9[%swap3A_82, %swap3A_83] {strides = array<i32>} : memref<128x128xf32, #tpu.memory_space<vmem>>, vector<1x16xf32>,
      %swap3A_85 = vector.shape_cast %swap3A_84 : vector<1x16xf32> to vector<16xf32>
      %swap3A_86 = vector.shape_cast %broadcast_in_dim3A_0 : vector<16xf32> to vector<1x16xf32>
      tpu.vector_store %arg9[%swap3A_82, %swap3A_83], %swap3A_86 {strides = array<i32>} : memref<128x128xf32, #tpu.memory_space<vmem>>, vector<1x16xf32>,
      %swap3A_87 = arith.index_cast %while3A_52 : i32 to index
      %swap3A_88 = arith.constant 112 : index
      %swap3A_89 = tpu.vector_load %arg9[%swap3A_87, %swap3A_88] {strides = array<i32>} : memref<128x128xf32, #tpu.memory_space<vmem>>, vector<1x16xf32>,
      %swap3A_90 = vector.shape_cast %swap3A_89 : vector<1x16xf32> to vector<16xf32>
      %swap3A_91 = vector.shape_cast %broadcast_in_dim3A_0 : vector<16xf32> to vector<1x16xf32>
      tpu.vector_store %arg9[%swap3A_87, %swap3A_88], %swap3A_91 {strides = array<i32>} : memref<128x128xf32, #tpu.memory_space<vmem>>, vector<1x16xf32>,
    }
    %mul3A = arith.constant 640 : i32
    %mul3A_11 = arith.muli %arg1, %mul3A : i32
    %add3A = arith.constant 0 : i32
    %add3A_12 = arith.addi %mul3A_11, %add3A : i32
    "tpu.region"() ({
      %run_scoped3A = tpu.sem_alloc : memref<!tpu.dma_semaphore, #tpu.memory_space<semaphore_mem>>
      %dma_start3A = arith.constant 0 : i32
      %dma_start3A_52 = tpu.memref_slice %arg11[%add3A_12, %dma_start3A] : memref<10240x128xf32, #tpu.memory_space<vmem_shared>> -> memref<128x128xf32, #tpu.memory_space<vmem_shared>>
      %dma_start3A_53 = arith.constant 0 : i32
      %dma_start3A_54 = tpu.memref_slice %arg11[%add3A_12, %dma_start3A_53] : memref<10240x128xf32, #tpu.memory_space<vmem_shared>> -> memref<128x128xf32, #tpu.memory_space<vmem_shared>>
      tpu.enqueue_dma source(%arg9 : memref<128x128xf32, #tpu.memory_space<vmem>>) target(%dma_start3A_54 : memref<128x128xf32, #tpu.memory_space<vmem_shared>>) target_semaphore(%run_scoped3A : memref<!tpu.dma_semaphore, #tpu.memory_space<semaphore_mem>>)
      %dma_wait3A = arith.constant 0 : i32
      %dma_wait3A_55 = tpu.memref_slice %arg11[%add3A_12, %dma_wait3A] : memref<10240x128xf32, #tpu.memory_space<vmem_shared>> -> memref<128x128xf32, #tpu.memory_space<vmem_shared>>
      %dma_wait3A_56 = arith.constant 0 : i32
      %dma_wait3A_57 = tpu.memref_slice %arg11[%add3A_12, %dma_wait3A_56] : memref<10240x128xf32, #tpu.memory_space<vmem_shared>> -> memref<128x128xf32, #tpu.memory_space<vmem_shared>>
      tpu.wait_dma2 semaphore(%run_scoped3A : memref<!tpu.dma_semaphore, #tpu.memory_space<semaphore_mem>>) src(%arg9 : memref<128x128xf32, #tpu.memory_space<vmem>>) dst(%dma_wait3A_57 : memref<128x128xf32, #tpu.memory_space<vmem_shared>>)
      tpu.yield
    }) : () -> ()
    %add3A_13 = arith.constant 128 : i32
    %add3A_14 = arith.addi %mul3A_11, %add3A_13 : i32
    "tpu.region"() ({
      %run_scoped3A = tpu.sem_alloc : memref<!tpu.dma_semaphore, #tpu.memory_space<semaphore_mem>>
      %dma_start3A = arith.constant 0 : i32
      %dma_start3A_52 = tpu.memref_slice %arg11[%add3A_14, %dma_start3A] : memref<10240x128xf32, #tpu.memory_space<vmem_shared>> -> memref<128x128xf32, #tpu.memory_space<vmem_shared>>
      %dma_start3A_53 = arith.constant 0 : i32
      %dma_start3A_54 = tpu.memref_slice %arg11[%add3A_14, %dma_start3A_53] : memref<10240x128xf32, #tpu.memory_space<vmem_shared>> -> memref<128x128xf32, #tpu.memory_space<vmem_shared>>
      tpu.enqueue_dma source(%arg9 : memref<128x128xf32, #tpu.memory_space<vmem>>) target(%dma_start3A_54 : memref<128x128xf32, #tpu.memory_space<vmem_shared>>) target_semaphore(%run_scoped3A : memref<!tpu.dma_semaphore, #tpu.memory_space<semaphore_mem>>)
      %dma_wait3A = arith.constant 0 : i32
      %dma_wait3A_55 = tpu.memref_slice %arg11[%add3A_14, %dma_wait3A] : memref<10240x128xf32, #tpu.memory_space<vmem_shared>> -> memref<128x128xf32, #tpu.memory_space<vmem_shared>>
      %dma_wait3A_56 = arith.constant 0 : i32
      %dma_wait3A_57 = tpu.memref_slice %arg11[%add3A_14, %dma_wait3A_56] : memref<10240x128xf32, #tpu.memory_space<vmem_shared>> -> memref<128x128xf32, #tpu.memory_space<vmem_shared>>
      tpu.wait_dma2 semaphore(%run_scoped3A : memref<!tpu.dma_semaphore, #tpu.memory_space<semaphore_mem>>) src(%arg9 : memref<128x128xf32, #tpu.memory_space<vmem>>) dst(%dma_wait3A_57 : memref<128x128xf32, #tpu.memory_space<vmem_shared>>)
      tpu.yield
    }) : () -> ()
    %add3A_15 = arith.constant 256 : i32
    %add3A_16 = arith.addi %mul3A_11, %add3A_15 : i32
    "tpu.region"() ({
      %run_scoped3A = tpu.sem_alloc : memref<!tpu.dma_semaphore, #tpu.memory_space<semaphore_mem>>
      %dma_start3A = arith.constant 0 : i32
      %dma_start3A_52 = tpu.memref_slice %arg11[%add3A_16, %dma_start3A] : memref<10240x128xf32, #tpu.memory_space<vmem_shared>> -> memref<128x128xf32, #tpu.memory_space<vmem_shared>>
      %dma_start3A_53 = arith.constant 0 : i32
      %dma_start3A_54 = tpu.memref_slice %arg11[%add3A_16, %dma_start3A_53] : memref<10240x128xf32, #tpu.memory_space<vmem_shared>> -> memref<128x128xf32, #tpu.memory_space<vmem_shared>>
      tpu.enqueue_dma source(%arg9 : memref<128x128xf32, #tpu.memory_space<vmem>>) target(%dma_start3A_54 : memref<128x128xf32, #tpu.memory_space<vmem_shared>>) target_semaphore(%run_scoped3A : memref<!tpu.dma_semaphore, #tpu.memory_space<semaphore_mem>>)
      %dma_wait3A = arith.constant 0 : i32
      %dma_wait3A_55 = tpu.memref_slice %arg11[%add3A_16, %dma_wait3A] : memref<10240x128xf32, #tpu.memory_space<vmem_shared>> -> memref<128x128xf32, #tpu.memory_space<vmem_shared>>
      %dma_wait3A_56 = arith.constant 0 : i32
      %dma_wait3A_57 = tpu.memref_slice %arg11[%add3A_16, %dma_wait3A_56] : memref<10240x128xf32, #tpu.memory_space<vmem_shared>> -> memref<128x128xf32, #tpu.memory_space<vmem_shared>>
      tpu.wait_dma2 semaphore(%run_scoped3A : memref<!tpu.dma_semaphore, #tpu.memory_space<semaphore_mem>>) src(%arg9 : memref<128x128xf32, #tpu.memory_space<vmem>>) dst(%dma_wait3A_57 : memref<128x128xf32, #tpu.memory_space<vmem_shared>>)
      tpu.yield
    }) : () -> ()
    %add3A_17 = arith.constant 384 : i32
    %add3A_18 = arith.addi %mul3A_11, %add3A_17 : i32
    "tpu.region"() ({
      %run_scoped3A = tpu.sem_alloc : memref<!tpu.dma_semaphore, #tpu.memory_space<semaphore_mem>>
      %dma_start3A = arith.constant 0 : i32
      %dma_start3A_52 = tpu.memref_slice %arg11[%add3A_18, %dma_start3A] : memref<10240x128xf32, #tpu.memory_space<vmem_shared>> -> memref<128x128xf32, #tpu.memory_space<vmem_shared>>
      %dma_start3A_53 = arith.constant 0 : i32
      %dma_start3A_54 = tpu.memref_slice %arg11[%add3A_18, %dma_start3A_53] : memref<10240x128xf32, #tpu.memory_space<vmem_shared>> -> memref<128x128xf32, #tpu.memory_space<vmem_shared>>
      tpu.enqueue_dma source(%arg9 : memref<128x128xf32, #tpu.memory_space<vmem>>) target(%dma_start3A_54 : memref<128x128xf32, #tpu.memory_space<vmem_shared>>) target_semaphore(%run_scoped3A : memref<!tpu.dma_semaphore, #tpu.memory_space<semaphore_mem>>)
      %dma_wait3A = arith.constant 0 : i32
      %dma_wait3A_55 = tpu.memref_slice %arg11[%add3A_18, %dma_wait3A] : memref<10240x128xf32, #tpu.memory_space<vmem_shared>> -> memref<128x128xf32, #tpu.memory_space<vmem_shared>>
      %dma_wait3A_56 = arith.constant 0 : i32
      %dma_wait3A_57 = tpu.memref_slice %arg11[%add3A_18, %dma_wait3A_56] : memref<10240x128xf32, #tpu.memory_space<vmem_shared>> -> memref<128x128xf32, #tpu.memory_space<vmem_shared>>
      tpu.wait_dma2 semaphore(%run_scoped3A : memref<!tpu.dma_semaphore, #tpu.memory_space<semaphore_mem>>) src(%arg9 : memref<128x128xf32, #tpu.memory_space<vmem>>) dst(%dma_wait3A_57 : memref<128x128xf32, #tpu.memory_space<vmem_shared>>)
      tpu.yield
    }) : () -> ()
    %add3A_19 = arith.constant 512 : i32
    %add3A_20 = arith.addi %mul3A_11, %add3A_19 : i32
    "tpu.region"() ({
      %run_scoped3A = tpu.sem_alloc : memref<!tpu.dma_semaphore, #tpu.memory_space<semaphore_mem>>
      %dma_start3A = arith.constant 0 : i32
      %dma_start3A_52 = tpu.memref_slice %arg11[%add3A_20, %dma_start3A] : memref<10240x128xf32, #tpu.memory_space<vmem_shared>> -> memref<128x128xf32, #tpu.memory_space<vmem_shared>>
      %dma_start3A_53 = arith.constant 0 : i32
      %dma_start3A_54 = tpu.memref_slice %arg11[%add3A_20, %dma_start3A_53] : memref<10240x128xf32, #tpu.memory_space<vmem_shared>> -> memref<128x128xf32, #tpu.memory_space<vmem_shared>>
      tpu.enqueue_dma source(%arg9 : memref<128x128xf32, #tpu.memory_space<vmem>>) target(%dma_start3A_54 : memref<128x128xf32, #tpu.memory_space<vmem_shared>>) target_semaphore(%run_scoped3A : memref<!tpu.dma_semaphore, #tpu.memory_space<semaphore_mem>>)
      %dma_wait3A = arith.constant 0 : i32
      %dma_wait3A_55 = tpu.memref_slice %arg11[%add3A_20, %dma_wait3A] : memref<10240x128xf32, #tpu.memory_space<vmem_shared>> -> memref<128x128xf32, #tpu.memory_space<vmem_shared>>
      %dma_wait3A_56 = arith.constant 0 : i32
      %dma_wait3A_57 = tpu.memref_slice %arg11[%add3A_20, %dma_wait3A_56] : memref<10240x128xf32, #tpu.memory_space<vmem_shared>> -> memref<128x128xf32, #tpu.memory_space<vmem_shared>>
      tpu.wait_dma2 semaphore(%run_scoped3A : memref<!tpu.dma_semaphore, #tpu.memory_space<semaphore_mem>>) src(%arg9 : memref<128x128xf32, #tpu.memory_space<vmem>>) dst(%dma_wait3A_57 : memref<128x128xf32, #tpu.memory_space<vmem_shared>>)
      tpu.yield
    }) : () -> ()
    %barrier3A = arith.constant 0 : index
    tpu.barrier barrier_id(%barrier3A)
    %eq3A = arith.constant 0 : i32
    %eq3A_21 = arith.cmpi eq, %arg0, %eq3A : i32
    %convert_element_type3A = arith.extui %eq3A_21 : i1 to i32
    %cond3A = arith.constant 0 : i32
    %cond3A_22 = arith.cmpi ne, %convert_element_type3A, %cond3A : i32
    scf.if %cond3A_22 {
      %mul3A_52 = arith.constant 80 : i32
      %mul3A_53 = arith.muli %arg1, %mul3A_52 : i32
      %add3A_54 = arith.constant 0 : i32
      %add3A_55 = arith.addi %mul3A_53, %add3A_54 : i32
      "tpu.region"() ({
        %run_scoped3A = tpu.sem_alloc : memref<!tpu.dma_semaphore, #tpu.memory_space<semaphore_mem>>
        %dma_start3A_108 = arith.constant 0 : i32
        %dma_start3A_109 = tpu.memref_slice %arg4[%add3A_55, %dma_start3A_108] : memref<1280x128xi32, #tpu.memory_space<hbm>> -> memref<40x128xi32, #tpu.memory_space<hbm>>
        %dma_start3A_110 = arith.constant 0 : i32
        %dma_start3A_111 = tpu.memref_slice %arg4[%add3A_55, %dma_start3A_110] : memref<1280x128xi32, #tpu.memory_space<hbm>> -> memref<40x128xi32, #tpu.memory_space<hbm>>
        tpu.enqueue_dma source(%dma_start3A_111 : memref<40x128xi32, #tpu.memory_space<hbm>>) target(%arg7 : memref<40x128xi32, #tpu.memory_space<vmem>>) target_semaphore(%run_scoped3A : memref<!tpu.dma_semaphore, #tpu.memory_space<semaphore_mem>>)
        %dma_wait3A_112 = arith.constant 0 : i32
        %dma_wait3A_113 = tpu.memref_slice %arg4[%add3A_55, %dma_wait3A_112] : memref<1280x128xi32, #tpu.memory_space<hbm>> -> memref<40x128xi32, #tpu.memory_space<hbm>>
        %dma_wait3A_114 = arith.constant 0 : i32
        %dma_wait3A_115 = tpu.memref_slice %arg4[%add3A_55, %dma_wait3A_114] : memref<1280x128xi32, #tpu.memory_space<hbm>> -> memref<40x128xi32, #tpu.memory_space<hbm>>
        tpu.wait_dma2 semaphore(%run_scoped3A : memref<!tpu.dma_semaphore, #tpu.memory_space<semaphore_mem>>) src(%dma_wait3A_115 : memref<40x128xi32, #tpu.memory_space<hbm>>) dst(%arg7 : memref<40x128xi32, #tpu.memory_space<vmem>>)
        tpu.yield
      }) : () -> ()
      "tpu.region"() ({
        %run_scoped3A = tpu.sem_alloc : memref<!tpu.dma_semaphore, #tpu.memory_space<semaphore_mem>>
        %dma_start3A_108 = arith.constant 0 : i32
        %dma_start3A_109 = tpu.memref_slice %arg5[%add3A_55, %dma_start3A_108] : memref<1280x128xi32, #tpu.memory_space<hbm>> -> memref<40x128xi32, #tpu.memory_space<hbm>>
        %dma_start3A_110 = arith.constant 0 : i32
        %dma_start3A_111 = tpu.memref_slice %arg5[%add3A_55, %dma_start3A_110] : memref<1280x128xi32, #tpu.memory_space<hbm>> -> memref<40x128xi32, #tpu.memory_space<hbm>>
        tpu.enqueue_dma source(%dma_start3A_111 : memref<40x128xi32, #tpu.memory_space<hbm>>) target(%arg8 : memref<40x128xi32, #tpu.memory_space<vmem>>) target_semaphore(%run_scoped3A : memref<!tpu.dma_semaphore, #tpu.memory_space<semaphore_mem>>)
        %dma_wait3A_112 = arith.constant 0 : i32
        %dma_wait3A_113 = tpu.memref_slice %arg5[%add3A_55, %dma_wait3A_112] : memref<1280x128xi32, #tpu.memory_space<hbm>> -> memref<40x128xi32, #tpu.memory_space<hbm>>
        %dma_wait3A_114 = arith.constant 0 : i32
        %dma_wait3A_115 = tpu.memref_slice %arg5[%add3A_55, %dma_wait3A_114] : memref<1280x128xi32, #tpu.memory_space<hbm>> -> memref<40x128xi32, #tpu.memory_space<hbm>>
        tpu.wait_dma2 semaphore(%run_scoped3A : memref<!tpu.dma_semaphore, #tpu.memory_space<semaphore_mem>>) src(%dma_wait3A_115 : memref<40x128xi32, #tpu.memory_space<hbm>>) dst(%arg8 : memref<40x128xi32, #tpu.memory_space<vmem>>)
        tpu.yield
      }) : () -> ()
      %dma_start3A = arith.constant 0 : i32
      %dma_start3A_56 = arith.constant 0 : i32
      %dma_start3A_57 = tpu.memref_slice %arg7[%dma_start3A, %dma_start3A_56] : memref<40x128xi32, #tpu.memory_space<vmem>> -> memref<1x128xi32, #tpu.memory_space<vmem>>
      %dma_start3A_58 = tpu.memref_squeeze %dma_start3A_57 : memref<1x128xi32, #tpu.memory_space<vmem>> -> memref<128xi32, #tpu.memory_space<vmem>>
      %dma_start3A_59 = arith.constant 0 : i32
      %dma_start3A_60 = arith.constant 0 : i32
      %dma_start3A_61 = tpu.memref_slice %arg2[%dma_start3A_59, %dma_start3A_60] : memref<10240x128xf32, #tpu.memory_space<hbm>> -> memref<10240x128xf32, #tpu.memory_space<hbm>>
      tpu.enqueue_indirect_dma source(%dma_start3A_61 : memref<10240x128xf32, #tpu.memory_space<hbm>>) target(%arg9 : memref<128x128xf32, #tpu.memory_space<vmem>>) offsets(%dma_start3A_58 : memref<128xi32, #tpu.memory_space<vmem>>) semaphore(%arg12 : memref<!tpu.dma_semaphore, #tpu.memory_space<semaphore_mem>>)
      %while3A_62 = arith.constant 0 : i32
      %while3A_63 = arith.constant 0 : i32
      %while3A_64 = arith.constant 20 : i32
      %while3A_65 = arith.subi %while3A_64, %while3A_63 : i32
      %while3A_66 = arith.addi %while3A_63, %while3A_65 : i32
      %while3A_67 = arith.constant 1 : i32
      %while3A_68 = arith.divsi %while3A_65, %while3A_67 : i32
      %while3A_69 = arith.muli %while3A_68, %while3A_67 : i32
      %while3A_70 = arith.addi %while3A_63, %while3A_69 : i32
      %while3A_71 = arith.constant 1 : i32
      scf.for %while3A_108 = %while3A_63 to %while3A_70 step %while3A_71  : i32 {
        %mul3A_109 = arith.constant 2 : i32
        %mul3A_110 = arith.muli %mul3A_109, %while3A_108 : i32
        %add3A_111 = arith.constant 1 : i32
        %add3A_112 = arith.addi %mul3A_110, %add3A_111 : i32
        %add3A_113 = arith.constant 2 : i32
        %add3A_114 = arith.addi %mul3A_110, %add3A_113 : i32
        %min3A = arith.constant 39 : i32
        %min3A_115 = arith.minsi %add3A_114, %min3A : i32
        %dma_wait3A_116 = arith.constant 0 : i32
        %dma_wait3A_117 = tpu.memref_slice %arg7[%mul3A_110, %dma_wait3A_116] : memref<40x128xi32, #tpu.memory_space<vmem>> -> memref<1x128xi32, #tpu.memory_space<vmem>>
        %dma_wait3A_118 = tpu.memref_squeeze %dma_wait3A_117 : memref<1x128xi32, #tpu.memory_space<vmem>> -> memref<128xi32, #tpu.memory_space<vmem>>
        %dma_wait3A_119 = arith.constant 0 : i32
        %dma_wait3A_120 = arith.constant 0 : i32
        %dma_wait3A_121 = tpu.memref_slice %arg2[%dma_wait3A_119, %dma_wait3A_120] : memref<10240x128xf32, #tpu.memory_space<hbm>> -> memref<10240x128xf32, #tpu.memory_space<hbm>>
        tpu.wait_indirect_dma semaphore(%arg12 : memref<!tpu.dma_semaphore, #tpu.memory_space<semaphore_mem>>) src(%dma_wait3A_121 : memref<10240x128xf32, #tpu.memory_space<hbm>>) dst(%arg9 : memref<128x128xf32, #tpu.memory_space<vmem>>)
        %dma_start3A_122 = arith.constant 0 : i32
        %dma_start3A_123 = tpu.memref_slice %arg7[%add3A_112, %dma_start3A_122] : memref<40x128xi32, #tpu.memory_space<vmem>> -> memref<1x128xi32, #tpu.memory_space<vmem>>
        %dma_start3A_124 = tpu.memref_squeeze %dma_start3A_123 : memref<1x128xi32, #tpu.memory_space<vmem>> -> memref<128xi32, #tpu.memory_space<vmem>>
        %dma_start3A_125 = arith.constant 0 : i32
        %dma_start3A_126 = arith.constant 0 : i32
        %dma_start3A_127 = tpu.memref_slice %arg2[%dma_start3A_125, %dma_start3A_126] : memref<10240x128xf32, #tpu.memory_space<hbm>> -> memref<10240x128xf32, #tpu.memory_space<hbm>>
        tpu.enqueue_indirect_dma source(%dma_start3A_127 : memref<10240x128xf32, #tpu.memory_space<hbm>>) target(%arg10 : memref<128x128xf32, #tpu.memory_space<vmem>>) offsets(%dma_start3A_124 : memref<128xi32, #tpu.memory_space<vmem>>) semaphore(%arg13 : memref<!tpu.dma_semaphore, #tpu.memory_space<semaphore_mem>>)
        "tpu.region"() ({
          %run_scoped3A = tpu.sem_alloc : memref<!tpu.dma_semaphore, #tpu.memory_space<semaphore_mem>>
          %dma_start3A_140 = arith.constant 0 : i32
          %dma_start3A_141 = tpu.memref_slice %arg8[%mul3A_110, %dma_start3A_140] : memref<40x128xi32, #tpu.memory_space<vmem>> -> memref<1x128xi32, #tpu.memory_space<vmem>>
          %dma_start3A_142 = tpu.memref_squeeze %dma_start3A_141 : memref<1x128xi32, #tpu.memory_space<vmem>> -> memref<128xi32, #tpu.memory_space<vmem>>
          %dma_start3A_143 = arith.constant 0 : i32
          %dma_start3A_144 = arith.constant 0 : i32
          %dma_start3A_145 = tpu.memref_slice %arg11[%dma_start3A_143, %dma_start3A_144] : memref<10240x128xf32, #tpu.memory_space<vmem_shared>> -> memref<10240x128xf32, #tpu.memory_space<vmem_shared>>
          tpu.enqueue_indirect_dma source(%arg9 : memref<128x128xf32, #tpu.memory_space<vmem>>) target(%dma_start3A_145 : memref<10240x128xf32, #tpu.memory_space<vmem_shared>>) offsets(%dma_start3A_142 : memref<128xi32, #tpu.memory_space<vmem>>) semaphore(%run_scoped3A : memref<!tpu.dma_semaphore, #tpu.memory_space<semaphore_mem>>) {add = true}
          %dma_wait3A_146 = arith.constant 0 : i32
          %dma_wait3A_147 = tpu.memref_slice %arg8[%mul3A_110, %dma_wait3A_146] : memref<40x128xi32, #tpu.memory_space<vmem>> -> memref<1x128xi32, #tpu.memory_space<vmem>>
          %dma_wait3A_148 = tpu.memref_squeeze %dma_wait3A_147 : memref<1x128xi32, #tpu.memory_space<vmem>> -> memref<128xi32, #tpu.memory_space<vmem>>
          %dma_wait3A_149 = arith.constant 0 : i32
          %dma_wait3A_150 = arith.constant 0 : i32
          %dma_wait3A_151 = tpu.memref_slice %arg11[%dma_wait3A_149, %dma_wait3A_150] : memref<10240x128xf32, #tpu.memory_space<vmem_shared>> -> memref<10240x128xf32, #tpu.memory_space<vmem_shared>>
          tpu.wait_indirect_dma semaphore(%run_scoped3A : memref<!tpu.dma_semaphore, #tpu.memory_space<semaphore_mem>>) src(%arg9 : memref<128x128xf32, #tpu.memory_space<vmem>>) dst(%dma_wait3A_151 : memref<10240x128xf32, #tpu.memory_space<vmem_shared>>)
          tpu.yield
        }) : () -> ()
        %dma_wait3A_128 = arith.constant 0 : i32
        %dma_wait3A_129 = tpu.memref_slice %arg7[%add3A_112, %dma_wait3A_128] : memref<40x128xi32, #tpu.memory_space<vmem>> -> memref<1x128xi32, #tpu.memory_space<vmem>>
        %dma_wait3A_130 = tpu.memref_squeeze %dma_wait3A_129 : memref<1x128xi32, #tpu.memory_space<vmem>> -> memref<128xi32, #tpu.memory_space<vmem>>
        %dma_wait3A_131 = arith.constant 0 : i32
        %dma_wait3A_132 = arith.constant 0 : i32
        %dma_wait3A_133 = tpu.memref_slice %arg2[%dma_wait3A_131, %dma_wait3A_132] : memref<10240x128xf32, #tpu.memory_space<hbm>> -> memref<10240x128xf32, #tpu.memory_space<hbm>>
        tpu.wait_indirect_dma semaphore(%arg13 : memref<!tpu.dma_semaphore, #tpu.memory_space<semaphore_mem>>) src(%dma_wait3A_133 : memref<10240x128xf32, #tpu.memory_space<hbm>>) dst(%arg10 : memref<128x128xf32, #tpu.memory_space<vmem>>)
        %dma_start3A_134 = arith.constant 0 : i32
        %dma_start3A_135 = tpu.memref_slice %arg7[%min3A_115, %dma_start3A_134] : memref<40x128xi32, #tpu.memory_space<vmem>> -> memref<1x128xi32, #tpu.memory_space<vmem>>
        %dma_start3A_136 = tpu.memref_squeeze %dma_start3A_135 : memref<1x128xi32, #tpu.memory_space<vmem>> -> memref<128xi32, #tpu.memory_space<vmem>>
        %dma_start3A_137 = arith.constant 0 : i32
        %dma_start3A_138 = arith.constant 0 : i32
        %dma_start3A_139 = tpu.memref_slice %arg2[%dma_start3A_137, %dma_start3A_138] : memref<10240x128xf32, #tpu.memory_space<hbm>> -> memref<10240x128xf32, #tpu.memory_space<hbm>>
        tpu.enqueue_indirect_dma source(%dma_start3A_139 : memref<10240x128xf32, #tpu.memory_space<hbm>>) target(%arg9 : memref<128x128xf32, #tpu.memory_space<vmem>>) offsets(%dma_start3A_136 : memref<128xi32, #tpu.memory_space<vmem>>) semaphore(%arg12 : memref<!tpu.dma_semaphore, #tpu.memory_space<semaphore_mem>>)
        "tpu.region"() ({
          %run_scoped3A = tpu.sem_alloc : memref<!tpu.dma_semaphore, #tpu.memory_space<semaphore_mem>>
          %dma_start3A_140 = arith.constant 0 : i32
          %dma_start3A_141 = tpu.memref_slice %arg8[%add3A_112, %dma_start3A_140] : memref<40x128xi32, #tpu.memory_space<vmem>> -> memref<1x128xi32, #tpu.memory_space<vmem>>
          %dma_start3A_142 = tpu.memref_squeeze %dma_start3A_141 : memref<1x128xi32, #tpu.memory_space<vmem>> -> memref<128xi32, #tpu.memory_space<vmem>>
          %dma_start3A_143 = arith.constant 0 : i32
          %dma_start3A_144 = arith.constant 0 : i32
          %dma_start3A_145 = tpu.memref_slice %arg11[%dma_start3A_143, %dma_start3A_144] : memref<10240x128xf32, #tpu.memory_space<vmem_shared>> -> memref<10240x128xf32, #tpu.memory_space<vmem_shared>>
          tpu.enqueue_indirect_dma source(%arg10 : memref<128x128xf32, #tpu.memory_space<vmem>>) target(%dma_start3A_145 : memref<10240x128xf32, #tpu.memory_space<vmem_shared>>) offsets(%dma_start3A_142 : memref<128xi32, #tpu.memory_space<vmem>>) semaphore(%run_scoped3A : memref<!tpu.dma_semaphore, #tpu.memory_space<semaphore_mem>>) {add = true}
          %dma_wait3A_146 = arith.constant 0 : i32
          %dma_wait3A_147 = tpu.memref_slice %arg8[%add3A_112, %dma_wait3A_146] : memref<40x128xi32, #tpu.memory_space<vmem>> -> memref<1x128xi32, #tpu.memory_space<vmem>>
          %dma_wait3A_148 = tpu.memref_squeeze %dma_wait3A_147 : memref<1x128xi32, #tpu.memory_space<vmem>> -> memref<128xi32, #tpu.memory_space<vmem>>
          %dma_wait3A_149 = arith.constant 0 : i32
          %dma_wait3A_150 = arith.constant 0 : i32
          %dma_wait3A_151 = tpu.memref_slice %arg11[%dma_wait3A_149, %dma_wait3A_150] : memref<10240x128xf32, #tpu.memory_space<vmem_shared>> -> memref<10240x128xf32, #tpu.memory_space<vmem_shared>>
          tpu.wait_indirect_dma semaphore(%run_scoped3A : memref<!tpu.dma_semaphore, #tpu.memory_space<semaphore_mem>>) src(%arg10 : memref<128x128xf32, #tpu.memory_space<vmem>>) dst(%dma_wait3A_151 : memref<10240x128xf32, #tpu.memory_space<vmem_shared>>)
          tpu.yield
        }) : () -> ()
      }
      %while3A_72 = arith.constant 1 : i32
      scf.for %while3A_108 = %while3A_70 to %while3A_66 step %while3A_72  : i32 {
        %mul3A_109 = arith.constant 2 : i32
        %mul3A_110 = arith.muli %mul3A_109, %while3A_108 : i32
        %add3A_111 = arith.constant 1 : i32
        %add3A_112 = arith.addi %mul3A_110, %add3A_111 : i32
        %add3A_113 = arith.constant 2 : i32
        %add3A_114 = arith.addi %mul3A_110, %add3A_113 : i32
        %min3A = arith.constant 39 : i32
        %min3A_115 = arith.minsi %add3A_114, %min3A : i32
        %dma_wait3A_116 = arith.constant 0 : i32
        %dma_wait3A_117 = tpu.memref_slice %arg7[%mul3A_110, %dma_wait3A_116] : memref<40x128xi32, #tpu.memory_space<vmem>> -> memref<1x128xi32, #tpu.memory_space<vmem>>
        %dma_wait3A_118 = tpu.memref_squeeze %dma_wait3A_117 : memref<1x128xi32, #tpu.memory_space<vmem>> -> memref<128xi32, #tpu.memory_space<vmem>>
        %dma_wait3A_119 = arith.constant 0 : i32
        %dma_wait3A_120 = arith.constant 0 : i32
        %dma_wait3A_121 = tpu.memref_slice %arg2[%dma_wait3A_119, %dma_wait3A_120] : memref<10240x128xf32, #tpu.memory_space<hbm>> -> memref<10240x128xf32, #tpu.memory_space<hbm>>
        tpu.wait_indirect_dma semaphore(%arg12 : memref<!tpu.dma_semaphore, #tpu.memory_space<semaphore_mem>>) src(%dma_wait3A_121 : memref<10240x128xf32, #tpu.memory_space<hbm>>) dst(%arg9 : memref<128x128xf32, #tpu.memory_space<vmem>>)
        %dma_start3A_122 = arith.constant 0 : i32
        %dma_start3A_123 = tpu.memref_slice %arg7[%add3A_112, %dma_start3A_122] : memref<40x128xi32, #tpu.memory_space<vmem>> -> memref<1x128xi32, #tpu.memory_space<vmem>>
        %dma_start3A_124 = tpu.memref_squeeze %dma_start3A_123 : memref<1x128xi32, #tpu.memory_space<vmem>> -> memref<128xi32, #tpu.memory_space<vmem>>
        %dma_start3A_125 = arith.constant 0 : i32
        %dma_start3A_126 = arith.constant 0 : i32
        %dma_start3A_127 = tpu.memref_slice %arg2[%dma_start3A_125, %dma_start3A_126] : memref<10240x128xf32, #tpu.memory_space<hbm>> -> memref<10240x128xf32, #tpu.memory_space<hbm>>
        tpu.enqueue_indirect_dma source(%dma_start3A_127 : memref<10240x128xf32, #tpu.memory_space<hbm>>) target(%arg10 : memref<128x128xf32, #tpu.memory_space<vmem>>) offsets(%dma_start3A_124 : memref<128xi32, #tpu.memory_space<vmem>>) semaphore(%arg13 : memref<!tpu.dma_semaphore, #tpu.memory_space<semaphore_mem>>)
        "tpu.region"() ({
          %run_scoped3A = tpu.sem_alloc : memref<!tpu.dma_semaphore, #tpu.memory_space<semaphore_mem>>
          %dma_start3A_140 = arith.constant 0 : i32
          %dma_start3A_141 = tpu.memref_slice %arg8[%mul3A_110, %dma_start3A_140] : memref<40x128xi32, #tpu.memory_space<vmem>> -> memref<1x128xi32, #tpu.memory_space<vmem>>
          %dma_start3A_142 = tpu.memref_squeeze %dma_start3A_141 : memref<1x128xi32, #tpu.memory_space<vmem>> -> memref<128xi32, #tpu.memory_space<vmem>>
          %dma_start3A_143 = arith.constant 0 : i32
          %dma_start3A_144 = arith.constant 0 : i32
          %dma_start3A_145 = tpu.memref_slice %arg11[%dma_start3A_143, %dma_start3A_144] : memref<10240x128xf32, #tpu.memory_space<vmem_shared>> -> memref<10240x128xf32, #tpu.memory_space<vmem_shared>>
          tpu.enqueue_indirect_dma source(%arg9 : memref<128x128xf32, #tpu.memory_space<vmem>>) target(%dma_start3A_145 : memref<10240x128xf32, #tpu.memory_space<vmem_shared>>) offsets(%dma_start3A_142 : memref<128xi32, #tpu.memory_space<vmem>>) semaphore(%run_scoped3A : memref<!tpu.dma_semaphore, #tpu.memory_space<semaphore_mem>>) {add = true}
          %dma_wait3A_146 = arith.constant 0 : i32
          %dma_wait3A_147 = tpu.memref_slice %arg8[%mul3A_110, %dma_wait3A_146] : memref<40x128xi32, #tpu.memory_space<vmem>> -> memref<1x128xi32, #tpu.memory_space<vmem>>
          %dma_wait3A_148 = tpu.memref_squeeze %dma_wait3A_147 : memref<1x128xi32, #tpu.memory_space<vmem>> -> memref<128xi32, #tpu.memory_space<vmem>>
          %dma_wait3A_149 = arith.constant 0 : i32
          %dma_wait3A_150 = arith.constant 0 : i32
          %dma_wait3A_151 = tpu.memref_slice %arg11[%dma_wait3A_149, %dma_wait3A_150] : memref<10240x128xf32, #tpu.memory_space<vmem_shared>> -> memref<10240x128xf32, #tpu.memory_space<vmem_shared>>
          tpu.wait_indirect_dma semaphore(%run_scoped3A : memref<!tpu.dma_semaphore, #tpu.memory_space<semaphore_mem>>) src(%arg9 : memref<128x128xf32, #tpu.memory_space<vmem>>) dst(%dma_wait3A_151 : memref<10240x128xf32, #tpu.memory_space<vmem_shared>>)
          tpu.yield
        }) : () -> ()
        %dma_wait3A_128 = arith.constant 0 : i32
        %dma_wait3A_129 = tpu.memref_slice %arg7[%add3A_112, %dma_wait3A_128] : memref<40x128xi32, #tpu.memory_space<vmem>> -> memref<1x128xi32, #tpu.memory_space<vmem>>
        %dma_wait3A_130 = tpu.memref_squeeze %dma_wait3A_129 : memref<1x128xi32, #tpu.memory_space<vmem>> -> memref<128xi32, #tpu.memory_space<vmem>>
        %dma_wait3A_131 = arith.constant 0 : i32
        %dma_wait3A_132 = arith.constant 0 : i32
        %dma_wait3A_133 = tpu.memref_slice %arg2[%dma_wait3A_131, %dma_wait3A_132] : memref<10240x128xf32, #tpu.memory_space<hbm>> -> memref<10240x128xf32, #tpu.memory_space<hbm>>
        tpu.wait_indirect_dma semaphore(%arg13 : memref<!tpu.dma_semaphore, #tpu.memory_space<semaphore_mem>>) src(%dma_wait3A_133 : memref<10240x128xf32, #tpu.memory_space<hbm>>) dst(%arg10 : memref<128x128xf32, #tpu.memory_space<vmem>>)
        %dma_start3A_134 = arith.constant 0 : i32
        %dma_start3A_135 = tpu.memref_slice %arg7[%min3A_115, %dma_start3A_134] : memref<40x128xi32, #tpu.memory_space<vmem>> -> memref<1x128xi32, #tpu.memory_space<vmem>>
        %dma_start3A_136 = tpu.memref_squeeze %dma_start3A_135 : memref<1x128xi32, #tpu.memory_space<vmem>> -> memref<128xi32, #tpu.memory_space<vmem>>
        %dma_start3A_137 = arith.constant 0 : i32
        %dma_start3A_138 = arith.constant 0 : i32
        %dma_start3A_139 = tpu.memref_slice %arg2[%dma_start3A_137, %dma_start3A_138] : memref<10240x128xf32, #tpu.memory_space<hbm>> -> memref<10240x128xf32, #tpu.memory_space<hbm>>
        tpu.enqueue_indirect_dma source(%dma_start3A_139 : memref<10240x128xf32, #tpu.memory_space<hbm>>) target(%arg9 : memref<128x128xf32, #tpu.memory_space<vmem>>) offsets(%dma_start3A_136 : memref<128xi32, #tpu.memory_space<vmem>>) semaphore(%arg12 : memref<!tpu.dma_semaphore, #tpu.memory_space<semaphore_mem>>)
        "tpu.region"() ({
          %run_scoped3A = tpu.sem_alloc : memref<!tpu.dma_semaphore, #tpu.memory_space<semaphore_mem>>
          %dma_start3A_140 = arith.constant 0 : i32
          %dma_start3A_141 = tpu.memref_slice %arg8[%add3A_112, %dma_start3A_140] : memref<40x128xi32, #tpu.memory_space<vmem>> -> memref<1x128xi32, #tpu.memory_space<vmem>>
          %dma_start3A_142 = tpu.memref_squeeze %dma_start3A_141 : memref<1x128xi32, #tpu.memory_space<vmem>> -> memref<128xi32, #tpu.memory_space<vmem>>
          %dma_start3A_143 = arith.constant 0 : i32
          %dma_start3A_144 = arith.constant 0 : i32
          %dma_start3A_145 = tpu.memref_slice %arg11[%dma_start3A_143, %dma_start3A_144] : memref<10240x128xf32, #tpu.memory_space<vmem_shared>> -> memref<10240x128xf32, #tpu.memory_space<vmem_shared>>
          tpu.enqueue_indirect_dma source(%arg10 : memref<128x128xf32, #tpu.memory_space<vmem>>) target(%dma_start3A_145 : memref<10240x128xf32, #tpu.memory_space<vmem_shared>>) offsets(%dma_start3A_142 : memref<128xi32, #tpu.memory_space<vmem>>) semaphore(%run_scoped3A : memref<!tpu.dma_semaphore, #tpu.memory_space<semaphore_mem>>) {add = true}
          %dma_wait3A_146 = arith.constant 0 : i32
          %dma_wait3A_147 = tpu.memref_slice %arg8[%add3A_112, %dma_wait3A_146] : memref<40x128xi32, #tpu.memory_space<vmem>> -> memref<1x128xi32, #tpu.memory_space<vmem>>
          %dma_wait3A_148 = tpu.memref_squeeze %dma_wait3A_147 : memref<1x128xi32, #tpu.memory_space<vmem>> -> memref<128xi32, #tpu.memory_space<vmem>>
          %dma_wait3A_149 = arith.constant 0 : i32
          %dma_wait3A_150 = arith.constant 0 : i32
          %dma_wait3A_151 = tpu.memref_slice %arg11[%dma_wait3A_149, %dma_wait3A_150] : memref<10240x128xf32, #tpu.memory_space<vmem_shared>> -> memref<10240x128xf32, #tpu.memory_space<vmem_shared>>
          tpu.wait_indirect_dma semaphore(%run_scoped3A : memref<!tpu.dma_semaphore, #tpu.memory_space<semaphore_mem>>) src(%arg10 : memref<128x128xf32, #tpu.memory_space<vmem>>) dst(%dma_wait3A_151 : memref<10240x128xf32, #tpu.memory_space<vmem_shared>>)
          tpu.yield
        }) : () -> ()
      }
      %dma_wait3A = arith.constant 39 : i32
      %dma_wait3A_73 = arith.constant 0 : i32
      %dma_wait3A_74 = tpu.memref_slice %arg7[%dma_wait3A, %dma_wait3A_73] : memref<40x128xi32, #tpu.memory_space<vmem>> -> memref<1x128xi32, #tpu.memory_space<vmem>>
      %dma_wait3A_75 = tpu.memref_squeeze %dma_wait3A_74 : memref<1x128xi32, #tpu.memory_space<vmem>> -> memref<128xi32, #tpu.memory_space<vmem>>
      %dma_wait3A_76 = arith.constant 0 : i32
      %dma_wait3A_77 = arith.constant 0 : i32
      %dma_wait3A_78 = tpu.memref_slice %arg2[%dma_wait3A_76, %dma_wait3A_77] : memref<10240x128xf32, #tpu.memory_space<hbm>> -> memref<10240x128xf32, #tpu.memory_space<hbm>>
      tpu.wait_indirect_dma semaphore(%arg12 : memref<!tpu.dma_semaphore, #tpu.memory_space<semaphore_mem>>) src(%dma_wait3A_78 : memref<10240x128xf32, #tpu.memory_space<hbm>>) dst(%arg9 : memref<128x128xf32, #tpu.memory_space<vmem>>)
      %mul3A_79 = arith.constant 80 : i32
      %mul3A_80 = arith.muli %arg1, %mul3A_79 : i32
      %add3A_81 = arith.constant 40 : i32
      %add3A_82 = arith.addi %mul3A_80, %add3A_81 : i32
      "tpu.region"() ({
        %run_scoped3A = tpu.sem_alloc : memref<!tpu.dma_semaphore, #tpu.memory_space<semaphore_mem>>
        %dma_start3A_108 = arith.constant 0 : i32
        %dma_start3A_109 = tpu.memref_slice %arg4[%add3A_82, %dma_start3A_108] : memref<1280x128xi32, #tpu.memory_space<hbm>> -> memref<40x128xi32, #tpu.memory_space<hbm>>
        %dma_start3A_110 = arith.constant 0 : i32
        %dma_start3A_111 = tpu.memref_slice %arg4[%add3A_82, %dma_start3A_110] : memref<1280x128xi32, #tpu.memory_space<hbm>> -> memref<40x128xi32, #tpu.memory_space<hbm>>
        tpu.enqueue_dma source(%dma_start3A_111 : memref<40x128xi32, #tpu.memory_space<hbm>>) target(%arg7 : memref<40x128xi32, #tpu.memory_space<vmem>>) target_semaphore(%run_scoped3A : memref<!tpu.dma_semaphore, #tpu.memory_space<semaphore_mem>>)
        %dma_wait3A_112 = arith.constant 0 : i32
        %dma_wait3A_113 = tpu.memref_slice %arg4[%add3A_82, %dma_wait3A_112] : memref<1280x128xi32, #tpu.memory_space<hbm>> -> memref<40x128xi32, #tpu.memory_space<hbm>>
        %dma_wait3A_114 = arith.constant 0 : i32
        %dma_wait3A_115 = tpu.memref_slice %arg4[%add3A_82, %dma_wait3A_114] : memref<1280x128xi32, #tpu.memory_space<hbm>> -> memref<40x128xi32, #tpu.memory_space<hbm>>
        tpu.wait_dma2 semaphore(%run_scoped3A : memref<!tpu.dma_semaphore, #tpu.memory_space<semaphore_mem>>) src(%dma_wait3A_115 : memref<40x128xi32, #tpu.memory_space<hbm>>) dst(%arg7 : memref<40x128xi32, #tpu.memory_space<vmem>>)
        tpu.yield
      }) : () -> ()
      "tpu.region"() ({
        %run_scoped3A = tpu.sem_alloc : memref<!tpu.dma_semaphore, #tpu.memory_space<semaphore_mem>>
        %dma_start3A_108 = arith.constant 0 : i32
        %dma_start3A_109 = tpu.memref_slice %arg5[%add3A_82, %dma_start3A_108] : memref<1280x128xi32, #tpu.memory_space<hbm>> -> memref<40x128xi32, #tpu.memory_space<hbm>>
        %dma_start3A_110 = arith.constant 0 : i32
        %dma_start3A_111 = tpu.memref_slice %arg5[%add3A_82, %dma_start3A_110] : memref<1280x128xi32, #tpu.memory_space<hbm>> -> memref<40x128xi32, #tpu.memory_space<hbm>>
        tpu.enqueue_dma source(%dma_start3A_111 : memref<40x128xi32, #tpu.memory_space<hbm>>) target(%arg8 : memref<40x128xi32, #tpu.memory_space<vmem>>) target_semaphore(%run_scoped3A : memref<!tpu.dma_semaphore, #tpu.memory_space<semaphore_mem>>)
        %dma_wait3A_112 = arith.constant 0 : i32
        %dma_wait3A_113 = tpu.memref_slice %arg5[%add3A_82, %dma_wait3A_112] : memref<1280x128xi32, #tpu.memory_space<hbm>> -> memref<40x128xi32, #tpu.memory_space<hbm>>
        %dma_wait3A_114 = arith.constant 0 : i32
        %dma_wait3A_115 = tpu.memref_slice %arg5[%add3A_82, %dma_wait3A_114] : memref<1280x128xi32, #tpu.memory_space<hbm>> -> memref<40x128xi32, #tpu.memory_space<hbm>>
        tpu.wait_dma2 semaphore(%run_scoped3A : memref<!tpu.dma_semaphore, #tpu.memory_space<semaphore_mem>>) src(%dma_wait3A_115 : memref<40x128xi32, #tpu.memory_space<hbm>>) dst(%arg8 : memref<40x128xi32, #tpu.memory_space<vmem>>)
        tpu.yield
      }) : () -> ()
      %dma_start3A_83 = arith.constant 0 : i32
      %dma_start3A_84 = arith.constant 0 : i32
      %dma_start3A_85 = tpu.memref_slice %arg7[%dma_start3A_83, %dma_start3A_84] : memref<40x128xi32, #tpu.memory_space<vmem>> -> memref<1x128xi32, #tpu.memory_space<vmem>>
      %dma_start3A_86 = tpu.memref_squeeze %dma_start3A_85 : memref<1x128xi32, #tpu.memory_space<vmem>> -> memref<128xi32, #tpu.memory_space<vmem>>
      %dma_start3A_87 = arith.constant 0 : i32
      %dma_start3A_88 = arith.constant 0 : i32
      %dma_start3A_89 = tpu.memref_slice %arg2[%dma_start3A_87, %dma_start3A_88] : memref<10240x128xf32, #tpu.memory_space<hbm>> -> memref<10240x128xf32, #tpu.memory_space<hbm>>
      tpu.enqueue_indirect_dma source(%dma_start3A_89 : memref<10240x128xf32, #tpu.memory_space<hbm>>) target(%arg9 : memref<128x128xf32, #tpu.memory_space<vmem>>) offsets(%dma_start3A_86 : memref<128xi32, #tpu.memory_space<vmem>>) semaphore(%arg12 : memref<!tpu.dma_semaphore, #tpu.memory_space<semaphore_mem>>)
      %while3A_90 = arith.constant 0 : i32
      %while3A_91 = arith.constant 0 : i32
      %while3A_92 = arith.constant 20 : i32
      %while3A_93 = arith.subi %while3A_92, %while3A_91 : i32
      %while3A_94 = arith.addi %while3A_91, %while3A_93 : i32
      %while3A_95 = arith.constant 1 : i32
      %while3A_96 = arith.divsi %while3A_93, %while3A_95 : i32
      %while3A_97 = arith.muli %while3A_96, %while3A_95 : i32
      %while3A_98 = arith.addi %while3A_91, %while3A_97 : i32
      %while3A_99 = arith.constant 1 : i32
      scf.for %while3A_108 = %while3A_91 to %while3A_98 step %while3A_99  : i32 {
        %mul3A_109 = arith.constant 2 : i32
        %mul3A_110 = arith.muli %mul3A_109, %while3A_108 : i32
        %add3A_111 = arith.constant 1 : i32
        %add3A_112 = arith.addi %mul3A_110, %add3A_111 : i32
        %add3A_113 = arith.constant 2 : i32
        %add3A_114 = arith.addi %mul3A_110, %add3A_113 : i32
        %min3A = arith.constant 39 : i32
        %min3A_115 = arith.minsi %add3A_114, %min3A : i32
        %dma_wait3A_116 = arith.constant 0 : i32
        %dma_wait3A_117 = tpu.memref_slice %arg7[%mul3A_110, %dma_wait3A_116] : memref<40x128xi32, #tpu.memory_space<vmem>> -> memref<1x128xi32, #tpu.memory_space<vmem>>
        %dma_wait3A_118 = tpu.memref_squeeze %dma_wait3A_117 : memref<1x128xi32, #tpu.memory_space<vmem>> -> memref<128xi32, #tpu.memory_space<vmem>>
        %dma_wait3A_119 = arith.constant 0 : i32
        %dma_wait3A_120 = arith.constant 0 : i32
        %dma_wait3A_121 = tpu.memref_slice %arg2[%dma_wait3A_119, %dma_wait3A_120] : memref<10240x128xf32, #tpu.memory_space<hbm>> -> memref<10240x128xf32, #tpu.memory_space<hbm>>
        tpu.wait_indirect_dma semaphore(%arg12 : memref<!tpu.dma_semaphore, #tpu.memory_space<semaphore_mem>>) src(%dma_wait3A_121 : memref<10240x128xf32, #tpu.memory_space<hbm>>) dst(%arg9 : memref<128x128xf32, #tpu.memory_space<vmem>>)
        %dma_start3A_122 = arith.constant 0 : i32
        %dma_start3A_123 = tpu.memref_slice %arg7[%add3A_112, %dma_start3A_122] : memref<40x128xi32, #tpu.memory_space<vmem>> -> memref<1x128xi32, #tpu.memory_space<vmem>>
        %dma_start3A_124 = tpu.memref_squeeze %dma_start3A_123 : memref<1x128xi32, #tpu.memory_space<vmem>> -> memref<128xi32, #tpu.memory_space<vmem>>
        %dma_start3A_125 = arith.constant 0 : i32
        %dma_start3A_126 = arith.constant 0 : i32
        %dma_start3A_127 = tpu.memref_slice %arg2[%dma_start3A_125, %dma_start3A_126] : memref<10240x128xf32, #tpu.memory_space<hbm>> -> memref<10240x128xf32, #tpu.memory_space<hbm>>
        tpu.enqueue_indirect_dma source(%dma_start3A_127 : memref<10240x128xf32, #tpu.memory_space<hbm>>) target(%arg10 : memref<128x128xf32, #tpu.memory_space<vmem>>) offsets(%dma_start3A_124 : memref<128xi32, #tpu.memory_space<vmem>>) semaphore(%arg13 : memref<!tpu.dma_semaphore, #tpu.memory_space<semaphore_mem>>)
        "tpu.region"() ({
          %run_scoped3A = tpu.sem_alloc : memref<!tpu.dma_semaphore, #tpu.memory_space<semaphore_mem>>
          %dma_start3A_140 = arith.constant 0 : i32
          %dma_start3A_141 = tpu.memref_slice %arg8[%mul3A_110, %dma_start3A_140] : memref<40x128xi32, #tpu.memory_space<vmem>> -> memref<1x128xi32, #tpu.memory_space<vmem>>
          %dma_start3A_142 = tpu.memref_squeeze %dma_start3A_141 : memref<1x128xi32, #tpu.memory_space<vmem>> -> memref<128xi32, #tpu.memory_space<vmem>>
          %dma_start3A_143 = arith.constant 0 : i32
          %dma_start3A_144 = arith.constant 0 : i32
          %dma_start3A_145 = tpu.memref_slice %arg11[%dma_start3A_143, %dma_start3A_144] : memref<10240x128xf32, #tpu.memory_space<vmem_shared>> -> memref<10240x128xf32, #tpu.memory_space<vmem_shared>>
          tpu.enqueue_indirect_dma source(%arg9 : memref<128x128xf32, #tpu.memory_space<vmem>>) target(%dma_start3A_145 : memref<10240x128xf32, #tpu.memory_space<vmem_shared>>) offsets(%dma_start3A_142 : memref<128xi32, #tpu.memory_space<vmem>>) semaphore(%run_scoped3A : memref<!tpu.dma_semaphore, #tpu.memory_space<semaphore_mem>>) {add = true}
          %dma_wait3A_146 = arith.constant 0 : i32
          %dma_wait3A_147 = tpu.memref_slice %arg8[%mul3A_110, %dma_wait3A_146] : memref<40x128xi32, #tpu.memory_space<vmem>> -> memref<1x128xi32, #tpu.memory_space<vmem>>
          %dma_wait3A_148 = tpu.memref_squeeze %dma_wait3A_147 : memref<1x128xi32, #tpu.memory_space<vmem>> -> memref<128xi32, #tpu.memory_space<vmem>>
          %dma_wait3A_149 = arith.constant 0 : i32
          %dma_wait3A_150 = arith.constant 0 : i32
          %dma_wait3A_151 = tpu.memref_slice %arg11[%dma_wait3A_149, %dma_wait3A_150] : memref<10240x128xf32, #tpu.memory_space<vmem_shared>> -> memref<10240x128xf32, #tpu.memory_space<vmem_shared>>
          tpu.wait_indirect_dma semaphore(%run_scoped3A : memref<!tpu.dma_semaphore, #tpu.memory_space<semaphore_mem>>) src(%arg9 : memref<128x128xf32, #tpu.memory_space<vmem>>) dst(%dma_wait3A_151 : memref<10240x128xf32, #tpu.memory_space<vmem_shared>>)
          tpu.yield
        }) : () -> ()
        %dma_wait3A_128 = arith.constant 0 : i32
        %dma_wait3A_129 = tpu.memref_slice %arg7[%add3A_112, %dma_wait3A_128] : memref<40x128xi32, #tpu.memory_space<vmem>> -> memref<1x128xi32, #tpu.memory_space<vmem>>
        %dma_wait3A_130 = tpu.memref_squeeze %dma_wait3A_129 : memref<1x128xi32, #tpu.memory_space<vmem>> -> memref<128xi32, #tpu.memory_space<vmem>>
        %dma_wait3A_131 = arith.constant 0 : i32
        %dma_wait3A_132 = arith.constant 0 : i32
        %dma_wait3A_133 = tpu.memref_slice %arg2[%dma_wait3A_131, %dma_wait3A_132] : memref<10240x128xf32, #tpu.memory_space<hbm>> -> memref<10240x128xf32, #tpu.memory_space<hbm>>
        tpu.wait_indirect_dma semaphore(%arg13 : memref<!tpu.dma_semaphore, #tpu.memory_space<semaphore_mem>>) src(%dma_wait3A_133 : memref<10240x128xf32, #tpu.memory_space<hbm>>) dst(%arg10 : memref<128x128xf32, #tpu.memory_space<vmem>>)
        %dma_start3A_134 = arith.constant 0 : i32
        %dma_start3A_135 = tpu.memref_slice %arg7[%min3A_115, %dma_start3A_134] : memref<40x128xi32, #tpu.memory_space<vmem>> -> memref<1x128xi32, #tpu.memory_space<vmem>>
        %dma_start3A_136 = tpu.memref_squeeze %dma_start3A_135 : memref<1x128xi32, #tpu.memory_space<vmem>> -> memref<128xi32, #tpu.memory_space<vmem>>
        %dma_start3A_137 = arith.constant 0 : i32
        %dma_start3A_138 = arith.constant 0 : i32
        %dma_start3A_139 = tpu.memref_slice %arg2[%dma_start3A_137, %dma_start3A_138] : memref<10240x128xf32, #tpu.memory_space<hbm>> -> memref<10240x128xf32, #tpu.memory_space<hbm>>
        tpu.enqueue_indirect_dma source(%dma_start3A_139 : memref<10240x128xf32, #tpu.memory_space<hbm>>) target(%arg9 : memref<128x128xf32, #tpu.memory_space<vmem>>) offsets(%dma_start3A_136 : memref<128xi32, #tpu.memory_space<vmem>>) semaphore(%arg12 : memref<!tpu.dma_semaphore, #tpu.memory_space<semaphore_mem>>)
        "tpu.region"() ({
          %run_scoped3A = tpu.sem_alloc : memref<!tpu.dma_semaphore, #tpu.memory_space<semaphore_mem>>
          %dma_start3A_140 = arith.constant 0 : i32
          %dma_start3A_141 = tpu.memref_slice %arg8[%add3A_112, %dma_start3A_140] : memref<40x128xi32, #tpu.memory_space<vmem>> -> memref<1x128xi32, #tpu.memory_space<vmem>>
          %dma_start3A_142 = tpu.memref_squeeze %dma_start3A_141 : memref<1x128xi32, #tpu.memory_space<vmem>> -> memref<128xi32, #tpu.memory_space<vmem>>
          %dma_start3A_143 = arith.constant 0 : i32
          %dma_start3A_144 = arith.constant 0 : i32
          %dma_start3A_145 = tpu.memref_slice %arg11[%dma_start3A_143, %dma_start3A_144] : memref<10240x128xf32, #tpu.memory_space<vmem_shared>> -> memref<10240x128xf32, #tpu.memory_space<vmem_shared>>
          tpu.enqueue_indirect_dma source(%arg10 : memref<128x128xf32, #tpu.memory_space<vmem>>) target(%dma_start3A_145 : memref<10240x128xf32, #tpu.memory_space<vmem_shared>>) offsets(%dma_start3A_142 : memref<128xi32, #tpu.memory_space<vmem>>) semaphore(%run_scoped3A : memref<!tpu.dma_semaphore, #tpu.memory_space<semaphore_mem>>) {add = true}
          %dma_wait3A_146 = arith.constant 0 : i32
          %dma_wait3A_147 = tpu.memref_slice %arg8[%add3A_112, %dma_wait3A_146] : memref<40x128xi32, #tpu.memory_space<vmem>> -> memref<1x128xi32, #tpu.memory_space<vmem>>
          %dma_wait3A_148 = tpu.memref_squeeze %dma_wait3A_147 : memref<1x128xi32, #tpu.memory_space<vmem>> -> memref<128xi32, #tpu.memory_space<vmem>>
          %dma_wait3A_149 = arith.constant 0 : i32
          %dma_wait3A_150 = arith.constant 0 : i32
          %dma_wait3A_151 = tpu.memref_slice %arg11[%dma_wait3A_149, %dma_wait3A_150] : memref<10240x128xf32, #tpu.memory_space<vmem_shared>> -> memref<10240x128xf32, #tpu.memory_space<vmem_shared>>
          tpu.wait_indirect_dma semaphore(%run_scoped3A : memref<!tpu.dma_semaphore, #tpu.memory_space<semaphore_mem>>) src(%arg10 : memref<128x128xf32, #tpu.memory_space<vmem>>) dst(%dma_wait3A_151 : memref<10240x128xf32, #tpu.memory_space<vmem_shared>>)
          tpu.yield
        }) : () -> ()
      }
      %while3A_100 = arith.constant 1 : i32
      scf.for %while3A_108 = %while3A_98 to %while3A_94 step %while3A_100  : i32 {
        %mul3A_109 = arith.constant 2 : i32
        %mul3A_110 = arith.muli %mul3A_109, %while3A_108 : i32
        %add3A_111 = arith.constant 1 : i32
        %add3A_112 = arith.addi %mul3A_110, %add3A_111 : i32
        %add3A_113 = arith.constant 2 : i32
        %add3A_114 = arith.addi %mul3A_110, %add3A_113 : i32
        %min3A = arith.constant 39 : i32
        %min3A_115 = arith.minsi %add3A_114, %min3A : i32
        %dma_wait3A_116 = arith.constant 0 : i32
        %dma_wait3A_117 = tpu.memref_slice %arg7[%mul3A_110, %dma_wait3A_116] : memref<40x128xi32, #tpu.memory_space<vmem>> -> memref<1x128xi32, #tpu.memory_space<vmem>>
        %dma_wait3A_118 = tpu.memref_squeeze %dma_wait3A_117 : memref<1x128xi32, #tpu.memory_space<vmem>> -> memref<128xi32, #tpu.memory_space<vmem>>
        %dma_wait3A_119 = arith.constant 0 : i32
        %dma_wait3A_120 = arith.constant 0 : i32
        %dma_wait3A_121 = tpu.memref_slice %arg2[%dma_wait3A_119, %dma_wait3A_120] : memref<10240x128xf32, #tpu.memory_space<hbm>> -> memref<10240x128xf32, #tpu.memory_space<hbm>>
        tpu.wait_indirect_dma semaphore(%arg12 : memref<!tpu.dma_semaphore, #tpu.memory_space<semaphore_mem>>) src(%dma_wait3A_121 : memref<10240x128xf32, #tpu.memory_space<hbm>>) dst(%arg9 : memref<128x128xf32, #tpu.memory_space<vmem>>)
        %dma_start3A_122 = arith.constant 0 : i32
        %dma_start3A_123 = tpu.memref_slice %arg7[%add3A_112, %dma_start3A_122] : memref<40x128xi32, #tpu.memory_space<vmem>> -> memref<1x128xi32, #tpu.memory_space<vmem>>
        %dma_start3A_124 = tpu.memref_squeeze %dma_start3A_123 : memref<1x128xi32, #tpu.memory_space<vmem>> -> memref<128xi32, #tpu.memory_space<vmem>>
        %dma_start3A_125 = arith.constant 0 : i32
        %dma_start3A_126 = arith.constant 0 : i32
        %dma_start3A_127 = tpu.memref_slice %arg2[%dma_start3A_125, %dma_start3A_126] : memref<10240x128xf32, #tpu.memory_space<hbm>> -> memref<10240x128xf32, #tpu.memory_space<hbm>>
        tpu.enqueue_indirect_dma source(%dma_start3A_127 : memref<10240x128xf32, #tpu.memory_space<hbm>>) target(%arg10 : memref<128x128xf32, #tpu.memory_space<vmem>>) offsets(%dma_start3A_124 : memref<128xi32, #tpu.memory_space<vmem>>) semaphore(%arg13 : memref<!tpu.dma_semaphore, #tpu.memory_space<semaphore_mem>>)
        "tpu.region"() ({
          %run_scoped3A = tpu.sem_alloc : memref<!tpu.dma_semaphore, #tpu.memory_space<semaphore_mem>>
          %dma_start3A_140 = arith.constant 0 : i32
          %dma_start3A_141 = tpu.memref_slice %arg8[%mul3A_110, %dma_start3A_140] : memref<40x128xi32, #tpu.memory_space<vmem>> -> memref<1x128xi32, #tpu.memory_space<vmem>>
          %dma_start3A_142 = tpu.memref_squeeze %dma_start3A_141 : memref<1x128xi32, #tpu.memory_space<vmem>> -> memref<128xi32, #tpu.memory_space<vmem>>
          %dma_start3A_143 = arith.constant 0 : i32
          %dma_start3A_144 = arith.constant 0 : i32
          %dma_start3A_145 = tpu.memref_slice %arg11[%dma_start3A_143, %dma_start3A_144] : memref<10240x128xf32, #tpu.memory_space<vmem_shared>> -> memref<10240x128xf32, #tpu.memory_space<vmem_shared>>
          tpu.enqueue_indirect_dma source(%arg9 : memref<128x128xf32, #tpu.memory_space<vmem>>) target(%dma_start3A_145 : memref<10240x128xf32, #tpu.memory_space<vmem_shared>>) offsets(%dma_start3A_142 : memref<128xi32, #tpu.memory_space<vmem>>) semaphore(%run_scoped3A : memref<!tpu.dma_semaphore, #tpu.memory_space<semaphore_mem>>) {add = true}
          %dma_wait3A_146 = arith.constant 0 : i32
          %dma_wait3A_147 = tpu.memref_slice %arg8[%mul3A_110, %dma_wait3A_146] : memref<40x128xi32, #tpu.memory_space<vmem>> -> memref<1x128xi32, #tpu.memory_space<vmem>>
          %dma_wait3A_148 = tpu.memref_squeeze %dma_wait3A_147 : memref<1x128xi32, #tpu.memory_space<vmem>> -> memref<128xi32, #tpu.memory_space<vmem>>
          %dma_wait3A_149 = arith.constant 0 : i32
          %dma_wait3A_150 = arith.constant 0 : i32
          %dma_wait3A_151 = tpu.memref_slice %arg11[%dma_wait3A_149, %dma_wait3A_150] : memref<10240x128xf32, #tpu.memory_space<vmem_shared>> -> memref<10240x128xf32, #tpu.memory_space<vmem_shared>>
          tpu.wait_indirect_dma semaphore(%run_scoped3A : memref<!tpu.dma_semaphore, #tpu.memory_space<semaphore_mem>>) src(%arg9 : memref<128x128xf32, #tpu.memory_space<vmem>>) dst(%dma_wait3A_151 : memref<10240x128xf32, #tpu.memory_space<vmem_shared>>)
          tpu.yield
        }) : () -> ()
        %dma_wait3A_128 = arith.constant 0 : i32
        %dma_wait3A_129 = tpu.memref_slice %arg7[%add3A_112, %dma_wait3A_128] : memref<40x128xi32, #tpu.memory_space<vmem>> -> memref<1x128xi32, #tpu.memory_space<vmem>>
        %dma_wait3A_130 = tpu.memref_squeeze %dma_wait3A_129 : memref<1x128xi32, #tpu.memory_space<vmem>> -> memref<128xi32, #tpu.memory_space<vmem>>
        %dma_wait3A_131 = arith.constant 0 : i32
        %dma_wait3A_132 = arith.constant 0 : i32
        %dma_wait3A_133 = tpu.memref_slice %arg2[%dma_wait3A_131, %dma_wait3A_132] : memref<10240x128xf32, #tpu.memory_space<hbm>> -> memref<10240x128xf32, #tpu.memory_space<hbm>>
        tpu.wait_indirect_dma semaphore(%arg13 : memref<!tpu.dma_semaphore, #tpu.memory_space<semaphore_mem>>) src(%dma_wait3A_133 : memref<10240x128xf32, #tpu.memory_space<hbm>>) dst(%arg10 : memref<128x128xf32, #tpu.memory_space<vmem>>)
        %dma_start3A_134 = arith.constant 0 : i32
        %dma_start3A_135 = tpu.memref_slice %arg7[%min3A_115, %dma_start3A_134] : memref<40x128xi32, #tpu.memory_space<vmem>> -> memref<1x128xi32, #tpu.memory_space<vmem>>
        %dma_start3A_136 = tpu.memref_squeeze %dma_start3A_135 : memref<1x128xi32, #tpu.memory_space<vmem>> -> memref<128xi32, #tpu.memory_space<vmem>>
        %dma_start3A_137 = arith.constant 0 : i32
        %dma_start3A_138 = arith.constant 0 : i32
        %dma_start3A_139 = tpu.memref_slice %arg2[%dma_start3A_137, %dma_start3A_138] : memref<10240x128xf32, #tpu.memory_space<hbm>> -> memref<10240x128xf32, #tpu.memory_space<hbm>>
        tpu.enqueue_indirect_dma source(%dma_start3A_139 : memref<10240x128xf32, #tpu.memory_space<hbm>>) target(%arg9 : memref<128x128xf32, #tpu.memory_space<vmem>>) offsets(%dma_start3A_136 : memref<128xi32, #tpu.memory_space<vmem>>) semaphore(%arg12 : memref<!tpu.dma_semaphore, #tpu.memory_space<semaphore_mem>>)
        "tpu.region"() ({
          %run_scoped3A = tpu.sem_alloc : memref<!tpu.dma_semaphore, #tpu.memory_space<semaphore_mem>>
          %dma_start3A_140 = arith.constant 0 : i32
          %dma_start3A_141 = tpu.memref_slice %arg8[%add3A_112, %dma_start3A_140] : memref<40x128xi32, #tpu.memory_space<vmem>> -> memref<1x128xi32, #tpu.memory_space<vmem>>
          %dma_start3A_142 = tpu.memref_squeeze %dma_start3A_141 : memref<1x128xi32, #tpu.memory_space<vmem>> -> memref<128xi32, #tpu.memory_space<vmem>>
          %dma_start3A_143 = arith.constant 0 : i32
          %dma_start3A_144 = arith.constant 0 : i32
          %dma_start3A_145 = tpu.memref_slice %arg11[%dma_start3A_143, %dma_start3A_144] : memref<10240x128xf32, #tpu.memory_space<vmem_shared>> -> memref<10240x128xf32, #tpu.memory_space<vmem_shared>>
          tpu.enqueue_indirect_dma source(%arg10 : memref<128x128xf32, #tpu.memory_space<vmem>>) target(%dma_start3A_145 : memref<10240x128xf32, #tpu.memory_space<vmem_shared>>) offsets(%dma_start3A_142 : memref<128xi32, #tpu.memory_space<vmem>>) semaphore(%run_scoped3A : memref<!tpu.dma_semaphore, #tpu.memory_space<semaphore_mem>>) {add = true}
          %dma_wait3A_146 = arith.constant 0 : i32
          %dma_wait3A_147 = tpu.memref_slice %arg8[%add3A_112, %dma_wait3A_146] : memref<40x128xi32, #tpu.memory_space<vmem>> -> memref<1x128xi32, #tpu.memory_space<vmem>>
          %dma_wait3A_148 = tpu.memref_squeeze %dma_wait3A_147 : memref<1x128xi32, #tpu.memory_space<vmem>> -> memref<128xi32, #tpu.memory_space<vmem>>
          %dma_wait3A_149 = arith.constant 0 : i32
          %dma_wait3A_150 = arith.constant 0 : i32
          %dma_wait3A_151 = tpu.memref_slice %arg11[%dma_wait3A_149, %dma_wait3A_150] : memref<10240x128xf32, #tpu.memory_space<vmem_shared>> -> memref<10240x128xf32, #tpu.memory_space<vmem_shared>>
          tpu.wait_indirect_dma semaphore(%run_scoped3A : memref<!tpu.dma_semaphore, #tpu.memory_space<semaphore_mem>>) src(%arg10 : memref<128x128xf32, #tpu.memory_space<vmem>>) dst(%dma_wait3A_151 : memref<10240x128xf32, #tpu.memory_space<vmem_shared>>)
          tpu.yield
        }) : () -> ()
      }
      %dma_wait3A_101 = arith.constant 39 : i32
      %dma_wait3A_102 = arith.constant 0 : i32
      %dma_wait3A_103 = tpu.memref_slice %arg7[%dma_wait3A_101, %dma_wait3A_102] : memref<40x128xi32, #tpu.memory_space<vmem>> -> memref<1x128xi32, #tpu.memory_space<vmem>>
      %dma_wait3A_104 = tpu.memref_squeeze %dma_wait3A_103 : memref<1x128xi32, #tpu.memory_space<vmem>> -> memref<128xi32, #tpu.memory_space<vmem>>
      %dma_wait3A_105 = arith.constant 0 : i32
      %dma_wait3A_106 = arith.constant 0 : i32
      %dma_wait3A_107 = tpu.memref_slice %arg2[%dma_wait3A_105, %dma_wait3A_106] : memref<10240x128xf32, #tpu.memory_space<hbm>> -> memref<10240x128xf32, #tpu.memory_space<hbm>>
      tpu.wait_indirect_dma semaphore(%arg12 : memref<!tpu.dma_semaphore, #tpu.memory_space<semaphore_mem>>) src(%dma_wait3A_107 : memref<10240x128xf32, #tpu.memory_space<hbm>>) dst(%arg9 : memref<128x128xf32, #tpu.memory_space<vmem>>)
    } else {
    }
    %eq3A_23 = arith.constant 1 : i32
    %eq3A_24 = arith.cmpi eq, %arg0, %eq3A_23 : i32
    %convert_element_type3A_25 = arith.extui %eq3A_24 : i1 to i32
    %cond3A_26 = arith.constant 0 : i32
    %cond3A_27 = arith.cmpi ne, %convert_element_type3A_25, %cond3A_26 : i32
    scf.if %cond3A_27 {
      %mul3A_52 = arith.constant 80 : i32
      %mul3A_53 = arith.muli %arg1, %mul3A_52 : i32
      %add3A_54 = arith.constant 0 : i32
      %add3A_55 = arith.addi %mul3A_53, %add3A_54 : i32
      "tpu.region"() ({
        %run_scoped3A = tpu.sem_alloc : memref<!tpu.dma_semaphore, #tpu.memory_space<semaphore_mem>>
        %dma_start3A_108 = arith.constant 0 : i32
        %dma_start3A_109 = tpu.memref_slice %arg4[%add3A_55, %dma_start3A_108] : memref<1280x128xi32, #tpu.memory_space<hbm>> -> memref<40x128xi32, #tpu.memory_space<hbm>>
        %dma_start3A_110 = arith.constant 0 : i32
        %dma_start3A_111 = tpu.memref_slice %arg4[%add3A_55, %dma_start3A_110] : memref<1280x128xi32, #tpu.memory_space<hbm>> -> memref<40x128xi32, #tpu.memory_space<hbm>>
        tpu.enqueue_dma source(%dma_start3A_111 : memref<40x128xi32, #tpu.memory_space<hbm>>) target(%arg7 : memref<40x128xi32, #tpu.memory_space<vmem>>) target_semaphore(%run_scoped3A : memref<!tpu.dma_semaphore, #tpu.memory_space<semaphore_mem>>)
        %dma_wait3A_112 = arith.constant 0 : i32
        %dma_wait3A_113 = tpu.memref_slice %arg4[%add3A_55, %dma_wait3A_112] : memref<1280x128xi32, #tpu.memory_space<hbm>> -> memref<40x128xi32, #tpu.memory_space<hbm>>
        %dma_wait3A_114 = arith.constant 0 : i32
        %dma_wait3A_115 = tpu.memref_slice %arg4[%add3A_55, %dma_wait3A_114] : memref<1280x128xi32, #tpu.memory_space<hbm>> -> memref<40x128xi32, #tpu.memory_space<hbm>>
        tpu.wait_dma2 semaphore(%run_scoped3A : memref<!tpu.dma_semaphore, #tpu.memory_space<semaphore_mem>>) src(%dma_wait3A_115 : memref<40x128xi32, #tpu.memory_space<hbm>>) dst(%arg7 : memref<40x128xi32, #tpu.memory_space<vmem>>)
        tpu.yield
      }) : () -> ()
      "tpu.region"() ({
        %run_scoped3A = tpu.sem_alloc : memref<!tpu.dma_semaphore, #tpu.memory_space<semaphore_mem>>
        %dma_start3A_108 = arith.constant 0 : i32
        %dma_start3A_109 = tpu.memref_slice %arg5[%add3A_55, %dma_start3A_108] : memref<1280x128xi32, #tpu.memory_space<hbm>> -> memref<40x128xi32, #tpu.memory_space<hbm>>
        %dma_start3A_110 = arith.constant 0 : i32
        %dma_start3A_111 = tpu.memref_slice %arg5[%add3A_55, %dma_start3A_110] : memref<1280x128xi32, #tpu.memory_space<hbm>> -> memref<40x128xi32, #tpu.memory_space<hbm>>
        tpu.enqueue_dma source(%dma_start3A_111 : memref<40x128xi32, #tpu.memory_space<hbm>>) target(%arg8 : memref<40x128xi32, #tpu.memory_space<vmem>>) target_semaphore(%run_scoped3A : memref<!tpu.dma_semaphore, #tpu.memory_space<semaphore_mem>>)
        %dma_wait3A_112 = arith.constant 0 : i32
        %dma_wait3A_113 = tpu.memref_slice %arg5[%add3A_55, %dma_wait3A_112] : memref<1280x128xi32, #tpu.memory_space<hbm>> -> memref<40x128xi32, #tpu.memory_space<hbm>>
        %dma_wait3A_114 = arith.constant 0 : i32
        %dma_wait3A_115 = tpu.memref_slice %arg5[%add3A_55, %dma_wait3A_114] : memref<1280x128xi32, #tpu.memory_space<hbm>> -> memref<40x128xi32, #tpu.memory_space<hbm>>
        tpu.wait_dma2 semaphore(%run_scoped3A : memref<!tpu.dma_semaphore, #tpu.memory_space<semaphore_mem>>) src(%dma_wait3A_115 : memref<40x128xi32, #tpu.memory_space<hbm>>) dst(%arg8 : memref<40x128xi32, #tpu.memory_space<vmem>>)
        tpu.yield
      }) : () -> ()
      %dma_start3A = arith.constant 0 : i32
      %dma_start3A_56 = arith.constant 0 : i32
      %dma_start3A_57 = tpu.memref_slice %arg7[%dma_start3A, %dma_start3A_56] : memref<40x128xi32, #tpu.memory_space<vmem>> -> memref<1x128xi32, #tpu.memory_space<vmem>>
      %dma_start3A_58 = tpu.memref_squeeze %dma_start3A_57 : memref<1x128xi32, #tpu.memory_space<vmem>> -> memref<128xi32, #tpu.memory_space<vmem>>
      %dma_start3A_59 = arith.constant 0 : i32
      %dma_start3A_60 = arith.constant 0 : i32
      %dma_start3A_61 = tpu.memref_slice %arg3[%dma_start3A_59, %dma_start3A_60] : memref<10240x128xf32, #tpu.memory_space<hbm>> -> memref<10240x128xf32, #tpu.memory_space<hbm>>
      tpu.enqueue_indirect_dma source(%dma_start3A_61 : memref<10240x128xf32, #tpu.memory_space<hbm>>) target(%arg9 : memref<128x128xf32, #tpu.memory_space<vmem>>) offsets(%dma_start3A_58 : memref<128xi32, #tpu.memory_space<vmem>>) semaphore(%arg12 : memref<!tpu.dma_semaphore, #tpu.memory_space<semaphore_mem>>)
      %while3A_62 = arith.constant 0 : i32
      %while3A_63 = arith.constant 0 : i32
      %while3A_64 = arith.constant 20 : i32
      %while3A_65 = arith.subi %while3A_64, %while3A_63 : i32
      %while3A_66 = arith.addi %while3A_63, %while3A_65 : i32
      %while3A_67 = arith.constant 1 : i32
      %while3A_68 = arith.divsi %while3A_65, %while3A_67 : i32
      %while3A_69 = arith.muli %while3A_68, %while3A_67 : i32
      %while3A_70 = arith.addi %while3A_63, %while3A_69 : i32
      %while3A_71 = arith.constant 1 : i32
      scf.for %while3A_108 = %while3A_63 to %while3A_70 step %while3A_71  : i32 {
        %mul3A_109 = arith.constant 2 : i32
        %mul3A_110 = arith.muli %mul3A_109, %while3A_108 : i32
        %add3A_111 = arith.constant 1 : i32
        %add3A_112 = arith.addi %mul3A_110, %add3A_111 : i32
        %add3A_113 = arith.constant 2 : i32
        %add3A_114 = arith.addi %mul3A_110, %add3A_113 : i32
        %min3A = arith.constant 39 : i32
        %min3A_115 = arith.minsi %add3A_114, %min3A : i32
        %dma_wait3A_116 = arith.constant 0 : i32
        %dma_wait3A_117 = tpu.memref_slice %arg7[%mul3A_110, %dma_wait3A_116] : memref<40x128xi32, #tpu.memory_space<vmem>> -> memref<1x128xi32, #tpu.memory_space<vmem>>
        %dma_wait3A_118 = tpu.memref_squeeze %dma_wait3A_117 : memref<1x128xi32, #tpu.memory_space<vmem>> -> memref<128xi32, #tpu.memory_space<vmem>>
        %dma_wait3A_119 = arith.constant 0 : i32
        %dma_wait3A_120 = arith.constant 0 : i32
        %dma_wait3A_121 = tpu.memref_slice %arg3[%dma_wait3A_119, %dma_wait3A_120] : memref<10240x128xf32, #tpu.memory_space<hbm>> -> memref<10240x128xf32, #tpu.memory_space<hbm>>
        tpu.wait_indirect_dma semaphore(%arg12 : memref<!tpu.dma_semaphore, #tpu.memory_space<semaphore_mem>>) src(%dma_wait3A_121 : memref<10240x128xf32, #tpu.memory_space<hbm>>) dst(%arg9 : memref<128x128xf32, #tpu.memory_space<vmem>>)
        %dma_start3A_122 = arith.constant 0 : i32
        %dma_start3A_123 = tpu.memref_slice %arg7[%add3A_112, %dma_start3A_122] : memref<40x128xi32, #tpu.memory_space<vmem>> -> memref<1x128xi32, #tpu.memory_space<vmem>>
        %dma_start3A_124 = tpu.memref_squeeze %dma_start3A_123 : memref<1x128xi32, #tpu.memory_space<vmem>> -> memref<128xi32, #tpu.memory_space<vmem>>
        %dma_start3A_125 = arith.constant 0 : i32
        %dma_start3A_126 = arith.constant 0 : i32
        %dma_start3A_127 = tpu.memref_slice %arg3[%dma_start3A_125, %dma_start3A_126] : memref<10240x128xf32, #tpu.memory_space<hbm>> -> memref<10240x128xf32, #tpu.memory_space<hbm>>
        tpu.enqueue_indirect_dma source(%dma_start3A_127 : memref<10240x128xf32, #tpu.memory_space<hbm>>) target(%arg10 : memref<128x128xf32, #tpu.memory_space<vmem>>) offsets(%dma_start3A_124 : memref<128xi32, #tpu.memory_space<vmem>>) semaphore(%arg13 : memref<!tpu.dma_semaphore, #tpu.memory_space<semaphore_mem>>)
        "tpu.region"() ({
          %run_scoped3A = tpu.sem_alloc : memref<!tpu.dma_semaphore, #tpu.memory_space<semaphore_mem>>
          %dma_start3A_140 = arith.constant 0 : i32
          %dma_start3A_141 = tpu.memref_slice %arg8[%mul3A_110, %dma_start3A_140] : memref<40x128xi32, #tpu.memory_space<vmem>> -> memref<1x128xi32, #tpu.memory_space<vmem>>
          %dma_start3A_142 = tpu.memref_squeeze %dma_start3A_141 : memref<1x128xi32, #tpu.memory_space<vmem>> -> memref<128xi32, #tpu.memory_space<vmem>>
          %dma_start3A_143 = arith.constant 0 : i32
          %dma_start3A_144 = arith.constant 0 : i32
          %dma_start3A_145 = tpu.memref_slice %arg11[%dma_start3A_143, %dma_start3A_144] : memref<10240x128xf32, #tpu.memory_space<vmem_shared>> -> memref<10240x128xf32, #tpu.memory_space<vmem_shared>>
          tpu.enqueue_indirect_dma source(%arg9 : memref<128x128xf32, #tpu.memory_space<vmem>>) target(%dma_start3A_145 : memref<10240x128xf32, #tpu.memory_space<vmem_shared>>) offsets(%dma_start3A_142 : memref<128xi32, #tpu.memory_space<vmem>>) semaphore(%run_scoped3A : memref<!tpu.dma_semaphore, #tpu.memory_space<semaphore_mem>>) {add = true}
          %dma_wait3A_146 = arith.constant 0 : i32
          %dma_wait3A_147 = tpu.memref_slice %arg8[%mul3A_110, %dma_wait3A_146] : memref<40x128xi32, #tpu.memory_space<vmem>> -> memref<1x128xi32, #tpu.memory_space<vmem>>
          %dma_wait3A_148 = tpu.memref_squeeze %dma_wait3A_147 : memref<1x128xi32, #tpu.memory_space<vmem>> -> memref<128xi32, #tpu.memory_space<vmem>>
          %dma_wait3A_149 = arith.constant 0 : i32
          %dma_wait3A_150 = arith.constant 0 : i32
          %dma_wait3A_151 = tpu.memref_slice %arg11[%dma_wait3A_149, %dma_wait3A_150] : memref<10240x128xf32, #tpu.memory_space<vmem_shared>> -> memref<10240x128xf32, #tpu.memory_space<vmem_shared>>
          tpu.wait_indirect_dma semaphore(%run_scoped3A : memref<!tpu.dma_semaphore, #tpu.memory_space<semaphore_mem>>) src(%arg9 : memref<128x128xf32, #tpu.memory_space<vmem>>) dst(%dma_wait3A_151 : memref<10240x128xf32, #tpu.memory_space<vmem_shared>>)
          tpu.yield
        }) : () -> ()
        %dma_wait3A_128 = arith.constant 0 : i32
        %dma_wait3A_129 = tpu.memref_slice %arg7[%add3A_112, %dma_wait3A_128] : memref<40x128xi32, #tpu.memory_space<vmem>> -> memref<1x128xi32, #tpu.memory_space<vmem>>
        %dma_wait3A_130 = tpu.memref_squeeze %dma_wait3A_129 : memref<1x128xi32, #tpu.memory_space<vmem>> -> memref<128xi32, #tpu.memory_space<vmem>>
        %dma_wait3A_131 = arith.constant 0 : i32
        %dma_wait3A_132 = arith.constant 0 : i32
        %dma_wait3A_133 = tpu.memref_slice %arg3[%dma_wait3A_131, %dma_wait3A_132] : memref<10240x128xf32, #tpu.memory_space<hbm>> -> memref<10240x128xf32, #tpu.memory_space<hbm>>
        tpu.wait_indirect_dma semaphore(%arg13 : memref<!tpu.dma_semaphore, #tpu.memory_space<semaphore_mem>>) src(%dma_wait3A_133 : memref<10240x128xf32, #tpu.memory_space<hbm>>) dst(%arg10 : memref<128x128xf32, #tpu.memory_space<vmem>>)
        %dma_start3A_134 = arith.constant 0 : i32
        %dma_start3A_135 = tpu.memref_slice %arg7[%min3A_115, %dma_start3A_134] : memref<40x128xi32, #tpu.memory_space<vmem>> -> memref<1x128xi32, #tpu.memory_space<vmem>>
        %dma_start3A_136 = tpu.memref_squeeze %dma_start3A_135 : memref<1x128xi32, #tpu.memory_space<vmem>> -> memref<128xi32, #tpu.memory_space<vmem>>
        %dma_start3A_137 = arith.constant 0 : i32
        %dma_start3A_138 = arith.constant 0 : i32
        %dma_start3A_139 = tpu.memref_slice %arg3[%dma_start3A_137, %dma_start3A_138] : memref<10240x128xf32, #tpu.memory_space<hbm>> -> memref<10240x128xf32, #tpu.memory_space<hbm>>
        tpu.enqueue_indirect_dma source(%dma_start3A_139 : memref<10240x128xf32, #tpu.memory_space<hbm>>) target(%arg9 : memref<128x128xf32, #tpu.memory_space<vmem>>) offsets(%dma_start3A_136 : memref<128xi32, #tpu.memory_space<vmem>>) semaphore(%arg12 : memref<!tpu.dma_semaphore, #tpu.memory_space<semaphore_mem>>)
        "tpu.region"() ({
          %run_scoped3A = tpu.sem_alloc : memref<!tpu.dma_semaphore, #tpu.memory_space<semaphore_mem>>
          %dma_start3A_140 = arith.constant 0 : i32
          %dma_start3A_141 = tpu.memref_slice %arg8[%add3A_112, %dma_start3A_140] : memref<40x128xi32, #tpu.memory_space<vmem>> -> memref<1x128xi32, #tpu.memory_space<vmem>>
          %dma_start3A_142 = tpu.memref_squeeze %dma_start3A_141 : memref<1x128xi32, #tpu.memory_space<vmem>> -> memref<128xi32, #tpu.memory_space<vmem>>
          %dma_start3A_143 = arith.constant 0 : i32
          %dma_start3A_144 = arith.constant 0 : i32
          %dma_start3A_145 = tpu.memref_slice %arg11[%dma_start3A_143, %dma_start3A_144] : memref<10240x128xf32, #tpu.memory_space<vmem_shared>> -> memref<10240x128xf32, #tpu.memory_space<vmem_shared>>
          tpu.enqueue_indirect_dma source(%arg10 : memref<128x128xf32, #tpu.memory_space<vmem>>) target(%dma_start3A_145 : memref<10240x128xf32, #tpu.memory_space<vmem_shared>>) offsets(%dma_start3A_142 : memref<128xi32, #tpu.memory_space<vmem>>) semaphore(%run_scoped3A : memref<!tpu.dma_semaphore, #tpu.memory_space<semaphore_mem>>) {add = true}
          %dma_wait3A_146 = arith.constant 0 : i32
          %dma_wait3A_147 = tpu.memref_slice %arg8[%add3A_112, %dma_wait3A_146] : memref<40x128xi32, #tpu.memory_space<vmem>> -> memref<1x128xi32, #tpu.memory_space<vmem>>
          %dma_wait3A_148 = tpu.memref_squeeze %dma_wait3A_147 : memref<1x128xi32, #tpu.memory_space<vmem>> -> memref<128xi32, #tpu.memory_space<vmem>>
          %dma_wait3A_149 = arith.constant 0 : i32
          %dma_wait3A_150 = arith.constant 0 : i32
          %dma_wait3A_151 = tpu.memref_slice %arg11[%dma_wait3A_149, %dma_wait3A_150] : memref<10240x128xf32, #tpu.memory_space<vmem_shared>> -> memref<10240x128xf32, #tpu.memory_space<vmem_shared>>
          tpu.wait_indirect_dma semaphore(%run_scoped3A : memref<!tpu.dma_semaphore, #tpu.memory_space<semaphore_mem>>) src(%arg10 : memref<128x128xf32, #tpu.memory_space<vmem>>) dst(%dma_wait3A_151 : memref<10240x128xf32, #tpu.memory_space<vmem_shared>>)
          tpu.yield
        }) : () -> ()
      }
      %while3A_72 = arith.constant 1 : i32
      scf.for %while3A_108 = %while3A_70 to %while3A_66 step %while3A_72  : i32 {
        %mul3A_109 = arith.constant 2 : i32
        %mul3A_110 = arith.muli %mul3A_109, %while3A_108 : i32
        %add3A_111 = arith.constant 1 : i32
        %add3A_112 = arith.addi %mul3A_110, %add3A_111 : i32
        %add3A_113 = arith.constant 2 : i32
        %add3A_114 = arith.addi %mul3A_110, %add3A_113 : i32
        %min3A = arith.constant 39 : i32
        %min3A_115 = arith.minsi %add3A_114, %min3A : i32
        %dma_wait3A_116 = arith.constant 0 : i32
        %dma_wait3A_117 = tpu.memref_slice %arg7[%mul3A_110, %dma_wait3A_116] : memref<40x128xi32, #tpu.memory_space<vmem>> -> memref<1x128xi32, #tpu.memory_space<vmem>>
        %dma_wait3A_118 = tpu.memref_squeeze %dma_wait3A_117 : memref<1x128xi32, #tpu.memory_space<vmem>> -> memref<128xi32, #tpu.memory_space<vmem>>
        %dma_wait3A_119 = arith.constant 0 : i32
        %dma_wait3A_120 = arith.constant 0 : i32
        %dma_wait3A_121 = tpu.memref_slice %arg3[%dma_wait3A_119, %dma_wait3A_120] : memref<10240x128xf32, #tpu.memory_space<hbm>> -> memref<10240x128xf32, #tpu.memory_space<hbm>>
        tpu.wait_indirect_dma semaphore(%arg12 : memref<!tpu.dma_semaphore, #tpu.memory_space<semaphore_mem>>) src(%dma_wait3A_121 : memref<10240x128xf32, #tpu.memory_space<hbm>>) dst(%arg9 : memref<128x128xf32, #tpu.memory_space<vmem>>)
        %dma_start3A_122 = arith.constant 0 : i32
        %dma_start3A_123 = tpu.memref_slice %arg7[%add3A_112, %dma_start3A_122] : memref<40x128xi32, #tpu.memory_space<vmem>> -> memref<1x128xi32, #tpu.memory_space<vmem>>
        %dma_start3A_124 = tpu.memref_squeeze %dma_start3A_123 : memref<1x128xi32, #tpu.memory_space<vmem>> -> memref<128xi32, #tpu.memory_space<vmem>>
        %dma_start3A_125 = arith.constant 0 : i32
        %dma_start3A_126 = arith.constant 0 : i32
        %dma_start3A_127 = tpu.memref_slice %arg3[%dma_start3A_125, %dma_start3A_126] : memref<10240x128xf32, #tpu.memory_space<hbm>> -> memref<10240x128xf32, #tpu.memory_space<hbm>>
        tpu.enqueue_indirect_dma source(%dma_start3A_127 : memref<10240x128xf32, #tpu.memory_space<hbm>>) target(%arg10 : memref<128x128xf32, #tpu.memory_space<vmem>>) offsets(%dma_start3A_124 : memref<128xi32, #tpu.memory_space<vmem>>) semaphore(%arg13 : memref<!tpu.dma_semaphore, #tpu.memory_space<semaphore_mem>>)
        "tpu.region"() ({
          %run_scoped3A = tpu.sem_alloc : memref<!tpu.dma_semaphore, #tpu.memory_space<semaphore_mem>>
          %dma_start3A_140 = arith.constant 0 : i32
          %dma_start3A_141 = tpu.memref_slice %arg8[%mul3A_110, %dma_start3A_140] : memref<40x128xi32, #tpu.memory_space<vmem>> -> memref<1x128xi32, #tpu.memory_space<vmem>>
          %dma_start3A_142 = tpu.memref_squeeze %dma_start3A_141 : memref<1x128xi32, #tpu.memory_space<vmem>> -> memref<128xi32, #tpu.memory_space<vmem>>
          %dma_start3A_143 = arith.constant 0 : i32
          %dma_start3A_144 = arith.constant 0 : i32
          %dma_start3A_145 = tpu.memref_slice %arg11[%dma_start3A_143, %dma_start3A_144] : memref<10240x128xf32, #tpu.memory_space<vmem_shared>> -> memref<10240x128xf32, #tpu.memory_space<vmem_shared>>
          tpu.enqueue_indirect_dma source(%arg9 : memref<128x128xf32, #tpu.memory_space<vmem>>) target(%dma_start3A_145 : memref<10240x128xf32, #tpu.memory_space<vmem_shared>>) offsets(%dma_start3A_142 : memref<128xi32, #tpu.memory_space<vmem>>) semaphore(%run_scoped3A : memref<!tpu.dma_semaphore, #tpu.memory_space<semaphore_mem>>) {add = true}
          %dma_wait3A_146 = arith.constant 0 : i32
          %dma_wait3A_147 = tpu.memref_slice %arg8[%mul3A_110, %dma_wait3A_146] : memref<40x128xi32, #tpu.memory_space<vmem>> -> memref<1x128xi32, #tpu.memory_space<vmem>>
          %dma_wait3A_148 = tpu.memref_squeeze %dma_wait3A_147 : memref<1x128xi32, #tpu.memory_space<vmem>> -> memref<128xi32, #tpu.memory_space<vmem>>
          %dma_wait3A_149 = arith.constant 0 : i32
          %dma_wait3A_150 = arith.constant 0 : i32
          %dma_wait3A_151 = tpu.memref_slice %arg11[%dma_wait3A_149, %dma_wait3A_150] : memref<10240x128xf32, #tpu.memory_space<vmem_shared>> -> memref<10240x128xf32, #tpu.memory_space<vmem_shared>>
          tpu.wait_indirect_dma semaphore(%run_scoped3A : memref<!tpu.dma_semaphore, #tpu.memory_space<semaphore_mem>>) src(%arg9 : memref<128x128xf32, #tpu.memory_space<vmem>>) dst(%dma_wait3A_151 : memref<10240x128xf32, #tpu.memory_space<vmem_shared>>)
          tpu.yield
        }) : () -> ()
        %dma_wait3A_128 = arith.constant 0 : i32
        %dma_wait3A_129 = tpu.memref_slice %arg7[%add3A_112, %dma_wait3A_128] : memref<40x128xi32, #tpu.memory_space<vmem>> -> memref<1x128xi32, #tpu.memory_space<vmem>>
        %dma_wait3A_130 = tpu.memref_squeeze %dma_wait3A_129 : memref<1x128xi32, #tpu.memory_space<vmem>> -> memref<128xi32, #tpu.memory_space<vmem>>
        %dma_wait3A_131 = arith.constant 0 : i32
        %dma_wait3A_132 = arith.constant 0 : i32
        %dma_wait3A_133 = tpu.memref_slice %arg3[%dma_wait3A_131, %dma_wait3A_132] : memref<10240x128xf32, #tpu.memory_space<hbm>> -> memref<10240x128xf32, #tpu.memory_space<hbm>>
        tpu.wait_indirect_dma semaphore(%arg13 : memref<!tpu.dma_semaphore, #tpu.memory_space<semaphore_mem>>) src(%dma_wait3A_133 : memref<10240x128xf32, #tpu.memory_space<hbm>>) dst(%arg10 : memref<128x128xf32, #tpu.memory_space<vmem>>)
        %dma_start3A_134 = arith.constant 0 : i32
        %dma_start3A_135 = tpu.memref_slice %arg7[%min3A_115, %dma_start3A_134] : memref<40x128xi32, #tpu.memory_space<vmem>> -> memref<1x128xi32, #tpu.memory_space<vmem>>
        %dma_start3A_136 = tpu.memref_squeeze %dma_start3A_135 : memref<1x128xi32, #tpu.memory_space<vmem>> -> memref<128xi32, #tpu.memory_space<vmem>>
        %dma_start3A_137 = arith.constant 0 : i32
        %dma_start3A_138 = arith.constant 0 : i32
        %dma_start3A_139 = tpu.memref_slice %arg3[%dma_start3A_137, %dma_start3A_138] : memref<10240x128xf32, #tpu.memory_space<hbm>> -> memref<10240x128xf32, #tpu.memory_space<hbm>>
        tpu.enqueue_indirect_dma source(%dma_start3A_139 : memref<10240x128xf32, #tpu.memory_space<hbm>>) target(%arg9 : memref<128x128xf32, #tpu.memory_space<vmem>>) offsets(%dma_start3A_136 : memref<128xi32, #tpu.memory_space<vmem>>) semaphore(%arg12 : memref<!tpu.dma_semaphore, #tpu.memory_space<semaphore_mem>>)
        "tpu.region"() ({
          %run_scoped3A = tpu.sem_alloc : memref<!tpu.dma_semaphore, #tpu.memory_space<semaphore_mem>>
          %dma_start3A_140 = arith.constant 0 : i32
          %dma_start3A_141 = tpu.memref_slice %arg8[%add3A_112, %dma_start3A_140] : memref<40x128xi32, #tpu.memory_space<vmem>> -> memref<1x128xi32, #tpu.memory_space<vmem>>
          %dma_start3A_142 = tpu.memref_squeeze %dma_start3A_141 : memref<1x128xi32, #tpu.memory_space<vmem>> -> memref<128xi32, #tpu.memory_space<vmem>>
          %dma_start3A_143 = arith.constant 0 : i32
          %dma_start3A_144 = arith.constant 0 : i32
          %dma_start3A_145 = tpu.memref_slice %arg11[%dma_start3A_143, %dma_start3A_144] : memref<10240x128xf32, #tpu.memory_space<vmem_shared>> -> memref<10240x128xf32, #tpu.memory_space<vmem_shared>>
          tpu.enqueue_indirect_dma source(%arg10 : memref<128x128xf32, #tpu.memory_space<vmem>>) target(%dma_start3A_145 : memref<10240x128xf32, #tpu.memory_space<vmem_shared>>) offsets(%dma_start3A_142 : memref<128xi32, #tpu.memory_space<vmem>>) semaphore(%run_scoped3A : memref<!tpu.dma_semaphore, #tpu.memory_space<semaphore_mem>>) {add = true}
          %dma_wait3A_146 = arith.constant 0 : i32
          %dma_wait3A_147 = tpu.memref_slice %arg8[%add3A_112, %dma_wait3A_146] : memref<40x128xi32, #tpu.memory_space<vmem>> -> memref<1x128xi32, #tpu.memory_space<vmem>>
          %dma_wait3A_148 = tpu.memref_squeeze %dma_wait3A_147 : memref<1x128xi32, #tpu.memory_space<vmem>> -> memref<128xi32, #tpu.memory_space<vmem>>
          %dma_wait3A_149 = arith.constant 0 : i32
          %dma_wait3A_150 = arith.constant 0 : i32
          %dma_wait3A_151 = tpu.memref_slice %arg11[%dma_wait3A_149, %dma_wait3A_150] : memref<10240x128xf32, #tpu.memory_space<vmem_shared>> -> memref<10240x128xf32, #tpu.memory_space<vmem_shared>>
          tpu.wait_indirect_dma semaphore(%run_scoped3A : memref<!tpu.dma_semaphore, #tpu.memory_space<semaphore_mem>>) src(%arg10 : memref<128x128xf32, #tpu.memory_space<vmem>>) dst(%dma_wait3A_151 : memref<10240x128xf32, #tpu.memory_space<vmem_shared>>)
          tpu.yield
        }) : () -> ()
      }
      %dma_wait3A = arith.constant 39 : i32
      %dma_wait3A_73 = arith.constant 0 : i32
      %dma_wait3A_74 = tpu.memref_slice %arg7[%dma_wait3A, %dma_wait3A_73] : memref<40x128xi32, #tpu.memory_space<vmem>> -> memref<1x128xi32, #tpu.memory_space<vmem>>
      %dma_wait3A_75 = tpu.memref_squeeze %dma_wait3A_74 : memref<1x128xi32, #tpu.memory_space<vmem>> -> memref<128xi32, #tpu.memory_space<vmem>>
      %dma_wait3A_76 = arith.constant 0 : i32
      %dma_wait3A_77 = arith.constant 0 : i32
      %dma_wait3A_78 = tpu.memref_slice %arg3[%dma_wait3A_76, %dma_wait3A_77] : memref<10240x128xf32, #tpu.memory_space<hbm>> -> memref<10240x128xf32, #tpu.memory_space<hbm>>
      tpu.wait_indirect_dma semaphore(%arg12 : memref<!tpu.dma_semaphore, #tpu.memory_space<semaphore_mem>>) src(%dma_wait3A_78 : memref<10240x128xf32, #tpu.memory_space<hbm>>) dst(%arg9 : memref<128x128xf32, #tpu.memory_space<vmem>>)
      %mul3A_79 = arith.constant 80 : i32
      %mul3A_80 = arith.muli %arg1, %mul3A_79 : i32
      %add3A_81 = arith.constant 40 : i32
      %add3A_82 = arith.addi %mul3A_80, %add3A_81 : i32
      "tpu.region"() ({
        %run_scoped3A = tpu.sem_alloc : memref<!tpu.dma_semaphore, #tpu.memory_space<semaphore_mem>>
        %dma_start3A_108 = arith.constant 0 : i32
        %dma_start3A_109 = tpu.memref_slice %arg4[%add3A_82, %dma_start3A_108] : memref<1280x128xi32, #tpu.memory_space<hbm>> -> memref<40x128xi32, #tpu.memory_space<hbm>>
        %dma_start3A_110 = arith.constant 0 : i32
        %dma_start3A_111 = tpu.memref_slice %arg4[%add3A_82, %dma_start3A_110] : memref<1280x128xi32, #tpu.memory_space<hbm>> -> memref<40x128xi32, #tpu.memory_space<hbm>>
        tpu.enqueue_dma source(%dma_start3A_111 : memref<40x128xi32, #tpu.memory_space<hbm>>) target(%arg7 : memref<40x128xi32, #tpu.memory_space<vmem>>) target_semaphore(%run_scoped3A : memref<!tpu.dma_semaphore, #tpu.memory_space<semaphore_mem>>)
        %dma_wait3A_112 = arith.constant 0 : i32
        %dma_wait3A_113 = tpu.memref_slice %arg4[%add3A_82, %dma_wait3A_112] : memref<1280x128xi32, #tpu.memory_space<hbm>> -> memref<40x128xi32, #tpu.memory_space<hbm>>
        %dma_wait3A_114 = arith.constant 0 : i32
        %dma_wait3A_115 = tpu.memref_slice %arg4[%add3A_82, %dma_wait3A_114] : memref<1280x128xi32, #tpu.memory_space<hbm>> -> memref<40x128xi32, #tpu.memory_space<hbm>>
        tpu.wait_dma2 semaphore(%run_scoped3A : memref<!tpu.dma_semaphore, #tpu.memory_space<semaphore_mem>>) src(%dma_wait3A_115 : memref<40x128xi32, #tpu.memory_space<hbm>>) dst(%arg7 : memref<40x128xi32, #tpu.memory_space<vmem>>)
        tpu.yield
      }) : () -> ()
      "tpu.region"() ({
        %run_scoped3A = tpu.sem_alloc : memref<!tpu.dma_semaphore, #tpu.memory_space<semaphore_mem>>
        %dma_start3A_108 = arith.constant 0 : i32
        %dma_start3A_109 = tpu.memref_slice %arg5[%add3A_82, %dma_start3A_108] : memref<1280x128xi32, #tpu.memory_space<hbm>> -> memref<40x128xi32, #tpu.memory_space<hbm>>
        %dma_start3A_110 = arith.constant 0 : i32
        %dma_start3A_111 = tpu.memref_slice %arg5[%add3A_82, %dma_start3A_110] : memref<1280x128xi32, #tpu.memory_space<hbm>> -> memref<40x128xi32, #tpu.memory_space<hbm>>
        tpu.enqueue_dma source(%dma_start3A_111 : memref<40x128xi32, #tpu.memory_space<hbm>>) target(%arg8 : memref<40x128xi32, #tpu.memory_space<vmem>>) target_semaphore(%run_scoped3A : memref<!tpu.dma_semaphore, #tpu.memory_space<semaphore_mem>>)
        %dma_wait3A_112 = arith.constant 0 : i32
        %dma_wait3A_113 = tpu.memref_slice %arg5[%add3A_82, %dma_wait3A_112] : memref<1280x128xi32, #tpu.memory_space<hbm>> -> memref<40x128xi32, #tpu.memory_space<hbm>>
        %dma_wait3A_114 = arith.constant 0 : i32
        %dma_wait3A_115 = tpu.memref_slice %arg5[%add3A_82, %dma_wait3A_114] : memref<1280x128xi32, #tpu.memory_space<hbm>> -> memref<40x128xi32, #tpu.memory_space<hbm>>
        tpu.wait_dma2 semaphore(%run_scoped3A : memref<!tpu.dma_semaphore, #tpu.memory_space<semaphore_mem>>) src(%dma_wait3A_115 : memref<40x128xi32, #tpu.memory_space<hbm>>) dst(%arg8 : memref<40x128xi32, #tpu.memory_space<vmem>>)
        tpu.yield
      }) : () -> ()
      %dma_start3A_83 = arith.constant 0 : i32
      %dma_start3A_84 = arith.constant 0 : i32
      %dma_start3A_85 = tpu.memref_slice %arg7[%dma_start3A_83, %dma_start3A_84] : memref<40x128xi32, #tpu.memory_space<vmem>> -> memref<1x128xi32, #tpu.memory_space<vmem>>
      %dma_start3A_86 = tpu.memref_squeeze %dma_start3A_85 : memref<1x128xi32, #tpu.memory_space<vmem>> -> memref<128xi32, #tpu.memory_space<vmem>>
      %dma_start3A_87 = arith.constant 0 : i32
      %dma_start3A_88 = arith.constant 0 : i32
      %dma_start3A_89 = tpu.memref_slice %arg3[%dma_start3A_87, %dma_start3A_88] : memref<10240x128xf32, #tpu.memory_space<hbm>> -> memref<10240x128xf32, #tpu.memory_space<hbm>>
      tpu.enqueue_indirect_dma source(%dma_start3A_89 : memref<10240x128xf32, #tpu.memory_space<hbm>>) target(%arg9 : memref<128x128xf32, #tpu.memory_space<vmem>>) offsets(%dma_start3A_86 : memref<128xi32, #tpu.memory_space<vmem>>) semaphore(%arg12 : memref<!tpu.dma_semaphore, #tpu.memory_space<semaphore_mem>>)
      %while3A_90 = arith.constant 0 : i32
      %while3A_91 = arith.constant 0 : i32
      %while3A_92 = arith.constant 20 : i32
      %while3A_93 = arith.subi %while3A_92, %while3A_91 : i32
      %while3A_94 = arith.addi %while3A_91, %while3A_93 : i32
      %while3A_95 = arith.constant 1 : i32
      %while3A_96 = arith.divsi %while3A_93, %while3A_95 : i32
      %while3A_97 = arith.muli %while3A_96, %while3A_95 : i32
      %while3A_98 = arith.addi %while3A_91, %while3A_97 : i32
      %while3A_99 = arith.constant 1 : i32
      scf.for %while3A_108 = %while3A_91 to %while3A_98 step %while3A_99  : i32 {
        %mul3A_109 = arith.constant 2 : i32
        %mul3A_110 = arith.muli %mul3A_109, %while3A_108 : i32
        %add3A_111 = arith.constant 1 : i32
        %add3A_112 = arith.addi %mul3A_110, %add3A_111 : i32
        %add3A_113 = arith.constant 2 : i32
        %add3A_114 = arith.addi %mul3A_110, %add3A_113 : i32
        %min3A = arith.constant 39 : i32
        %min3A_115 = arith.minsi %add3A_114, %min3A : i32
        %dma_wait3A_116 = arith.constant 0 : i32
        %dma_wait3A_117 = tpu.memref_slice %arg7[%mul3A_110, %dma_wait3A_116] : memref<40x128xi32, #tpu.memory_space<vmem>> -> memref<1x128xi32, #tpu.memory_space<vmem>>
        %dma_wait3A_118 = tpu.memref_squeeze %dma_wait3A_117 : memref<1x128xi32, #tpu.memory_space<vmem>> -> memref<128xi32, #tpu.memory_space<vmem>>
        %dma_wait3A_119 = arith.constant 0 : i32
        %dma_wait3A_120 = arith.constant 0 : i32
        %dma_wait3A_121 = tpu.memref_slice %arg3[%dma_wait3A_119, %dma_wait3A_120] : memref<10240x128xf32, #tpu.memory_space<hbm>> -> memref<10240x128xf32, #tpu.memory_space<hbm>>
        tpu.wait_indirect_dma semaphore(%arg12 : memref<!tpu.dma_semaphore, #tpu.memory_space<semaphore_mem>>) src(%dma_wait3A_121 : memref<10240x128xf32, #tpu.memory_space<hbm>>) dst(%arg9 : memref<128x128xf32, #tpu.memory_space<vmem>>)
        %dma_start3A_122 = arith.constant 0 : i32
        %dma_start3A_123 = tpu.memref_slice %arg7[%add3A_112, %dma_start3A_122] : memref<40x128xi32, #tpu.memory_space<vmem>> -> memref<1x128xi32, #tpu.memory_space<vmem>>
        %dma_start3A_124 = tpu.memref_squeeze %dma_start3A_123 : memref<1x128xi32, #tpu.memory_space<vmem>> -> memref<128xi32, #tpu.memory_space<vmem>>
        %dma_start3A_125 = arith.constant 0 : i32
        %dma_start3A_126 = arith.constant 0 : i32
        %dma_start3A_127 = tpu.memref_slice %arg3[%dma_start3A_125, %dma_start3A_126] : memref<10240x128xf32, #tpu.memory_space<hbm>> -> memref<10240x128xf32, #tpu.memory_space<hbm>>
        tpu.enqueue_indirect_dma source(%dma_start3A_127 : memref<10240x128xf32, #tpu.memory_space<hbm>>) target(%arg10 : memref<128x128xf32, #tpu.memory_space<vmem>>) offsets(%dma_start3A_124 : memref<128xi32, #tpu.memory_space<vmem>>) semaphore(%arg13 : memref<!tpu.dma_semaphore, #tpu.memory_space<semaphore_mem>>)
        "tpu.region"() ({
          %run_scoped3A = tpu.sem_alloc : memref<!tpu.dma_semaphore, #tpu.memory_space<semaphore_mem>>
          %dma_start3A_140 = arith.constant 0 : i32
          %dma_start3A_141 = tpu.memref_slice %arg8[%mul3A_110, %dma_start3A_140] : memref<40x128xi32, #tpu.memory_space<vmem>> -> memref<1x128xi32, #tpu.memory_space<vmem>>
          %dma_start3A_142 = tpu.memref_squeeze %dma_start3A_141 : memref<1x128xi32, #tpu.memory_space<vmem>> -> memref<128xi32, #tpu.memory_space<vmem>>
          %dma_start3A_143 = arith.constant 0 : i32
          %dma_start3A_144 = arith.constant 0 : i32
          %dma_start3A_145 = tpu.memref_slice %arg11[%dma_start3A_143, %dma_start3A_144] : memref<10240x128xf32, #tpu.memory_space<vmem_shared>> -> memref<10240x128xf32, #tpu.memory_space<vmem_shared>>
          tpu.enqueue_indirect_dma source(%arg9 : memref<128x128xf32, #tpu.memory_space<vmem>>) target(%dma_start3A_145 : memref<10240x128xf32, #tpu.memory_space<vmem_shared>>) offsets(%dma_start3A_142 : memref<128xi32, #tpu.memory_space<vmem>>) semaphore(%run_scoped3A : memref<!tpu.dma_semaphore, #tpu.memory_space<semaphore_mem>>) {add = true}
          %dma_wait3A_146 = arith.constant 0 : i32
          %dma_wait3A_147 = tpu.memref_slice %arg8[%mul3A_110, %dma_wait3A_146] : memref<40x128xi32, #tpu.memory_space<vmem>> -> memref<1x128xi32, #tpu.memory_space<vmem>>
          %dma_wait3A_148 = tpu.memref_squeeze %dma_wait3A_147 : memref<1x128xi32, #tpu.memory_space<vmem>> -> memref<128xi32, #tpu.memory_space<vmem>>
          %dma_wait3A_149 = arith.constant 0 : i32
          %dma_wait3A_150 = arith.constant 0 : i32
          %dma_wait3A_151 = tpu.memref_slice %arg11[%dma_wait3A_149, %dma_wait3A_150] : memref<10240x128xf32, #tpu.memory_space<vmem_shared>> -> memref<10240x128xf32, #tpu.memory_space<vmem_shared>>
          tpu.wait_indirect_dma semaphore(%run_scoped3A : memref<!tpu.dma_semaphore, #tpu.memory_space<semaphore_mem>>) src(%arg9 : memref<128x128xf32, #tpu.memory_space<vmem>>) dst(%dma_wait3A_151 : memref<10240x128xf32, #tpu.memory_space<vmem_shared>>)
          tpu.yield
        }) : () -> ()
        %dma_wait3A_128 = arith.constant 0 : i32
        %dma_wait3A_129 = tpu.memref_slice %arg7[%add3A_112, %dma_wait3A_128] : memref<40x128xi32, #tpu.memory_space<vmem>> -> memref<1x128xi32, #tpu.memory_space<vmem>>
        %dma_wait3A_130 = tpu.memref_squeeze %dma_wait3A_129 : memref<1x128xi32, #tpu.memory_space<vmem>> -> memref<128xi32, #tpu.memory_space<vmem>>
        %dma_wait3A_131 = arith.constant 0 : i32
        %dma_wait3A_132 = arith.constant 0 : i32
        %dma_wait3A_133 = tpu.memref_slice %arg3[%dma_wait3A_131, %dma_wait3A_132] : memref<10240x128xf32, #tpu.memory_space<hbm>> -> memref<10240x128xf32, #tpu.memory_space<hbm>>
        tpu.wait_indirect_dma semaphore(%arg13 : memref<!tpu.dma_semaphore, #tpu.memory_space<semaphore_mem>>) src(%dma_wait3A_133 : memref<10240x128xf32, #tpu.memory_space<hbm>>) dst(%arg10 : memref<128x128xf32, #tpu.memory_space<vmem>>)
        %dma_start3A_134 = arith.constant 0 : i32
        %dma_start3A_135 = tpu.memref_slice %arg7[%min3A_115, %dma_start3A_134] : memref<40x128xi32, #tpu.memory_space<vmem>> -> memref<1x128xi32, #tpu.memory_space<vmem>>
        %dma_start3A_136 = tpu.memref_squeeze %dma_start3A_135 : memref<1x128xi32, #tpu.memory_space<vmem>> -> memref<128xi32, #tpu.memory_space<vmem>>
        %dma_start3A_137 = arith.constant 0 : i32
        %dma_start3A_138 = arith.constant 0 : i32
        %dma_start3A_139 = tpu.memref_slice %arg3[%dma_start3A_137, %dma_start3A_138] : memref<10240x128xf32, #tpu.memory_space<hbm>> -> memref<10240x128xf32, #tpu.memory_space<hbm>>
        tpu.enqueue_indirect_dma source(%dma_start3A_139 : memref<10240x128xf32, #tpu.memory_space<hbm>>) target(%arg9 : memref<128x128xf32, #tpu.memory_space<vmem>>) offsets(%dma_start3A_136 : memref<128xi32, #tpu.memory_space<vmem>>) semaphore(%arg12 : memref<!tpu.dma_semaphore, #tpu.memory_space<semaphore_mem>>)
        "tpu.region"() ({
          %run_scoped3A = tpu.sem_alloc : memref<!tpu.dma_semaphore, #tpu.memory_space<semaphore_mem>>
          %dma_start3A_140 = arith.constant 0 : i32
          %dma_start3A_141 = tpu.memref_slice %arg8[%add3A_112, %dma_start3A_140] : memref<40x128xi32, #tpu.memory_space<vmem>> -> memref<1x128xi32, #tpu.memory_space<vmem>>
          %dma_start3A_142 = tpu.memref_squeeze %dma_start3A_141 : memref<1x128xi32, #tpu.memory_space<vmem>> -> memref<128xi32, #tpu.memory_space<vmem>>
          %dma_start3A_143 = arith.constant 0 : i32
          %dma_start3A_144 = arith.constant 0 : i32
          %dma_start3A_145 = tpu.memref_slice %arg11[%dma_start3A_143, %dma_start3A_144] : memref<10240x128xf32, #tpu.memory_space<vmem_shared>> -> memref<10240x128xf32, #tpu.memory_space<vmem_shared>>
          tpu.enqueue_indirect_dma source(%arg10 : memref<128x128xf32, #tpu.memory_space<vmem>>) target(%dma_start3A_145 : memref<10240x128xf32, #tpu.memory_space<vmem_shared>>) offsets(%dma_start3A_142 : memref<128xi32, #tpu.memory_space<vmem>>) semaphore(%run_scoped3A : memref<!tpu.dma_semaphore, #tpu.memory_space<semaphore_mem>>) {add = true}
          %dma_wait3A_146 = arith.constant 0 : i32
          %dma_wait3A_147 = tpu.memref_slice %arg8[%add3A_112, %dma_wait3A_146] : memref<40x128xi32, #tpu.memory_space<vmem>> -> memref<1x128xi32, #tpu.memory_space<vmem>>
          %dma_wait3A_148 = tpu.memref_squeeze %dma_wait3A_147 : memref<1x128xi32, #tpu.memory_space<vmem>> -> memref<128xi32, #tpu.memory_space<vmem>>
          %dma_wait3A_149 = arith.constant 0 : i32
          %dma_wait3A_150 = arith.constant 0 : i32
          %dma_wait3A_151 = tpu.memref_slice %arg11[%dma_wait3A_149, %dma_wait3A_150] : memref<10240x128xf32, #tpu.memory_space<vmem_shared>> -> memref<10240x128xf32, #tpu.memory_space<vmem_shared>>
          tpu.wait_indirect_dma semaphore(%run_scoped3A : memref<!tpu.dma_semaphore, #tpu.memory_space<semaphore_mem>>) src(%arg10 : memref<128x128xf32, #tpu.memory_space<vmem>>) dst(%dma_wait3A_151 : memref<10240x128xf32, #tpu.memory_space<vmem_shared>>)
          tpu.yield
        }) : () -> ()
      }
      %while3A_100 = arith.constant 1 : i32
      scf.for %while3A_108 = %while3A_98 to %while3A_94 step %while3A_100  : i32 {
        %mul3A_109 = arith.constant 2 : i32
        %mul3A_110 = arith.muli %mul3A_109, %while3A_108 : i32
        %add3A_111 = arith.constant 1 : i32
        %add3A_112 = arith.addi %mul3A_110, %add3A_111 : i32
        %add3A_113 = arith.constant 2 : i32
        %add3A_114 = arith.addi %mul3A_110, %add3A_113 : i32
        %min3A = arith.constant 39 : i32
        %min3A_115 = arith.minsi %add3A_114, %min3A : i32
        %dma_wait3A_116 = arith.constant 0 : i32
        %dma_wait3A_117 = tpu.memref_slice %arg7[%mul3A_110, %dma_wait3A_116] : memref<40x128xi32, #tpu.memory_space<vmem>> -> memref<1x128xi32, #tpu.memory_space<vmem>>
        %dma_wait3A_118 = tpu.memref_squeeze %dma_wait3A_117 : memref<1x128xi32, #tpu.memory_space<vmem>> -> memref<128xi32, #tpu.memory_space<vmem>>
        %dma_wait3A_119 = arith.constant 0 : i32
        %dma_wait3A_120 = arith.constant 0 : i32
        %dma_wait3A_121 = tpu.memref_slice %arg3[%dma_wait3A_119, %dma_wait3A_120] : memref<10240x128xf32, #tpu.memory_space<hbm>> -> memref<10240x128xf32, #tpu.memory_space<hbm>>
        tpu.wait_indirect_dma semaphore(%arg12 : memref<!tpu.dma_semaphore, #tpu.memory_space<semaphore_mem>>) src(%dma_wait3A_121 : memref<10240x128xf32, #tpu.memory_space<hbm>>) dst(%arg9 : memref<128x128xf32, #tpu.memory_space<vmem>>)
        %dma_start3A_122 = arith.constant 0 : i32
        %dma_start3A_123 = tpu.memref_slice %arg7[%add3A_112, %dma_start3A_122] : memref<40x128xi32, #tpu.memory_space<vmem>> -> memref<1x128xi32, #tpu.memory_space<vmem>>
        %dma_start3A_124 = tpu.memref_squeeze %dma_start3A_123 : memref<1x128xi32, #tpu.memory_space<vmem>> -> memref<128xi32, #tpu.memory_space<vmem>>
        %dma_start3A_125 = arith.constant 0 : i32
        %dma_start3A_126 = arith.constant 0 : i32
        %dma_start3A_127 = tpu.memref_slice %arg3[%dma_start3A_125, %dma_start3A_126] : memref<10240x128xf32, #tpu.memory_space<hbm>> -> memref<10240x128xf32, #tpu.memory_space<hbm>>
        tpu.enqueue_indirect_dma source(%dma_start3A_127 : memref<10240x128xf32, #tpu.memory_space<hbm>>) target(%arg10 : memref<128x128xf32, #tpu.memory_space<vmem>>) offsets(%dma_start3A_124 : memref<128xi32, #tpu.memory_space<vmem>>) semaphore(%arg13 : memref<!tpu.dma_semaphore, #tpu.memory_space<semaphore_mem>>)
        "tpu.region"() ({
          %run_scoped3A = tpu.sem_alloc : memref<!tpu.dma_semaphore, #tpu.memory_space<semaphore_mem>>
          %dma_start3A_140 = arith.constant 0 : i32
          %dma_start3A_141 = tpu.memref_slice %arg8[%mul3A_110, %dma_start3A_140] : memref<40x128xi32, #tpu.memory_space<vmem>> -> memref<1x128xi32, #tpu.memory_space<vmem>>
          %dma_start3A_142 = tpu.memref_squeeze %dma_start3A_141 : memref<1x128xi32, #tpu.memory_space<vmem>> -> memref<128xi32, #tpu.memory_space<vmem>>
          %dma_start3A_143 = arith.constant 0 : i32
          %dma_start3A_144 = arith.constant 0 : i32
          %dma_start3A_145 = tpu.memref_slice %arg11[%dma_start3A_143, %dma_start3A_144] : memref<10240x128xf32, #tpu.memory_space<vmem_shared>> -> memref<10240x128xf32, #tpu.memory_space<vmem_shared>>
          tpu.enqueue_indirect_dma source(%arg9 : memref<128x128xf32, #tpu.memory_space<vmem>>) target(%dma_start3A_145 : memref<10240x128xf32, #tpu.memory_space<vmem_shared>>) offsets(%dma_start3A_142 : memref<128xi32, #tpu.memory_space<vmem>>) semaphore(%run_scoped3A : memref<!tpu.dma_semaphore, #tpu.memory_space<semaphore_mem>>) {add = true}
          %dma_wait3A_146 = arith.constant 0 : i32
          %dma_wait3A_147 = tpu.memref_slice %arg8[%mul3A_110, %dma_wait3A_146] : memref<40x128xi32, #tpu.memory_space<vmem>> -> memref<1x128xi32, #tpu.memory_space<vmem>>
          %dma_wait3A_148 = tpu.memref_squeeze %dma_wait3A_147 : memref<1x128xi32, #tpu.memory_space<vmem>> -> memref<128xi32, #tpu.memory_space<vmem>>
          %dma_wait3A_149 = arith.constant 0 : i32
          %dma_wait3A_150 = arith.constant 0 : i32
          %dma_wait3A_151 = tpu.memref_slice %arg11[%dma_wait3A_149, %dma_wait3A_150] : memref<10240x128xf32, #tpu.memory_space<vmem_shared>> -> memref<10240x128xf32, #tpu.memory_space<vmem_shared>>
          tpu.wait_indirect_dma semaphore(%run_scoped3A : memref<!tpu.dma_semaphore, #tpu.memory_space<semaphore_mem>>) src(%arg9 : memref<128x128xf32, #tpu.memory_space<vmem>>) dst(%dma_wait3A_151 : memref<10240x128xf32, #tpu.memory_space<vmem_shared>>)
          tpu.yield
        }) : () -> ()
        %dma_wait3A_128 = arith.constant 0 : i32
        %dma_wait3A_129 = tpu.memref_slice %arg7[%add3A_112, %dma_wait3A_128] : memref<40x128xi32, #tpu.memory_space<vmem>> -> memref<1x128xi32, #tpu.memory_space<vmem>>
        %dma_wait3A_130 = tpu.memref_squeeze %dma_wait3A_129 : memref<1x128xi32, #tpu.memory_space<vmem>> -> memref<128xi32, #tpu.memory_space<vmem>>
        %dma_wait3A_131 = arith.constant 0 : i32
        %dma_wait3A_132 = arith.constant 0 : i32
        %dma_wait3A_133 = tpu.memref_slice %arg3[%dma_wait3A_131, %dma_wait3A_132] : memref<10240x128xf32, #tpu.memory_space<hbm>> -> memref<10240x128xf32, #tpu.memory_space<hbm>>
        tpu.wait_indirect_dma semaphore(%arg13 : memref<!tpu.dma_semaphore, #tpu.memory_space<semaphore_mem>>) src(%dma_wait3A_133 : memref<10240x128xf32, #tpu.memory_space<hbm>>) dst(%arg10 : memref<128x128xf32, #tpu.memory_space<vmem>>)
        %dma_start3A_134 = arith.constant 0 : i32
        %dma_start3A_135 = tpu.memref_slice %arg7[%min3A_115, %dma_start3A_134] : memref<40x128xi32, #tpu.memory_space<vmem>> -> memref<1x128xi32, #tpu.memory_space<vmem>>
        %dma_start3A_136 = tpu.memref_squeeze %dma_start3A_135 : memref<1x128xi32, #tpu.memory_space<vmem>> -> memref<128xi32, #tpu.memory_space<vmem>>
        %dma_start3A_137 = arith.constant 0 : i32
        %dma_start3A_138 = arith.constant 0 : i32
        %dma_start3A_139 = tpu.memref_slice %arg3[%dma_start3A_137, %dma_start3A_138] : memref<10240x128xf32, #tpu.memory_space<hbm>> -> memref<10240x128xf32, #tpu.memory_space<hbm>>
        tpu.enqueue_indirect_dma source(%dma_start3A_139 : memref<10240x128xf32, #tpu.memory_space<hbm>>) target(%arg9 : memref<128x128xf32, #tpu.memory_space<vmem>>) offsets(%dma_start3A_136 : memref<128xi32, #tpu.memory_space<vmem>>) semaphore(%arg12 : memref<!tpu.dma_semaphore, #tpu.memory_space<semaphore_mem>>)
        "tpu.region"() ({
          %run_scoped3A = tpu.sem_alloc : memref<!tpu.dma_semaphore, #tpu.memory_space<semaphore_mem>>
          %dma_start3A_140 = arith.constant 0 : i32
          %dma_start3A_141 = tpu.memref_slice %arg8[%add3A_112, %dma_start3A_140] : memref<40x128xi32, #tpu.memory_space<vmem>> -> memref<1x128xi32, #tpu.memory_space<vmem>>
          %dma_start3A_142 = tpu.memref_squeeze %dma_start3A_141 : memref<1x128xi32, #tpu.memory_space<vmem>> -> memref<128xi32, #tpu.memory_space<vmem>>
          %dma_start3A_143 = arith.constant 0 : i32
          %dma_start3A_144 = arith.constant 0 : i32
          %dma_start3A_145 = tpu.memref_slice %arg11[%dma_start3A_143, %dma_start3A_144] : memref<10240x128xf32, #tpu.memory_space<vmem_shared>> -> memref<10240x128xf32, #tpu.memory_space<vmem_shared>>
          tpu.enqueue_indirect_dma source(%arg10 : memref<128x128xf32, #tpu.memory_space<vmem>>) target(%dma_start3A_145 : memref<10240x128xf32, #tpu.memory_space<vmem_shared>>) offsets(%dma_start3A_142 : memref<128xi32, #tpu.memory_space<vmem>>) semaphore(%run_scoped3A : memref<!tpu.dma_semaphore, #tpu.memory_space<semaphore_mem>>) {add = true}
          %dma_wait3A_146 = arith.constant 0 : i32
          %dma_wait3A_147 = tpu.memref_slice %arg8[%add3A_112, %dma_wait3A_146] : memref<40x128xi32, #tpu.memory_space<vmem>> -> memref<1x128xi32, #tpu.memory_space<vmem>>
          %dma_wait3A_148 = tpu.memref_squeeze %dma_wait3A_147 : memref<1x128xi32, #tpu.memory_space<vmem>> -> memref<128xi32, #tpu.memory_space<vmem>>
          %dma_wait3A_149 = arith.constant 0 : i32
          %dma_wait3A_150 = arith.constant 0 : i32
          %dma_wait3A_151 = tpu.memref_slice %arg11[%dma_wait3A_149, %dma_wait3A_150] : memref<10240x128xf32, #tpu.memory_space<vmem_shared>> -> memref<10240x128xf32, #tpu.memory_space<vmem_shared>>
          tpu.wait_indirect_dma semaphore(%run_scoped3A : memref<!tpu.dma_semaphore, #tpu.memory_space<semaphore_mem>>) src(%arg10 : memref<128x128xf32, #tpu.memory_space<vmem>>) dst(%dma_wait3A_151 : memref<10240x128xf32, #tpu.memory_space<vmem_shared>>)
          tpu.yield
        }) : () -> ()
      }
      %dma_wait3A_101 = arith.constant 39 : i32
      %dma_wait3A_102 = arith.constant 0 : i32
      %dma_wait3A_103 = tpu.memref_slice %arg7[%dma_wait3A_101, %dma_wait3A_102] : memref<40x128xi32, #tpu.memory_space<vmem>> -> memref<1x128xi32, #tpu.memory_space<vmem>>
      %dma_wait3A_104 = tpu.memref_squeeze %dma_wait3A_103 : memref<1x128xi32, #tpu.memory_space<vmem>> -> memref<128xi32, #tpu.memory_space<vmem>>
      %dma_wait3A_105 = arith.constant 0 : i32
      %dma_wait3A_106 = arith.constant 0 : i32
      %dma_wait3A_107 = tpu.memref_slice %arg3[%dma_wait3A_105, %dma_wait3A_106] : memref<10240x128xf32, #tpu.memory_space<hbm>> -> memref<10240x128xf32, #tpu.memory_space<hbm>>
      tpu.wait_indirect_dma semaphore(%arg12 : memref<!tpu.dma_semaphore, #tpu.memory_space<semaphore_mem>>) src(%dma_wait3A_107 : memref<10240x128xf32, #tpu.memory_space<hbm>>) dst(%arg9 : memref<128x128xf32, #tpu.memory_space<vmem>>)
    } else {
    }
    %barrier3A_28 = arith.constant 0 : index
    tpu.barrier barrier_id(%barrier3A_28)
    %mul3A_29 = arith.constant 10240 : i32
    %mul3A_30 = arith.muli %arg0, %mul3A_29 : i32
    %add3A_31 = arith.addi %mul3A_30, %mul3A_11 : i32
    %add3A_32 = arith.constant 0 : i32
    %add3A_33 = arith.addi %mul3A_11, %add3A_32 : i32
    %add3A_34 = arith.constant 0 : i32
    %add3A_35 = arith.addi %add3A_31, %add3A_34 : i32
    "tpu.region"() ({
      %run_scoped3A = tpu.sem_alloc : memref<!tpu.dma_semaphore, #tpu.memory_space<semaphore_mem>>
      %dma_start3A = arith.constant 0 : i32
      %dma_start3A_52 = tpu.memref_slice %arg6[%add3A_35, %dma_start3A] : memref<20480x128xf32, #tpu.memory_space<hbm>> -> memref<128x128xf32, #tpu.memory_space<hbm>>
      %dma_start3A_53 = arith.constant 0 : i32
      %dma_start3A_54 = tpu.memref_slice %arg11[%add3A_33, %dma_start3A_53] : memref<10240x128xf32, #tpu.memory_space<vmem_shared>> -> memref<128x128xf32, #tpu.memory_space<vmem_shared>>
      tpu.enqueue_dma source(%dma_start3A_54 : memref<128x128xf32, #tpu.memory_space<vmem_shared>>) target(%dma_start3A_52 : memref<128x128xf32, #tpu.memory_space<hbm>>) target_semaphore(%run_scoped3A : memref<!tpu.dma_semaphore, #tpu.memory_space<semaphore_mem>>)
      %dma_wait3A = arith.constant 0 : i32
      %dma_wait3A_55 = tpu.memref_slice %arg6[%add3A_35, %dma_wait3A] : memref<20480x128xf32, #tpu.memory_space<hbm>> -> memref<128x128xf32, #tpu.memory_space<hbm>>
      %dma_wait3A_56 = arith.constant 0 : i32
      %dma_wait3A_57 = tpu.memref_slice %arg11[%add3A_33, %dma_wait3A_56] : memref<10240x128xf32, #tpu.memory_space<vmem_shared>> -> memref<128x128xf32, #tpu.memory_space<vmem_shared>>
      tpu.wait_dma2 semaphore(%run_scoped3A : memref<!tpu.dma_semaphore, #tpu.memory_space<semaphore_mem>>) src(%dma_wait3A_57 : memref<128x128xf32, #tpu.memory_space<vmem_shared>>) dst(%dma_wait3A_55 : memref<128x128xf32, #tpu.memory_space<hbm>>)
      tpu.yield
    }) : () -> ()
    %add3A_36 = arith.constant 128 : i32
    %add3A_37 = arith.addi %mul3A_11, %add3A_36 : i32
    %add3A_38 = arith.constant 128 : i32
    %add3A_39 = arith.addi %add3A_31, %add3A_38 : i32
    "tpu.region"() ({
      %run_scoped3A = tpu.sem_alloc : memref<!tpu.dma_semaphore, #tpu.memory_space<semaphore_mem>>
      %dma_start3A = arith.constant 0 : i32
      %dma_start3A_52 = tpu.memref_slice %arg6[%add3A_39, %dma_start3A] : memref<20480x128xf32, #tpu.memory_space<hbm>> -> memref<128x128xf32, #tpu.memory_space<hbm>>
      %dma_start3A_53 = arith.constant 0 : i32
      %dma_start3A_54 = tpu.memref_slice %arg11[%add3A_37, %dma_start3A_53] : memref<10240x128xf32, #tpu.memory_space<vmem_shared>> -> memref<128x128xf32, #tpu.memory_space<vmem_shared>>
      tpu.enqueue_dma source(%dma_start3A_54 : memref<128x128xf32, #tpu.memory_space<vmem_shared>>) target(%dma_start3A_52 : memref<128x128xf32, #tpu.memory_space<hbm>>) target_semaphore(%run_scoped3A : memref<!tpu.dma_semaphore, #tpu.memory_space<semaphore_mem>>)
      %dma_wait3A = arith.constant 0 : i32
      %dma_wait3A_55 = tpu.memref_slice %arg6[%add3A_39, %dma_wait3A] : memref<20480x128xf32, #tpu.memory_space<hbm>> -> memref<128x128xf32, #tpu.memory_space<hbm>>
      %dma_wait3A_56 = arith.constant 0 : i32
      %dma_wait3A_57 = tpu.memref_slice %arg11[%add3A_37, %dma_wait3A_56] : memref<10240x128xf32, #tpu.memory_space<vmem_shared>> -> memref<128x128xf32, #tpu.memory_space<vmem_shared>>
      tpu.wait_dma2 semaphore(%run_scoped3A : memref<!tpu.dma_semaphore, #tpu.memory_space<semaphore_mem>>) src(%dma_wait3A_57 : memref<128x128xf32, #tpu.memory_space<vmem_shared>>) dst(%dma_wait3A_55 : memref<128x128xf32, #tpu.memory_space<hbm>>)
      tpu.yield
    }) : () -> ()
    %add3A_40 = arith.constant 256 : i32
    %add3A_41 = arith.addi %mul3A_11, %add3A_40 : i32
    %add3A_42 = arith.constant 256 : i32
    %add3A_43 = arith.addi %add3A_31, %add3A_42 : i32
    "tpu.region"() ({
      %run_scoped3A = tpu.sem_alloc : memref<!tpu.dma_semaphore, #tpu.memory_space<semaphore_mem>>
      %dma_start3A = arith.constant 0 : i32
      %dma_start3A_52 = tpu.memref_slice %arg6[%add3A_43, %dma_start3A] : memref<20480x128xf32, #tpu.memory_space<hbm>> -> memref<128x128xf32, #tpu.memory_space<hbm>>
      %dma_start3A_53 = arith.constant 0 : i32
      %dma_start3A_54 = tpu.memref_slice %arg11[%add3A_41, %dma_start3A_53] : memref<10240x128xf32, #tpu.memory_space<vmem_shared>> -> memref<128x128xf32, #tpu.memory_space<vmem_shared>>
      tpu.enqueue_dma source(%dma_start3A_54 : memref<128x128xf32, #tpu.memory_space<vmem_shared>>) target(%dma_start3A_52 : memref<128x128xf32, #tpu.memory_space<hbm>>) target_semaphore(%run_scoped3A : memref<!tpu.dma_semaphore, #tpu.memory_space<semaphore_mem>>)
      %dma_wait3A = arith.constant 0 : i32
      %dma_wait3A_55 = tpu.memref_slice %arg6[%add3A_43, %dma_wait3A] : memref<20480x128xf32, #tpu.memory_space<hbm>> -> memref<128x128xf32, #tpu.memory_space<hbm>>
      %dma_wait3A_56 = arith.constant 0 : i32
      %dma_wait3A_57 = tpu.memref_slice %arg11[%add3A_41, %dma_wait3A_56] : memref<10240x128xf32, #tpu.memory_space<vmem_shared>> -> memref<128x128xf32, #tpu.memory_space<vmem_shared>>
      tpu.wait_dma2 semaphore(%run_scoped3A : memref<!tpu.dma_semaphore, #tpu.memory_space<semaphore_mem>>) src(%dma_wait3A_57 : memref<128x128xf32, #tpu.memory_space<vmem_shared>>) dst(%dma_wait3A_55 : memref<128x128xf32, #tpu.memory_space<hbm>>)
      tpu.yield
    }) : () -> ()
    %add3A_44 = arith.constant 384 : i32
    %add3A_45 = arith.addi %mul3A_11, %add3A_44 : i32
    %add3A_46 = arith.constant 384 : i32
    %add3A_47 = arith.addi %add3A_31, %add3A_46 : i32
    "tpu.region"() ({
      %run_scoped3A = tpu.sem_alloc : memref<!tpu.dma_semaphore, #tpu.memory_space<semaphore_mem>>
      %dma_start3A = arith.constant 0 : i32
      %dma_start3A_52 = tpu.memref_slice %arg6[%add3A_47, %dma_start3A] : memref<20480x128xf32, #tpu.memory_space<hbm>> -> memref<128x128xf32, #tpu.memory_space<hbm>>
      %dma_start3A_53 = arith.constant 0 : i32
      %dma_start3A_54 = tpu.memref_slice %arg11[%add3A_45, %dma_start3A_53] : memref<10240x128xf32, #tpu.memory_space<vmem_shared>> -> memref<128x128xf32, #tpu.memory_space<vmem_shared>>
      tpu.enqueue_dma source(%dma_start3A_54 : memref<128x128xf32, #tpu.memory_space<vmem_shared>>) target(%dma_start3A_52 : memref<128x128xf32, #tpu.memory_space<hbm>>) target_semaphore(%run_scoped3A : memref<!tpu.dma_semaphore, #tpu.memory_space<semaphore_mem>>)
      %dma_wait3A = arith.constant 0 : i32
      %dma_wait3A_55 = tpu.memref_slice %arg6[%add3A_47, %dma_wait3A] : memref<20480x128xf32, #tpu.memory_space<hbm>> -> memref<128x128xf32, #tpu.memory_space<hbm>>
      %dma_wait3A_56 = arith.constant 0 : i32
      %dma_wait3A_57 = tpu.memref_slice %arg11[%add3A_45, %dma_wait3A_56] : memref<10240x128xf32, #tpu.memory_space<vmem_shared>> -> memref<128x128xf32, #tpu.memory_space<vmem_shared>>
      tpu.wait_dma2 semaphore(%run_scoped3A : memref<!tpu.dma_semaphore, #tpu.memory_space<semaphore_mem>>) src(%dma_wait3A_57 : memref<128x128xf32, #tpu.memory_space<vmem_shared>>) dst(%dma_wait3A_55 : memref<128x128xf32, #tpu.memory_space<hbm>>)
      tpu.yield
    }) : () -> ()
    %add3A_48 = arith.constant 512 : i32
    %add3A_49 = arith.addi %mul3A_11, %add3A_48 : i32
    %add3A_50 = arith.constant 512 : i32
    %add3A_51 = arith.addi %add3A_31, %add3A_50 : i32
    "tpu.region"() ({
      %run_scoped3A = tpu.sem_alloc : memref<!tpu.dma_semaphore, #tpu.memory_space<semaphore_mem>>
      %dma_start3A = arith.constant 0 : i32
      %dma_start3A_52 = tpu.memref_slice %arg6[%add3A_51, %dma_start3A] : memref<20480x128xf32, #tpu.memory_space<hbm>> -> memref<128x128xf32, #tpu.memory_space<hbm>>
      %dma_start3A_53 = arith.constant 0 : i32
      %dma_start3A_54 = tpu.memref_slice %arg11[%add3A_49, %dma_start3A_53] : memref<10240x128xf32, #tpu.memory_space<vmem_shared>> -> memref<128x128xf32, #tpu.memory_space<vmem_shared>>
      tpu.enqueue_dma source(%dma_start3A_54 : memref<128x128xf32, #tpu.memory_space<vmem_shared>>) target(%dma_start3A_52 : memref<128x128xf32, #tpu.memory_space<hbm>>) target_semaphore(%run_scoped3A : memref<!tpu.dma_semaphore, #tpu.memory_space<semaphore_mem>>)
      %dma_wait3A = arith.constant 0 : i32
      %dma_wait3A_55 = tpu.memref_slice %arg6[%add3A_51, %dma_wait3A] : memref<20480x128xf32, #tpu.memory_space<hbm>> -> memref<128x128xf32, #tpu.memory_space<hbm>>
      %dma_wait3A_56 = arith.constant 0 : i32
      %dma_wait3A_57 = tpu.memref_slice %arg11[%add3A_49, %dma_wait3A_56] : memref<10240x128xf32, #tpu.memory_space<vmem_shared>> -> memref<128x128xf32, #tpu.memory_space<vmem_shared>>
      tpu.wait_dma2 semaphore(%run_scoped3A : memref<!tpu.dma_semaphore, #tpu.memory_space<semaphore_mem>>) src(%dma_wait3A_57 : memref<128x128xf32, #tpu.memory_space<vmem_shared>>) dst(%dma_wait3A_55 : memref<128x128xf32, #tpu.memory_space<hbm>>)
      tpu.yield
    }) : () -> ()
    return
  }
}

#map = affine_map<(d0, d1) -> (0, 0)>
module attributes {stable_mosaic.version = 14 : i64} {
  func.func @k(%arg0: i32, %arg1: i32, %arg2: memref<10240x128xf32, #tpu.memory_space<hbm>>, %arg3: memref<10240x128xf32, #tpu.memory_space<hbm>>, %arg4: memref<1280x128xi32, #tpu.memory_space<hbm>>, %arg5: memref<1280x128xi32, #tpu.memory_space<hbm>>, %arg6: memref<20480x128xf32, #tpu.memory_space<hbm>>, %arg7: memref<40x128xi32, #tpu.memory_space<vmem>>, %arg8: memref<40x128xi32, #tpu.memory_space<vmem>>, %arg9: memref<128x128xf32, #tpu.memory_space<vmem>>, %arg10: memref<128x128xf32, #tpu.memory_space<vmem>>, %arg11: memref<10240x128xf32, #tpu.memory_space<vmem_shared>>, %arg12: memref<!tpu.dma_semaphore, #tpu.memory_space<semaphore_mem>>, %arg13: memref<!tpu.dma_semaphore, #tpu.memory_space<semaphore_mem>>) attributes {dimension_semantics = [#tpu.dimension_semantics<core_parallel>, #tpu.dimension_semantics<subcore_parallel>], iteration_bounds = array<i64: 2, 16>, scalar_prefetch = 0 : i64, scratch_operands = 7 : i64, tpu.core_type = #tpu.core_type<sc_vector_subcore>, window_params = [{transform_indices = #map}, {transform_indices = #map}, {transform_indices = #map}, {transform_indices = #map}, {transform_indices = #map}]} {
    %broadcast_in_dim3A = arith.constant 0.000000e+00 : f32
    %broadcast_in_dim3A_0 = vector.broadcast %broadcast_in_dim3A : f32 to vector<16xf32>
    %while3A = arith.constant 0 : i32
    %while3A_1 = arith.constant 0 : i32
    %while3A_2 = arith.constant 128 : i32
    %while3A_3 = arith.subi %while3A_2, %while3A_1 : i32
    %while3A_4 = arith.addi %while3A_1, %while3A_3 : i32
    %while3A_5 = arith.constant 1 : i32
    %while3A_6 = arith.divsi %while3A_3, %while3A_5 : i32
    %while3A_7 = arith.muli %while3A_6, %while3A_5 : i32
    %while3A_8 = arith.addi %while3A_1, %while3A_7 : i32
    %while3A_9 = arith.constant 1 : i32
    scf.for %while3A_52 = %while3A_1 to %while3A_8 step %while3A_9  : i32 {
      %swap3A = arith.index_cast %while3A_52 : i32 to index
      %swap3A_53 = arith.constant 0 : index
      %swap3A_54 = tpu.vector_load %arg9[%swap3A, %swap3A_53] {strides = array<i32>} : memref<128x128xf32, #tpu.memory_space<vmem>>, vector<1x16xf32>,
      %swap3A_55 = vector.shape_cast %swap3A_54 : vector<1x16xf32> to vector<16xf32>
      %swap3A_56 = vector.shape_cast %broadcast_in_dim3A_0 : vector<16xf32> to vector<1x16xf32>
      tpu.vector_store %arg9[%swap3A, %swap3A_53], %swap3A_56 {strides = array<i32>} : memref<128x128xf32, #tpu.memory_space<vmem>>, vector<1x16xf32>,
      %swap3A_57 = arith.index_cast %while3A_52 : i32 to index
      %swap3A_58 = arith.constant 16 : index
      %swap3A_59 = tpu.vector_load %arg9[%swap3A_57, %swap3A_58] {strides = array<i32>} : memref<128x128xf32, #tpu.memory_space<vmem>>, vector<1x16xf32>,
      %swap3A_60 = vector.shape_cast %swap3A_59 : vector<1x16xf32> to vector<16xf32>
      %swap3A_61 = vector.shape_cast %broadcast_in_dim3A_0 : vector<16xf32> to vector<1x16xf32>
      tpu.vector_store %arg9[%swap3A_57, %swap3A_58], %swap3A_61 {strides = array<i32>} : memref<128x128xf32, #tpu.memory_space<vmem>>, vector<1x16xf32>,
      %swap3A_62 = arith.index_cast %while3A_52 : i32 to index
      %swap3A_63 = arith.constant 32 : index
      %swap3A_64 = tpu.vector_load %arg9[%swap3A_62, %swap3A_63] {strides = array<i32>} : memref<128x128xf32, #tpu.memory_space<vmem>>, vector<1x16xf32>,
      %swap3A_65 = vector.shape_cast %swap3A_64 : vector<1x16xf32> to vector<16xf32>
      %swap3A_66 = vector.shape_cast %broadcast_in_dim3A_0 : vector<16xf32> to vector<1x16xf32>
      tpu.vector_store %arg9[%swap3A_62, %swap3A_63], %swap3A_66 {strides = array<i32>} : memref<128x128xf32, #tpu.memory_space<vmem>>, vector<1x16xf32>,
      %swap3A_67 = arith.index_cast %while3A_52 : i32 to index
      %swap3A_68 = arith.constant 48 : index
      %swap3A_69 = tpu.vector_load %arg9[%swap3A_67, %swap3A_68] {strides = array<i32>} : memref<128x128xf32, #tpu.memory_space<vmem>>, vector<1x16xf32>,
      %swap3A_70 = vector.shape_cast %swap3A_69 : vector<1x16xf32> to vector<16xf32>
      %swap3A_71 = vector.shape_cast %broadcast_in_dim3A_0 : vector<16xf32> to vector<1x16xf32>
      tpu.vector_store %arg9[%swap3A_67, %swap3A_68], %swap3A_71 {strides = array<i32>} : memref<128x128xf32, #tpu.memory_space<vmem>>, vector<1x16xf32>,
      %swap3A_72 = arith.index_cast %while3A_52 : i32 to index
      %swap3A_73 = arith.constant 64 : index
      %swap3A_74 = tpu.vector_load %arg9[%swap3A_72, %swap3A_73] {strides = array<i32>} : memref<128x128xf32, #tpu.memory_space<vmem>>, vector<1x16xf32>,
      %swap3A_75 = vector.shape_cast %swap3A_74 : vector<1x16xf32> to vector<16xf32>
      %swap3A_76 = vector.shape_cast %broadcast_in_dim3A_0 : vector<16xf32> to vector<1x16xf32>
      tpu.vector_store %arg9[%swap3A_72, %swap3A_73], %swap3A_76 {strides = array<i32>} : memref<128x128xf32, #tpu.memory_space<vmem>>, vector<1x16xf32>,
      %swap3A_77 = arith.index_cast %while3A_52 : i32 to index
      %swap3A_78 = arith.constant 80 : index
      %swap3A_79 = tpu.vector_load %arg9[%swap3A_77, %swap3A_78] {strides = array<i32>} : memref<128x128xf32, #tpu.memory_space<vmem>>, vector<1x16xf32>,
      %swap3A_80 = vector.shape_cast %swap3A_79 : vector<1x16xf32> to vector<16xf32>
      %swap3A_81 = vector.shape_cast %broadcast_in_dim3A_0 : vector<16xf32> to vector<1x16xf32>
      tpu.vector_store %arg9[%swap3A_77, %swap3A_78], %swap3A_81 {strides = array<i32>} : memref<128x128xf32, #tpu.memory_space<vmem>>, vector<1x16xf32>,
      %swap3A_82 = arith.index_cast %while3A_52 : i32 to index
      %swap3A_83 = arith.constant 96 : index
      %swap3A_84 = tpu.vector_load %arg9[%swap3A_82, %swap3A_83] {strides = array<i32>} : memref<128x128xf32, #tpu.memory_space<vmem>>, vector<1x16xf32>,
      %swap3A_85 = vector.shape_cast %swap3A_84 : vector<1x16xf32> to vector<16xf32>
      %swap3A_86 = vector.shape_cast %broadcast_in_dim3A_0 : vector<16xf32> to vector<1x16xf32>
      tpu.vector_store %arg9[%swap3A_82, %swap3A_83], %swap3A_86 {strides = array<i32>} : memref<128x128xf32, #tpu.memory_space<vmem>>, vector<1x16xf32>,
      %swap3A_87 = arith.index_cast %while3A_52 : i32 to index
      %swap3A_88 = arith.constant 112 : index
      %swap3A_89 = tpu.vector_load %arg9[%swap3A_87, %swap3A_88] {strides = array<i32>} : memref<128x128xf32, #tpu.memory_space<vmem>>, vector<1x16xf32>,
      %swap3A_90 = vector.shape_cast %swap3A_89 : vector<1x16xf32> to vector<16xf32>
      %swap3A_91 = vector.shape_cast %broadcast_in_dim3A_0 : vector<16xf32> to vector<1x16xf32>
      tpu.vector_store %arg9[%swap3A_87, %swap3A_88], %swap3A_91 {strides = array<i32>} : memref<128x128xf32, #tpu.memory_space<vmem>>, vector<1x16xf32>,
    }
    %while3A_10 = arith.constant 1 : i32
    scf.for %while3A_52 = %while3A_8 to %while3A_4 step %while3A_10  : i32 {
      %swap3A = arith.index_cast %while3A_52 : i32 to index
      %swap3A_53 = arith.constant 0 : index
      %swap3A_54 = tpu.vector_load %arg9[%swap3A, %swap3A_53] {strides = array<i32>} : memref<128x128xf32, #tpu.memory_space<vmem>>, vector<1x16xf32>,
      %swap3A_55 = vector.shape_cast %swap3A_54 : vector<1x16xf32> to vector<16xf32>
      %swap3A_56 = vector.shape_cast %broadcast_in_dim3A_0 : vector<16xf32> to vector<1x16xf32>
      tpu.vector_store %arg9[%swap3A, %swap3A_53], %swap3A_56 {strides = array<i32>} : memref<128x128xf32, #tpu.memory_space<vmem>>, vector<1x16xf32>,
      %swap3A_57 = arith.index_cast %while3A_52 : i32 to index
      %swap3A_58 = arith.constant 16 : index
      %swap3A_59 = tpu.vector_load %arg9[%swap3A_57, %swap3A_58] {strides = array<i32>} : memref<128x128xf32, #tpu.memory_space<vmem>>, vector<1x16xf32>,
      %swap3A_60 = vector.shape_cast %swap3A_59 : vector<1x16xf32> to vector<16xf32>
      %swap3A_61 = vector.shape_cast %broadcast_in_dim3A_0 : vector<16xf32> to vector<1x16xf32>
      tpu.vector_store %arg9[%swap3A_57, %swap3A_58], %swap3A_61 {strides = array<i32>} : memref<128x128xf32, #tpu.memory_space<vmem>>, vector<1x16xf32>,
      %swap3A_62 = arith.index_cast %while3A_52 : i32 to index
      %swap3A_63 = arith.constant 32 : index
      %swap3A_64 = tpu.vector_load %arg9[%swap3A_62, %swap3A_63] {strides = array<i32>} : memref<128x128xf32, #tpu.memory_space<vmem>>, vector<1x16xf32>,
      %swap3A_65 = vector.shape_cast %swap3A_64 : vector<1x16xf32> to vector<16xf32>
      %swap3A_66 = vector.shape_cast %broadcast_in_dim3A_0 : vector<16xf32> to vector<1x16xf32>
      tpu.vector_store %arg9[%swap3A_62, %swap3A_63], %swap3A_66 {strides = array<i32>} : memref<128x128xf32, #tpu.memory_space<vmem>>, vector<1x16xf32>,
      %swap3A_67 = arith.index_cast %while3A_52 : i32 to index
      %swap3A_68 = arith.constant 48 : index
      %swap3A_69 = tpu.vector_load %arg9[%swap3A_67, %swap3A_68] {strides = array<i32>} : memref<128x128xf32, #tpu.memory_space<vmem>>, vector<1x16xf32>,
      %swap3A_70 = vector.shape_cast %swap3A_69 : vector<1x16xf32> to vector<16xf32>
      %swap3A_71 = vector.shape_cast %broadcast_in_dim3A_0 : vector<16xf32> to vector<1x16xf32>
      tpu.vector_store %arg9[%swap3A_67, %swap3A_68], %swap3A_71 {strides = array<i32>} : memref<128x128xf32, #tpu.memory_space<vmem>>, vector<1x16xf32>,
      %swap3A_72 = arith.index_cast %while3A_52 : i32 to index
      %swap3A_73 = arith.constant 64 : index
      %swap3A_74 = tpu.vector_load %arg9[%swap3A_72, %swap3A_73] {strides = array<i32>} : memref<128x128xf32, #tpu.memory_space<vmem>>, vector<1x16xf32>,
      %swap3A_75 = vector.shape_cast %swap3A_74 : vector<1x16xf32> to vector<16xf32>
      %swap3A_76 = vector.shape_cast %broadcast_in_dim3A_0 : vector<16xf32> to vector<1x16xf32>
      tpu.vector_store %arg9[%swap3A_72, %swap3A_73], %swap3A_76 {strides = array<i32>} : memref<128x128xf32, #tpu.memory_space<vmem>>, vector<1x16xf32>,
      %swap3A_77 = arith.index_cast %while3A_52 : i32 to index
      %swap3A_78 = arith.constant 80 : index
      %swap3A_79 = tpu.vector_load %arg9[%swap3A_77, %swap3A_78] {strides = array<i32>} : memref<128x128xf32, #tpu.memory_space<vmem>>, vector<1x16xf32>,
      %swap3A_80 = vector.shape_cast %swap3A_79 : vector<1x16xf32> to vector<16xf32>
      %swap3A_81 = vector.shape_cast %broadcast_in_dim3A_0 : vector<16xf32> to vector<1x16xf32>
      tpu.vector_store %arg9[%swap3A_77, %swap3A_78], %swap3A_81 {strides = array<i32>} : memref<128x128xf32, #tpu.memory_space<vmem>>, vector<1x16xf32>,
      %swap3A_82 = arith.index_cast %while3A_52 : i32 to index
      %swap3A_83 = arith.constant 96 : index
      %swap3A_84 = tpu.vector_load %arg9[%swap3A_82, %swap3A_83] {strides = array<i32>} : memref<128x128xf32, #tpu.memory_space<vmem>>, vector<1x16xf32>,
      %swap3A_85 = vector.shape_cast %swap3A_84 : vector<1x16xf32> to vector<16xf32>
      %swap3A_86 = vector.shape_cast %broadcast_in_dim3A_0 : vector<16xf32> to vector<1x16xf32>
      tpu.vector_store %arg9[%swap3A_82, %swap3A_83], %swap3A_86 {strides = array<i32>} : memref<128x128xf32, #tpu.memory_space<vmem>>, vector<1x16xf32>,
      %swap3A_87 = arith.index_cast %while3A_52 : i32 to index
      %swap3A_88 = arith.constant 112 : index
      %swap3A_89 = tpu.vector_load %arg9[%swap3A_87, %swap3A_88] {strides = array<i32>} : memref<128x128xf32, #tpu.memory_space<vmem>>, vector<1x16xf32>,
      %swap3A_90 = vector.shape_cast %swap3A_89 : vector<1x16xf32> to vector<16xf32>
      %swap3A_91 = vector.shape_cast %broadcast_in_dim3A_0 : vector<16xf32> to vector<1x16xf32>
      tpu.vector_store %arg9[%swap3A_87, %swap3A_88], %swap3A_91 {strides = array<i32>} : memref<128x128xf32, #tpu.memory_space<vmem>>, vector<1x16xf32>,
    }
    %mul3A = arith.constant 640 : i32
    %mul3A_11 = arith.muli %arg1, %mul3A : i32
    %add3A = arith.constant 0 : i32
    %add3A_12 = arith.addi %mul3A_11, %add3A : i32
    "tpu.region"() ({
      %run_scoped3A = tpu.sem_alloc : memref<!tpu.dma_semaphore, #tpu.memory_space<semaphore_mem>>
      %dma_start3A = arith.constant 0 : i32
      %dma_start3A_52 = tpu.memref_slice %arg11[%add3A_12, %dma_start3A] : memref<10240x128xf32, #tpu.memory_space<vmem_shared>> -> memref<128x128xf32, #tpu.memory_space<vmem_shared>>
      %dma_start3A_53 = arith.constant 0 : i32
      %dma_start3A_54 = tpu.memref_slice %arg11[%add3A_12, %dma_start3A_53] : memref<10240x128xf32, #tpu.memory_space<vmem_shared>> -> memref<128x128xf32, #tpu.memory_space<vmem_shared>>
      tpu.enqueue_dma source(%arg9 : memref<128x128xf32, #tpu.memory_space<vmem>>) target(%dma_start3A_54 : memref<128x128xf32, #tpu.memory_space<vmem_shared>>) target_semaphore(%run_scoped3A : memref<!tpu.dma_semaphore, #tpu.memory_space<semaphore_mem>>)
      %dma_wait3A = arith.constant 0 : i32
      %dma_wait3A_55 = tpu.memref_slice %arg11[%add3A_12, %dma_wait3A] : memref<10240x128xf32, #tpu.memory_space<vmem_shared>> -> memref<128x128xf32, #tpu.memory_space<vmem_shared>>
      %dma_wait3A_56 = arith.constant 0 : i32
      %dma_wait3A_57 = tpu.memref_slice %arg11[%add3A_12, %dma_wait3A_56] : memref<10240x128xf32, #tpu.memory_space<vmem_shared>> -> memref<128x128xf32, #tpu.memory_space<vmem_shared>>
      tpu.wait_dma2 semaphore(%run_scoped3A : memref<!tpu.dma_semaphore, #tpu.memory_space<semaphore_mem>>) src(%arg9 : memref<128x128xf32, #tpu.memory_space<vmem>>) dst(%dma_wait3A_57 : memref<128x128xf32, #tpu.memory_space<vmem_shared>>)
      tpu.yield
    }) : () -> ()
    %add3A_13 = arith.constant 128 : i32
    %add3A_14 = arith.addi %mul3A_11, %add3A_13 : i32
    "tpu.region"() ({
      %run_scoped3A = tpu.sem_alloc : memref<!tpu.dma_semaphore, #tpu.memory_space<semaphore_mem>>
      %dma_start3A = arith.constant 0 : i32
      %dma_start3A_52 = tpu.memref_slice %arg11[%add3A_14, %dma_start3A] : memref<10240x128xf32, #tpu.memory_space<vmem_shared>> -> memref<128x128xf32, #tpu.memory_space<vmem_shared>>
      %dma_start3A_53 = arith.constant 0 : i32
      %dma_start3A_54 = tpu.memref_slice %arg11[%add3A_14, %dma_start3A_53] : memref<10240x128xf32, #tpu.memory_space<vmem_shared>> -> memref<128x128xf32, #tpu.memory_space<vmem_shared>>
      tpu.enqueue_dma source(%arg9 : memref<128x128xf32, #tpu.memory_space<vmem>>) target(%dma_start3A_54 : memref<128x128xf32, #tpu.memory_space<vmem_shared>>) target_semaphore(%run_scoped3A : memref<!tpu.dma_semaphore, #tpu.memory_space<semaphore_mem>>)
      %dma_wait3A = arith.constant 0 : i32
      %dma_wait3A_55 = tpu.memref_slice %arg11[%add3A_14, %dma_wait3A] : memref<10240x128xf32, #tpu.memory_space<vmem_shared>> -> memref<128x128xf32, #tpu.memory_space<vmem_shared>>
      %dma_wait3A_56 = arith.constant 0 : i32
      %dma_wait3A_57 = tpu.memref_slice %arg11[%add3A_14, %dma_wait3A_56] : memref<10240x128xf32, #tpu.memory_space<vmem_shared>> -> memref<128x128xf32, #tpu.memory_space<vmem_shared>>
      tpu.wait_dma2 semaphore(%run_scoped3A : memref<!tpu.dma_semaphore, #tpu.memory_space<semaphore_mem>>) src(%arg9 : memref<128x128xf32, #tpu.memory_space<vmem>>) dst(%dma_wait3A_57 : memref<128x128xf32, #tpu.memory_space<vmem_shared>>)
      tpu.yield
    }) : () -> ()
    %add3A_15 = arith.constant 256 : i32
    %add3A_16 = arith.addi %mul3A_11, %add3A_15 : i32
    "tpu.region"() ({
      %run_scoped3A = tpu.sem_alloc : memref<!tpu.dma_semaphore, #tpu.memory_space<semaphore_mem>>
      %dma_start3A = arith.constant 0 : i32
      %dma_start3A_52 = tpu.memref_slice %arg11[%add3A_16, %dma_start3A] : memref<10240x128xf32, #tpu.memory_space<vmem_shared>> -> memref<128x128xf32, #tpu.memory_space<vmem_shared>>
      %dma_start3A_53 = arith.constant 0 : i32
      %dma_start3A_54 = tpu.memref_slice %arg11[%add3A_16, %dma_start3A_53] : memref<10240x128xf32, #tpu.memory_space<vmem_shared>> -> memref<128x128xf32, #tpu.memory_space<vmem_shared>>
      tpu.enqueue_dma source(%arg9 : memref<128x128xf32, #tpu.memory_space<vmem>>) target(%dma_start3A_54 : memref<128x128xf32, #tpu.memory_space<vmem_shared>>) target_semaphore(%run_scoped3A : memref<!tpu.dma_semaphore, #tpu.memory_space<semaphore_mem>>)
      %dma_wait3A = arith.constant 0 : i32
      %dma_wait3A_55 = tpu.memref_slice %arg11[%add3A_16, %dma_wait3A] : memref<10240x128xf32, #tpu.memory_space<vmem_shared>> -> memref<128x128xf32, #tpu.memory_space<vmem_shared>>
      %dma_wait3A_56 = arith.constant 0 : i32
      %dma_wait3A_57 = tpu.memref_slice %arg11[%add3A_16, %dma_wait3A_56] : memref<10240x128xf32, #tpu.memory_space<vmem_shared>> -> memref<128x128xf32, #tpu.memory_space<vmem_shared>>
      tpu.wait_dma2 semaphore(%run_scoped3A : memref<!tpu.dma_semaphore, #tpu.memory_space<semaphore_mem>>) src(%arg9 : memref<128x128xf32, #tpu.memory_space<vmem>>) dst(%dma_wait3A_57 : memref<128x128xf32, #tpu.memory_space<vmem_shared>>)
      tpu.yield
    }) : () -> ()
    %add3A_17 = arith.constant 384 : i32
    %add3A_18 = arith.addi %mul3A_11, %add3A_17 : i32
    "tpu.region"() ({
      %run_scoped3A = tpu.sem_alloc : memref<!tpu.dma_semaphore, #tpu.memory_space<semaphore_mem>>
      %dma_start3A = arith.constant 0 : i32
      %dma_start3A_52 = tpu.memref_slice %arg11[%add3A_18, %dma_start3A] : memref<10240x128xf32, #tpu.memory_space<vmem_shared>> -> memref<128x128xf32, #tpu.memory_space<vmem_shared>>
      %dma_start3A_53 = arith.constant 0 : i32
      %dma_start3A_54 = tpu.memref_slice %arg11[%add3A_18, %dma_start3A_53] : memref<10240x128xf32, #tpu.memory_space<vmem_shared>> -> memref<128x128xf32, #tpu.memory_space<vmem_shared>>
      tpu.enqueue_dma source(%arg9 : memref<128x128xf32, #tpu.memory_space<vmem>>) target(%dma_start3A_54 : memref<128x128xf32, #tpu.memory_space<vmem_shared>>) target_semaphore(%run_scoped3A : memref<!tpu.dma_semaphore, #tpu.memory_space<semaphore_mem>>)
      %dma_wait3A = arith.constant 0 : i32
      %dma_wait3A_55 = tpu.memref_slice %arg11[%add3A_18, %dma_wait3A] : memref<10240x128xf32, #tpu.memory_space<vmem_shared>> -> memref<128x128xf32, #tpu.memory_space<vmem_shared>>
      %dma_wait3A_56 = arith.constant 0 : i32
      %dma_wait3A_57 = tpu.memref_slice %arg11[%add3A_18, %dma_wait3A_56] : memref<10240x128xf32, #tpu.memory_space<vmem_shared>> -> memref<128x128xf32, #tpu.memory_space<vmem_shared>>
      tpu.wait_dma2 semaphore(%run_scoped3A : memref<!tpu.dma_semaphore, #tpu.memory_space<semaphore_mem>>) src(%arg9 : memref<128x128xf32, #tpu.memory_space<vmem>>) dst(%dma_wait3A_57 : memref<128x128xf32, #tpu.memory_space<vmem_shared>>)
      tpu.yield
    }) : () -> ()
    %add3A_19 = arith.constant 512 : i32
    %add3A_20 = arith.addi %mul3A_11, %add3A_19 : i32
    "tpu.region"() ({
      %run_scoped3A = tpu.sem_alloc : memref<!tpu.dma_semaphore, #tpu.memory_space<semaphore_mem>>
      %dma_start3A = arith.constant 0 : i32
      %dma_start3A_52 = tpu.memref_slice %arg11[%add3A_20, %dma_start3A] : memref<10240x128xf32, #tpu.memory_space<vmem_shared>> -> memref<128x128xf32, #tpu.memory_space<vmem_shared>>
      %dma_start3A_53 = arith.constant 0 : i32
      %dma_start3A_54 = tpu.memref_slice %arg11[%add3A_20, %dma_start3A_53] : memref<10240x128xf32, #tpu.memory_space<vmem_shared>> -> memref<128x128xf32, #tpu.memory_space<vmem_shared>>
      tpu.enqueue_dma source(%arg9 : memref<128x128xf32, #tpu.memory_space<vmem>>) target(%dma_start3A_54 : memref<128x128xf32, #tpu.memory_space<vmem_shared>>) target_semaphore(%run_scoped3A : memref<!tpu.dma_semaphore, #tpu.memory_space<semaphore_mem>>)
      %dma_wait3A = arith.constant 0 : i32
      %dma_wait3A_55 = tpu.memref_slice %arg11[%add3A_20, %dma_wait3A] : memref<10240x128xf32, #tpu.memory_space<vmem_shared>> -> memref<128x128xf32, #tpu.memory_space<vmem_shared>>
      %dma_wait3A_56 = arith.constant 0 : i32
      %dma_wait3A_57 = tpu.memref_slice %arg11[%add3A_20, %dma_wait3A_56] : memref<10240x128xf32, #tpu.memory_space<vmem_shared>> -> memref<128x128xf32, #tpu.memory_space<vmem_shared>>
      tpu.wait_dma2 semaphore(%run_scoped3A : memref<!tpu.dma_semaphore, #tpu.memory_space<semaphore_mem>>) src(%arg9 : memref<128x128xf32, #tpu.memory_space<vmem>>) dst(%dma_wait3A_57 : memref<128x128xf32, #tpu.memory_space<vmem_shared>>)
      tpu.yield
    }) : () -> ()
    %barrier3A = arith.constant 0 : index
    tpu.barrier barrier_id(%barrier3A)
    %eq3A = arith.constant 0 : i32
    %eq3A_21 = arith.cmpi eq, %arg0, %eq3A : i32
    %convert_element_type3A = arith.extui %eq3A_21 : i1 to i32
    %cond3A = arith.constant 0 : i32
    %cond3A_22 = arith.cmpi ne, %convert_element_type3A, %cond3A : i32
    scf.if %cond3A_22 {
      %mul3A_52 = arith.constant 80 : i32
      %mul3A_53 = arith.muli %arg1, %mul3A_52 : i32
      %add3A_54 = arith.constant 0 : i32
      %add3A_55 = arith.addi %mul3A_53, %add3A_54 : i32
      "tpu.region"() ({
        %run_scoped3A = tpu.sem_alloc : memref<!tpu.dma_semaphore, #tpu.memory_space<semaphore_mem>>
        %dma_start3A_108 = arith.constant 0 : i32
        %dma_start3A_109 = tpu.memref_slice %arg4[%add3A_55, %dma_start3A_108] : memref<1280x128xi32, #tpu.memory_space<hbm>> -> memref<40x128xi32, #tpu.memory_space<hbm>>
        %dma_start3A_110 = arith.constant 0 : i32
        %dma_start3A_111 = tpu.memref_slice %arg4[%add3A_55, %dma_start3A_110] : memref<1280x128xi32, #tpu.memory_space<hbm>> -> memref<40x128xi32, #tpu.memory_space<hbm>>
        tpu.enqueue_dma source(%dma_start3A_111 : memref<40x128xi32, #tpu.memory_space<hbm>>) target(%arg7 : memref<40x128xi32, #tpu.memory_space<vmem>>) target_semaphore(%run_scoped3A : memref<!tpu.dma_semaphore, #tpu.memory_space<semaphore_mem>>)
        %dma_wait3A_112 = arith.constant 0 : i32
        %dma_wait3A_113 = tpu.memref_slice %arg4[%add3A_55, %dma_wait3A_112] : memref<1280x128xi32, #tpu.memory_space<hbm>> -> memref<40x128xi32, #tpu.memory_space<hbm>>
        %dma_wait3A_114 = arith.constant 0 : i32
        %dma_wait3A_115 = tpu.memref_slice %arg4[%add3A_55, %dma_wait3A_114] : memref<1280x128xi32, #tpu.memory_space<hbm>> -> memref<40x128xi32, #tpu.memory_space<hbm>>
        tpu.wait_dma2 semaphore(%run_scoped3A : memref<!tpu.dma_semaphore, #tpu.memory_space<semaphore_mem>>) src(%dma_wait3A_115 : memref<40x128xi32, #tpu.memory_space<hbm>>) dst(%arg7 : memref<40x128xi32, #tpu.memory_space<vmem>>)
        tpu.yield
      }) : () -> ()
      "tpu.region"() ({
        %run_scoped3A = tpu.sem_alloc : memref<!tpu.dma_semaphore, #tpu.memory_space<semaphore_mem>>
        %dma_start3A_108 = arith.constant 0 : i32
        %dma_start3A_109 = tpu.memref_slice %arg5[%add3A_55, %dma_start3A_108] : memref<1280x128xi32, #tpu.memory_space<hbm>> -> memref<40x128xi32, #tpu.memory_space<hbm>>
        %dma_start3A_110 = arith.constant 0 : i32
        %dma_start3A_111 = tpu.memref_slice %arg5[%add3A_55, %dma_start3A_110] : memref<1280x128xi32, #tpu.memory_space<hbm>> -> memref<40x128xi32, #tpu.memory_space<hbm>>
        tpu.enqueue_dma source(%dma_start3A_111 : memref<40x128xi32, #tpu.memory_space<hbm>>) target(%arg8 : memref<40x128xi32, #tpu.memory_space<vmem>>) target_semaphore(%run_scoped3A : memref<!tpu.dma_semaphore, #tpu.memory_space<semaphore_mem>>)
        %dma_wait3A_112 = arith.constant 0 : i32
        %dma_wait3A_113 = tpu.memref_slice %arg5[%add3A_55, %dma_wait3A_112] : memref<1280x128xi32, #tpu.memory_space<hbm>> -> memref<40x128xi32, #tpu.memory_space<hbm>>
        %dma_wait3A_114 = arith.constant 0 : i32
        %dma_wait3A_115 = tpu.memref_slice %arg5[%add3A_55, %dma_wait3A_114] : memref<1280x128xi32, #tpu.memory_space<hbm>> -> memref<40x128xi32, #tpu.memory_space<hbm>>
        tpu.wait_dma2 semaphore(%run_scoped3A : memref<!tpu.dma_semaphore, #tpu.memory_space<semaphore_mem>>) src(%dma_wait3A_115 : memref<40x128xi32, #tpu.memory_space<hbm>>) dst(%arg8 : memref<40x128xi32, #tpu.memory_space<vmem>>)
        tpu.yield
      }) : () -> ()
      %dma_start3A = arith.constant 0 : i32
      %dma_start3A_56 = arith.constant 0 : i32
      %dma_start3A_57 = tpu.memref_slice %arg7[%dma_start3A, %dma_start3A_56] : memref<40x128xi32, #tpu.memory_space<vmem>> -> memref<1x128xi32, #tpu.memory_space<vmem>>
      %dma_start3A_58 = tpu.memref_squeeze %dma_start3A_57 : memref<1x128xi32, #tpu.memory_space<vmem>> -> memref<128xi32, #tpu.memory_space<vmem>>
      %dma_start3A_59 = arith.constant 0 : i32
      %dma_start3A_60 = arith.constant 0 : i32
      %dma_start3A_61 = tpu.memref_slice %arg2[%dma_start3A_59, %dma_start3A_60] : memref<10240x128xf32, #tpu.memory_space<hbm>> -> memref<10240x128xf32, #tpu.memory_space<hbm>>
      tpu.enqueue_indirect_dma source(%dma_start3A_61 : memref<10240x128xf32, #tpu.memory_space<hbm>>) target(%arg9 : memref<128x128xf32, #tpu.memory_space<vmem>>) offsets(%dma_start3A_58 : memref<128xi32, #tpu.memory_space<vmem>>) semaphore(%arg12 : memref<!tpu.dma_semaphore, #tpu.memory_space<semaphore_mem>>)
      %while3A_62 = arith.constant 0 : i32
      %while3A_63 = arith.constant 0 : i32
      %while3A_64 = arith.constant 20 : i32
      %while3A_65 = arith.subi %while3A_64, %while3A_63 : i32
      %while3A_66 = arith.addi %while3A_63, %while3A_65 : i32
      %while3A_67 = arith.constant 1 : i32
      %while3A_68 = arith.divsi %while3A_65, %while3A_67 : i32
      %while3A_69 = arith.muli %while3A_68, %while3A_67 : i32
      %while3A_70 = arith.addi %while3A_63, %while3A_69 : i32
      %while3A_71 = arith.constant 1 : i32
      scf.for %while3A_108 = %while3A_63 to %while3A_70 step %while3A_71  : i32 {
        %mul3A_109 = arith.constant 2 : i32
        %mul3A_110 = arith.muli %mul3A_109, %while3A_108 : i32
        %add3A_111 = arith.constant 1 : i32
        %add3A_112 = arith.addi %mul3A_110, %add3A_111 : i32
        %add3A_113 = arith.constant 2 : i32
        %add3A_114 = arith.addi %mul3A_110, %add3A_113 : i32
        %min3A = arith.constant 39 : i32
        %min3A_115 = arith.minsi %add3A_114, %min3A : i32
        %dma_wait3A_116 = arith.constant 0 : i32
        %dma_wait3A_117 = tpu.memref_slice %arg7[%mul3A_110, %dma_wait3A_116] : memref<40x128xi32, #tpu.memory_space<vmem>> -> memref<1x128xi32, #tpu.memory_space<vmem>>
        %dma_wait3A_118 = tpu.memref_squeeze %dma_wait3A_117 : memref<1x128xi32, #tpu.memory_space<vmem>> -> memref<128xi32, #tpu.memory_space<vmem>>
        %dma_wait3A_119 = arith.constant 0 : i32
        %dma_wait3A_120 = arith.constant 0 : i32
        %dma_wait3A_121 = tpu.memref_slice %arg2[%dma_wait3A_119, %dma_wait3A_120] : memref<10240x128xf32, #tpu.memory_space<hbm>> -> memref<10240x128xf32, #tpu.memory_space<hbm>>
        tpu.wait_indirect_dma semaphore(%arg12 : memref<!tpu.dma_semaphore, #tpu.memory_space<semaphore_mem>>) src(%dma_wait3A_121 : memref<10240x128xf32, #tpu.memory_space<hbm>>) dst(%arg9 : memref<128x128xf32, #tpu.memory_space<vmem>>)
        %dma_start3A_122 = arith.constant 0 : i32
        %dma_start3A_123 = tpu.memref_slice %arg7[%add3A_112, %dma_start3A_122] : memref<40x128xi32, #tpu.memory_space<vmem>> -> memref<1x128xi32, #tpu.memory_space<vmem>>
        %dma_start3A_124 = tpu.memref_squeeze %dma_start3A_123 : memref<1x128xi32, #tpu.memory_space<vmem>> -> memref<128xi32, #tpu.memory_space<vmem>>
        %dma_start3A_125 = arith.constant 0 : i32
        %dma_start3A_126 = arith.constant 0 : i32
        %dma_start3A_127 = tpu.memref_slice %arg2[%dma_start3A_125, %dma_start3A_126] : memref<10240x128xf32, #tpu.memory_space<hbm>> -> memref<10240x128xf32, #tpu.memory_space<hbm>>
        tpu.enqueue_indirect_dma source(%dma_start3A_127 : memref<10240x128xf32, #tpu.memory_space<hbm>>) target(%arg10 : memref<128x128xf32, #tpu.memory_space<vmem>>) offsets(%dma_start3A_124 : memref<128xi32, #tpu.memory_space<vmem>>) semaphore(%arg13 : memref<!tpu.dma_semaphore, #tpu.memory_space<semaphore_mem>>)
        "tpu.region"() ({
          %run_scoped3A = tpu.sem_alloc : memref<!tpu.dma_semaphore, #tpu.memory_space<semaphore_mem>>
          %dma_start3A_140 = arith.constant 0 : i32
          %dma_start3A_141 = tpu.memref_slice %arg8[%mul3A_110, %dma_start3A_140] : memref<40x128xi32, #tpu.memory_space<vmem>> -> memref<1x128xi32, #tpu.memory_space<vmem>>
          %dma_start3A_142 = tpu.memref_squeeze %dma_start3A_141 : memref<1x128xi32, #tpu.memory_space<vmem>> -> memref<128xi32, #tpu.memory_space<vmem>>
          %dma_start3A_143 = arith.constant 0 : i32
          %dma_start3A_144 = arith.constant 0 : i32
          %dma_start3A_145 = tpu.memref_slice %arg11[%dma_start3A_143, %dma_start3A_144] : memref<10240x128xf32, #tpu.memory_space<vmem_shared>> -> memref<10240x128xf32, #tpu.memory_space<vmem_shared>>
          tpu.enqueue_indirect_dma source(%arg9 : memref<128x128xf32, #tpu.memory_space<vmem>>) target(%dma_start3A_145 : memref<10240x128xf32, #tpu.memory_space<vmem_shared>>) offsets(%dma_start3A_142 : memref<128xi32, #tpu.memory_space<vmem>>) semaphore(%run_scoped3A : memref<!tpu.dma_semaphore, #tpu.memory_space<semaphore_mem>>) {add = true}
          %dma_wait3A_146 = arith.constant 0 : i32
          %dma_wait3A_147 = tpu.memref_slice %arg8[%mul3A_110, %dma_wait3A_146] : memref<40x128xi32, #tpu.memory_space<vmem>> -> memref<1x128xi32, #tpu.memory_space<vmem>>
          %dma_wait3A_148 = tpu.memref_squeeze %dma_wait3A_147 : memref<1x128xi32, #tpu.memory_space<vmem>> -> memref<128xi32, #tpu.memory_space<vmem>>
          %dma_wait3A_149 = arith.constant 0 : i32
          %dma_wait3A_150 = arith.constant 0 : i32
          %dma_wait3A_151 = tpu.memref_slice %arg11[%dma_wait3A_149, %dma_wait3A_150] : memref<10240x128xf32, #tpu.memory_space<vmem_shared>> -> memref<10240x128xf32, #tpu.memory_space<vmem_shared>>
          tpu.wait_indirect_dma semaphore(%run_scoped3A : memref<!tpu.dma_semaphore, #tpu.memory_space<semaphore_mem>>) src(%arg9 : memref<128x128xf32, #tpu.memory_space<vmem>>) dst(%dma_wait3A_151 : memref<10240x128xf32, #tpu.memory_space<vmem_shared>>)
          tpu.yield
        }) : () -> ()
        %dma_wait3A_128 = arith.constant 0 : i32
        %dma_wait3A_129 = tpu.memref_slice %arg7[%add3A_112, %dma_wait3A_128] : memref<40x128xi32, #tpu.memory_space<vmem>> -> memref<1x128xi32, #tpu.memory_space<vmem>>
        %dma_wait3A_130 = tpu.memref_squeeze %dma_wait3A_129 : memref<1x128xi32, #tpu.memory_space<vmem>> -> memref<128xi32, #tpu.memory_space<vmem>>
        %dma_wait3A_131 = arith.constant 0 : i32
        %dma_wait3A_132 = arith.constant 0 : i32
        %dma_wait3A_133 = tpu.memref_slice %arg2[%dma_wait3A_131, %dma_wait3A_132] : memref<10240x128xf32, #tpu.memory_space<hbm>> -> memref<10240x128xf32, #tpu.memory_space<hbm>>
        tpu.wait_indirect_dma semaphore(%arg13 : memref<!tpu.dma_semaphore, #tpu.memory_space<semaphore_mem>>) src(%dma_wait3A_133 : memref<10240x128xf32, #tpu.memory_space<hbm>>) dst(%arg10 : memref<128x128xf32, #tpu.memory_space<vmem>>)
        %dma_start3A_134 = arith.constant 0 : i32
        %dma_start3A_135 = tpu.memref_slice %arg7[%min3A_115, %dma_start3A_134] : memref<40x128xi32, #tpu.memory_space<vmem>> -> memref<1x128xi32, #tpu.memory_space<vmem>>
        %dma_start3A_136 = tpu.memref_squeeze %dma_start3A_135 : memref<1x128xi32, #tpu.memory_space<vmem>> -> memref<128xi32, #tpu.memory_space<vmem>>
        %dma_start3A_137 = arith.constant 0 : i32
        %dma_start3A_138 = arith.constant 0 : i32
        %dma_start3A_139 = tpu.memref_slice %arg2[%dma_start3A_137, %dma_start3A_138] : memref<10240x128xf32, #tpu.memory_space<hbm>> -> memref<10240x128xf32, #tpu.memory_space<hbm>>
        tpu.enqueue_indirect_dma source(%dma_start3A_139 : memref<10240x128xf32, #tpu.memory_space<hbm>>) target(%arg9 : memref<128x128xf32, #tpu.memory_space<vmem>>) offsets(%dma_start3A_136 : memref<128xi32, #tpu.memory_space<vmem>>) semaphore(%arg12 : memref<!tpu.dma_semaphore, #tpu.memory_space<semaphore_mem>>)
        "tpu.region"() ({
          %run_scoped3A = tpu.sem_alloc : memref<!tpu.dma_semaphore, #tpu.memory_space<semaphore_mem>>
          %dma_start3A_140 = arith.constant 0 : i32
          %dma_start3A_141 = tpu.memref_slice %arg8[%add3A_112, %dma_start3A_140] : memref<40x128xi32, #tpu.memory_space<vmem>> -> memref<1x128xi32, #tpu.memory_space<vmem>>
          %dma_start3A_142 = tpu.memref_squeeze %dma_start3A_141 : memref<1x128xi32, #tpu.memory_space<vmem>> -> memref<128xi32, #tpu.memory_space<vmem>>
          %dma_start3A_143 = arith.constant 0 : i32
          %dma_start3A_144 = arith.constant 0 : i32
          %dma_start3A_145 = tpu.memref_slice %arg11[%dma_start3A_143, %dma_start3A_144] : memref<10240x128xf32, #tpu.memory_space<vmem_shared>> -> memref<10240x128xf32, #tpu.memory_space<vmem_shared>>
          tpu.enqueue_indirect_dma source(%arg10 : memref<128x128xf32, #tpu.memory_space<vmem>>) target(%dma_start3A_145 : memref<10240x128xf32, #tpu.memory_space<vmem_shared>>) offsets(%dma_start3A_142 : memref<128xi32, #tpu.memory_space<vmem>>) semaphore(%run_scoped3A : memref<!tpu.dma_semaphore, #tpu.memory_space<semaphore_mem>>) {add = true}
          %dma_wait3A_146 = arith.constant 0 : i32
          %dma_wait3A_147 = tpu.memref_slice %arg8[%add3A_112, %dma_wait3A_146] : memref<40x128xi32, #tpu.memory_space<vmem>> -> memref<1x128xi32, #tpu.memory_space<vmem>>
          %dma_wait3A_148 = tpu.memref_squeeze %dma_wait3A_147 : memref<1x128xi32, #tpu.memory_space<vmem>> -> memref<128xi32, #tpu.memory_space<vmem>>
          %dma_wait3A_149 = arith.constant 0 : i32
          %dma_wait3A_150 = arith.constant 0 : i32
          %dma_wait3A_151 = tpu.memref_slice %arg11[%dma_wait3A_149, %dma_wait3A_150] : memref<10240x128xf32, #tpu.memory_space<vmem_shared>> -> memref<10240x128xf32, #tpu.memory_space<vmem_shared>>
          tpu.wait_indirect_dma semaphore(%run_scoped3A : memref<!tpu.dma_semaphore, #tpu.memory_space<semaphore_mem>>) src(%arg10 : memref<128x128xf32, #tpu.memory_space<vmem>>) dst(%dma_wait3A_151 : memref<10240x128xf32, #tpu.memory_space<vmem_shared>>)
          tpu.yield
        }) : () -> ()
      }
      %while3A_72 = arith.constant 1 : i32
      scf.for %while3A_108 = %while3A_70 to %while3A_66 step %while3A_72  : i32 {
        %mul3A_109 = arith.constant 2 : i32
        %mul3A_110 = arith.muli %mul3A_109, %while3A_108 : i32
        %add3A_111 = arith.constant 1 : i32
        %add3A_112 = arith.addi %mul3A_110, %add3A_111 : i32
        %add3A_113 = arith.constant 2 : i32
        %add3A_114 = arith.addi %mul3A_110, %add3A_113 : i32
        %min3A = arith.constant 39 : i32
        %min3A_115 = arith.minsi %add3A_114, %min3A : i32
        %dma_wait3A_116 = arith.constant 0 : i32
        %dma_wait3A_117 = tpu.memref_slice %arg7[%mul3A_110, %dma_wait3A_116] : memref<40x128xi32, #tpu.memory_space<vmem>> -> memref<1x128xi32, #tpu.memory_space<vmem>>
        %dma_wait3A_118 = tpu.memref_squeeze %dma_wait3A_117 : memref<1x128xi32, #tpu.memory_space<vmem>> -> memref<128xi32, #tpu.memory_space<vmem>>
        %dma_wait3A_119 = arith.constant 0 : i32
        %dma_wait3A_120 = arith.constant 0 : i32
        %dma_wait3A_121 = tpu.memref_slice %arg2[%dma_wait3A_119, %dma_wait3A_120] : memref<10240x128xf32, #tpu.memory_space<hbm>> -> memref<10240x128xf32, #tpu.memory_space<hbm>>
        tpu.wait_indirect_dma semaphore(%arg12 : memref<!tpu.dma_semaphore, #tpu.memory_space<semaphore_mem>>) src(%dma_wait3A_121 : memref<10240x128xf32, #tpu.memory_space<hbm>>) dst(%arg9 : memref<128x128xf32, #tpu.memory_space<vmem>>)
        %dma_start3A_122 = arith.constant 0 : i32
        %dma_start3A_123 = tpu.memref_slice %arg7[%add3A_112, %dma_start3A_122] : memref<40x128xi32, #tpu.memory_space<vmem>> -> memref<1x128xi32, #tpu.memory_space<vmem>>
        %dma_start3A_124 = tpu.memref_squeeze %dma_start3A_123 : memref<1x128xi32, #tpu.memory_space<vmem>> -> memref<128xi32, #tpu.memory_space<vmem>>
        %dma_start3A_125 = arith.constant 0 : i32
        %dma_start3A_126 = arith.constant 0 : i32
        %dma_start3A_127 = tpu.memref_slice %arg2[%dma_start3A_125, %dma_start3A_126] : memref<10240x128xf32, #tpu.memory_space<hbm>> -> memref<10240x128xf32, #tpu.memory_space<hbm>>
        tpu.enqueue_indirect_dma source(%dma_start3A_127 : memref<10240x128xf32, #tpu.memory_space<hbm>>) target(%arg10 : memref<128x128xf32, #tpu.memory_space<vmem>>) offsets(%dma_start3A_124 : memref<128xi32, #tpu.memory_space<vmem>>) semaphore(%arg13 : memref<!tpu.dma_semaphore, #tpu.memory_space<semaphore_mem>>)
        "tpu.region"() ({
          %run_scoped3A = tpu.sem_alloc : memref<!tpu.dma_semaphore, #tpu.memory_space<semaphore_mem>>
          %dma_start3A_140 = arith.constant 0 : i32
          %dma_start3A_141 = tpu.memref_slice %arg8[%mul3A_110, %dma_start3A_140] : memref<40x128xi32, #tpu.memory_space<vmem>> -> memref<1x128xi32, #tpu.memory_space<vmem>>
          %dma_start3A_142 = tpu.memref_squeeze %dma_start3A_141 : memref<1x128xi32, #tpu.memory_space<vmem>> -> memref<128xi32, #tpu.memory_space<vmem>>
          %dma_start3A_143 = arith.constant 0 : i32
          %dma_start3A_144 = arith.constant 0 : i32
          %dma_start3A_145 = tpu.memref_slice %arg11[%dma_start3A_143, %dma_start3A_144] : memref<10240x128xf32, #tpu.memory_space<vmem_shared>> -> memref<10240x128xf32, #tpu.memory_space<vmem_shared>>
          tpu.enqueue_indirect_dma source(%arg9 : memref<128x128xf32, #tpu.memory_space<vmem>>) target(%dma_start3A_145 : memref<10240x128xf32, #tpu.memory_space<vmem_shared>>) offsets(%dma_start3A_142 : memref<128xi32, #tpu.memory_space<vmem>>) semaphore(%run_scoped3A : memref<!tpu.dma_semaphore, #tpu.memory_space<semaphore_mem>>) {add = true}
          %dma_wait3A_146 = arith.constant 0 : i32
          %dma_wait3A_147 = tpu.memref_slice %arg8[%mul3A_110, %dma_wait3A_146] : memref<40x128xi32, #tpu.memory_space<vmem>> -> memref<1x128xi32, #tpu.memory_space<vmem>>
          %dma_wait3A_148 = tpu.memref_squeeze %dma_wait3A_147 : memref<1x128xi32, #tpu.memory_space<vmem>> -> memref<128xi32, #tpu.memory_space<vmem>>
          %dma_wait3A_149 = arith.constant 0 : i32
          %dma_wait3A_150 = arith.constant 0 : i32
          %dma_wait3A_151 = tpu.memref_slice %arg11[%dma_wait3A_149, %dma_wait3A_150] : memref<10240x128xf32, #tpu.memory_space<vmem_shared>> -> memref<10240x128xf32, #tpu.memory_space<vmem_shared>>
          tpu.wait_indirect_dma semaphore(%run_scoped3A : memref<!tpu.dma_semaphore, #tpu.memory_space<semaphore_mem>>) src(%arg9 : memref<128x128xf32, #tpu.memory_space<vmem>>) dst(%dma_wait3A_151 : memref<10240x128xf32, #tpu.memory_space<vmem_shared>>)
          tpu.yield
        }) : () -> ()
        %dma_wait3A_128 = arith.constant 0 : i32
        %dma_wait3A_129 = tpu.memref_slice %arg7[%add3A_112, %dma_wait3A_128] : memref<40x128xi32, #tpu.memory_space<vmem>> -> memref<1x128xi32, #tpu.memory_space<vmem>>
        %dma_wait3A_130 = tpu.memref_squeeze %dma_wait3A_129 : memref<1x128xi32, #tpu.memory_space<vmem>> -> memref<128xi32, #tpu.memory_space<vmem>>
        %dma_wait3A_131 = arith.constant 0 : i32
        %dma_wait3A_132 = arith.constant 0 : i32
        %dma_wait3A_133 = tpu.memref_slice %arg2[%dma_wait3A_131, %dma_wait3A_132] : memref<10240x128xf32, #tpu.memory_space<hbm>> -> memref<10240x128xf32, #tpu.memory_space<hbm>>
        tpu.wait_indirect_dma semaphore(%arg13 : memref<!tpu.dma_semaphore, #tpu.memory_space<semaphore_mem>>) src(%dma_wait3A_133 : memref<10240x128xf32, #tpu.memory_space<hbm>>) dst(%arg10 : memref<128x128xf32, #tpu.memory_space<vmem>>)
        %dma_start3A_134 = arith.constant 0 : i32
        %dma_start3A_135 = tpu.memref_slice %arg7[%min3A_115, %dma_start3A_134] : memref<40x128xi32, #tpu.memory_space<vmem>> -> memref<1x128xi32, #tpu.memory_space<vmem>>
        %dma_start3A_136 = tpu.memref_squeeze %dma_start3A_135 : memref<1x128xi32, #tpu.memory_space<vmem>> -> memref<128xi32, #tpu.memory_space<vmem>>
        %dma_start3A_137 = arith.constant 0 : i32
        %dma_start3A_138 = arith.constant 0 : i32
        %dma_start3A_139 = tpu.memref_slice %arg2[%dma_start3A_137, %dma_start3A_138] : memref<10240x128xf32, #tpu.memory_space<hbm>> -> memref<10240x128xf32, #tpu.memory_space<hbm>>
        tpu.enqueue_indirect_dma source(%dma_start3A_139 : memref<10240x128xf32, #tpu.memory_space<hbm>>) target(%arg9 : memref<128x128xf32, #tpu.memory_space<vmem>>) offsets(%dma_start3A_136 : memref<128xi32, #tpu.memory_space<vmem>>) semaphore(%arg12 : memref<!tpu.dma_semaphore, #tpu.memory_space<semaphore_mem>>)
        "tpu.region"() ({
          %run_scoped3A = tpu.sem_alloc : memref<!tpu.dma_semaphore, #tpu.memory_space<semaphore_mem>>
          %dma_start3A_140 = arith.constant 0 : i32
          %dma_start3A_141 = tpu.memref_slice %arg8[%add3A_112, %dma_start3A_140] : memref<40x128xi32, #tpu.memory_space<vmem>> -> memref<1x128xi32, #tpu.memory_space<vmem>>
          %dma_start3A_142 = tpu.memref_squeeze %dma_start3A_141 : memref<1x128xi32, #tpu.memory_space<vmem>> -> memref<128xi32, #tpu.memory_space<vmem>>
          %dma_start3A_143 = arith.constant 0 : i32
          %dma_start3A_144 = arith.constant 0 : i32
          %dma_start3A_145 = tpu.memref_slice %arg11[%dma_start3A_143, %dma_start3A_144] : memref<10240x128xf32, #tpu.memory_space<vmem_shared>> -> memref<10240x128xf32, #tpu.memory_space<vmem_shared>>
          tpu.enqueue_indirect_dma source(%arg10 : memref<128x128xf32, #tpu.memory_space<vmem>>) target(%dma_start3A_145 : memref<10240x128xf32, #tpu.memory_space<vmem_shared>>) offsets(%dma_start3A_142 : memref<128xi32, #tpu.memory_space<vmem>>) semaphore(%run_scoped3A : memref<!tpu.dma_semaphore, #tpu.memory_space<semaphore_mem>>) {add = true}
          %dma_wait3A_146 = arith.constant 0 : i32
          %dma_wait3A_147 = tpu.memref_slice %arg8[%add3A_112, %dma_wait3A_146] : memref<40x128xi32, #tpu.memory_space<vmem>> -> memref<1x128xi32, #tpu.memory_space<vmem>>
          %dma_wait3A_148 = tpu.memref_squeeze %dma_wait3A_147 : memref<1x128xi32, #tpu.memory_space<vmem>> -> memref<128xi32, #tpu.memory_space<vmem>>
          %dma_wait3A_149 = arith.constant 0 : i32
          %dma_wait3A_150 = arith.constant 0 : i32
          %dma_wait3A_151 = tpu.memref_slice %arg11[%dma_wait3A_149, %dma_wait3A_150] : memref<10240x128xf32, #tpu.memory_space<vmem_shared>> -> memref<10240x128xf32, #tpu.memory_space<vmem_shared>>
          tpu.wait_indirect_dma semaphore(%run_scoped3A : memref<!tpu.dma_semaphore, #tpu.memory_space<semaphore_mem>>) src(%arg10 : memref<128x128xf32, #tpu.memory_space<vmem>>) dst(%dma_wait3A_151 : memref<10240x128xf32, #tpu.memory_space<vmem_shared>>)
          tpu.yield
        }) : () -> ()
      }
      %dma_wait3A = arith.constant 39 : i32
      %dma_wait3A_73 = arith.constant 0 : i32
      %dma_wait3A_74 = tpu.memref_slice %arg7[%dma_wait3A, %dma_wait3A_73] : memref<40x128xi32, #tpu.memory_space<vmem>> -> memref<1x128xi32, #tpu.memory_space<vmem>>
      %dma_wait3A_75 = tpu.memref_squeeze %dma_wait3A_74 : memref<1x128xi32, #tpu.memory_space<vmem>> -> memref<128xi32, #tpu.memory_space<vmem>>
      %dma_wait3A_76 = arith.constant 0 : i32
      %dma_wait3A_77 = arith.constant 0 : i32
      %dma_wait3A_78 = tpu.memref_slice %arg2[%dma_wait3A_76, %dma_wait3A_77] : memref<10240x128xf32, #tpu.memory_space<hbm>> -> memref<10240x128xf32, #tpu.memory_space<hbm>>
      tpu.wait_indirect_dma semaphore(%arg12 : memref<!tpu.dma_semaphore, #tpu.memory_space<semaphore_mem>>) src(%dma_wait3A_78 : memref<10240x128xf32, #tpu.memory_space<hbm>>) dst(%arg9 : memref<128x128xf32, #tpu.memory_space<vmem>>)
      %mul3A_79 = arith.constant 80 : i32
      %mul3A_80 = arith.muli %arg1, %mul3A_79 : i32
      %add3A_81 = arith.constant 40 : i32
      %add3A_82 = arith.addi %mul3A_80, %add3A_81 : i32
      "tpu.region"() ({
        %run_scoped3A = tpu.sem_alloc : memref<!tpu.dma_semaphore, #tpu.memory_space<semaphore_mem>>
        %dma_start3A_108 = arith.constant 0 : i32
        %dma_start3A_109 = tpu.memref_slice %arg4[%add3A_82, %dma_start3A_108] : memref<1280x128xi32, #tpu.memory_space<hbm>> -> memref<40x128xi32, #tpu.memory_space<hbm>>
        %dma_start3A_110 = arith.constant 0 : i32
        %dma_start3A_111 = tpu.memref_slice %arg4[%add3A_82, %dma_start3A_110] : memref<1280x128xi32, #tpu.memory_space<hbm>> -> memref<40x128xi32, #tpu.memory_space<hbm>>
        tpu.enqueue_dma source(%dma_start3A_111 : memref<40x128xi32, #tpu.memory_space<hbm>>) target(%arg7 : memref<40x128xi32, #tpu.memory_space<vmem>>) target_semaphore(%run_scoped3A : memref<!tpu.dma_semaphore, #tpu.memory_space<semaphore_mem>>)
        %dma_wait3A_112 = arith.constant 0 : i32
        %dma_wait3A_113 = tpu.memref_slice %arg4[%add3A_82, %dma_wait3A_112] : memref<1280x128xi32, #tpu.memory_space<hbm>> -> memref<40x128xi32, #tpu.memory_space<hbm>>
        %dma_wait3A_114 = arith.constant 0 : i32
        %dma_wait3A_115 = tpu.memref_slice %arg4[%add3A_82, %dma_wait3A_114] : memref<1280x128xi32, #tpu.memory_space<hbm>> -> memref<40x128xi32, #tpu.memory_space<hbm>>
        tpu.wait_dma2 semaphore(%run_scoped3A : memref<!tpu.dma_semaphore, #tpu.memory_space<semaphore_mem>>) src(%dma_wait3A_115 : memref<40x128xi32, #tpu.memory_space<hbm>>) dst(%arg7 : memref<40x128xi32, #tpu.memory_space<vmem>>)
        tpu.yield
      }) : () -> ()
      "tpu.region"() ({
        %run_scoped3A = tpu.sem_alloc : memref<!tpu.dma_semaphore, #tpu.memory_space<semaphore_mem>>
        %dma_start3A_108 = arith.constant 0 : i32
        %dma_start3A_109 = tpu.memref_slice %arg5[%add3A_82, %dma_start3A_108] : memref<1280x128xi32, #tpu.memory_space<hbm>> -> memref<40x128xi32, #tpu.memory_space<hbm>>
        %dma_start3A_110 = arith.constant 0 : i32
        %dma_start3A_111 = tpu.memref_slice %arg5[%add3A_82, %dma_start3A_110] : memref<1280x128xi32, #tpu.memory_space<hbm>> -> memref<40x128xi32, #tpu.memory_space<hbm>>
        tpu.enqueue_dma source(%dma_start3A_111 : memref<40x128xi32, #tpu.memory_space<hbm>>) target(%arg8 : memref<40x128xi32, #tpu.memory_space<vmem>>) target_semaphore(%run_scoped3A : memref<!tpu.dma_semaphore, #tpu.memory_space<semaphore_mem>>)
        %dma_wait3A_112 = arith.constant 0 : i32
        %dma_wait3A_113 = tpu.memref_slice %arg5[%add3A_82, %dma_wait3A_112] : memref<1280x128xi32, #tpu.memory_space<hbm>> -> memref<40x128xi32, #tpu.memory_space<hbm>>
        %dma_wait3A_114 = arith.constant 0 : i32
        %dma_wait3A_115 = tpu.memref_slice %arg5[%add3A_82, %dma_wait3A_114] : memref<1280x128xi32, #tpu.memory_space<hbm>> -> memref<40x128xi32, #tpu.memory_space<hbm>>
        tpu.wait_dma2 semaphore(%run_scoped3A : memref<!tpu.dma_semaphore, #tpu.memory_space<semaphore_mem>>) src(%dma_wait3A_115 : memref<40x128xi32, #tpu.memory_space<hbm>>) dst(%arg8 : memref<40x128xi32, #tpu.memory_space<vmem>>)
        tpu.yield
      }) : () -> ()
      %dma_start3A_83 = arith.constant 0 : i32
      %dma_start3A_84 = arith.constant 0 : i32
      %dma_start3A_85 = tpu.memref_slice %arg7[%dma_start3A_83, %dma_start3A_84] : memref<40x128xi32, #tpu.memory_space<vmem>> -> memref<1x128xi32, #tpu.memory_space<vmem>>
      %dma_start3A_86 = tpu.memref_squeeze %dma_start3A_85 : memref<1x128xi32, #tpu.memory_space<vmem>> -> memref<128xi32, #tpu.memory_space<vmem>>
      %dma_start3A_87 = arith.constant 0 : i32
      %dma_start3A_88 = arith.constant 0 : i32
      %dma_start3A_89 = tpu.memref_slice %arg2[%dma_start3A_87, %dma_start3A_88] : memref<10240x128xf32, #tpu.memory_space<hbm>> -> memref<10240x128xf32, #tpu.memory_space<hbm>>
      tpu.enqueue_indirect_dma source(%dma_start3A_89 : memref<10240x128xf32, #tpu.memory_space<hbm>>) target(%arg9 : memref<128x128xf32, #tpu.memory_space<vmem>>) offsets(%dma_start3A_86 : memref<128xi32, #tpu.memory_space<vmem>>) semaphore(%arg12 : memref<!tpu.dma_semaphore, #tpu.memory_space<semaphore_mem>>)
      %while3A_90 = arith.constant 0 : i32
      %while3A_91 = arith.constant 0 : i32
      %while3A_92 = arith.constant 20 : i32
      %while3A_93 = arith.subi %while3A_92, %while3A_91 : i32
      %while3A_94 = arith.addi %while3A_91, %while3A_93 : i32
      %while3A_95 = arith.constant 1 : i32
      %while3A_96 = arith.divsi %while3A_93, %while3A_95 : i32
      %while3A_97 = arith.muli %while3A_96, %while3A_95 : i32
      %while3A_98 = arith.addi %while3A_91, %while3A_97 : i32
      %while3A_99 = arith.constant 1 : i32
      scf.for %while3A_108 = %while3A_91 to %while3A_98 step %while3A_99  : i32 {
        %mul3A_109 = arith.constant 2 : i32
        %mul3A_110 = arith.muli %mul3A_109, %while3A_108 : i32
        %add3A_111 = arith.constant 1 : i32
        %add3A_112 = arith.addi %mul3A_110, %add3A_111 : i32
        %add3A_113 = arith.constant 2 : i32
        %add3A_114 = arith.addi %mul3A_110, %add3A_113 : i32
        %min3A = arith.constant 39 : i32
        %min3A_115 = arith.minsi %add3A_114, %min3A : i32
        %dma_wait3A_116 = arith.constant 0 : i32
        %dma_wait3A_117 = tpu.memref_slice %arg7[%mul3A_110, %dma_wait3A_116] : memref<40x128xi32, #tpu.memory_space<vmem>> -> memref<1x128xi32, #tpu.memory_space<vmem>>
        %dma_wait3A_118 = tpu.memref_squeeze %dma_wait3A_117 : memref<1x128xi32, #tpu.memory_space<vmem>> -> memref<128xi32, #tpu.memory_space<vmem>>
        %dma_wait3A_119 = arith.constant 0 : i32
        %dma_wait3A_120 = arith.constant 0 : i32
        %dma_wait3A_121 = tpu.memref_slice %arg2[%dma_wait3A_119, %dma_wait3A_120] : memref<10240x128xf32, #tpu.memory_space<hbm>> -> memref<10240x128xf32, #tpu.memory_space<hbm>>
        tpu.wait_indirect_dma semaphore(%arg12 : memref<!tpu.dma_semaphore, #tpu.memory_space<semaphore_mem>>) src(%dma_wait3A_121 : memref<10240x128xf32, #tpu.memory_space<hbm>>) dst(%arg9 : memref<128x128xf32, #tpu.memory_space<vmem>>)
        %dma_start3A_122 = arith.constant 0 : i32
        %dma_start3A_123 = tpu.memref_slice %arg7[%add3A_112, %dma_start3A_122] : memref<40x128xi32, #tpu.memory_space<vmem>> -> memref<1x128xi32, #tpu.memory_space<vmem>>
        %dma_start3A_124 = tpu.memref_squeeze %dma_start3A_123 : memref<1x128xi32, #tpu.memory_space<vmem>> -> memref<128xi32, #tpu.memory_space<vmem>>
        %dma_start3A_125 = arith.constant 0 : i32
        %dma_start3A_126 = arith.constant 0 : i32
        %dma_start3A_127 = tpu.memref_slice %arg2[%dma_start3A_125, %dma_start3A_126] : memref<10240x128xf32, #tpu.memory_space<hbm>> -> memref<10240x128xf32, #tpu.memory_space<hbm>>
        tpu.enqueue_indirect_dma source(%dma_start3A_127 : memref<10240x128xf32, #tpu.memory_space<hbm>>) target(%arg10 : memref<128x128xf32, #tpu.memory_space<vmem>>) offsets(%dma_start3A_124 : memref<128xi32, #tpu.memory_space<vmem>>) semaphore(%arg13 : memref<!tpu.dma_semaphore, #tpu.memory_space<semaphore_mem>>)
        "tpu.region"() ({
          %run_scoped3A = tpu.sem_alloc : memref<!tpu.dma_semaphore, #tpu.memory_space<semaphore_mem>>
          %dma_start3A_140 = arith.constant 0 : i32
          %dma_start3A_141 = tpu.memref_slice %arg8[%mul3A_110, %dma_start3A_140] : memref<40x128xi32, #tpu.memory_space<vmem>> -> memref<1x128xi32, #tpu.memory_space<vmem>>
          %dma_start3A_142 = tpu.memref_squeeze %dma_start3A_141 : memref<1x128xi32, #tpu.memory_space<vmem>> -> memref<128xi32, #tpu.memory_space<vmem>>
          %dma_start3A_143 = arith.constant 0 : i32
          %dma_start3A_144 = arith.constant 0 : i32
          %dma_start3A_145 = tpu.memref_slice %arg11[%dma_start3A_143, %dma_start3A_144] : memref<10240x128xf32, #tpu.memory_space<vmem_shared>> -> memref<10240x128xf32, #tpu.memory_space<vmem_shared>>
          tpu.enqueue_indirect_dma source(%arg9 : memref<128x128xf32, #tpu.memory_space<vmem>>) target(%dma_start3A_145 : memref<10240x128xf32, #tpu.memory_space<vmem_shared>>) offsets(%dma_start3A_142 : memref<128xi32, #tpu.memory_space<vmem>>) semaphore(%run_scoped3A : memref<!tpu.dma_semaphore, #tpu.memory_space<semaphore_mem>>) {add = true}
          %dma_wait3A_146 = arith.constant 0 : i32
          %dma_wait3A_147 = tpu.memref_slice %arg8[%mul3A_110, %dma_wait3A_146] : memref<40x128xi32, #tpu.memory_space<vmem>> -> memref<1x128xi32, #tpu.memory_space<vmem>>
          %dma_wait3A_148 = tpu.memref_squeeze %dma_wait3A_147 : memref<1x128xi32, #tpu.memory_space<vmem>> -> memref<128xi32, #tpu.memory_space<vmem>>
          %dma_wait3A_149 = arith.constant 0 : i32
          %dma_wait3A_150 = arith.constant 0 : i32
          %dma_wait3A_151 = tpu.memref_slice %arg11[%dma_wait3A_149, %dma_wait3A_150] : memref<10240x128xf32, #tpu.memory_space<vmem_shared>> -> memref<10240x128xf32, #tpu.memory_space<vmem_shared>>
          tpu.wait_indirect_dma semaphore(%run_scoped3A : memref<!tpu.dma_semaphore, #tpu.memory_space<semaphore_mem>>) src(%arg9 : memref<128x128xf32, #tpu.memory_space<vmem>>) dst(%dma_wait3A_151 : memref<10240x128xf32, #tpu.memory_space<vmem_shared>>)
          tpu.yield
        }) : () -> ()
        %dma_wait3A_128 = arith.constant 0 : i32
        %dma_wait3A_129 = tpu.memref_slice %arg7[%add3A_112, %dma_wait3A_128] : memref<40x128xi32, #tpu.memory_space<vmem>> -> memref<1x128xi32, #tpu.memory_space<vmem>>
        %dma_wait3A_130 = tpu.memref_squeeze %dma_wait3A_129 : memref<1x128xi32, #tpu.memory_space<vmem>> -> memref<128xi32, #tpu.memory_space<vmem>>
        %dma_wait3A_131 = arith.constant 0 : i32
        %dma_wait3A_132 = arith.constant 0 : i32
        %dma_wait3A_133 = tpu.memref_slice %arg2[%dma_wait3A_131, %dma_wait3A_132] : memref<10240x128xf32, #tpu.memory_space<hbm>> -> memref<10240x128xf32, #tpu.memory_space<hbm>>
        tpu.wait_indirect_dma semaphore(%arg13 : memref<!tpu.dma_semaphore, #tpu.memory_space<semaphore_mem>>) src(%dma_wait3A_133 : memref<10240x128xf32, #tpu.memory_space<hbm>>) dst(%arg10 : memref<128x128xf32, #tpu.memory_space<vmem>>)
        %dma_start3A_134 = arith.constant 0 : i32
        %dma_start3A_135 = tpu.memref_slice %arg7[%min3A_115, %dma_start3A_134] : memref<40x128xi32, #tpu.memory_space<vmem>> -> memref<1x128xi32, #tpu.memory_space<vmem>>
        %dma_start3A_136 = tpu.memref_squeeze %dma_start3A_135 : memref<1x128xi32, #tpu.memory_space<vmem>> -> memref<128xi32, #tpu.memory_space<vmem>>
        %dma_start3A_137 = arith.constant 0 : i32
        %dma_start3A_138 = arith.constant 0 : i32
        %dma_start3A_139 = tpu.memref_slice %arg2[%dma_start3A_137, %dma_start3A_138] : memref<10240x128xf32, #tpu.memory_space<hbm>> -> memref<10240x128xf32, #tpu.memory_space<hbm>>
        tpu.enqueue_indirect_dma source(%dma_start3A_139 : memref<10240x128xf32, #tpu.memory_space<hbm>>) target(%arg9 : memref<128x128xf32, #tpu.memory_space<vmem>>) offsets(%dma_start3A_136 : memref<128xi32, #tpu.memory_space<vmem>>) semaphore(%arg12 : memref<!tpu.dma_semaphore, #tpu.memory_space<semaphore_mem>>)
        "tpu.region"() ({
          %run_scoped3A = tpu.sem_alloc : memref<!tpu.dma_semaphore, #tpu.memory_space<semaphore_mem>>
          %dma_start3A_140 = arith.constant 0 : i32
          %dma_start3A_141 = tpu.memref_slice %arg8[%add3A_112, %dma_start3A_140] : memref<40x128xi32, #tpu.memory_space<vmem>> -> memref<1x128xi32, #tpu.memory_space<vmem>>
          %dma_start3A_142 = tpu.memref_squeeze %dma_start3A_141 : memref<1x128xi32, #tpu.memory_space<vmem>> -> memref<128xi32, #tpu.memory_space<vmem>>
          %dma_start3A_143 = arith.constant 0 : i32
          %dma_start3A_144 = arith.constant 0 : i32
          %dma_start3A_145 = tpu.memref_slice %arg11[%dma_start3A_143, %dma_start3A_144] : memref<10240x128xf32, #tpu.memory_space<vmem_shared>> -> memref<10240x128xf32, #tpu.memory_space<vmem_shared>>
          tpu.enqueue_indirect_dma source(%arg10 : memref<128x128xf32, #tpu.memory_space<vmem>>) target(%dma_start3A_145 : memref<10240x128xf32, #tpu.memory_space<vmem_shared>>) offsets(%dma_start3A_142 : memref<128xi32, #tpu.memory_space<vmem>>) semaphore(%run_scoped3A : memref<!tpu.dma_semaphore, #tpu.memory_space<semaphore_mem>>) {add = true}
          %dma_wait3A_146 = arith.constant 0 : i32
          %dma_wait3A_147 = tpu.memref_slice %arg8[%add3A_112, %dma_wait3A_146] : memref<40x128xi32, #tpu.memory_space<vmem>> -> memref<1x128xi32, #tpu.memory_space<vmem>>
          %dma_wait3A_148 = tpu.memref_squeeze %dma_wait3A_147 : memref<1x128xi32, #tpu.memory_space<vmem>> -> memref<128xi32, #tpu.memory_space<vmem>>
          %dma_wait3A_149 = arith.constant 0 : i32
          %dma_wait3A_150 = arith.constant 0 : i32
          %dma_wait3A_151 = tpu.memref_slice %arg11[%dma_wait3A_149, %dma_wait3A_150] : memref<10240x128xf32, #tpu.memory_space<vmem_shared>> -> memref<10240x128xf32, #tpu.memory_space<vmem_shared>>
          tpu.wait_indirect_dma semaphore(%run_scoped3A : memref<!tpu.dma_semaphore, #tpu.memory_space<semaphore_mem>>) src(%arg10 : memref<128x128xf32, #tpu.memory_space<vmem>>) dst(%dma_wait3A_151 : memref<10240x128xf32, #tpu.memory_space<vmem_shared>>)
          tpu.yield
        }) : () -> ()
      }
      %while3A_100 = arith.constant 1 : i32
      scf.for %while3A_108 = %while3A_98 to %while3A_94 step %while3A_100  : i32 {
        %mul3A_109 = arith.constant 2 : i32
        %mul3A_110 = arith.muli %mul3A_109, %while3A_108 : i32
        %add3A_111 = arith.constant 1 : i32
        %add3A_112 = arith.addi %mul3A_110, %add3A_111 : i32
        %add3A_113 = arith.constant 2 : i32
        %add3A_114 = arith.addi %mul3A_110, %add3A_113 : i32
        %min3A = arith.constant 39 : i32
        %min3A_115 = arith.minsi %add3A_114, %min3A : i32
        %dma_wait3A_116 = arith.constant 0 : i32
        %dma_wait3A_117 = tpu.memref_slice %arg7[%mul3A_110, %dma_wait3A_116] : memref<40x128xi32, #tpu.memory_space<vmem>> -> memref<1x128xi32, #tpu.memory_space<vmem>>
        %dma_wait3A_118 = tpu.memref_squeeze %dma_wait3A_117 : memref<1x128xi32, #tpu.memory_space<vmem>> -> memref<128xi32, #tpu.memory_space<vmem>>
        %dma_wait3A_119 = arith.constant 0 : i32
        %dma_wait3A_120 = arith.constant 0 : i32
        %dma_wait3A_121 = tpu.memref_slice %arg2[%dma_wait3A_119, %dma_wait3A_120] : memref<10240x128xf32, #tpu.memory_space<hbm>> -> memref<10240x128xf32, #tpu.memory_space<hbm>>
        tpu.wait_indirect_dma semaphore(%arg12 : memref<!tpu.dma_semaphore, #tpu.memory_space<semaphore_mem>>) src(%dma_wait3A_121 : memref<10240x128xf32, #tpu.memory_space<hbm>>) dst(%arg9 : memref<128x128xf32, #tpu.memory_space<vmem>>)
        %dma_start3A_122 = arith.constant 0 : i32
        %dma_start3A_123 = tpu.memref_slice %arg7[%add3A_112, %dma_start3A_122] : memref<40x128xi32, #tpu.memory_space<vmem>> -> memref<1x128xi32, #tpu.memory_space<vmem>>
        %dma_start3A_124 = tpu.memref_squeeze %dma_start3A_123 : memref<1x128xi32, #tpu.memory_space<vmem>> -> memref<128xi32, #tpu.memory_space<vmem>>
        %dma_start3A_125 = arith.constant 0 : i32
        %dma_start3A_126 = arith.constant 0 : i32
        %dma_start3A_127 = tpu.memref_slice %arg2[%dma_start3A_125, %dma_start3A_126] : memref<10240x128xf32, #tpu.memory_space<hbm>> -> memref<10240x128xf32, #tpu.memory_space<hbm>>
        tpu.enqueue_indirect_dma source(%dma_start3A_127 : memref<10240x128xf32, #tpu.memory_space<hbm>>) target(%arg10 : memref<128x128xf32, #tpu.memory_space<vmem>>) offsets(%dma_start3A_124 : memref<128xi32, #tpu.memory_space<vmem>>) semaphore(%arg13 : memref<!tpu.dma_semaphore, #tpu.memory_space<semaphore_mem>>)
        "tpu.region"() ({
          %run_scoped3A = tpu.sem_alloc : memref<!tpu.dma_semaphore, #tpu.memory_space<semaphore_mem>>
          %dma_start3A_140 = arith.constant 0 : i32
          %dma_start3A_141 = tpu.memref_slice %arg8[%mul3A_110, %dma_start3A_140] : memref<40x128xi32, #tpu.memory_space<vmem>> -> memref<1x128xi32, #tpu.memory_space<vmem>>
          %dma_start3A_142 = tpu.memref_squeeze %dma_start3A_141 : memref<1x128xi32, #tpu.memory_space<vmem>> -> memref<128xi32, #tpu.memory_space<vmem>>
          %dma_start3A_143 = arith.constant 0 : i32
          %dma_start3A_144 = arith.constant 0 : i32
          %dma_start3A_145 = tpu.memref_slice %arg11[%dma_start3A_143, %dma_start3A_144] : memref<10240x128xf32, #tpu.memory_space<vmem_shared>> -> memref<10240x128xf32, #tpu.memory_space<vmem_shared>>
          tpu.enqueue_indirect_dma source(%arg9 : memref<128x128xf32, #tpu.memory_space<vmem>>) target(%dma_start3A_145 : memref<10240x128xf32, #tpu.memory_space<vmem_shared>>) offsets(%dma_start3A_142 : memref<128xi32, #tpu.memory_space<vmem>>) semaphore(%run_scoped3A : memref<!tpu.dma_semaphore, #tpu.memory_space<semaphore_mem>>) {add = true}
          %dma_wait3A_146 = arith.constant 0 : i32
          %dma_wait3A_147 = tpu.memref_slice %arg8[%mul3A_110, %dma_wait3A_146] : memref<40x128xi32, #tpu.memory_space<vmem>> -> memref<1x128xi32, #tpu.memory_space<vmem>>
          %dma_wait3A_148 = tpu.memref_squeeze %dma_wait3A_147 : memref<1x128xi32, #tpu.memory_space<vmem>> -> memref<128xi32, #tpu.memory_space<vmem>>
          %dma_wait3A_149 = arith.constant 0 : i32
          %dma_wait3A_150 = arith.constant 0 : i32
          %dma_wait3A_151 = tpu.memref_slice %arg11[%dma_wait3A_149, %dma_wait3A_150] : memref<10240x128xf32, #tpu.memory_space<vmem_shared>> -> memref<10240x128xf32, #tpu.memory_space<vmem_shared>>
          tpu.wait_indirect_dma semaphore(%run_scoped3A : memref<!tpu.dma_semaphore, #tpu.memory_space<semaphore_mem>>) src(%arg9 : memref<128x128xf32, #tpu.memory_space<vmem>>) dst(%dma_wait3A_151 : memref<10240x128xf32, #tpu.memory_space<vmem_shared>>)
          tpu.yield
        }) : () -> ()
        %dma_wait3A_128 = arith.constant 0 : i32
        %dma_wait3A_129 = tpu.memref_slice %arg7[%add3A_112, %dma_wait3A_128] : memref<40x128xi32, #tpu.memory_space<vmem>> -> memref<1x128xi32, #tpu.memory_space<vmem>>
        %dma_wait3A_130 = tpu.memref_squeeze %dma_wait3A_129 : memref<1x128xi32, #tpu.memory_space<vmem>> -> memref<128xi32, #tpu.memory_space<vmem>>
        %dma_wait3A_131 = arith.constant 0 : i32
        %dma_wait3A_132 = arith.constant 0 : i32
        %dma_wait3A_133 = tpu.memref_slice %arg2[%dma_wait3A_131, %dma_wait3A_132] : memref<10240x128xf32, #tpu.memory_space<hbm>> -> memref<10240x128xf32, #tpu.memory_space<hbm>>
        tpu.wait_indirect_dma semaphore(%arg13 : memref<!tpu.dma_semaphore, #tpu.memory_space<semaphore_mem>>) src(%dma_wait3A_133 : memref<10240x128xf32, #tpu.memory_space<hbm>>) dst(%arg10 : memref<128x128xf32, #tpu.memory_space<vmem>>)
        %dma_start3A_134 = arith.constant 0 : i32
        %dma_start3A_135 = tpu.memref_slice %arg7[%min3A_115, %dma_start3A_134] : memref<40x128xi32, #tpu.memory_space<vmem>> -> memref<1x128xi32, #tpu.memory_space<vmem>>
        %dma_start3A_136 = tpu.memref_squeeze %dma_start3A_135 : memref<1x128xi32, #tpu.memory_space<vmem>> -> memref<128xi32, #tpu.memory_space<vmem>>
        %dma_start3A_137 = arith.constant 0 : i32
        %dma_start3A_138 = arith.constant 0 : i32
        %dma_start3A_139 = tpu.memref_slice %arg2[%dma_start3A_137, %dma_start3A_138] : memref<10240x128xf32, #tpu.memory_space<hbm>> -> memref<10240x128xf32, #tpu.memory_space<hbm>>
        tpu.enqueue_indirect_dma source(%dma_start3A_139 : memref<10240x128xf32, #tpu.memory_space<hbm>>) target(%arg9 : memref<128x128xf32, #tpu.memory_space<vmem>>) offsets(%dma_start3A_136 : memref<128xi32, #tpu.memory_space<vmem>>) semaphore(%arg12 : memref<!tpu.dma_semaphore, #tpu.memory_space<semaphore_mem>>)
        "tpu.region"() ({
          %run_scoped3A = tpu.sem_alloc : memref<!tpu.dma_semaphore, #tpu.memory_space<semaphore_mem>>
          %dma_start3A_140 = arith.constant 0 : i32
          %dma_start3A_141 = tpu.memref_slice %arg8[%add3A_112, %dma_start3A_140] : memref<40x128xi32, #tpu.memory_space<vmem>> -> memref<1x128xi32, #tpu.memory_space<vmem>>
          %dma_start3A_142 = tpu.memref_squeeze %dma_start3A_141 : memref<1x128xi32, #tpu.memory_space<vmem>> -> memref<128xi32, #tpu.memory_space<vmem>>
          %dma_start3A_143 = arith.constant 0 : i32
          %dma_start3A_144 = arith.constant 0 : i32
          %dma_start3A_145 = tpu.memref_slice %arg11[%dma_start3A_143, %dma_start3A_144] : memref<10240x128xf32, #tpu.memory_space<vmem_shared>> -> memref<10240x128xf32, #tpu.memory_space<vmem_shared>>
          tpu.enqueue_indirect_dma source(%arg10 : memref<128x128xf32, #tpu.memory_space<vmem>>) target(%dma_start3A_145 : memref<10240x128xf32, #tpu.memory_space<vmem_shared>>) offsets(%dma_start3A_142 : memref<128xi32, #tpu.memory_space<vmem>>) semaphore(%run_scoped3A : memref<!tpu.dma_semaphore, #tpu.memory_space<semaphore_mem>>) {add = true}
          %dma_wait3A_146 = arith.constant 0 : i32
          %dma_wait3A_147 = tpu.memref_slice %arg8[%add3A_112, %dma_wait3A_146] : memref<40x128xi32, #tpu.memory_space<vmem>> -> memref<1x128xi32, #tpu.memory_space<vmem>>
          %dma_wait3A_148 = tpu.memref_squeeze %dma_wait3A_147 : memref<1x128xi32, #tpu.memory_space<vmem>> -> memref<128xi32, #tpu.memory_space<vmem>>
          %dma_wait3A_149 = arith.constant 0 : i32
          %dma_wait3A_150 = arith.constant 0 : i32
          %dma_wait3A_151 = tpu.memref_slice %arg11[%dma_wait3A_149, %dma_wait3A_150] : memref<10240x128xf32, #tpu.memory_space<vmem_shared>> -> memref<10240x128xf32, #tpu.memory_space<vmem_shared>>
          tpu.wait_indirect_dma semaphore(%run_scoped3A : memref<!tpu.dma_semaphore, #tpu.memory_space<semaphore_mem>>) src(%arg10 : memref<128x128xf32, #tpu.memory_space<vmem>>) dst(%dma_wait3A_151 : memref<10240x128xf32, #tpu.memory_space<vmem_shared>>)
          tpu.yield
        }) : () -> ()
      }
      %dma_wait3A_101 = arith.constant 39 : i32
      %dma_wait3A_102 = arith.constant 0 : i32
      %dma_wait3A_103 = tpu.memref_slice %arg7[%dma_wait3A_101, %dma_wait3A_102] : memref<40x128xi32, #tpu.memory_space<vmem>> -> memref<1x128xi32, #tpu.memory_space<vmem>>
      %dma_wait3A_104 = tpu.memref_squeeze %dma_wait3A_103 : memref<1x128xi32, #tpu.memory_space<vmem>> -> memref<128xi32, #tpu.memory_space<vmem>>
      %dma_wait3A_105 = arith.constant 0 : i32
      %dma_wait3A_106 = arith.constant 0 : i32
      %dma_wait3A_107 = tpu.memref_slice %arg2[%dma_wait3A_105, %dma_wait3A_106] : memref<10240x128xf32, #tpu.memory_space<hbm>> -> memref<10240x128xf32, #tpu.memory_space<hbm>>
      tpu.wait_indirect_dma semaphore(%arg12 : memref<!tpu.dma_semaphore, #tpu.memory_space<semaphore_mem>>) src(%dma_wait3A_107 : memref<10240x128xf32, #tpu.memory_space<hbm>>) dst(%arg9 : memref<128x128xf32, #tpu.memory_space<vmem>>)
    } else {
    }
    %eq3A_23 = arith.constant 1 : i32
    %eq3A_24 = arith.cmpi eq, %arg0, %eq3A_23 : i32
    %convert_element_type3A_25 = arith.extui %eq3A_24 : i1 to i32
    %cond3A_26 = arith.constant 0 : i32
    %cond3A_27 = arith.cmpi ne, %convert_element_type3A_25, %cond3A_26 : i32
    scf.if %cond3A_27 {
      %mul3A_52 = arith.constant 80 : i32
      %mul3A_53 = arith.muli %arg1, %mul3A_52 : i32
      %add3A_54 = arith.constant 0 : i32
      %add3A_55 = arith.addi %mul3A_53, %add3A_54 : i32
      "tpu.region"() ({
        %run_scoped3A = tpu.sem_alloc : memref<!tpu.dma_semaphore, #tpu.memory_space<semaphore_mem>>
        %dma_start3A_108 = arith.constant 0 : i32
        %dma_start3A_109 = tpu.memref_slice %arg4[%add3A_55, %dma_start3A_108] : memref<1280x128xi32, #tpu.memory_space<hbm>> -> memref<40x128xi32, #tpu.memory_space<hbm>>
        %dma_start3A_110 = arith.constant 0 : i32
        %dma_start3A_111 = tpu.memref_slice %arg4[%add3A_55, %dma_start3A_110] : memref<1280x128xi32, #tpu.memory_space<hbm>> -> memref<40x128xi32, #tpu.memory_space<hbm>>
        tpu.enqueue_dma source(%dma_start3A_111 : memref<40x128xi32, #tpu.memory_space<hbm>>) target(%arg7 : memref<40x128xi32, #tpu.memory_space<vmem>>) target_semaphore(%run_scoped3A : memref<!tpu.dma_semaphore, #tpu.memory_space<semaphore_mem>>)
        %dma_wait3A_112 = arith.constant 0 : i32
        %dma_wait3A_113 = tpu.memref_slice %arg4[%add3A_55, %dma_wait3A_112] : memref<1280x128xi32, #tpu.memory_space<hbm>> -> memref<40x128xi32, #tpu.memory_space<hbm>>
        %dma_wait3A_114 = arith.constant 0 : i32
        %dma_wait3A_115 = tpu.memref_slice %arg4[%add3A_55, %dma_wait3A_114] : memref<1280x128xi32, #tpu.memory_space<hbm>> -> memref<40x128xi32, #tpu.memory_space<hbm>>
        tpu.wait_dma2 semaphore(%run_scoped3A : memref<!tpu.dma_semaphore, #tpu.memory_space<semaphore_mem>>) src(%dma_wait3A_115 : memref<40x128xi32, #tpu.memory_space<hbm>>) dst(%arg7 : memref<40x128xi32, #tpu.memory_space<vmem>>)
        tpu.yield
      }) : () -> ()
      "tpu.region"() ({
        %run_scoped3A = tpu.sem_alloc : memref<!tpu.dma_semaphore, #tpu.memory_space<semaphore_mem>>
        %dma_start3A_108 = arith.constant 0 : i32
        %dma_start3A_109 = tpu.memref_slice %arg5[%add3A_55, %dma_start3A_108] : memref<1280x128xi32, #tpu.memory_space<hbm>> -> memref<40x128xi32, #tpu.memory_space<hbm>>
        %dma_start3A_110 = arith.constant 0 : i32
        %dma_start3A_111 = tpu.memref_slice %arg5[%add3A_55, %dma_start3A_110] : memref<1280x128xi32, #tpu.memory_space<hbm>> -> memref<40x128xi32, #tpu.memory_space<hbm>>
        tpu.enqueue_dma source(%dma_start3A_111 : memref<40x128xi32, #tpu.memory_space<hbm>>) target(%arg8 : memref<40x128xi32, #tpu.memory_space<vmem>>) target_semaphore(%run_scoped3A : memref<!tpu.dma_semaphore, #tpu.memory_space<semaphore_mem>>)
        %dma_wait3A_112 = arith.constant 0 : i32
        %dma_wait3A_113 = tpu.memref_slice %arg5[%add3A_55, %dma_wait3A_112] : memref<1280x128xi32, #tpu.memory_space<hbm>> -> memref<40x128xi32, #tpu.memory_space<hbm>>
        %dma_wait3A_114 = arith.constant 0 : i32
        %dma_wait3A_115 = tpu.memref_slice %arg5[%add3A_55, %dma_wait3A_114] : memref<1280x128xi32, #tpu.memory_space<hbm>> -> memref<40x128xi32, #tpu.memory_space<hbm>>
        tpu.wait_dma2 semaphore(%run_scoped3A : memref<!tpu.dma_semaphore, #tpu.memory_space<semaphore_mem>>) src(%dma_wait3A_115 : memref<40x128xi32, #tpu.memory_space<hbm>>) dst(%arg8 : memref<40x128xi32, #tpu.memory_space<vmem>>)
        tpu.yield
      }) : () -> ()
      %dma_start3A = arith.constant 0 : i32
      %dma_start3A_56 = arith.constant 0 : i32
      %dma_start3A_57 = tpu.memref_slice %arg7[%dma_start3A, %dma_start3A_56] : memref<40x128xi32, #tpu.memory_space<vmem>> -> memref<1x128xi32, #tpu.memory_space<vmem>>
      %dma_start3A_58 = tpu.memref_squeeze %dma_start3A_57 : memref<1x128xi32, #tpu.memory_space<vmem>> -> memref<128xi32, #tpu.memory_space<vmem>>
      %dma_start3A_59 = arith.constant 0 : i32
      %dma_start3A_60 = arith.constant 0 : i32
      %dma_start3A_61 = tpu.memref_slice %arg3[%dma_start3A_59, %dma_start3A_60] : memref<10240x128xf32, #tpu.memory_space<hbm>> -> memref<10240x128xf32, #tpu.memory_space<hbm>>
      tpu.enqueue_indirect_dma source(%dma_start3A_61 : memref<10240x128xf32, #tpu.memory_space<hbm>>) target(%arg9 : memref<128x128xf32, #tpu.memory_space<vmem>>) offsets(%dma_start3A_58 : memref<128xi32, #tpu.memory_space<vmem>>) semaphore(%arg12 : memref<!tpu.dma_semaphore, #tpu.memory_space<semaphore_mem>>)
      %while3A_62 = arith.constant 0 : i32
      %while3A_63 = arith.constant 0 : i32
      %while3A_64 = arith.constant 20 : i32
      %while3A_65 = arith.subi %while3A_64, %while3A_63 : i32
      %while3A_66 = arith.addi %while3A_63, %while3A_65 : i32
      %while3A_67 = arith.constant 1 : i32
      %while3A_68 = arith.divsi %while3A_65, %while3A_67 : i32
      %while3A_69 = arith.muli %while3A_68, %while3A_67 : i32
      %while3A_70 = arith.addi %while3A_63, %while3A_69 : i32
      %while3A_71 = arith.constant 1 : i32
      scf.for %while3A_108 = %while3A_63 to %while3A_70 step %while3A_71  : i32 {
        %mul3A_109 = arith.constant 2 : i32
        %mul3A_110 = arith.muli %mul3A_109, %while3A_108 : i32
        %add3A_111 = arith.constant 1 : i32
        %add3A_112 = arith.addi %mul3A_110, %add3A_111 : i32
        %add3A_113 = arith.constant 2 : i32
        %add3A_114 = arith.addi %mul3A_110, %add3A_113 : i32
        %min3A = arith.constant 39 : i32
        %min3A_115 = arith.minsi %add3A_114, %min3A : i32
        %dma_wait3A_116 = arith.constant 0 : i32
        %dma_wait3A_117 = tpu.memref_slice %arg7[%mul3A_110, %dma_wait3A_116] : memref<40x128xi32, #tpu.memory_space<vmem>> -> memref<1x128xi32, #tpu.memory_space<vmem>>
        %dma_wait3A_118 = tpu.memref_squeeze %dma_wait3A_117 : memref<1x128xi32, #tpu.memory_space<vmem>> -> memref<128xi32, #tpu.memory_space<vmem>>
        %dma_wait3A_119 = arith.constant 0 : i32
        %dma_wait3A_120 = arith.constant 0 : i32
        %dma_wait3A_121 = tpu.memref_slice %arg3[%dma_wait3A_119, %dma_wait3A_120] : memref<10240x128xf32, #tpu.memory_space<hbm>> -> memref<10240x128xf32, #tpu.memory_space<hbm>>
        tpu.wait_indirect_dma semaphore(%arg12 : memref<!tpu.dma_semaphore, #tpu.memory_space<semaphore_mem>>) src(%dma_wait3A_121 : memref<10240x128xf32, #tpu.memory_space<hbm>>) dst(%arg9 : memref<128x128xf32, #tpu.memory_space<vmem>>)
        %dma_start3A_122 = arith.constant 0 : i32
        %dma_start3A_123 = tpu.memref_slice %arg7[%add3A_112, %dma_start3A_122] : memref<40x128xi32, #tpu.memory_space<vmem>> -> memref<1x128xi32, #tpu.memory_space<vmem>>
        %dma_start3A_124 = tpu.memref_squeeze %dma_start3A_123 : memref<1x128xi32, #tpu.memory_space<vmem>> -> memref<128xi32, #tpu.memory_space<vmem>>
        %dma_start3A_125 = arith.constant 0 : i32
        %dma_start3A_126 = arith.constant 0 : i32
        %dma_start3A_127 = tpu.memref_slice %arg3[%dma_start3A_125, %dma_start3A_126] : memref<10240x128xf32, #tpu.memory_space<hbm>> -> memref<10240x128xf32, #tpu.memory_space<hbm>>
        tpu.enqueue_indirect_dma source(%dma_start3A_127 : memref<10240x128xf32, #tpu.memory_space<hbm>>) target(%arg10 : memref<128x128xf32, #tpu.memory_space<vmem>>) offsets(%dma_start3A_124 : memref<128xi32, #tpu.memory_space<vmem>>) semaphore(%arg13 : memref<!tpu.dma_semaphore, #tpu.memory_space<semaphore_mem>>)
        "tpu.region"() ({
          %run_scoped3A = tpu.sem_alloc : memref<!tpu.dma_semaphore, #tpu.memory_space<semaphore_mem>>
          %dma_start3A_140 = arith.constant 0 : i32
          %dma_start3A_141 = tpu.memref_slice %arg8[%mul3A_110, %dma_start3A_140] : memref<40x128xi32, #tpu.memory_space<vmem>> -> memref<1x128xi32, #tpu.memory_space<vmem>>
          %dma_start3A_142 = tpu.memref_squeeze %dma_start3A_141 : memref<1x128xi32, #tpu.memory_space<vmem>> -> memref<128xi32, #tpu.memory_space<vmem>>
          %dma_start3A_143 = arith.constant 0 : i32
          %dma_start3A_144 = arith.constant 0 : i32
          %dma_start3A_145 = tpu.memref_slice %arg11[%dma_start3A_143, %dma_start3A_144] : memref<10240x128xf32, #tpu.memory_space<vmem_shared>> -> memref<10240x128xf32, #tpu.memory_space<vmem_shared>>
          tpu.enqueue_indirect_dma source(%arg9 : memref<128x128xf32, #tpu.memory_space<vmem>>) target(%dma_start3A_145 : memref<10240x128xf32, #tpu.memory_space<vmem_shared>>) offsets(%dma_start3A_142 : memref<128xi32, #tpu.memory_space<vmem>>) semaphore(%run_scoped3A : memref<!tpu.dma_semaphore, #tpu.memory_space<semaphore_mem>>) {add = true}
          %dma_wait3A_146 = arith.constant 0 : i32
          %dma_wait3A_147 = tpu.memref_slice %arg8[%mul3A_110, %dma_wait3A_146] : memref<40x128xi32, #tpu.memory_space<vmem>> -> memref<1x128xi32, #tpu.memory_space<vmem>>
          %dma_wait3A_148 = tpu.memref_squeeze %dma_wait3A_147 : memref<1x128xi32, #tpu.memory_space<vmem>> -> memref<128xi32, #tpu.memory_space<vmem>>
          %dma_wait3A_149 = arith.constant 0 : i32
          %dma_wait3A_150 = arith.constant 0 : i32
          %dma_wait3A_151 = tpu.memref_slice %arg11[%dma_wait3A_149, %dma_wait3A_150] : memref<10240x128xf32, #tpu.memory_space<vmem_shared>> -> memref<10240x128xf32, #tpu.memory_space<vmem_shared>>
          tpu.wait_indirect_dma semaphore(%run_scoped3A : memref<!tpu.dma_semaphore, #tpu.memory_space<semaphore_mem>>) src(%arg9 : memref<128x128xf32, #tpu.memory_space<vmem>>) dst(%dma_wait3A_151 : memref<10240x128xf32, #tpu.memory_space<vmem_shared>>)
          tpu.yield
        }) : () -> ()
        %dma_wait3A_128 = arith.constant 0 : i32
        %dma_wait3A_129 = tpu.memref_slice %arg7[%add3A_112, %dma_wait3A_128] : memref<40x128xi32, #tpu.memory_space<vmem>> -> memref<1x128xi32, #tpu.memory_space<vmem>>
        %dma_wait3A_130 = tpu.memref_squeeze %dma_wait3A_129 : memref<1x128xi32, #tpu.memory_space<vmem>> -> memref<128xi32, #tpu.memory_space<vmem>>
        %dma_wait3A_131 = arith.constant 0 : i32
        %dma_wait3A_132 = arith.constant 0 : i32
        %dma_wait3A_133 = tpu.memref_slice %arg3[%dma_wait3A_131, %dma_wait3A_132] : memref<10240x128xf32, #tpu.memory_space<hbm>> -> memref<10240x128xf32, #tpu.memory_space<hbm>>
        tpu.wait_indirect_dma semaphore(%arg13 : memref<!tpu.dma_semaphore, #tpu.memory_space<semaphore_mem>>) src(%dma_wait3A_133 : memref<10240x128xf32, #tpu.memory_space<hbm>>) dst(%arg10 : memref<128x128xf32, #tpu.memory_space<vmem>>)
        %dma_start3A_134 = arith.constant 0 : i32
        %dma_start3A_135 = tpu.memref_slice %arg7[%min3A_115, %dma_start3A_134] : memref<40x128xi32, #tpu.memory_space<vmem>> -> memref<1x128xi32, #tpu.memory_space<vmem>>
        %dma_start3A_136 = tpu.memref_squeeze %dma_start3A_135 : memref<1x128xi32, #tpu.memory_space<vmem>> -> memref<128xi32, #tpu.memory_space<vmem>>
        %dma_start3A_137 = arith.constant 0 : i32
        %dma_start3A_138 = arith.constant 0 : i32
        %dma_start3A_139 = tpu.memref_slice %arg3[%dma_start3A_137, %dma_start3A_138] : memref<10240x128xf32, #tpu.memory_space<hbm>> -> memref<10240x128xf32, #tpu.memory_space<hbm>>
        tpu.enqueue_indirect_dma source(%dma_start3A_139 : memref<10240x128xf32, #tpu.memory_space<hbm>>) target(%arg9 : memref<128x128xf32, #tpu.memory_space<vmem>>) offsets(%dma_start3A_136 : memref<128xi32, #tpu.memory_space<vmem>>) semaphore(%arg12 : memref<!tpu.dma_semaphore, #tpu.memory_space<semaphore_mem>>)
        "tpu.region"() ({
          %run_scoped3A = tpu.sem_alloc : memref<!tpu.dma_semaphore, #tpu.memory_space<semaphore_mem>>
          %dma_start3A_140 = arith.constant 0 : i32
          %dma_start3A_141 = tpu.memref_slice %arg8[%add3A_112, %dma_start3A_140] : memref<40x128xi32, #tpu.memory_space<vmem>> -> memref<1x128xi32, #tpu.memory_space<vmem>>
          %dma_start3A_142 = tpu.memref_squeeze %dma_start3A_141 : memref<1x128xi32, #tpu.memory_space<vmem>> -> memref<128xi32, #tpu.memory_space<vmem>>
          %dma_start3A_143 = arith.constant 0 : i32
          %dma_start3A_144 = arith.constant 0 : i32
          %dma_start3A_145 = tpu.memref_slice %arg11[%dma_start3A_143, %dma_start3A_144] : memref<10240x128xf32, #tpu.memory_space<vmem_shared>> -> memref<10240x128xf32, #tpu.memory_space<vmem_shared>>
          tpu.enqueue_indirect_dma source(%arg10 : memref<128x128xf32, #tpu.memory_space<vmem>>) target(%dma_start3A_145 : memref<10240x128xf32, #tpu.memory_space<vmem_shared>>) offsets(%dma_start3A_142 : memref<128xi32, #tpu.memory_space<vmem>>) semaphore(%run_scoped3A : memref<!tpu.dma_semaphore, #tpu.memory_space<semaphore_mem>>) {add = true}
          %dma_wait3A_146 = arith.constant 0 : i32
          %dma_wait3A_147 = tpu.memref_slice %arg8[%add3A_112, %dma_wait3A_146] : memref<40x128xi32, #tpu.memory_space<vmem>> -> memref<1x128xi32, #tpu.memory_space<vmem>>
          %dma_wait3A_148 = tpu.memref_squeeze %dma_wait3A_147 : memref<1x128xi32, #tpu.memory_space<vmem>> -> memref<128xi32, #tpu.memory_space<vmem>>
          %dma_wait3A_149 = arith.constant 0 : i32
          %dma_wait3A_150 = arith.constant 0 : i32
          %dma_wait3A_151 = tpu.memref_slice %arg11[%dma_wait3A_149, %dma_wait3A_150] : memref<10240x128xf32, #tpu.memory_space<vmem_shared>> -> memref<10240x128xf32, #tpu.memory_space<vmem_shared>>
          tpu.wait_indirect_dma semaphore(%run_scoped3A : memref<!tpu.dma_semaphore, #tpu.memory_space<semaphore_mem>>) src(%arg10 : memref<128x128xf32, #tpu.memory_space<vmem>>) dst(%dma_wait3A_151 : memref<10240x128xf32, #tpu.memory_space<vmem_shared>>)
          tpu.yield
        }) : () -> ()
      }
      %while3A_72 = arith.constant 1 : i32
      scf.for %while3A_108 = %while3A_70 to %while3A_66 step %while3A_72  : i32 {
        %mul3A_109 = arith.constant 2 : i32
        %mul3A_110 = arith.muli %mul3A_109, %while3A_108 : i32
        %add3A_111 = arith.constant 1 : i32
        %add3A_112 = arith.addi %mul3A_110, %add3A_111 : i32
        %add3A_113 = arith.constant 2 : i32
        %add3A_114 = arith.addi %mul3A_110, %add3A_113 : i32
        %min3A = arith.constant 39 : i32
        %min3A_115 = arith.minsi %add3A_114, %min3A : i32
        %dma_wait3A_116 = arith.constant 0 : i32
        %dma_wait3A_117 = tpu.memref_slice %arg7[%mul3A_110, %dma_wait3A_116] : memref<40x128xi32, #tpu.memory_space<vmem>> -> memref<1x128xi32, #tpu.memory_space<vmem>>
        %dma_wait3A_118 = tpu.memref_squeeze %dma_wait3A_117 : memref<1x128xi32, #tpu.memory_space<vmem>> -> memref<128xi32, #tpu.memory_space<vmem>>
        %dma_wait3A_119 = arith.constant 0 : i32
        %dma_wait3A_120 = arith.constant 0 : i32
        %dma_wait3A_121 = tpu.memref_slice %arg3[%dma_wait3A_119, %dma_wait3A_120] : memref<10240x128xf32, #tpu.memory_space<hbm>> -> memref<10240x128xf32, #tpu.memory_space<hbm>>
        tpu.wait_indirect_dma semaphore(%arg12 : memref<!tpu.dma_semaphore, #tpu.memory_space<semaphore_mem>>) src(%dma_wait3A_121 : memref<10240x128xf32, #tpu.memory_space<hbm>>) dst(%arg9 : memref<128x128xf32, #tpu.memory_space<vmem>>)
        %dma_start3A_122 = arith.constant 0 : i32
        %dma_start3A_123 = tpu.memref_slice %arg7[%add3A_112, %dma_start3A_122] : memref<40x128xi32, #tpu.memory_space<vmem>> -> memref<1x128xi32, #tpu.memory_space<vmem>>
        %dma_start3A_124 = tpu.memref_squeeze %dma_start3A_123 : memref<1x128xi32, #tpu.memory_space<vmem>> -> memref<128xi32, #tpu.memory_space<vmem>>
        %dma_start3A_125 = arith.constant 0 : i32
        %dma_start3A_126 = arith.constant 0 : i32
        %dma_start3A_127 = tpu.memref_slice %arg3[%dma_start3A_125, %dma_start3A_126] : memref<10240x128xf32, #tpu.memory_space<hbm>> -> memref<10240x128xf32, #tpu.memory_space<hbm>>
        tpu.enqueue_indirect_dma source(%dma_start3A_127 : memref<10240x128xf32, #tpu.memory_space<hbm>>) target(%arg10 : memref<128x128xf32, #tpu.memory_space<vmem>>) offsets(%dma_start3A_124 : memref<128xi32, #tpu.memory_space<vmem>>) semaphore(%arg13 : memref<!tpu.dma_semaphore, #tpu.memory_space<semaphore_mem>>)
        "tpu.region"() ({
          %run_scoped3A = tpu.sem_alloc : memref<!tpu.dma_semaphore, #tpu.memory_space<semaphore_mem>>
          %dma_start3A_140 = arith.constant 0 : i32
          %dma_start3A_141 = tpu.memref_slice %arg8[%mul3A_110, %dma_start3A_140] : memref<40x128xi32, #tpu.memory_space<vmem>> -> memref<1x128xi32, #tpu.memory_space<vmem>>
          %dma_start3A_142 = tpu.memref_squeeze %dma_start3A_141 : memref<1x128xi32, #tpu.memory_space<vmem>> -> memref<128xi32, #tpu.memory_space<vmem>>
          %dma_start3A_143 = arith.constant 0 : i32
          %dma_start3A_144 = arith.constant 0 : i32
          %dma_start3A_145 = tpu.memref_slice %arg11[%dma_start3A_143, %dma_start3A_144] : memref<10240x128xf32, #tpu.memory_space<vmem_shared>> -> memref<10240x128xf32, #tpu.memory_space<vmem_shared>>
          tpu.enqueue_indirect_dma source(%arg9 : memref<128x128xf32, #tpu.memory_space<vmem>>) target(%dma_start3A_145 : memref<10240x128xf32, #tpu.memory_space<vmem_shared>>) offsets(%dma_start3A_142 : memref<128xi32, #tpu.memory_space<vmem>>) semaphore(%run_scoped3A : memref<!tpu.dma_semaphore, #tpu.memory_space<semaphore_mem>>) {add = true}
          %dma_wait3A_146 = arith.constant 0 : i32
          %dma_wait3A_147 = tpu.memref_slice %arg8[%mul3A_110, %dma_wait3A_146] : memref<40x128xi32, #tpu.memory_space<vmem>> -> memref<1x128xi32, #tpu.memory_space<vmem>>
          %dma_wait3A_148 = tpu.memref_squeeze %dma_wait3A_147 : memref<1x128xi32, #tpu.memory_space<vmem>> -> memref<128xi32, #tpu.memory_space<vmem>>
          %dma_wait3A_149 = arith.constant 0 : i32
          %dma_wait3A_150 = arith.constant 0 : i32
          %dma_wait3A_151 = tpu.memref_slice %arg11[%dma_wait3A_149, %dma_wait3A_150] : memref<10240x128xf32, #tpu.memory_space<vmem_shared>> -> memref<10240x128xf32, #tpu.memory_space<vmem_shared>>
          tpu.wait_indirect_dma semaphore(%run_scoped3A : memref<!tpu.dma_semaphore, #tpu.memory_space<semaphore_mem>>) src(%arg9 : memref<128x128xf32, #tpu.memory_space<vmem>>) dst(%dma_wait3A_151 : memref<10240x128xf32, #tpu.memory_space<vmem_shared>>)
          tpu.yield
        }) : () -> ()
        %dma_wait3A_128 = arith.constant 0 : i32
        %dma_wait3A_129 = tpu.memref_slice %arg7[%add3A_112, %dma_wait3A_128] : memref<40x128xi32, #tpu.memory_space<vmem>> -> memref<1x128xi32, #tpu.memory_space<vmem>>
        %dma_wait3A_130 = tpu.memref_squeeze %dma_wait3A_129 : memref<1x128xi32, #tpu.memory_space<vmem>> -> memref<128xi32, #tpu.memory_space<vmem>>
        %dma_wait3A_131 = arith.constant 0 : i32
        %dma_wait3A_132 = arith.constant 0 : i32
        %dma_wait3A_133 = tpu.memref_slice %arg3[%dma_wait3A_131, %dma_wait3A_132] : memref<10240x128xf32, #tpu.memory_space<hbm>> -> memref<10240x128xf32, #tpu.memory_space<hbm>>
        tpu.wait_indirect_dma semaphore(%arg13 : memref<!tpu.dma_semaphore, #tpu.memory_space<semaphore_mem>>) src(%dma_wait3A_133 : memref<10240x128xf32, #tpu.memory_space<hbm>>) dst(%arg10 : memref<128x128xf32, #tpu.memory_space<vmem>>)
        %dma_start3A_134 = arith.constant 0 : i32
        %dma_start3A_135 = tpu.memref_slice %arg7[%min3A_115, %dma_start3A_134] : memref<40x128xi32, #tpu.memory_space<vmem>> -> memref<1x128xi32, #tpu.memory_space<vmem>>
        %dma_start3A_136 = tpu.memref_squeeze %dma_start3A_135 : memref<1x128xi32, #tpu.memory_space<vmem>> -> memref<128xi32, #tpu.memory_space<vmem>>
        %dma_start3A_137 = arith.constant 0 : i32
        %dma_start3A_138 = arith.constant 0 : i32
        %dma_start3A_139 = tpu.memref_slice %arg3[%dma_start3A_137, %dma_start3A_138] : memref<10240x128xf32, #tpu.memory_space<hbm>> -> memref<10240x128xf32, #tpu.memory_space<hbm>>
        tpu.enqueue_indirect_dma source(%dma_start3A_139 : memref<10240x128xf32, #tpu.memory_space<hbm>>) target(%arg9 : memref<128x128xf32, #tpu.memory_space<vmem>>) offsets(%dma_start3A_136 : memref<128xi32, #tpu.memory_space<vmem>>) semaphore(%arg12 : memref<!tpu.dma_semaphore, #tpu.memory_space<semaphore_mem>>)
        "tpu.region"() ({
          %run_scoped3A = tpu.sem_alloc : memref<!tpu.dma_semaphore, #tpu.memory_space<semaphore_mem>>
          %dma_start3A_140 = arith.constant 0 : i32
          %dma_start3A_141 = tpu.memref_slice %arg8[%add3A_112, %dma_start3A_140] : memref<40x128xi32, #tpu.memory_space<vmem>> -> memref<1x128xi32, #tpu.memory_space<vmem>>
          %dma_start3A_142 = tpu.memref_squeeze %dma_start3A_141 : memref<1x128xi32, #tpu.memory_space<vmem>> -> memref<128xi32, #tpu.memory_space<vmem>>
          %dma_start3A_143 = arith.constant 0 : i32
          %dma_start3A_144 = arith.constant 0 : i32
          %dma_start3A_145 = tpu.memref_slice %arg11[%dma_start3A_143, %dma_start3A_144] : memref<10240x128xf32, #tpu.memory_space<vmem_shared>> -> memref<10240x128xf32, #tpu.memory_space<vmem_shared>>
          tpu.enqueue_indirect_dma source(%arg10 : memref<128x128xf32, #tpu.memory_space<vmem>>) target(%dma_start3A_145 : memref<10240x128xf32, #tpu.memory_space<vmem_shared>>) offsets(%dma_start3A_142 : memref<128xi32, #tpu.memory_space<vmem>>) semaphore(%run_scoped3A : memref<!tpu.dma_semaphore, #tpu.memory_space<semaphore_mem>>) {add = true}
          %dma_wait3A_146 = arith.constant 0 : i32
          %dma_wait3A_147 = tpu.memref_slice %arg8[%add3A_112, %dma_wait3A_146] : memref<40x128xi32, #tpu.memory_space<vmem>> -> memref<1x128xi32, #tpu.memory_space<vmem>>
          %dma_wait3A_148 = tpu.memref_squeeze %dma_wait3A_147 : memref<1x128xi32, #tpu.memory_space<vmem>> -> memref<128xi32, #tpu.memory_space<vmem>>
          %dma_wait3A_149 = arith.constant 0 : i32
          %dma_wait3A_150 = arith.constant 0 : i32
          %dma_wait3A_151 = tpu.memref_slice %arg11[%dma_wait3A_149, %dma_wait3A_150] : memref<10240x128xf32, #tpu.memory_space<vmem_shared>> -> memref<10240x128xf32, #tpu.memory_space<vmem_shared>>
          tpu.wait_indirect_dma semaphore(%run_scoped3A : memref<!tpu.dma_semaphore, #tpu.memory_space<semaphore_mem>>) src(%arg10 : memref<128x128xf32, #tpu.memory_space<vmem>>) dst(%dma_wait3A_151 : memref<10240x128xf32, #tpu.memory_space<vmem_shared>>)
          tpu.yield
        }) : () -> ()
      }
      %dma_wait3A = arith.constant 39 : i32
      %dma_wait3A_73 = arith.constant 0 : i32
      %dma_wait3A_74 = tpu.memref_slice %arg7[%dma_wait3A, %dma_wait3A_73] : memref<40x128xi32, #tpu.memory_space<vmem>> -> memref<1x128xi32, #tpu.memory_space<vmem>>
      %dma_wait3A_75 = tpu.memref_squeeze %dma_wait3A_74 : memref<1x128xi32, #tpu.memory_space<vmem>> -> memref<128xi32, #tpu.memory_space<vmem>>
      %dma_wait3A_76 = arith.constant 0 : i32
      %dma_wait3A_77 = arith.constant 0 : i32
      %dma_wait3A_78 = tpu.memref_slice %arg3[%dma_wait3A_76, %dma_wait3A_77] : memref<10240x128xf32, #tpu.memory_space<hbm>> -> memref<10240x128xf32, #tpu.memory_space<hbm>>
      tpu.wait_indirect_dma semaphore(%arg12 : memref<!tpu.dma_semaphore, #tpu.memory_space<semaphore_mem>>) src(%dma_wait3A_78 : memref<10240x128xf32, #tpu.memory_space<hbm>>) dst(%arg9 : memref<128x128xf32, #tpu.memory_space<vmem>>)
      %mul3A_79 = arith.constant 80 : i32
      %mul3A_80 = arith.muli %arg1, %mul3A_79 : i32
      %add3A_81 = arith.constant 40 : i32
      %add3A_82 = arith.addi %mul3A_80, %add3A_81 : i32
      "tpu.region"() ({
        %run_scoped3A = tpu.sem_alloc : memref<!tpu.dma_semaphore, #tpu.memory_space<semaphore_mem>>
        %dma_start3A_108 = arith.constant 0 : i32
        %dma_start3A_109 = tpu.memref_slice %arg4[%add3A_82, %dma_start3A_108] : memref<1280x128xi32, #tpu.memory_space<hbm>> -> memref<40x128xi32, #tpu.memory_space<hbm>>
        %dma_start3A_110 = arith.constant 0 : i32
        %dma_start3A_111 = tpu.memref_slice %arg4[%add3A_82, %dma_start3A_110] : memref<1280x128xi32, #tpu.memory_space<hbm>> -> memref<40x128xi32, #tpu.memory_space<hbm>>
        tpu.enqueue_dma source(%dma_start3A_111 : memref<40x128xi32, #tpu.memory_space<hbm>>) target(%arg7 : memref<40x128xi32, #tpu.memory_space<vmem>>) target_semaphore(%run_scoped3A : memref<!tpu.dma_semaphore, #tpu.memory_space<semaphore_mem>>)
        %dma_wait3A_112 = arith.constant 0 : i32
        %dma_wait3A_113 = tpu.memref_slice %arg4[%add3A_82, %dma_wait3A_112] : memref<1280x128xi32, #tpu.memory_space<hbm>> -> memref<40x128xi32, #tpu.memory_space<hbm>>
        %dma_wait3A_114 = arith.constant 0 : i32
        %dma_wait3A_115 = tpu.memref_slice %arg4[%add3A_82, %dma_wait3A_114] : memref<1280x128xi32, #tpu.memory_space<hbm>> -> memref<40x128xi32, #tpu.memory_space<hbm>>
        tpu.wait_dma2 semaphore(%run_scoped3A : memref<!tpu.dma_semaphore, #tpu.memory_space<semaphore_mem>>) src(%dma_wait3A_115 : memref<40x128xi32, #tpu.memory_space<hbm>>) dst(%arg7 : memref<40x128xi32, #tpu.memory_space<vmem>>)
        tpu.yield
      }) : () -> ()
      "tpu.region"() ({
        %run_scoped3A = tpu.sem_alloc : memref<!tpu.dma_semaphore, #tpu.memory_space<semaphore_mem>>
        %dma_start3A_108 = arith.constant 0 : i32
        %dma_start3A_109 = tpu.memref_slice %arg5[%add3A_82, %dma_start3A_108] : memref<1280x128xi32, #tpu.memory_space<hbm>> -> memref<40x128xi32, #tpu.memory_space<hbm>>
        %dma_start3A_110 = arith.constant 0 : i32
        %dma_start3A_111 = tpu.memref_slice %arg5[%add3A_82, %dma_start3A_110] : memref<1280x128xi32, #tpu.memory_space<hbm>> -> memref<40x128xi32, #tpu.memory_space<hbm>>
        tpu.enqueue_dma source(%dma_start3A_111 : memref<40x128xi32, #tpu.memory_space<hbm>>) target(%arg8 : memref<40x128xi32, #tpu.memory_space<vmem>>) target_semaphore(%run_scoped3A : memref<!tpu.dma_semaphore, #tpu.memory_space<semaphore_mem>>)
        %dma_wait3A_112 = arith.constant 0 : i32
        %dma_wait3A_113 = tpu.memref_slice %arg5[%add3A_82, %dma_wait3A_112] : memref<1280x128xi32, #tpu.memory_space<hbm>> -> memref<40x128xi32, #tpu.memory_space<hbm>>
        %dma_wait3A_114 = arith.constant 0 : i32
        %dma_wait3A_115 = tpu.memref_slice %arg5[%add3A_82, %dma_wait3A_114] : memref<1280x128xi32, #tpu.memory_space<hbm>> -> memref<40x128xi32, #tpu.memory_space<hbm>>
        tpu.wait_dma2 semaphore(%run_scoped3A : memref<!tpu.dma_semaphore, #tpu.memory_space<semaphore_mem>>) src(%dma_wait3A_115 : memref<40x128xi32, #tpu.memory_space<hbm>>) dst(%arg8 : memref<40x128xi32, #tpu.memory_space<vmem>>)
        tpu.yield
      }) : () -> ()
      %dma_start3A_83 = arith.constant 0 : i32
      %dma_start3A_84 = arith.constant 0 : i32
      %dma_start3A_85 = tpu.memref_slice %arg7[%dma_start3A_83, %dma_start3A_84] : memref<40x128xi32, #tpu.memory_space<vmem>> -> memref<1x128xi32, #tpu.memory_space<vmem>>
      %dma_start3A_86 = tpu.memref_squeeze %dma_start3A_85 : memref<1x128xi32, #tpu.memory_space<vmem>> -> memref<128xi32, #tpu.memory_space<vmem>>
      %dma_start3A_87 = arith.constant 0 : i32
      %dma_start3A_88 = arith.constant 0 : i32
      %dma_start3A_89 = tpu.memref_slice %arg3[%dma_start3A_87, %dma_start3A_88] : memref<10240x128xf32, #tpu.memory_space<hbm>> -> memref<10240x128xf32, #tpu.memory_space<hbm>>
      tpu.enqueue_indirect_dma source(%dma_start3A_89 : memref<10240x128xf32, #tpu.memory_space<hbm>>) target(%arg9 : memref<128x128xf32, #tpu.memory_space<vmem>>) offsets(%dma_start3A_86 : memref<128xi32, #tpu.memory_space<vmem>>) semaphore(%arg12 : memref<!tpu.dma_semaphore, #tpu.memory_space<semaphore_mem>>)
      %while3A_90 = arith.constant 0 : i32
      %while3A_91 = arith.constant 0 : i32
      %while3A_92 = arith.constant 20 : i32
      %while3A_93 = arith.subi %while3A_92, %while3A_91 : i32
      %while3A_94 = arith.addi %while3A_91, %while3A_93 : i32
      %while3A_95 = arith.constant 1 : i32
      %while3A_96 = arith.divsi %while3A_93, %while3A_95 : i32
      %while3A_97 = arith.muli %while3A_96, %while3A_95 : i32
      %while3A_98 = arith.addi %while3A_91, %while3A_97 : i32
      %while3A_99 = arith.constant 1 : i32
      scf.for %while3A_108 = %while3A_91 to %while3A_98 step %while3A_99  : i32 {
        %mul3A_109 = arith.constant 2 : i32
        %mul3A_110 = arith.muli %mul3A_109, %while3A_108 : i32
        %add3A_111 = arith.constant 1 : i32
        %add3A_112 = arith.addi %mul3A_110, %add3A_111 : i32
        %add3A_113 = arith.constant 2 : i32
        %add3A_114 = arith.addi %mul3A_110, %add3A_113 : i32
        %min3A = arith.constant 39 : i32
        %min3A_115 = arith.minsi %add3A_114, %min3A : i32
        %dma_wait3A_116 = arith.constant 0 : i32
        %dma_wait3A_117 = tpu.memref_slice %arg7[%mul3A_110, %dma_wait3A_116] : memref<40x128xi32, #tpu.memory_space<vmem>> -> memref<1x128xi32, #tpu.memory_space<vmem>>
        %dma_wait3A_118 = tpu.memref_squeeze %dma_wait3A_117 : memref<1x128xi32, #tpu.memory_space<vmem>> -> memref<128xi32, #tpu.memory_space<vmem>>
        %dma_wait3A_119 = arith.constant 0 : i32
        %dma_wait3A_120 = arith.constant 0 : i32
        %dma_wait3A_121 = tpu.memref_slice %arg3[%dma_wait3A_119, %dma_wait3A_120] : memref<10240x128xf32, #tpu.memory_space<hbm>> -> memref<10240x128xf32, #tpu.memory_space<hbm>>
        tpu.wait_indirect_dma semaphore(%arg12 : memref<!tpu.dma_semaphore, #tpu.memory_space<semaphore_mem>>) src(%dma_wait3A_121 : memref<10240x128xf32, #tpu.memory_space<hbm>>) dst(%arg9 : memref<128x128xf32, #tpu.memory_space<vmem>>)
        %dma_start3A_122 = arith.constant 0 : i32
        %dma_start3A_123 = tpu.memref_slice %arg7[%add3A_112, %dma_start3A_122] : memref<40x128xi32, #tpu.memory_space<vmem>> -> memref<1x128xi32, #tpu.memory_space<vmem>>
        %dma_start3A_124 = tpu.memref_squeeze %dma_start3A_123 : memref<1x128xi32, #tpu.memory_space<vmem>> -> memref<128xi32, #tpu.memory_space<vmem>>
        %dma_start3A_125 = arith.constant 0 : i32
        %dma_start3A_126 = arith.constant 0 : i32
        %dma_start3A_127 = tpu.memref_slice %arg3[%dma_start3A_125, %dma_start3A_126] : memref<10240x128xf32, #tpu.memory_space<hbm>> -> memref<10240x128xf32, #tpu.memory_space<hbm>>
        tpu.enqueue_indirect_dma source(%dma_start3A_127 : memref<10240x128xf32, #tpu.memory_space<hbm>>) target(%arg10 : memref<128x128xf32, #tpu.memory_space<vmem>>) offsets(%dma_start3A_124 : memref<128xi32, #tpu.memory_space<vmem>>) semaphore(%arg13 : memref<!tpu.dma_semaphore, #tpu.memory_space<semaphore_mem>>)
        "tpu.region"() ({
          %run_scoped3A = tpu.sem_alloc : memref<!tpu.dma_semaphore, #tpu.memory_space<semaphore_mem>>
          %dma_start3A_140 = arith.constant 0 : i32
          %dma_start3A_141 = tpu.memref_slice %arg8[%mul3A_110, %dma_start3A_140] : memref<40x128xi32, #tpu.memory_space<vmem>> -> memref<1x128xi32, #tpu.memory_space<vmem>>
          %dma_start3A_142 = tpu.memref_squeeze %dma_start3A_141 : memref<1x128xi32, #tpu.memory_space<vmem>> -> memref<128xi32, #tpu.memory_space<vmem>>
          %dma_start3A_143 = arith.constant 0 : i32
          %dma_start3A_144 = arith.constant 0 : i32
          %dma_start3A_145 = tpu.memref_slice %arg11[%dma_start3A_143, %dma_start3A_144] : memref<10240x128xf32, #tpu.memory_space<vmem_shared>> -> memref<10240x128xf32, #tpu.memory_space<vmem_shared>>
          tpu.enqueue_indirect_dma source(%arg9 : memref<128x128xf32, #tpu.memory_space<vmem>>) target(%dma_start3A_145 : memref<10240x128xf32, #tpu.memory_space<vmem_shared>>) offsets(%dma_start3A_142 : memref<128xi32, #tpu.memory_space<vmem>>) semaphore(%run_scoped3A : memref<!tpu.dma_semaphore, #tpu.memory_space<semaphore_mem>>) {add = true}
          %dma_wait3A_146 = arith.constant 0 : i32
          %dma_wait3A_147 = tpu.memref_slice %arg8[%mul3A_110, %dma_wait3A_146] : memref<40x128xi32, #tpu.memory_space<vmem>> -> memref<1x128xi32, #tpu.memory_space<vmem>>
          %dma_wait3A_148 = tpu.memref_squeeze %dma_wait3A_147 : memref<1x128xi32, #tpu.memory_space<vmem>> -> memref<128xi32, #tpu.memory_space<vmem>>
          %dma_wait3A_149 = arith.constant 0 : i32
          %dma_wait3A_150 = arith.constant 0 : i32
          %dma_wait3A_151 = tpu.memref_slice %arg11[%dma_wait3A_149, %dma_wait3A_150] : memref<10240x128xf32, #tpu.memory_space<vmem_shared>> -> memref<10240x128xf32, #tpu.memory_space<vmem_shared>>
          tpu.wait_indirect_dma semaphore(%run_scoped3A : memref<!tpu.dma_semaphore, #tpu.memory_space<semaphore_mem>>) src(%arg9 : memref<128x128xf32, #tpu.memory_space<vmem>>) dst(%dma_wait3A_151 : memref<10240x128xf32, #tpu.memory_space<vmem_shared>>)
          tpu.yield
        }) : () -> ()
        %dma_wait3A_128 = arith.constant 0 : i32
        %dma_wait3A_129 = tpu.memref_slice %arg7[%add3A_112, %dma_wait3A_128] : memref<40x128xi32, #tpu.memory_space<vmem>> -> memref<1x128xi32, #tpu.memory_space<vmem>>
        %dma_wait3A_130 = tpu.memref_squeeze %dma_wait3A_129 : memref<1x128xi32, #tpu.memory_space<vmem>> -> memref<128xi32, #tpu.memory_space<vmem>>
        %dma_wait3A_131 = arith.constant 0 : i32
        %dma_wait3A_132 = arith.constant 0 : i32
        %dma_wait3A_133 = tpu.memref_slice %arg3[%dma_wait3A_131, %dma_wait3A_132] : memref<10240x128xf32, #tpu.memory_space<hbm>> -> memref<10240x128xf32, #tpu.memory_space<hbm>>
        tpu.wait_indirect_dma semaphore(%arg13 : memref<!tpu.dma_semaphore, #tpu.memory_space<semaphore_mem>>) src(%dma_wait3A_133 : memref<10240x128xf32, #tpu.memory_space<hbm>>) dst(%arg10 : memref<128x128xf32, #tpu.memory_space<vmem>>)
        %dma_start3A_134 = arith.constant 0 : i32
        %dma_start3A_135 = tpu.memref_slice %arg7[%min3A_115, %dma_start3A_134] : memref<40x128xi32, #tpu.memory_space<vmem>> -> memref<1x128xi32, #tpu.memory_space<vmem>>
        %dma_start3A_136 = tpu.memref_squeeze %dma_start3A_135 : memref<1x128xi32, #tpu.memory_space<vmem>> -> memref<128xi32, #tpu.memory_space<vmem>>
        %dma_start3A_137 = arith.constant 0 : i32
        %dma_start3A_138 = arith.constant 0 : i32
        %dma_start3A_139 = tpu.memref_slice %arg3[%dma_start3A_137, %dma_start3A_138] : memref<10240x128xf32, #tpu.memory_space<hbm>> -> memref<10240x128xf32, #tpu.memory_space<hbm>>
        tpu.enqueue_indirect_dma source(%dma_start3A_139 : memref<10240x128xf32, #tpu.memory_space<hbm>>) target(%arg9 : memref<128x128xf32, #tpu.memory_space<vmem>>) offsets(%dma_start3A_136 : memref<128xi32, #tpu.memory_space<vmem>>) semaphore(%arg12 : memref<!tpu.dma_semaphore, #tpu.memory_space<semaphore_mem>>)
        "tpu.region"() ({
          %run_scoped3A = tpu.sem_alloc : memref<!tpu.dma_semaphore, #tpu.memory_space<semaphore_mem>>
          %dma_start3A_140 = arith.constant 0 : i32
          %dma_start3A_141 = tpu.memref_slice %arg8[%add3A_112, %dma_start3A_140] : memref<40x128xi32, #tpu.memory_space<vmem>> -> memref<1x128xi32, #tpu.memory_space<vmem>>
          %dma_start3A_142 = tpu.memref_squeeze %dma_start3A_141 : memref<1x128xi32, #tpu.memory_space<vmem>> -> memref<128xi32, #tpu.memory_space<vmem>>
          %dma_start3A_143 = arith.constant 0 : i32
          %dma_start3A_144 = arith.constant 0 : i32
          %dma_start3A_145 = tpu.memref_slice %arg11[%dma_start3A_143, %dma_start3A_144] : memref<10240x128xf32, #tpu.memory_space<vmem_shared>> -> memref<10240x128xf32, #tpu.memory_space<vmem_shared>>
          tpu.enqueue_indirect_dma source(%arg10 : memref<128x128xf32, #tpu.memory_space<vmem>>) target(%dma_start3A_145 : memref<10240x128xf32, #tpu.memory_space<vmem_shared>>) offsets(%dma_start3A_142 : memref<128xi32, #tpu.memory_space<vmem>>) semaphore(%run_scoped3A : memref<!tpu.dma_semaphore, #tpu.memory_space<semaphore_mem>>) {add = true}
          %dma_wait3A_146 = arith.constant 0 : i32
          %dma_wait3A_147 = tpu.memref_slice %arg8[%add3A_112, %dma_wait3A_146] : memref<40x128xi32, #tpu.memory_space<vmem>> -> memref<1x128xi32, #tpu.memory_space<vmem>>
          %dma_wait3A_148 = tpu.memref_squeeze %dma_wait3A_147 : memref<1x128xi32, #tpu.memory_space<vmem>> -> memref<128xi32, #tpu.memory_space<vmem>>
          %dma_wait3A_149 = arith.constant 0 : i32
          %dma_wait3A_150 = arith.constant 0 : i32
          %dma_wait3A_151 = tpu.memref_slice %arg11[%dma_wait3A_149, %dma_wait3A_150] : memref<10240x128xf32, #tpu.memory_space<vmem_shared>> -> memref<10240x128xf32, #tpu.memory_space<vmem_shared>>
          tpu.wait_indirect_dma semaphore(%run_scoped3A : memref<!tpu.dma_semaphore, #tpu.memory_space<semaphore_mem>>) src(%arg10 : memref<128x128xf32, #tpu.memory_space<vmem>>) dst(%dma_wait3A_151 : memref<10240x128xf32, #tpu.memory_space<vmem_shared>>)
          tpu.yield
        }) : () -> ()
      }
      %while3A_100 = arith.constant 1 : i32
      scf.for %while3A_108 = %while3A_98 to %while3A_94 step %while3A_100  : i32 {
        %mul3A_109 = arith.constant 2 : i32
        %mul3A_110 = arith.muli %mul3A_109, %while3A_108 : i32
        %add3A_111 = arith.constant 1 : i32
        %add3A_112 = arith.addi %mul3A_110, %add3A_111 : i32
        %add3A_113 = arith.constant 2 : i32
        %add3A_114 = arith.addi %mul3A_110, %add3A_113 : i32
        %min3A = arith.constant 39 : i32
        %min3A_115 = arith.minsi %add3A_114, %min3A : i32
        %dma_wait3A_116 = arith.constant 0 : i32
        %dma_wait3A_117 = tpu.memref_slice %arg7[%mul3A_110, %dma_wait3A_116] : memref<40x128xi32, #tpu.memory_space<vmem>> -> memref<1x128xi32, #tpu.memory_space<vmem>>
        %dma_wait3A_118 = tpu.memref_squeeze %dma_wait3A_117 : memref<1x128xi32, #tpu.memory_space<vmem>> -> memref<128xi32, #tpu.memory_space<vmem>>
        %dma_wait3A_119 = arith.constant 0 : i32
        %dma_wait3A_120 = arith.constant 0 : i32
        %dma_wait3A_121 = tpu.memref_slice %arg3[%dma_wait3A_119, %dma_wait3A_120] : memref<10240x128xf32, #tpu.memory_space<hbm>> -> memref<10240x128xf32, #tpu.memory_space<hbm>>
        tpu.wait_indirect_dma semaphore(%arg12 : memref<!tpu.dma_semaphore, #tpu.memory_space<semaphore_mem>>) src(%dma_wait3A_121 : memref<10240x128xf32, #tpu.memory_space<hbm>>) dst(%arg9 : memref<128x128xf32, #tpu.memory_space<vmem>>)
        %dma_start3A_122 = arith.constant 0 : i32
        %dma_start3A_123 = tpu.memref_slice %arg7[%add3A_112, %dma_start3A_122] : memref<40x128xi32, #tpu.memory_space<vmem>> -> memref<1x128xi32, #tpu.memory_space<vmem>>
        %dma_start3A_124 = tpu.memref_squeeze %dma_start3A_123 : memref<1x128xi32, #tpu.memory_space<vmem>> -> memref<128xi32, #tpu.memory_space<vmem>>
        %dma_start3A_125 = arith.constant 0 : i32
        %dma_start3A_126 = arith.constant 0 : i32
        %dma_start3A_127 = tpu.memref_slice %arg3[%dma_start3A_125, %dma_start3A_126] : memref<10240x128xf32, #tpu.memory_space<hbm>> -> memref<10240x128xf32, #tpu.memory_space<hbm>>
        tpu.enqueue_indirect_dma source(%dma_start3A_127 : memref<10240x128xf32, #tpu.memory_space<hbm>>) target(%arg10 : memref<128x128xf32, #tpu.memory_space<vmem>>) offsets(%dma_start3A_124 : memref<128xi32, #tpu.memory_space<vmem>>) semaphore(%arg13 : memref<!tpu.dma_semaphore, #tpu.memory_space<semaphore_mem>>)
        "tpu.region"() ({
          %run_scoped3A = tpu.sem_alloc : memref<!tpu.dma_semaphore, #tpu.memory_space<semaphore_mem>>
          %dma_start3A_140 = arith.constant 0 : i32
          %dma_start3A_141 = tpu.memref_slice %arg8[%mul3A_110, %dma_start3A_140] : memref<40x128xi32, #tpu.memory_space<vmem>> -> memref<1x128xi32, #tpu.memory_space<vmem>>
          %dma_start3A_142 = tpu.memref_squeeze %dma_start3A_141 : memref<1x128xi32, #tpu.memory_space<vmem>> -> memref<128xi32, #tpu.memory_space<vmem>>
          %dma_start3A_143 = arith.constant 0 : i32
          %dma_start3A_144 = arith.constant 0 : i32
          %dma_start3A_145 = tpu.memref_slice %arg11[%dma_start3A_143, %dma_start3A_144] : memref<10240x128xf32, #tpu.memory_space<vmem_shared>> -> memref<10240x128xf32, #tpu.memory_space<vmem_shared>>
          tpu.enqueue_indirect_dma source(%arg9 : memref<128x128xf32, #tpu.memory_space<vmem>>) target(%dma_start3A_145 : memref<10240x128xf32, #tpu.memory_space<vmem_shared>>) offsets(%dma_start3A_142 : memref<128xi32, #tpu.memory_space<vmem>>) semaphore(%run_scoped3A : memref<!tpu.dma_semaphore, #tpu.memory_space<semaphore_mem>>) {add = true}
          %dma_wait3A_146 = arith.constant 0 : i32
          %dma_wait3A_147 = tpu.memref_slice %arg8[%mul3A_110, %dma_wait3A_146] : memref<40x128xi32, #tpu.memory_space<vmem>> -> memref<1x128xi32, #tpu.memory_space<vmem>>
          %dma_wait3A_148 = tpu.memref_squeeze %dma_wait3A_147 : memref<1x128xi32, #tpu.memory_space<vmem>> -> memref<128xi32, #tpu.memory_space<vmem>>
          %dma_wait3A_149 = arith.constant 0 : i32
          %dma_wait3A_150 = arith.constant 0 : i32
          %dma_wait3A_151 = tpu.memref_slice %arg11[%dma_wait3A_149, %dma_wait3A_150] : memref<10240x128xf32, #tpu.memory_space<vmem_shared>> -> memref<10240x128xf32, #tpu.memory_space<vmem_shared>>
          tpu.wait_indirect_dma semaphore(%run_scoped3A : memref<!tpu.dma_semaphore, #tpu.memory_space<semaphore_mem>>) src(%arg9 : memref<128x128xf32, #tpu.memory_space<vmem>>) dst(%dma_wait3A_151 : memref<10240x128xf32, #tpu.memory_space<vmem_shared>>)
          tpu.yield
        }) : () -> ()
        %dma_wait3A_128 = arith.constant 0 : i32
        %dma_wait3A_129 = tpu.memref_slice %arg7[%add3A_112, %dma_wait3A_128] : memref<40x128xi32, #tpu.memory_space<vmem>> -> memref<1x128xi32, #tpu.memory_space<vmem>>
        %dma_wait3A_130 = tpu.memref_squeeze %dma_wait3A_129 : memref<1x128xi32, #tpu.memory_space<vmem>> -> memref<128xi32, #tpu.memory_space<vmem>>
        %dma_wait3A_131 = arith.constant 0 : i32
        %dma_wait3A_132 = arith.constant 0 : i32
        %dma_wait3A_133 = tpu.memref_slice %arg3[%dma_wait3A_131, %dma_wait3A_132] : memref<10240x128xf32, #tpu.memory_space<hbm>> -> memref<10240x128xf32, #tpu.memory_space<hbm>>
        tpu.wait_indirect_dma semaphore(%arg13 : memref<!tpu.dma_semaphore, #tpu.memory_space<semaphore_mem>>) src(%dma_wait3A_133 : memref<10240x128xf32, #tpu.memory_space<hbm>>) dst(%arg10 : memref<128x128xf32, #tpu.memory_space<vmem>>)
        %dma_start3A_134 = arith.constant 0 : i32
        %dma_start3A_135 = tpu.memref_slice %arg7[%min3A_115, %dma_start3A_134] : memref<40x128xi32, #tpu.memory_space<vmem>> -> memref<1x128xi32, #tpu.memory_space<vmem>>
        %dma_start3A_136 = tpu.memref_squeeze %dma_start3A_135 : memref<1x128xi32, #tpu.memory_space<vmem>> -> memref<128xi32, #tpu.memory_space<vmem>>
        %dma_start3A_137 = arith.constant 0 : i32
        %dma_start3A_138 = arith.constant 0 : i32
        %dma_start3A_139 = tpu.memref_slice %arg3[%dma_start3A_137, %dma_start3A_138] : memref<10240x128xf32, #tpu.memory_space<hbm>> -> memref<10240x128xf32, #tpu.memory_space<hbm>>
        tpu.enqueue_indirect_dma source(%dma_start3A_139 : memref<10240x128xf32, #tpu.memory_space<hbm>>) target(%arg9 : memref<128x128xf32, #tpu.memory_space<vmem>>) offsets(%dma_start3A_136 : memref<128xi32, #tpu.memory_space<vmem>>) semaphore(%arg12 : memref<!tpu.dma_semaphore, #tpu.memory_space<semaphore_mem>>)
        "tpu.region"() ({
          %run_scoped3A = tpu.sem_alloc : memref<!tpu.dma_semaphore, #tpu.memory_space<semaphore_mem>>
          %dma_start3A_140 = arith.constant 0 : i32
          %dma_start3A_141 = tpu.memref_slice %arg8[%add3A_112, %dma_start3A_140] : memref<40x128xi32, #tpu.memory_space<vmem>> -> memref<1x128xi32, #tpu.memory_space<vmem>>
          %dma_start3A_142 = tpu.memref_squeeze %dma_start3A_141 : memref<1x128xi32, #tpu.memory_space<vmem>> -> memref<128xi32, #tpu.memory_space<vmem>>
          %dma_start3A_143 = arith.constant 0 : i32
          %dma_start3A_144 = arith.constant 0 : i32
          %dma_start3A_145 = tpu.memref_slice %arg11[%dma_start3A_143, %dma_start3A_144] : memref<10240x128xf32, #tpu.memory_space<vmem_shared>> -> memref<10240x128xf32, #tpu.memory_space<vmem_shared>>
          tpu.enqueue_indirect_dma source(%arg10 : memref<128x128xf32, #tpu.memory_space<vmem>>) target(%dma_start3A_145 : memref<10240x128xf32, #tpu.memory_space<vmem_shared>>) offsets(%dma_start3A_142 : memref<128xi32, #tpu.memory_space<vmem>>) semaphore(%run_scoped3A : memref<!tpu.dma_semaphore, #tpu.memory_space<semaphore_mem>>) {add = true}
          %dma_wait3A_146 = arith.constant 0 : i32
          %dma_wait3A_147 = tpu.memref_slice %arg8[%add3A_112, %dma_wait3A_146] : memref<40x128xi32, #tpu.memory_space<vmem>> -> memref<1x128xi32, #tpu.memory_space<vmem>>
          %dma_wait3A_148 = tpu.memref_squeeze %dma_wait3A_147 : memref<1x128xi32, #tpu.memory_space<vmem>> -> memref<128xi32, #tpu.memory_space<vmem>>
          %dma_wait3A_149 = arith.constant 0 : i32
          %dma_wait3A_150 = arith.constant 0 : i32
          %dma_wait3A_151 = tpu.memref_slice %arg11[%dma_wait3A_149, %dma_wait3A_150] : memref<10240x128xf32, #tpu.memory_space<vmem_shared>> -> memref<10240x128xf32, #tpu.memory_space<vmem_shared>>
          tpu.wait_indirect_dma semaphore(%run_scoped3A : memref<!tpu.dma_semaphore, #tpu.memory_space<semaphore_mem>>) src(%arg10 : memref<128x128xf32, #tpu.memory_space<vmem>>) dst(%dma_wait3A_151 : memref<10240x128xf32, #tpu.memory_space<vmem_shared>>)
          tpu.yield
        }) : () -> ()
      }
      %dma_wait3A_101 = arith.constant 39 : i32
      %dma_wait3A_102 = arith.constant 0 : i32
      %dma_wait3A_103 = tpu.memref_slice %arg7[%dma_wait3A_101, %dma_wait3A_102] : memref<40x128xi32, #tpu.memory_space<vmem>> -> memref<1x128xi32, #tpu.memory_space<vmem>>
      %dma_wait3A_104 = tpu.memref_squeeze %dma_wait3A_103 : memref<1x128xi32, #tpu.memory_space<vmem>> -> memref<128xi32, #tpu.memory_space<vmem>>
      %dma_wait3A_105 = arith.constant 0 : i32
      %dma_wait3A_106 = arith.constant 0 : i32
      %dma_wait3A_107 = tpu.memref_slice %arg3[%dma_wait3A_105, %dma_wait3A_106] : memref<10240x128xf32, #tpu.memory_space<hbm>> -> memref<10240x128xf32, #tpu.memory_space<hbm>>
      tpu.wait_indirect_dma semaphore(%arg12 : memref<!tpu.dma_semaphore, #tpu.memory_space<semaphore_mem>>) src(%dma_wait3A_107 : memref<10240x128xf32, #tpu.memory_space<hbm>>) dst(%arg9 : memref<128x128xf32, #tpu.memory_space<vmem>>)
    } else {
    }
    %barrier3A_28 = arith.constant 0 : index
    tpu.barrier barrier_id(%barrier3A_28)
    %mul3A_29 = arith.constant 10240 : i32
    %mul3A_30 = arith.muli %arg0, %mul3A_29 : i32
    %add3A_31 = arith.addi %mul3A_30, %mul3A_11 : i32
    %add3A_32 = arith.constant 0 : i32
    %add3A_33 = arith.addi %mul3A_11, %add3A_32 : i32
    %add3A_34 = arith.constant 0 : i32
    %add3A_35 = arith.addi %add3A_31, %add3A_34 : i32
    "tpu.region"() ({
      %run_scoped3A = tpu.sem_alloc : memref<!tpu.dma_semaphore, #tpu.memory_space<semaphore_mem>>
      %dma_start3A = arith.constant 0 : i32
      %dma_start3A_52 = tpu.memref_slice %arg6[%add3A_35, %dma_start3A] : memref<20480x128xf32, #tpu.memory_space<hbm>> -> memref<128x128xf32, #tpu.memory_space<hbm>>
      %dma_start3A_53 = arith.constant 0 : i32
      %dma_start3A_54 = tpu.memref_slice %arg11[%add3A_33, %dma_start3A_53] : memref<10240x128xf32, #tpu.memory_space<vmem_shared>> -> memref<128x128xf32, #tpu.memory_space<vmem_shared>>
      tpu.enqueue_dma source(%dma_start3A_54 : memref<128x128xf32, #tpu.memory_space<vmem_shared>>) target(%dma_start3A_52 : memref<128x128xf32, #tpu.memory_space<hbm>>) target_semaphore(%run_scoped3A : memref<!tpu.dma_semaphore, #tpu.memory_space<semaphore_mem>>)
      %dma_wait3A = arith.constant 0 : i32
      %dma_wait3A_55 = tpu.memref_slice %arg6[%add3A_35, %dma_wait3A] : memref<20480x128xf32, #tpu.memory_space<hbm>> -> memref<128x128xf32, #tpu.memory_space<hbm>>
      %dma_wait3A_56 = arith.constant 0 : i32
      %dma_wait3A_57 = tpu.memref_slice %arg11[%add3A_33, %dma_wait3A_56] : memref<10240x128xf32, #tpu.memory_space<vmem_shared>> -> memref<128x128xf32, #tpu.memory_space<vmem_shared>>
      tpu.wait_dma2 semaphore(%run_scoped3A : memref<!tpu.dma_semaphore, #tpu.memory_space<semaphore_mem>>) src(%dma_wait3A_57 : memref<128x128xf32, #tpu.memory_space<vmem_shared>>) dst(%dma_wait3A_55 : memref<128x128xf32, #tpu.memory_space<hbm>>)
      tpu.yield
    }) : () -> ()
    %add3A_36 = arith.constant 128 : i32
    %add3A_37 = arith.addi %mul3A_11, %add3A_36 : i32
    %add3A_38 = arith.constant 128 : i32
    %add3A_39 = arith.addi %add3A_31, %add3A_38 : i32
    "tpu.region"() ({
      %run_scoped3A = tpu.sem_alloc : memref<!tpu.dma_semaphore, #tpu.memory_space<semaphore_mem>>
      %dma_start3A = arith.constant 0 : i32
      %dma_start3A_52 = tpu.memref_slice %arg6[%add3A_39, %dma_start3A] : memref<20480x128xf32, #tpu.memory_space<hbm>> -> memref<128x128xf32, #tpu.memory_space<hbm>>
      %dma_start3A_53 = arith.constant 0 : i32
      %dma_start3A_54 = tpu.memref_slice %arg11[%add3A_37, %dma_start3A_53] : memref<10240x128xf32, #tpu.memory_space<vmem_shared>> -> memref<128x128xf32, #tpu.memory_space<vmem_shared>>
      tpu.enqueue_dma source(%dma_start3A_54 : memref<128x128xf32, #tpu.memory_space<vmem_shared>>) target(%dma_start3A_52 : memref<128x128xf32, #tpu.memory_space<hbm>>) target_semaphore(%run_scoped3A : memref<!tpu.dma_semaphore, #tpu.memory_space<semaphore_mem>>)
      %dma_wait3A = arith.constant 0 : i32
      %dma_wait3A_55 = tpu.memref_slice %arg6[%add3A_39, %dma_wait3A] : memref<20480x128xf32, #tpu.memory_space<hbm>> -> memref<128x128xf32, #tpu.memory_space<hbm>>
      %dma_wait3A_56 = arith.constant 0 : i32
      %dma_wait3A_57 = tpu.memref_slice %arg11[%add3A_37, %dma_wait3A_56] : memref<10240x128xf32, #tpu.memory_space<vmem_shared>> -> memref<128x128xf32, #tpu.memory_space<vmem_shared>>
      tpu.wait_dma2 semaphore(%run_scoped3A : memref<!tpu.dma_semaphore, #tpu.memory_space<semaphore_mem>>) src(%dma_wait3A_57 : memref<128x128xf32, #tpu.memory_space<vmem_shared>>) dst(%dma_wait3A_55 : memref<128x128xf32, #tpu.memory_space<hbm>>)
      tpu.yield
    }) : () -> ()
    %add3A_40 = arith.constant 256 : i32
    %add3A_41 = arith.addi %mul3A_11, %add3A_40 : i32
    %add3A_42 = arith.constant 256 : i32
    %add3A_43 = arith.addi %add3A_31, %add3A_42 : i32
    "tpu.region"() ({
      %run_scoped3A = tpu.sem_alloc : memref<!tpu.dma_semaphore, #tpu.memory_space<semaphore_mem>>
      %dma_start3A = arith.constant 0 : i32
      %dma_start3A_52 = tpu.memref_slice %arg6[%add3A_43, %dma_start3A] : memref<20480x128xf32, #tpu.memory_space<hbm>> -> memref<128x128xf32, #tpu.memory_space<hbm>>
      %dma_start3A_53 = arith.constant 0 : i32
      %dma_start3A_54 = tpu.memref_slice %arg11[%add3A_41, %dma_start3A_53] : memref<10240x128xf32, #tpu.memory_space<vmem_shared>> -> memref<128x128xf32, #tpu.memory_space<vmem_shared>>
      tpu.enqueue_dma source(%dma_start3A_54 : memref<128x128xf32, #tpu.memory_space<vmem_shared>>) target(%dma_start3A_52 : memref<128x128xf32, #tpu.memory_space<hbm>>) target_semaphore(%run_scoped3A : memref<!tpu.dma_semaphore, #tpu.memory_space<semaphore_mem>>)
      %dma_wait3A = arith.constant 0 : i32
      %dma_wait3A_55 = tpu.memref_slice %arg6[%add3A_43, %dma_wait3A] : memref<20480x128xf32, #tpu.memory_space<hbm>> -> memref<128x128xf32, #tpu.memory_space<hbm>>
      %dma_wait3A_56 = arith.constant 0 : i32
      %dma_wait3A_57 = tpu.memref_slice %arg11[%add3A_41, %dma_wait3A_56] : memref<10240x128xf32, #tpu.memory_space<vmem_shared>> -> memref<128x128xf32, #tpu.memory_space<vmem_shared>>
      tpu.wait_dma2 semaphore(%run_scoped3A : memref<!tpu.dma_semaphore, #tpu.memory_space<semaphore_mem>>) src(%dma_wait3A_57 : memref<128x128xf32, #tpu.memory_space<vmem_shared>>) dst(%dma_wait3A_55 : memref<128x128xf32, #tpu.memory_space<hbm>>)
      tpu.yield
    }) : () -> ()
    %add3A_44 = arith.constant 384 : i32
    %add3A_45 = arith.addi %mul3A_11, %add3A_44 : i32
    %add3A_46 = arith.constant 384 : i32
    %add3A_47 = arith.addi %add3A_31, %add3A_46 : i32
    "tpu.region"() ({
      %run_scoped3A = tpu.sem_alloc : memref<!tpu.dma_semaphore, #tpu.memory_space<semaphore_mem>>
      %dma_start3A = arith.constant 0 : i32
      %dma_start3A_52 = tpu.memref_slice %arg6[%add3A_47, %dma_start3A] : memref<20480x128xf32, #tpu.memory_space<hbm>> -> memref<128x128xf32, #tpu.memory_space<hbm>>
      %dma_start3A_53 = arith.constant 0 : i32
      %dma_start3A_54 = tpu.memref_slice %arg11[%add3A_45, %dma_start3A_53] : memref<10240x128xf32, #tpu.memory_space<vmem_shared>> -> memref<128x128xf32, #tpu.memory_space<vmem_shared>>
      tpu.enqueue_dma source(%dma_start3A_54 : memref<128x128xf32, #tpu.memory_space<vmem_shared>>) target(%dma_start3A_52 : memref<128x128xf32, #tpu.memory_space<hbm>>) target_semaphore(%run_scoped3A : memref<!tpu.dma_semaphore, #tpu.memory_space<semaphore_mem>>)
      %dma_wait3A = arith.constant 0 : i32
      %dma_wait3A_55 = tpu.memref_slice %arg6[%add3A_47, %dma_wait3A] : memref<20480x128xf32, #tpu.memory_space<hbm>> -> memref<128x128xf32, #tpu.memory_space<hbm>>
      %dma_wait3A_56 = arith.constant 0 : i32
      %dma_wait3A_57 = tpu.memref_slice %arg11[%add3A_45, %dma_wait3A_56] : memref<10240x128xf32, #tpu.memory_space<vmem_shared>> -> memref<128x128xf32, #tpu.memory_space<vmem_shared>>
      tpu.wait_dma2 semaphore(%run_scoped3A : memref<!tpu.dma_semaphore, #tpu.memory_space<semaphore_mem>>) src(%dma_wait3A_57 : memref<128x128xf32, #tpu.memory_space<vmem_shared>>) dst(%dma_wait3A_55 : memref<128x128xf32, #tpu.memory_space<hbm>>)
      tpu.yield
    }) : () -> ()
    %add3A_48 = arith.constant 512 : i32
    %add3A_49 = arith.addi %mul3A_11, %add3A_48 : i32
    %add3A_50 = arith.constant 512 : i32
    %add3A_51 = arith.addi %add3A_31, %add3A_50 : i32
    "tpu.region"() ({
      %run_scoped3A = tpu.sem_alloc : memref<!tpu.dma_semaphore, #tpu.memory_space<semaphore_mem>>
      %dma_start3A = arith.constant 0 : i32
      %dma_start3A_52 = tpu.memref_slice %arg6[%add3A_51, %dma_start3A] : memref<20480x128xf32, #tpu.memory_space<hbm>> -> memref<128x128xf32, #tpu.memory_space<hbm>>
      %dma_start3A_53 = arith.constant 0 : i32
      %dma_start3A_54 = tpu.memref_slice %arg11[%add3A_49, %dma_start3A_53] : memref<10240x128xf32, #tpu.memory_space<vmem_shared>> -> memref<128x128xf32, #tpu.memory_space<vmem_shared>>
      tpu.enqueue_dma source(%dma_start3A_54 : memref<128x128xf32, #tpu.memory_space<vmem_shared>>) target(%dma_start3A_52 : memref<128x128xf32, #tpu.memory_space<hbm>>) target_semaphore(%run_scoped3A : memref<!tpu.dma_semaphore, #tpu.memory_space<semaphore_mem>>)
      %dma_wait3A = arith.constant 0 : i32
      %dma_wait3A_55 = tpu.memref_slice %arg6[%add3A_51, %dma_wait3A] : memref<20480x128xf32, #tpu.memory_space<hbm>> -> memref<128x128xf32, #tpu.memory_space<hbm>>
      %dma_wait3A_56 = arith.constant 0 : i32
      %dma_wait3A_57 = tpu.memref_slice %arg11[%add3A_49, %dma_wait3A_56] : memref<10240x128xf32, #tpu.memory_space<vmem_shared>> -> memref<128x128xf32, #tpu.memory_space<vmem_shared>>
      tpu.wait_dma2 semaphore(%run_scoped3A : memref<!tpu.dma_semaphore, #tpu.memory_space<semaphore_mem>>) src(%dma_wait3A_57 : memref<128x128xf32, #tpu.memory_space<vmem_shared>>) dst(%dma_wait3A_55 : memref<128x128xf32, #tpu.memory_space<hbm>>)
      tpu.yield
    }) : () -> ()
    return
  }
}

#map = affine_map<(d0, d1) -> (0, 0)>
module attributes {stable_mosaic.version = 14 : i64} {
  func.func @k(%arg0: i32, %arg1: i32, %arg2: memref<1280x128xi32, #tpu.memory_space<hbm>>, %arg3: memref<20480x128xf32, #tpu.memory_space<hbm>>, %arg4: memref<80x128xi32, #tpu.memory_space<vmem>>, %arg5: memref<128x128xf32, #tpu.memory_space<vmem>>, %arg6: memref<10240x128xf32, #tpu.memory_space<vmem_shared>>) attributes {dimension_semantics = [#tpu.dimension_semantics<core_parallel>, #tpu.dimension_semantics<subcore_parallel>], iteration_bounds = array<i64: 2, 16>, scalar_prefetch = 0 : i64, scratch_operands = 3 : i64, tpu.core_type = #tpu.core_type<sc_vector_subcore>, window_params = [{transform_indices = #map}, {transform_indices = #map}]} {
    %mul3A = arith.constant 80 : i32
    %mul3A_0 = arith.muli %arg1, %mul3A : i32
    "tpu.region"() ({
      %run_scoped3A = tpu.sem_alloc : memref<!tpu.dma_semaphore, #tpu.memory_space<semaphore_mem>>
      %dma_start3A = arith.constant 0 : i32
      %dma_start3A_71 = tpu.memref_slice %arg2[%mul3A_0, %dma_start3A] : memref<1280x128xi32, #tpu.memory_space<hbm>> -> memref<80x128xi32, #tpu.memory_space<hbm>>
      %dma_start3A_72 = arith.constant 0 : i32
      %dma_start3A_73 = tpu.memref_slice %arg2[%mul3A_0, %dma_start3A_72] : memref<1280x128xi32, #tpu.memory_space<hbm>> -> memref<80x128xi32, #tpu.memory_space<hbm>>
      tpu.enqueue_dma source(%dma_start3A_73 : memref<80x128xi32, #tpu.memory_space<hbm>>) target(%arg4 : memref<80x128xi32, #tpu.memory_space<vmem>>) target_semaphore(%run_scoped3A : memref<!tpu.dma_semaphore, #tpu.memory_space<semaphore_mem>>)
      %dma_wait3A = arith.constant 0 : i32
      %dma_wait3A_74 = tpu.memref_slice %arg2[%mul3A_0, %dma_wait3A] : memref<1280x128xi32, #tpu.memory_space<hbm>> -> memref<80x128xi32, #tpu.memory_space<hbm>>
      %dma_wait3A_75 = arith.constant 0 : i32
      %dma_wait3A_76 = tpu.memref_slice %arg2[%mul3A_0, %dma_wait3A_75] : memref<1280x128xi32, #tpu.memory_space<hbm>> -> memref<80x128xi32, #tpu.memory_space<hbm>>
      tpu.wait_dma2 semaphore(%run_scoped3A : memref<!tpu.dma_semaphore, #tpu.memory_space<semaphore_mem>>) src(%dma_wait3A_76 : memref<80x128xi32, #tpu.memory_space<hbm>>) dst(%arg4 : memref<80x128xi32, #tpu.memory_space<vmem>>)
      tpu.yield
    }) : () -> ()
    %broadcast_in_dim3A = arith.constant 0.000000e+00 : f32
    %broadcast_in_dim3A_1 = vector.broadcast %broadcast_in_dim3A : f32 to vector<16xf32>
    %while3A = arith.constant 0 : i32
    %while3A_2 = arith.constant 0 : i32
    %while3A_3 = arith.constant 128 : i32
    %while3A_4 = arith.subi %while3A_3, %while3A_2 : i32
    %while3A_5 = arith.addi %while3A_2, %while3A_4 : i32
    %while3A_6 = arith.constant 1 : i32
    %while3A_7 = arith.divsi %while3A_4, %while3A_6 : i32
    %while3A_8 = arith.muli %while3A_7, %while3A_6 : i32
    %while3A_9 = arith.addi %while3A_2, %while3A_8 : i32
    %while3A_10 = arith.constant 1 : i32
    scf.for %while3A_71 = %while3A_2 to %while3A_9 step %while3A_10  : i32 {
      %swap3A = arith.index_cast %while3A_71 : i32 to index
      %swap3A_72 = arith.constant 0 : index
      %swap3A_73 = tpu.vector_load %arg5[%swap3A, %swap3A_72] {strides = array<i32>} : memref<128x128xf32, #tpu.memory_space<vmem>>, vector<1x16xf32>,
      %swap3A_74 = vector.shape_cast %swap3A_73 : vector<1x16xf32> to vector<16xf32>
      %swap3A_75 = vector.shape_cast %broadcast_in_dim3A_1 : vector<16xf32> to vector<1x16xf32>
      tpu.vector_store %arg5[%swap3A, %swap3A_72], %swap3A_75 {strides = array<i32>} : memref<128x128xf32, #tpu.memory_space<vmem>>, vector<1x16xf32>,
      %swap3A_76 = arith.index_cast %while3A_71 : i32 to index
      %swap3A_77 = arith.constant 16 : index
      %swap3A_78 = tpu.vector_load %arg5[%swap3A_76, %swap3A_77] {strides = array<i32>} : memref<128x128xf32, #tpu.memory_space<vmem>>, vector<1x16xf32>,
      %swap3A_79 = vector.shape_cast %swap3A_78 : vector<1x16xf32> to vector<16xf32>
      %swap3A_80 = vector.shape_cast %broadcast_in_dim3A_1 : vector<16xf32> to vector<1x16xf32>
      tpu.vector_store %arg5[%swap3A_76, %swap3A_77], %swap3A_80 {strides = array<i32>} : memref<128x128xf32, #tpu.memory_space<vmem>>, vector<1x16xf32>,
      %swap3A_81 = arith.index_cast %while3A_71 : i32 to index
      %swap3A_82 = arith.constant 32 : index
      %swap3A_83 = tpu.vector_load %arg5[%swap3A_81, %swap3A_82] {strides = array<i32>} : memref<128x128xf32, #tpu.memory_space<vmem>>, vector<1x16xf32>,
      %swap3A_84 = vector.shape_cast %swap3A_83 : vector<1x16xf32> to vector<16xf32>
      %swap3A_85 = vector.shape_cast %broadcast_in_dim3A_1 : vector<16xf32> to vector<1x16xf32>
      tpu.vector_store %arg5[%swap3A_81, %swap3A_82], %swap3A_85 {strides = array<i32>} : memref<128x128xf32, #tpu.memory_space<vmem>>, vector<1x16xf32>,
      %swap3A_86 = arith.index_cast %while3A_71 : i32 to index
      %swap3A_87 = arith.constant 48 : index
      %swap3A_88 = tpu.vector_load %arg5[%swap3A_86, %swap3A_87] {strides = array<i32>} : memref<128x128xf32, #tpu.memory_space<vmem>>, vector<1x16xf32>,
      %swap3A_89 = vector.shape_cast %swap3A_88 : vector<1x16xf32> to vector<16xf32>
      %swap3A_90 = vector.shape_cast %broadcast_in_dim3A_1 : vector<16xf32> to vector<1x16xf32>
      tpu.vector_store %arg5[%swap3A_86, %swap3A_87], %swap3A_90 {strides = array<i32>} : memref<128x128xf32, #tpu.memory_space<vmem>>, vector<1x16xf32>,
      %swap3A_91 = arith.index_cast %while3A_71 : i32 to index
      %swap3A_92 = arith.constant 64 : index
      %swap3A_93 = tpu.vector_load %arg5[%swap3A_91, %swap3A_92] {strides = array<i32>} : memref<128x128xf32, #tpu.memory_space<vmem>>, vector<1x16xf32>,
      %swap3A_94 = vector.shape_cast %swap3A_93 : vector<1x16xf32> to vector<16xf32>
      %swap3A_95 = vector.shape_cast %broadcast_in_dim3A_1 : vector<16xf32> to vector<1x16xf32>
      tpu.vector_store %arg5[%swap3A_91, %swap3A_92], %swap3A_95 {strides = array<i32>} : memref<128x128xf32, #tpu.memory_space<vmem>>, vector<1x16xf32>,
      %swap3A_96 = arith.index_cast %while3A_71 : i32 to index
      %swap3A_97 = arith.constant 80 : index
      %swap3A_98 = tpu.vector_load %arg5[%swap3A_96, %swap3A_97] {strides = array<i32>} : memref<128x128xf32, #tpu.memory_space<vmem>>, vector<1x16xf32>,
      %swap3A_99 = vector.shape_cast %swap3A_98 : vector<1x16xf32> to vector<16xf32>
      %swap3A_100 = vector.shape_cast %broadcast_in_dim3A_1 : vector<16xf32> to vector<1x16xf32>
      tpu.vector_store %arg5[%swap3A_96, %swap3A_97], %swap3A_100 {strides = array<i32>} : memref<128x128xf32, #tpu.memory_space<vmem>>, vector<1x16xf32>,
      %swap3A_101 = arith.index_cast %while3A_71 : i32 to index
      %swap3A_102 = arith.constant 96 : index
      %swap3A_103 = tpu.vector_load %arg5[%swap3A_101, %swap3A_102] {strides = array<i32>} : memref<128x128xf32, #tpu.memory_space<vmem>>, vector<1x16xf32>,
      %swap3A_104 = vector.shape_cast %swap3A_103 : vector<1x16xf32> to vector<16xf32>
      %swap3A_105 = vector.shape_cast %broadcast_in_dim3A_1 : vector<16xf32> to vector<1x16xf32>
      tpu.vector_store %arg5[%swap3A_101, %swap3A_102], %swap3A_105 {strides = array<i32>} : memref<128x128xf32, #tpu.memory_space<vmem>>, vector<1x16xf32>,
      %swap3A_106 = arith.index_cast %while3A_71 : i32 to index
      %swap3A_107 = arith.constant 112 : index
      %swap3A_108 = tpu.vector_load %arg5[%swap3A_106, %swap3A_107] {strides = array<i32>} : memref<128x128xf32, #tpu.memory_space<vmem>>, vector<1x16xf32>,
      %swap3A_109 = vector.shape_cast %swap3A_108 : vector<1x16xf32> to vector<16xf32>
      %swap3A_110 = vector.shape_cast %broadcast_in_dim3A_1 : vector<16xf32> to vector<1x16xf32>
      tpu.vector_store %arg5[%swap3A_106, %swap3A_107], %swap3A_110 {strides = array<i32>} : memref<128x128xf32, #tpu.memory_space<vmem>>, vector<1x16xf32>,
    }
    %while3A_11 = arith.constant 1 : i32
    scf.for %while3A_71 = %while3A_9 to %while3A_5 step %while3A_11  : i32 {
      %swap3A = arith.index_cast %while3A_71 : i32 to index
      %swap3A_72 = arith.constant 0 : index
      %swap3A_73 = tpu.vector_load %arg5[%swap3A, %swap3A_72] {strides = array<i32>} : memref<128x128xf32, #tpu.memory_space<vmem>>, vector<1x16xf32>,
      %swap3A_74 = vector.shape_cast %swap3A_73 : vector<1x16xf32> to vector<16xf32>
      %swap3A_75 = vector.shape_cast %broadcast_in_dim3A_1 : vector<16xf32> to vector<1x16xf32>
      tpu.vector_store %arg5[%swap3A, %swap3A_72], %swap3A_75 {strides = array<i32>} : memref<128x128xf32, #tpu.memory_space<vmem>>, vector<1x16xf32>,
      %swap3A_76 = arith.index_cast %while3A_71 : i32 to index
      %swap3A_77 = arith.constant 16 : index
      %swap3A_78 = tpu.vector_load %arg5[%swap3A_76, %swap3A_77] {strides = array<i32>} : memref<128x128xf32, #tpu.memory_space<vmem>>, vector<1x16xf32>,
      %swap3A_79 = vector.shape_cast %swap3A_78 : vector<1x16xf32> to vector<16xf32>
      %swap3A_80 = vector.shape_cast %broadcast_in_dim3A_1 : vector<16xf32> to vector<1x16xf32>
      tpu.vector_store %arg5[%swap3A_76, %swap3A_77], %swap3A_80 {strides = array<i32>} : memref<128x128xf32, #tpu.memory_space<vmem>>, vector<1x16xf32>,
      %swap3A_81 = arith.index_cast %while3A_71 : i32 to index
      %swap3A_82 = arith.constant 32 : index
      %swap3A_83 = tpu.vector_load %arg5[%swap3A_81, %swap3A_82] {strides = array<i32>} : memref<128x128xf32, #tpu.memory_space<vmem>>, vector<1x16xf32>,
      %swap3A_84 = vector.shape_cast %swap3A_83 : vector<1x16xf32> to vector<16xf32>
      %swap3A_85 = vector.shape_cast %broadcast_in_dim3A_1 : vector<16xf32> to vector<1x16xf32>
      tpu.vector_store %arg5[%swap3A_81, %swap3A_82], %swap3A_85 {strides = array<i32>} : memref<128x128xf32, #tpu.memory_space<vmem>>, vector<1x16xf32>,
      %swap3A_86 = arith.index_cast %while3A_71 : i32 to index
      %swap3A_87 = arith.constant 48 : index
      %swap3A_88 = tpu.vector_load %arg5[%swap3A_86, %swap3A_87] {strides = array<i32>} : memref<128x128xf32, #tpu.memory_space<vmem>>, vector<1x16xf32>,
      %swap3A_89 = vector.shape_cast %swap3A_88 : vector<1x16xf32> to vector<16xf32>
      %swap3A_90 = vector.shape_cast %broadcast_in_dim3A_1 : vector<16xf32> to vector<1x16xf32>
      tpu.vector_store %arg5[%swap3A_86, %swap3A_87], %swap3A_90 {strides = array<i32>} : memref<128x128xf32, #tpu.memory_space<vmem>>, vector<1x16xf32>,
      %swap3A_91 = arith.index_cast %while3A_71 : i32 to index
      %swap3A_92 = arith.constant 64 : index
      %swap3A_93 = tpu.vector_load %arg5[%swap3A_91, %swap3A_92] {strides = array<i32>} : memref<128x128xf32, #tpu.memory_space<vmem>>, vector<1x16xf32>,
      %swap3A_94 = vector.shape_cast %swap3A_93 : vector<1x16xf32> to vector<16xf32>
      %swap3A_95 = vector.shape_cast %broadcast_in_dim3A_1 : vector<16xf32> to vector<1x16xf32>
      tpu.vector_store %arg5[%swap3A_91, %swap3A_92], %swap3A_95 {strides = array<i32>} : memref<128x128xf32, #tpu.memory_space<vmem>>, vector<1x16xf32>,
      %swap3A_96 = arith.index_cast %while3A_71 : i32 to index
      %swap3A_97 = arith.constant 80 : index
      %swap3A_98 = tpu.vector_load %arg5[%swap3A_96, %swap3A_97] {strides = array<i32>} : memref<128x128xf32, #tpu.memory_space<vmem>>, vector<1x16xf32>,
      %swap3A_99 = vector.shape_cast %swap3A_98 : vector<1x16xf32> to vector<16xf32>
      %swap3A_100 = vector.shape_cast %broadcast_in_dim3A_1 : vector<16xf32> to vector<1x16xf32>
      tpu.vector_store %arg5[%swap3A_96, %swap3A_97], %swap3A_100 {strides = array<i32>} : memref<128x128xf32, #tpu.memory_space<vmem>>, vector<1x16xf32>,
      %swap3A_101 = arith.index_cast %while3A_71 : i32 to index
      %swap3A_102 = arith.constant 96 : index
      %swap3A_103 = tpu.vector_load %arg5[%swap3A_101, %swap3A_102] {strides = array<i32>} : memref<128x128xf32, #tpu.memory_space<vmem>>, vector<1x16xf32>,
      %swap3A_104 = vector.shape_cast %swap3A_103 : vector<1x16xf32> to vector<16xf32>
      %swap3A_105 = vector.shape_cast %broadcast_in_dim3A_1 : vector<16xf32> to vector<1x16xf32>
      tpu.vector_store %arg5[%swap3A_101, %swap3A_102], %swap3A_105 {strides = array<i32>} : memref<128x128xf32, #tpu.memory_space<vmem>>, vector<1x16xf32>,
      %swap3A_106 = arith.index_cast %while3A_71 : i32 to index
      %swap3A_107 = arith.constant 112 : index
      %swap3A_108 = tpu.vector_load %arg5[%swap3A_106, %swap3A_107] {strides = array<i32>} : memref<128x128xf32, #tpu.memory_space<vmem>>, vector<1x16xf32>,
      %swap3A_109 = vector.shape_cast %swap3A_108 : vector<1x16xf32> to vector<16xf32>
      %swap3A_110 = vector.shape_cast %broadcast_in_dim3A_1 : vector<16xf32> to vector<1x16xf32>
      tpu.vector_store %arg5[%swap3A_106, %swap3A_107], %swap3A_110 {strides = array<i32>} : memref<128x128xf32, #tpu.memory_space<vmem>>, vector<1x16xf32>,
    }
    %mul3A_12 = arith.constant 640 : i32
    %mul3A_13 = arith.muli %arg1, %mul3A_12 : i32
    %add3A = arith.constant 0 : i32
    %add3A_14 = arith.addi %mul3A_13, %add3A : i32
    "tpu.region"() ({
      %run_scoped3A = tpu.sem_alloc : memref<!tpu.dma_semaphore, #tpu.memory_space<semaphore_mem>>
      %dma_start3A = arith.constant 0 : i32
      %dma_start3A_71 = tpu.memref_slice %arg6[%add3A_14, %dma_start3A] : memref<10240x128xf32, #tpu.memory_space<vmem_shared>> -> memref<128x128xf32, #tpu.memory_space<vmem_shared>>
      %dma_start3A_72 = arith.constant 0 : i32
      %dma_start3A_73 = tpu.memref_slice %arg6[%add3A_14, %dma_start3A_72] : memref<10240x128xf32, #tpu.memory_space<vmem_shared>> -> memref<128x128xf32, #tpu.memory_space<vmem_shared>>
      tpu.enqueue_dma source(%arg5 : memref<128x128xf32, #tpu.memory_space<vmem>>) target(%dma_start3A_73 : memref<128x128xf32, #tpu.memory_space<vmem_shared>>) target_semaphore(%run_scoped3A : memref<!tpu.dma_semaphore, #tpu.memory_space<semaphore_mem>>)
      %dma_wait3A = arith.constant 0 : i32
      %dma_wait3A_74 = tpu.memref_slice %arg6[%add3A_14, %dma_wait3A] : memref<10240x128xf32, #tpu.memory_space<vmem_shared>> -> memref<128x128xf32, #tpu.memory_space<vmem_shared>>
      %dma_wait3A_75 = arith.constant 0 : i32
      %dma_wait3A_76 = tpu.memref_slice %arg6[%add3A_14, %dma_wait3A_75] : memref<10240x128xf32, #tpu.memory_space<vmem_shared>> -> memref<128x128xf32, #tpu.memory_space<vmem_shared>>
      tpu.wait_dma2 semaphore(%run_scoped3A : memref<!tpu.dma_semaphore, #tpu.memory_space<semaphore_mem>>) src(%arg5 : memref<128x128xf32, #tpu.memory_space<vmem>>) dst(%dma_wait3A_76 : memref<128x128xf32, #tpu.memory_space<vmem_shared>>)
      tpu.yield
    }) : () -> ()
    %add3A_15 = arith.constant 128 : i32
    %add3A_16 = arith.addi %mul3A_13, %add3A_15 : i32
    "tpu.region"() ({
      %run_scoped3A = tpu.sem_alloc : memref<!tpu.dma_semaphore, #tpu.memory_space<semaphore_mem>>
      %dma_start3A = arith.constant 0 : i32
      %dma_start3A_71 = tpu.memref_slice %arg6[%add3A_16, %dma_start3A] : memref<10240x128xf32, #tpu.memory_space<vmem_shared>> -> memref<128x128xf32, #tpu.memory_space<vmem_shared>>
      %dma_start3A_72 = arith.constant 0 : i32
      %dma_start3A_73 = tpu.memref_slice %arg6[%add3A_16, %dma_start3A_72] : memref<10240x128xf32, #tpu.memory_space<vmem_shared>> -> memref<128x128xf32, #tpu.memory_space<vmem_shared>>
      tpu.enqueue_dma source(%arg5 : memref<128x128xf32, #tpu.memory_space<vmem>>) target(%dma_start3A_73 : memref<128x128xf32, #tpu.memory_space<vmem_shared>>) target_semaphore(%run_scoped3A : memref<!tpu.dma_semaphore, #tpu.memory_space<semaphore_mem>>)
      %dma_wait3A = arith.constant 0 : i32
      %dma_wait3A_74 = tpu.memref_slice %arg6[%add3A_16, %dma_wait3A] : memref<10240x128xf32, #tpu.memory_space<vmem_shared>> -> memref<128x128xf32, #tpu.memory_space<vmem_shared>>
      %dma_wait3A_75 = arith.constant 0 : i32
      %dma_wait3A_76 = tpu.memref_slice %arg6[%add3A_16, %dma_wait3A_75] : memref<10240x128xf32, #tpu.memory_space<vmem_shared>> -> memref<128x128xf32, #tpu.memory_space<vmem_shared>>
      tpu.wait_dma2 semaphore(%run_scoped3A : memref<!tpu.dma_semaphore, #tpu.memory_space<semaphore_mem>>) src(%arg5 : memref<128x128xf32, #tpu.memory_space<vmem>>) dst(%dma_wait3A_76 : memref<128x128xf32, #tpu.memory_space<vmem_shared>>)
      tpu.yield
    }) : () -> ()
    %add3A_17 = arith.constant 256 : i32
    %add3A_18 = arith.addi %mul3A_13, %add3A_17 : i32
    "tpu.region"() ({
      %run_scoped3A = tpu.sem_alloc : memref<!tpu.dma_semaphore, #tpu.memory_space<semaphore_mem>>
      %dma_start3A = arith.constant 0 : i32
      %dma_start3A_71 = tpu.memref_slice %arg6[%add3A_18, %dma_start3A] : memref<10240x128xf32, #tpu.memory_space<vmem_shared>> -> memref<128x128xf32, #tpu.memory_space<vmem_shared>>
      %dma_start3A_72 = arith.constant 0 : i32
      %dma_start3A_73 = tpu.memref_slice %arg6[%add3A_18, %dma_start3A_72] : memref<10240x128xf32, #tpu.memory_space<vmem_shared>> -> memref<128x128xf32, #tpu.memory_space<vmem_shared>>
      tpu.enqueue_dma source(%arg5 : memref<128x128xf32, #tpu.memory_space<vmem>>) target(%dma_start3A_73 : memref<128x128xf32, #tpu.memory_space<vmem_shared>>) target_semaphore(%run_scoped3A : memref<!tpu.dma_semaphore, #tpu.memory_space<semaphore_mem>>)
      %dma_wait3A = arith.constant 0 : i32
      %dma_wait3A_74 = tpu.memref_slice %arg6[%add3A_18, %dma_wait3A] : memref<10240x128xf32, #tpu.memory_space<vmem_shared>> -> memref<128x128xf32, #tpu.memory_space<vmem_shared>>
      %dma_wait3A_75 = arith.constant 0 : i32
      %dma_wait3A_76 = tpu.memref_slice %arg6[%add3A_18, %dma_wait3A_75] : memref<10240x128xf32, #tpu.memory_space<vmem_shared>> -> memref<128x128xf32, #tpu.memory_space<vmem_shared>>
      tpu.wait_dma2 semaphore(%run_scoped3A : memref<!tpu.dma_semaphore, #tpu.memory_space<semaphore_mem>>) src(%arg5 : memref<128x128xf32, #tpu.memory_space<vmem>>) dst(%dma_wait3A_76 : memref<128x128xf32, #tpu.memory_space<vmem_shared>>)
      tpu.yield
    }) : () -> ()
    %add3A_19 = arith.constant 384 : i32
    %add3A_20 = arith.addi %mul3A_13, %add3A_19 : i32
    "tpu.region"() ({
      %run_scoped3A = tpu.sem_alloc : memref<!tpu.dma_semaphore, #tpu.memory_space<semaphore_mem>>
      %dma_start3A = arith.constant 0 : i32
      %dma_start3A_71 = tpu.memref_slice %arg6[%add3A_20, %dma_start3A] : memref<10240x128xf32, #tpu.memory_space<vmem_shared>> -> memref<128x128xf32, #tpu.memory_space<vmem_shared>>
      %dma_start3A_72 = arith.constant 0 : i32
      %dma_start3A_73 = tpu.memref_slice %arg6[%add3A_20, %dma_start3A_72] : memref<10240x128xf32, #tpu.memory_space<vmem_shared>> -> memref<128x128xf32, #tpu.memory_space<vmem_shared>>
      tpu.enqueue_dma source(%arg5 : memref<128x128xf32, #tpu.memory_space<vmem>>) target(%dma_start3A_73 : memref<128x128xf32, #tpu.memory_space<vmem_shared>>) target_semaphore(%run_scoped3A : memref<!tpu.dma_semaphore, #tpu.memory_space<semaphore_mem>>)
      %dma_wait3A = arith.constant 0 : i32
      %dma_wait3A_74 = tpu.memref_slice %arg6[%add3A_20, %dma_wait3A] : memref<10240x128xf32, #tpu.memory_space<vmem_shared>> -> memref<128x128xf32, #tpu.memory_space<vmem_shared>>
      %dma_wait3A_75 = arith.constant 0 : i32
      %dma_wait3A_76 = tpu.memref_slice %arg6[%add3A_20, %dma_wait3A_75] : memref<10240x128xf32, #tpu.memory_space<vmem_shared>> -> memref<128x128xf32, #tpu.memory_space<vmem_shared>>
      tpu.wait_dma2 semaphore(%run_scoped3A : memref<!tpu.dma_semaphore, #tpu.memory_space<semaphore_mem>>) src(%arg5 : memref<128x128xf32, #tpu.memory_space<vmem>>) dst(%dma_wait3A_76 : memref<128x128xf32, #tpu.memory_space<vmem_shared>>)
      tpu.yield
    }) : () -> ()
    %add3A_21 = arith.constant 512 : i32
    %add3A_22 = arith.addi %mul3A_13, %add3A_21 : i32
    "tpu.region"() ({
      %run_scoped3A = tpu.sem_alloc : memref<!tpu.dma_semaphore, #tpu.memory_space<semaphore_mem>>
      %dma_start3A = arith.constant 0 : i32
      %dma_start3A_71 = tpu.memref_slice %arg6[%add3A_22, %dma_start3A] : memref<10240x128xf32, #tpu.memory_space<vmem_shared>> -> memref<128x128xf32, #tpu.memory_space<vmem_shared>>
      %dma_start3A_72 = arith.constant 0 : i32
      %dma_start3A_73 = tpu.memref_slice %arg6[%add3A_22, %dma_start3A_72] : memref<10240x128xf32, #tpu.memory_space<vmem_shared>> -> memref<128x128xf32, #tpu.memory_space<vmem_shared>>
      tpu.enqueue_dma source(%arg5 : memref<128x128xf32, #tpu.memory_space<vmem>>) target(%dma_start3A_73 : memref<128x128xf32, #tpu.memory_space<vmem_shared>>) target_semaphore(%run_scoped3A : memref<!tpu.dma_semaphore, #tpu.memory_space<semaphore_mem>>)
      %dma_wait3A = arith.constant 0 : i32
      %dma_wait3A_74 = tpu.memref_slice %arg6[%add3A_22, %dma_wait3A] : memref<10240x128xf32, #tpu.memory_space<vmem_shared>> -> memref<128x128xf32, #tpu.memory_space<vmem_shared>>
      %dma_wait3A_75 = arith.constant 0 : i32
      %dma_wait3A_76 = tpu.memref_slice %arg6[%add3A_22, %dma_wait3A_75] : memref<10240x128xf32, #tpu.memory_space<vmem_shared>> -> memref<128x128xf32, #tpu.memory_space<vmem_shared>>
      tpu.wait_dma2 semaphore(%run_scoped3A : memref<!tpu.dma_semaphore, #tpu.memory_space<semaphore_mem>>) src(%arg5 : memref<128x128xf32, #tpu.memory_space<vmem>>) dst(%dma_wait3A_76 : memref<128x128xf32, #tpu.memory_space<vmem_shared>>)
      tpu.yield
    }) : () -> ()
    %broadcast_in_dim3A_23 = arith.constant 1.000000e+00 : f32
    %broadcast_in_dim3A_24 = vector.broadcast %broadcast_in_dim3A_23 : f32 to vector<16xf32>
    %while3A_25 = arith.constant 0 : i32
    %while3A_26 = arith.constant 0 : i32
    %while3A_27 = arith.constant 128 : i32
    %while3A_28 = arith.subi %while3A_27, %while3A_26 : i32
    %while3A_29 = arith.addi %while3A_26, %while3A_28 : i32
    %while3A_30 = arith.constant 1 : i32
    %while3A_31 = arith.divsi %while3A_28, %while3A_30 : i32
    %while3A_32 = arith.muli %while3A_31, %while3A_30 : i32
    %while3A_33 = arith.addi %while3A_26, %while3A_32 : i32
    %while3A_34 = arith.constant 1 : i32
    scf.for %while3A_71 = %while3A_26 to %while3A_33 step %while3A_34  : i32 {
      %swap3A = arith.index_cast %while3A_71 : i32 to index
      %swap3A_72 = arith.constant 0 : index
      %swap3A_73 = tpu.vector_load %arg5[%swap3A, %swap3A_72] {strides = array<i32>} : memref<128x128xf32, #tpu.memory_space<vmem>>, vector<1x16xf32>,
      %swap3A_74 = vector.shape_cast %swap3A_73 : vector<1x16xf32> to vector<16xf32>
      %swap3A_75 = vector.shape_cast %broadcast_in_dim3A_24 : vector<16xf32> to vector<1x16xf32>
      tpu.vector_store %arg5[%swap3A, %swap3A_72], %swap3A_75 {strides = array<i32>} : memref<128x128xf32, #tpu.memory_space<vmem>>, vector<1x16xf32>,
      %swap3A_76 = arith.index_cast %while3A_71 : i32 to index
      %swap3A_77 = arith.constant 16 : index
      %swap3A_78 = tpu.vector_load %arg5[%swap3A_76, %swap3A_77] {strides = array<i32>} : memref<128x128xf32, #tpu.memory_space<vmem>>, vector<1x16xf32>,
      %swap3A_79 = vector.shape_cast %swap3A_78 : vector<1x16xf32> to vector<16xf32>
      %swap3A_80 = vector.shape_cast %broadcast_in_dim3A_24 : vector<16xf32> to vector<1x16xf32>
      tpu.vector_store %arg5[%swap3A_76, %swap3A_77], %swap3A_80 {strides = array<i32>} : memref<128x128xf32, #tpu.memory_space<vmem>>, vector<1x16xf32>,
      %swap3A_81 = arith.index_cast %while3A_71 : i32 to index
      %swap3A_82 = arith.constant 32 : index
      %swap3A_83 = tpu.vector_load %arg5[%swap3A_81, %swap3A_82] {strides = array<i32>} : memref<128x128xf32, #tpu.memory_space<vmem>>, vector<1x16xf32>,
      %swap3A_84 = vector.shape_cast %swap3A_83 : vector<1x16xf32> to vector<16xf32>
      %swap3A_85 = vector.shape_cast %broadcast_in_dim3A_24 : vector<16xf32> to vector<1x16xf32>
      tpu.vector_store %arg5[%swap3A_81, %swap3A_82], %swap3A_85 {strides = array<i32>} : memref<128x128xf32, #tpu.memory_space<vmem>>, vector<1x16xf32>,
      %swap3A_86 = arith.index_cast %while3A_71 : i32 to index
      %swap3A_87 = arith.constant 48 : index
      %swap3A_88 = tpu.vector_load %arg5[%swap3A_86, %swap3A_87] {strides = array<i32>} : memref<128x128xf32, #tpu.memory_space<vmem>>, vector<1x16xf32>,
      %swap3A_89 = vector.shape_cast %swap3A_88 : vector<1x16xf32> to vector<16xf32>
      %swap3A_90 = vector.shape_cast %broadcast_in_dim3A_24 : vector<16xf32> to vector<1x16xf32>
      tpu.vector_store %arg5[%swap3A_86, %swap3A_87], %swap3A_90 {strides = array<i32>} : memref<128x128xf32, #tpu.memory_space<vmem>>, vector<1x16xf32>,
      %swap3A_91 = arith.index_cast %while3A_71 : i32 to index
      %swap3A_92 = arith.constant 64 : index
      %swap3A_93 = tpu.vector_load %arg5[%swap3A_91, %swap3A_92] {strides = array<i32>} : memref<128x128xf32, #tpu.memory_space<vmem>>, vector<1x16xf32>,
      %swap3A_94 = vector.shape_cast %swap3A_93 : vector<1x16xf32> to vector<16xf32>
      %swap3A_95 = vector.shape_cast %broadcast_in_dim3A_24 : vector<16xf32> to vector<1x16xf32>
      tpu.vector_store %arg5[%swap3A_91, %swap3A_92], %swap3A_95 {strides = array<i32>} : memref<128x128xf32, #tpu.memory_space<vmem>>, vector<1x16xf32>,
      %swap3A_96 = arith.index_cast %while3A_71 : i32 to index
      %swap3A_97 = arith.constant 80 : index
      %swap3A_98 = tpu.vector_load %arg5[%swap3A_96, %swap3A_97] {strides = array<i32>} : memref<128x128xf32, #tpu.memory_space<vmem>>, vector<1x16xf32>,
      %swap3A_99 = vector.shape_cast %swap3A_98 : vector<1x16xf32> to vector<16xf32>
      %swap3A_100 = vector.shape_cast %broadcast_in_dim3A_24 : vector<16xf32> to vector<1x16xf32>
      tpu.vector_store %arg5[%swap3A_96, %swap3A_97], %swap3A_100 {strides = array<i32>} : memref<128x128xf32, #tpu.memory_space<vmem>>, vector<1x16xf32>,
      %swap3A_101 = arith.index_cast %while3A_71 : i32 to index
      %swap3A_102 = arith.constant 96 : index
      %swap3A_103 = tpu.vector_load %arg5[%swap3A_101, %swap3A_102] {strides = array<i32>} : memref<128x128xf32, #tpu.memory_space<vmem>>, vector<1x16xf32>,
      %swap3A_104 = vector.shape_cast %swap3A_103 : vector<1x16xf32> to vector<16xf32>
      %swap3A_105 = vector.shape_cast %broadcast_in_dim3A_24 : vector<16xf32> to vector<1x16xf32>
      tpu.vector_store %arg5[%swap3A_101, %swap3A_102], %swap3A_105 {strides = array<i32>} : memref<128x128xf32, #tpu.memory_space<vmem>>, vector<1x16xf32>,
      %swap3A_106 = arith.index_cast %while3A_71 : i32 to index
      %swap3A_107 = arith.constant 112 : index
      %swap3A_108 = tpu.vector_load %arg5[%swap3A_106, %swap3A_107] {strides = array<i32>} : memref<128x128xf32, #tpu.memory_space<vmem>>, vector<1x16xf32>,
      %swap3A_109 = vector.shape_cast %swap3A_108 : vector<1x16xf32> to vector<16xf32>
      %swap3A_110 = vector.shape_cast %broadcast_in_dim3A_24 : vector<16xf32> to vector<1x16xf32>
      tpu.vector_store %arg5[%swap3A_106, %swap3A_107], %swap3A_110 {strides = array<i32>} : memref<128x128xf32, #tpu.memory_space<vmem>>, vector<1x16xf32>,
    }
    %while3A_35 = arith.constant 1 : i32
    scf.for %while3A_71 = %while3A_33 to %while3A_29 step %while3A_35  : i32 {
      %swap3A = arith.index_cast %while3A_71 : i32 to index
      %swap3A_72 = arith.constant 0 : index
      %swap3A_73 = tpu.vector_load %arg5[%swap3A, %swap3A_72] {strides = array<i32>} : memref<128x128xf32, #tpu.memory_space<vmem>>, vector<1x16xf32>,
      %swap3A_74 = vector.shape_cast %swap3A_73 : vector<1x16xf32> to vector<16xf32>
      %swap3A_75 = vector.shape_cast %broadcast_in_dim3A_24 : vector<16xf32> to vector<1x16xf32>
      tpu.vector_store %arg5[%swap3A, %swap3A_72], %swap3A_75 {strides = array<i32>} : memref<128x128xf32, #tpu.memory_space<vmem>>, vector<1x16xf32>,
      %swap3A_76 = arith.index_cast %while3A_71 : i32 to index
      %swap3A_77 = arith.constant 16 : index
      %swap3A_78 = tpu.vector_load %arg5[%swap3A_76, %swap3A_77] {strides = array<i32>} : memref<128x128xf32, #tpu.memory_space<vmem>>, vector<1x16xf32>,
      %swap3A_79 = vector.shape_cast %swap3A_78 : vector<1x16xf32> to vector<16xf32>
      %swap3A_80 = vector.shape_cast %broadcast_in_dim3A_24 : vector<16xf32> to vector<1x16xf32>
      tpu.vector_store %arg5[%swap3A_76, %swap3A_77], %swap3A_80 {strides = array<i32>} : memref<128x128xf32, #tpu.memory_space<vmem>>, vector<1x16xf32>,
      %swap3A_81 = arith.index_cast %while3A_71 : i32 to index
      %swap3A_82 = arith.constant 32 : index
      %swap3A_83 = tpu.vector_load %arg5[%swap3A_81, %swap3A_82] {strides = array<i32>} : memref<128x128xf32, #tpu.memory_space<vmem>>, vector<1x16xf32>,
      %swap3A_84 = vector.shape_cast %swap3A_83 : vector<1x16xf32> to vector<16xf32>
      %swap3A_85 = vector.shape_cast %broadcast_in_dim3A_24 : vector<16xf32> to vector<1x16xf32>
      tpu.vector_store %arg5[%swap3A_81, %swap3A_82], %swap3A_85 {strides = array<i32>} : memref<128x128xf32, #tpu.memory_space<vmem>>, vector<1x16xf32>,
      %swap3A_86 = arith.index_cast %while3A_71 : i32 to index
      %swap3A_87 = arith.constant 48 : index
      %swap3A_88 = tpu.vector_load %arg5[%swap3A_86, %swap3A_87] {strides = array<i32>} : memref<128x128xf32, #tpu.memory_space<vmem>>, vector<1x16xf32>,
      %swap3A_89 = vector.shape_cast %swap3A_88 : vector<1x16xf32> to vector<16xf32>
      %swap3A_90 = vector.shape_cast %broadcast_in_dim3A_24 : vector<16xf32> to vector<1x16xf32>
      tpu.vector_store %arg5[%swap3A_86, %swap3A_87], %swap3A_90 {strides = array<i32>} : memref<128x128xf32, #tpu.memory_space<vmem>>, vector<1x16xf32>,
      %swap3A_91 = arith.index_cast %while3A_71 : i32 to index
      %swap3A_92 = arith.constant 64 : index
      %swap3A_93 = tpu.vector_load %arg5[%swap3A_91, %swap3A_92] {strides = array<i32>} : memref<128x128xf32, #tpu.memory_space<vmem>>, vector<1x16xf32>,
      %swap3A_94 = vector.shape_cast %swap3A_93 : vector<1x16xf32> to vector<16xf32>
      %swap3A_95 = vector.shape_cast %broadcast_in_dim3A_24 : vector<16xf32> to vector<1x16xf32>
      tpu.vector_store %arg5[%swap3A_91, %swap3A_92], %swap3A_95 {strides = array<i32>} : memref<128x128xf32, #tpu.memory_space<vmem>>, vector<1x16xf32>,
      %swap3A_96 = arith.index_cast %while3A_71 : i32 to index
      %swap3A_97 = arith.constant 80 : index
      %swap3A_98 = tpu.vector_load %arg5[%swap3A_96, %swap3A_97] {strides = array<i32>} : memref<128x128xf32, #tpu.memory_space<vmem>>, vector<1x16xf32>,
      %swap3A_99 = vector.shape_cast %swap3A_98 : vector<1x16xf32> to vector<16xf32>
      %swap3A_100 = vector.shape_cast %broadcast_in_dim3A_24 : vector<16xf32> to vector<1x16xf32>
      tpu.vector_store %arg5[%swap3A_96, %swap3A_97], %swap3A_100 {strides = array<i32>} : memref<128x128xf32, #tpu.memory_space<vmem>>, vector<1x16xf32>,
      %swap3A_101 = arith.index_cast %while3A_71 : i32 to index
      %swap3A_102 = arith.constant 96 : index
      %swap3A_103 = tpu.vector_load %arg5[%swap3A_101, %swap3A_102] {strides = array<i32>} : memref<128x128xf32, #tpu.memory_space<vmem>>, vector<1x16xf32>,
      %swap3A_104 = vector.shape_cast %swap3A_103 : vector<1x16xf32> to vector<16xf32>
      %swap3A_105 = vector.shape_cast %broadcast_in_dim3A_24 : vector<16xf32> to vector<1x16xf32>
      tpu.vector_store %arg5[%swap3A_101, %swap3A_102], %swap3A_105 {strides = array<i32>} : memref<128x128xf32, #tpu.memory_space<vmem>>, vector<1x16xf32>,
      %swap3A_106 = arith.index_cast %while3A_71 : i32 to index
      %swap3A_107 = arith.constant 112 : index
      %swap3A_108 = tpu.vector_load %arg5[%swap3A_106, %swap3A_107] {strides = array<i32>} : memref<128x128xf32, #tpu.memory_space<vmem>>, vector<1x16xf32>,
      %swap3A_109 = vector.shape_cast %swap3A_108 : vector<1x16xf32> to vector<16xf32>
      %swap3A_110 = vector.shape_cast %broadcast_in_dim3A_24 : vector<16xf32> to vector<1x16xf32>
      tpu.vector_store %arg5[%swap3A_106, %swap3A_107], %swap3A_110 {strides = array<i32>} : memref<128x128xf32, #tpu.memory_space<vmem>>, vector<1x16xf32>,
    }
    %barrier3A = arith.constant 0 : index
    tpu.barrier barrier_id(%barrier3A)
    %while3A_36 = arith.constant 0 : i32
    %while3A_37 = arith.constant 0 : i32
    %while3A_38 = arith.constant 80 : i32
    %while3A_39 = arith.subi %while3A_38, %while3A_37 : i32
    %while3A_40 = arith.addi %while3A_37, %while3A_39 : i32
    %while3A_41 = arith.constant 1 : i32
    %while3A_42 = arith.divsi %while3A_39, %while3A_41 : i32
    %while3A_43 = arith.muli %while3A_42, %while3A_41 : i32
    %while3A_44 = arith.addi %while3A_37, %while3A_43 : i32
    %while3A_45 = arith.constant 1 : i32
    scf.for %while3A_71 = %while3A_37 to %while3A_44 step %while3A_45  : i32 {
      "tpu.region"() ({
        %run_scoped3A = tpu.sem_alloc : memref<!tpu.dma_semaphore, #tpu.memory_space<semaphore_mem>>
        %dma_start3A = arith.constant 0 : i32
        %dma_start3A_72 = tpu.memref_slice %arg4[%while3A_71, %dma_start3A] : memref<80x128xi32, #tpu.memory_space<vmem>> -> memref<1x128xi32, #tpu.memory_space<vmem>>
        %dma_start3A_73 = tpu.memref_squeeze %dma_start3A_72 : memref<1x128xi32, #tpu.memory_space<vmem>> -> memref<128xi32, #tpu.memory_space<vmem>>
        %dma_start3A_74 = arith.constant 0 : i32
        %dma_start3A_75 = arith.constant 0 : i32
        %dma_start3A_76 = tpu.memref_slice %arg6[%dma_start3A_74, %dma_start3A_75] : memref<10240x128xf32, #tpu.memory_space<vmem_shared>> -> memref<10240x128xf32, #tpu.memory_space<vmem_shared>>
        tpu.enqueue_indirect_dma source(%arg5 : memref<128x128xf32, #tpu.memory_space<vmem>>) target(%dma_start3A_76 : memref<10240x128xf32, #tpu.memory_space<vmem_shared>>) offsets(%dma_start3A_73 : memref<128xi32, #tpu.memory_space<vmem>>) semaphore(%run_scoped3A : memref<!tpu.dma_semaphore, #tpu.memory_space<semaphore_mem>>) {add = true}
        %dma_wait3A = arith.constant 0 : i32
        %dma_wait3A_77 = tpu.memref_slice %arg4[%while3A_71, %dma_wait3A] : memref<80x128xi32, #tpu.memory_space<vmem>> -> memref<1x128xi32, #tpu.memory_space<vmem>>
        %dma_wait3A_78 = tpu.memref_squeeze %dma_wait3A_77 : memref<1x128xi32, #tpu.memory_space<vmem>> -> memref<128xi32, #tpu.memory_space<vmem>>
        %dma_wait3A_79 = arith.constant 0 : i32
        %dma_wait3A_80 = arith.constant 0 : i32
        %dma_wait3A_81 = tpu.memref_slice %arg6[%dma_wait3A_79, %dma_wait3A_80] : memref<10240x128xf32, #tpu.memory_space<vmem_shared>> -> memref<10240x128xf32, #tpu.memory_space<vmem_shared>>
        tpu.wait_indirect_dma semaphore(%run_scoped3A : memref<!tpu.dma_semaphore, #tpu.memory_space<semaphore_mem>>) src(%arg5 : memref<128x128xf32, #tpu.memory_space<vmem>>) dst(%dma_wait3A_81 : memref<10240x128xf32, #tpu.memory_space<vmem_shared>>)
        tpu.yield
      }) : () -> ()
    }
    %while3A_46 = arith.constant 1 : i32
    scf.for %while3A_71 = %while3A_44 to %while3A_40 step %while3A_46  : i32 {
      "tpu.region"() ({
        %run_scoped3A = tpu.sem_alloc : memref<!tpu.dma_semaphore, #tpu.memory_space<semaphore_mem>>
        %dma_start3A = arith.constant 0 : i32
        %dma_start3A_72 = tpu.memref_slice %arg4[%while3A_71, %dma_start3A] : memref<80x128xi32, #tpu.memory_space<vmem>> -> memref<1x128xi32, #tpu.memory_space<vmem>>
        %dma_start3A_73 = tpu.memref_squeeze %dma_start3A_72 : memref<1x128xi32, #tpu.memory_space<vmem>> -> memref<128xi32, #tpu.memory_space<vmem>>
        %dma_start3A_74 = arith.constant 0 : i32
        %dma_start3A_75 = arith.constant 0 : i32
        %dma_start3A_76 = tpu.memref_slice %arg6[%dma_start3A_74, %dma_start3A_75] : memref<10240x128xf32, #tpu.memory_space<vmem_shared>> -> memref<10240x128xf32, #tpu.memory_space<vmem_shared>>
        tpu.enqueue_indirect_dma source(%arg5 : memref<128x128xf32, #tpu.memory_space<vmem>>) target(%dma_start3A_76 : memref<10240x128xf32, #tpu.memory_space<vmem_shared>>) offsets(%dma_start3A_73 : memref<128xi32, #tpu.memory_space<vmem>>) semaphore(%run_scoped3A : memref<!tpu.dma_semaphore, #tpu.memory_space<semaphore_mem>>) {add = true}
        %dma_wait3A = arith.constant 0 : i32
        %dma_wait3A_77 = tpu.memref_slice %arg4[%while3A_71, %dma_wait3A] : memref<80x128xi32, #tpu.memory_space<vmem>> -> memref<1x128xi32, #tpu.memory_space<vmem>>
        %dma_wait3A_78 = tpu.memref_squeeze %dma_wait3A_77 : memref<1x128xi32, #tpu.memory_space<vmem>> -> memref<128xi32, #tpu.memory_space<vmem>>
        %dma_wait3A_79 = arith.constant 0 : i32
        %dma_wait3A_80 = arith.constant 0 : i32
        %dma_wait3A_81 = tpu.memref_slice %arg6[%dma_wait3A_79, %dma_wait3A_80] : memref<10240x128xf32, #tpu.memory_space<vmem_shared>> -> memref<10240x128xf32, #tpu.memory_space<vmem_shared>>
        tpu.wait_indirect_dma semaphore(%run_scoped3A : memref<!tpu.dma_semaphore, #tpu.memory_space<semaphore_mem>>) src(%arg5 : memref<128x128xf32, #tpu.memory_space<vmem>>) dst(%dma_wait3A_81 : memref<10240x128xf32, #tpu.memory_space<vmem_shared>>)
        tpu.yield
      }) : () -> ()
    }
    %barrier3A_47 = arith.constant 0 : index
    tpu.barrier barrier_id(%barrier3A_47)
    %mul3A_48 = arith.constant 10240 : i32
    %mul3A_49 = arith.muli %arg0, %mul3A_48 : i32
    %add3A_50 = arith.addi %mul3A_49, %mul3A_13 : i32
    %add3A_51 = arith.constant 0 : i32
    %add3A_52 = arith.addi %mul3A_13, %add3A_51 : i32
    %add3A_53 = arith.constant 0 : i32
    %add3A_54 = arith.addi %add3A_50, %add3A_53 : i32
    "tpu.region"() ({
      %run_scoped3A = tpu.sem_alloc : memref<!tpu.dma_semaphore, #tpu.memory_space<semaphore_mem>>
      %dma_start3A = arith.constant 0 : i32
      %dma_start3A_71 = tpu.memref_slice %arg3[%add3A_54, %dma_start3A] : memref<20480x128xf32, #tpu.memory_space<hbm>> -> memref<128x128xf32, #tpu.memory_space<hbm>>
      %dma_start3A_72 = arith.constant 0 : i32
      %dma_start3A_73 = tpu.memref_slice %arg6[%add3A_52, %dma_start3A_72] : memref<10240x128xf32, #tpu.memory_space<vmem_shared>> -> memref<128x128xf32, #tpu.memory_space<vmem_shared>>
      tpu.enqueue_dma source(%dma_start3A_73 : memref<128x128xf32, #tpu.memory_space<vmem_shared>>) target(%dma_start3A_71 : memref<128x128xf32, #tpu.memory_space<hbm>>) target_semaphore(%run_scoped3A : memref<!tpu.dma_semaphore, #tpu.memory_space<semaphore_mem>>)
      %dma_wait3A = arith.constant 0 : i32
      %dma_wait3A_74 = tpu.memref_slice %arg3[%add3A_54, %dma_wait3A] : memref<20480x128xf32, #tpu.memory_space<hbm>> -> memref<128x128xf32, #tpu.memory_space<hbm>>
      %dma_wait3A_75 = arith.constant 0 : i32
      %dma_wait3A_76 = tpu.memref_slice %arg6[%add3A_52, %dma_wait3A_75] : memref<10240x128xf32, #tpu.memory_space<vmem_shared>> -> memref<128x128xf32, #tpu.memory_space<vmem_shared>>
      tpu.wait_dma2 semaphore(%run_scoped3A : memref<!tpu.dma_semaphore, #tpu.memory_space<semaphore_mem>>) src(%dma_wait3A_76 : memref<128x128xf32, #tpu.memory_space<vmem_shared>>) dst(%dma_wait3A_74 : memref<128x128xf32, #tpu.memory_space<hbm>>)
      tpu.yield
    }) : () -> ()
    %add3A_55 = arith.constant 128 : i32
    %add3A_56 = arith.addi %mul3A_13, %add3A_55 : i32
    %add3A_57 = arith.constant 128 : i32
    %add3A_58 = arith.addi %add3A_50, %add3A_57 : i32
    "tpu.region"() ({
      %run_scoped3A = tpu.sem_alloc : memref<!tpu.dma_semaphore, #tpu.memory_space<semaphore_mem>>
      %dma_start3A = arith.constant 0 : i32
      %dma_start3A_71 = tpu.memref_slice %arg3[%add3A_58, %dma_start3A] : memref<20480x128xf32, #tpu.memory_space<hbm>> -> memref<128x128xf32, #tpu.memory_space<hbm>>
      %dma_start3A_72 = arith.constant 0 : i32
      %dma_start3A_73 = tpu.memref_slice %arg6[%add3A_56, %dma_start3A_72] : memref<10240x128xf32, #tpu.memory_space<vmem_shared>> -> memref<128x128xf32, #tpu.memory_space<vmem_shared>>
      tpu.enqueue_dma source(%dma_start3A_73 : memref<128x128xf32, #tpu.memory_space<vmem_shared>>) target(%dma_start3A_71 : memref<128x128xf32, #tpu.memory_space<hbm>>) target_semaphore(%run_scoped3A : memref<!tpu.dma_semaphore, #tpu.memory_space<semaphore_mem>>)
      %dma_wait3A = arith.constant 0 : i32
      %dma_wait3A_74 = tpu.memref_slice %arg3[%add3A_58, %dma_wait3A] : memref<20480x128xf32, #tpu.memory_space<hbm>> -> memref<128x128xf32, #tpu.memory_space<hbm>>
      %dma_wait3A_75 = arith.constant 0 : i32
      %dma_wait3A_76 = tpu.memref_slice %arg6[%add3A_56, %dma_wait3A_75] : memref<10240x128xf32, #tpu.memory_space<vmem_shared>> -> memref<128x128xf32, #tpu.memory_space<vmem_shared>>
      tpu.wait_dma2 semaphore(%run_scoped3A : memref<!tpu.dma_semaphore, #tpu.memory_space<semaphore_mem>>) src(%dma_wait3A_76 : memref<128x128xf32, #tpu.memory_space<vmem_shared>>) dst(%dma_wait3A_74 : memref<128x128xf32, #tpu.memory_space<hbm>>)
      tpu.yield
    }) : () -> ()
    %add3A_59 = arith.constant 256 : i32
    %add3A_60 = arith.addi %mul3A_13, %add3A_59 : i32
    %add3A_61 = arith.constant 256 : i32
    %add3A_62 = arith.addi %add3A_50, %add3A_61 : i32
    "tpu.region"() ({
      %run_scoped3A = tpu.sem_alloc : memref<!tpu.dma_semaphore, #tpu.memory_space<semaphore_mem>>
      %dma_start3A = arith.constant 0 : i32
      %dma_start3A_71 = tpu.memref_slice %arg3[%add3A_62, %dma_start3A] : memref<20480x128xf32, #tpu.memory_space<hbm>> -> memref<128x128xf32, #tpu.memory_space<hbm>>
      %dma_start3A_72 = arith.constant 0 : i32
      %dma_start3A_73 = tpu.memref_slice %arg6[%add3A_60, %dma_start3A_72] : memref<10240x128xf32, #tpu.memory_space<vmem_shared>> -> memref<128x128xf32, #tpu.memory_space<vmem_shared>>
      tpu.enqueue_dma source(%dma_start3A_73 : memref<128x128xf32, #tpu.memory_space<vmem_shared>>) target(%dma_start3A_71 : memref<128x128xf32, #tpu.memory_space<hbm>>) target_semaphore(%run_scoped3A : memref<!tpu.dma_semaphore, #tpu.memory_space<semaphore_mem>>)
      %dma_wait3A = arith.constant 0 : i32
      %dma_wait3A_74 = tpu.memref_slice %arg3[%add3A_62, %dma_wait3A] : memref<20480x128xf32, #tpu.memory_space<hbm>> -> memref<128x128xf32, #tpu.memory_space<hbm>>
      %dma_wait3A_75 = arith.constant 0 : i32
      %dma_wait3A_76 = tpu.memref_slice %arg6[%add3A_60, %dma_wait3A_75] : memref<10240x128xf32, #tpu.memory_space<vmem_shared>> -> memref<128x128xf32, #tpu.memory_space<vmem_shared>>
      tpu.wait_dma2 semaphore(%run_scoped3A : memref<!tpu.dma_semaphore, #tpu.memory_space<semaphore_mem>>) src(%dma_wait3A_76 : memref<128x128xf32, #tpu.memory_space<vmem_shared>>) dst(%dma_wait3A_74 : memref<128x128xf32, #tpu.memory_space<hbm>>)
      tpu.yield
    }) : () -> ()
    %add3A_63 = arith.constant 384 : i32
    %add3A_64 = arith.addi %mul3A_13, %add3A_63 : i32
    %add3A_65 = arith.constant 384 : i32
    %add3A_66 = arith.addi %add3A_50, %add3A_65 : i32
    "tpu.region"() ({
      %run_scoped3A = tpu.sem_alloc : memref<!tpu.dma_semaphore, #tpu.memory_space<semaphore_mem>>
      %dma_start3A = arith.constant 0 : i32
      %dma_start3A_71 = tpu.memref_slice %arg3[%add3A_66, %dma_start3A] : memref<20480x128xf32, #tpu.memory_space<hbm>> -> memref<128x128xf32, #tpu.memory_space<hbm>>
      %dma_start3A_72 = arith.constant 0 : i32
      %dma_start3A_73 = tpu.memref_slice %arg6[%add3A_64, %dma_start3A_72] : memref<10240x128xf32, #tpu.memory_space<vmem_shared>> -> memref<128x128xf32, #tpu.memory_space<vmem_shared>>
      tpu.enqueue_dma source(%dma_start3A_73 : memref<128x128xf32, #tpu.memory_space<vmem_shared>>) target(%dma_start3A_71 : memref<128x128xf32, #tpu.memory_space<hbm>>) target_semaphore(%run_scoped3A : memref<!tpu.dma_semaphore, #tpu.memory_space<semaphore_mem>>)
      %dma_wait3A = arith.constant 0 : i32
      %dma_wait3A_74 = tpu.memref_slice %arg3[%add3A_66, %dma_wait3A] : memref<20480x128xf32, #tpu.memory_space<hbm>> -> memref<128x128xf32, #tpu.memory_space<hbm>>
      %dma_wait3A_75 = arith.constant 0 : i32
      %dma_wait3A_76 = tpu.memref_slice %arg6[%add3A_64, %dma_wait3A_75] : memref<10240x128xf32, #tpu.memory_space<vmem_shared>> -> memref<128x128xf32, #tpu.memory_space<vmem_shared>>
      tpu.wait_dma2 semaphore(%run_scoped3A : memref<!tpu.dma_semaphore, #tpu.memory_space<semaphore_mem>>) src(%dma_wait3A_76 : memref<128x128xf32, #tpu.memory_space<vmem_shared>>) dst(%dma_wait3A_74 : memref<128x128xf32, #tpu.memory_space<hbm>>)
      tpu.yield
    }) : () -> ()
    %add3A_67 = arith.constant 512 : i32
    %add3A_68 = arith.addi %mul3A_13, %add3A_67 : i32
    %add3A_69 = arith.constant 512 : i32
    %add3A_70 = arith.addi %add3A_50, %add3A_69 : i32
    "tpu.region"() ({
      %run_scoped3A = tpu.sem_alloc : memref<!tpu.dma_semaphore, #tpu.memory_space<semaphore_mem>>
      %dma_start3A = arith.constant 0 : i32
      %dma_start3A_71 = tpu.memref_slice %arg3[%add3A_70, %dma_start3A] : memref<20480x128xf32, #tpu.memory_space<hbm>> -> memref<128x128xf32, #tpu.memory_space<hbm>>
      %dma_start3A_72 = arith.constant 0 : i32
      %dma_start3A_73 = tpu.memref_slice %arg6[%add3A_68, %dma_start3A_72] : memref<10240x128xf32, #tpu.memory_space<vmem_shared>> -> memref<128x128xf32, #tpu.memory_space<vmem_shared>>
      tpu.enqueue_dma source(%dma_start3A_73 : memref<128x128xf32, #tpu.memory_space<vmem_shared>>) target(%dma_start3A_71 : memref<128x128xf32, #tpu.memory_space<hbm>>) target_semaphore(%run_scoped3A : memref<!tpu.dma_semaphore, #tpu.memory_space<semaphore_mem>>)
      %dma_wait3A = arith.constant 0 : i32
      %dma_wait3A_74 = tpu.memref_slice %arg3[%add3A_70, %dma_wait3A] : memref<20480x128xf32, #tpu.memory_space<hbm>> -> memref<128x128xf32, #tpu.memory_space<hbm>>
      %dma_wait3A_75 = arith.constant 0 : i32
      %dma_wait3A_76 = tpu.memref_slice %arg6[%add3A_68, %dma_wait3A_75] : memref<10240x128xf32, #tpu.memory_space<vmem_shared>> -> memref<128x128xf32, #tpu.memory_space<vmem_shared>>
      tpu.wait_dma2 semaphore(%run_scoped3A : memref<!tpu.dma_semaphore, #tpu.memory_space<semaphore_mem>>) src(%dma_wait3A_76 : memref<128x128xf32, #tpu.memory_space<vmem_shared>>) dst(%dma_wait3A_74 : memref<128x128xf32, #tpu.memory_space<hbm>>)
      tpu.yield
    }) : () -> ()
    return
  }
}

#map = affine_map<(d0, d1) -> (0, 0)>
module attributes {stable_mosaic.version = 14 : i64} {
  func.func @k(%arg0: i32, %arg1: i32, %arg2: memref<10240x128xf32, #tpu.memory_space<hbm>>, %arg3: memref<1280x128xi32, #tpu.memory_space<hbm>>, %arg4: memref<1280x128xi32, #tpu.memory_space<hbm>>, %arg5: memref<20480x128xf32, #tpu.memory_space<hbm>>, %arg6: memref<40x128xi32, #tpu.memory_space<vmem>>, %arg7: memref<40x128xi32, #tpu.memory_space<vmem>>, %arg8: memref<128x128xf32, #tpu.memory_space<vmem>>, %arg9: memref<128x128xf32, #tpu.memory_space<vmem>>, %arg10: memref<10240x128xf32, #tpu.memory_space<vmem_shared>>, %arg11: memref<!tpu.dma_semaphore, #tpu.memory_space<semaphore_mem>>, %arg12: memref<!tpu.dma_semaphore, #tpu.memory_space<semaphore_mem>>) attributes {dimension_semantics = [#tpu.dimension_semantics<core_parallel>, #tpu.dimension_semantics<subcore_parallel>], iteration_bounds = array<i64: 2, 16>, scalar_prefetch = 0 : i64, scratch_operands = 7 : i64, tpu.core_type = #tpu.core_type<sc_vector_subcore>, window_params = [{transform_indices = #map}, {transform_indices = #map}, {transform_indices = #map}, {transform_indices = #map}]} {
    %mul3A = arith.constant 16 : i32
    %mul3A_0 = arith.muli %arg0, %mul3A : i32
    %add3A = arith.addi %mul3A_0, %arg1 : i32
    %mul3A_1 = arith.constant 40 : i32
    %mul3A_2 = arith.muli %add3A, %mul3A_1 : i32
    "tpu.region"() ({
      %run_scoped3A = tpu.sem_alloc : memref<!tpu.dma_semaphore, #tpu.memory_space<semaphore_mem>>
      %dma_start3A_75 = arith.constant 0 : i32
      %dma_start3A_76 = tpu.memref_slice %arg3[%mul3A_2, %dma_start3A_75] : memref<1280x128xi32, #tpu.memory_space<hbm>> -> memref<40x128xi32, #tpu.memory_space<hbm>>
      %dma_start3A_77 = arith.constant 0 : i32
      %dma_start3A_78 = tpu.memref_slice %arg3[%mul3A_2, %dma_start3A_77] : memref<1280x128xi32, #tpu.memory_space<hbm>> -> memref<40x128xi32, #tpu.memory_space<hbm>>
      tpu.enqueue_dma source(%dma_start3A_78 : memref<40x128xi32, #tpu.memory_space<hbm>>) target(%arg6 : memref<40x128xi32, #tpu.memory_space<vmem>>) target_semaphore(%run_scoped3A : memref<!tpu.dma_semaphore, #tpu.memory_space<semaphore_mem>>)
      %dma_wait3A_79 = arith.constant 0 : i32
      %dma_wait3A_80 = tpu.memref_slice %arg3[%mul3A_2, %dma_wait3A_79] : memref<1280x128xi32, #tpu.memory_space<hbm>> -> memref<40x128xi32, #tpu.memory_space<hbm>>
      %dma_wait3A_81 = arith.constant 0 : i32
      %dma_wait3A_82 = tpu.memref_slice %arg3[%mul3A_2, %dma_wait3A_81] : memref<1280x128xi32, #tpu.memory_space<hbm>> -> memref<40x128xi32, #tpu.memory_space<hbm>>
      tpu.wait_dma2 semaphore(%run_scoped3A : memref<!tpu.dma_semaphore, #tpu.memory_space<semaphore_mem>>) src(%dma_wait3A_82 : memref<40x128xi32, #tpu.memory_space<hbm>>) dst(%arg6 : memref<40x128xi32, #tpu.memory_space<vmem>>)
      tpu.yield
    }) : () -> ()
    %mul3A_3 = arith.constant 40 : i32
    %mul3A_4 = arith.muli %add3A, %mul3A_3 : i32
    "tpu.region"() ({
      %run_scoped3A = tpu.sem_alloc : memref<!tpu.dma_semaphore, #tpu.memory_space<semaphore_mem>>
      %dma_start3A_75 = arith.constant 0 : i32
      %dma_start3A_76 = tpu.memref_slice %arg4[%mul3A_4, %dma_start3A_75] : memref<1280x128xi32, #tpu.memory_space<hbm>> -> memref<40x128xi32, #tpu.memory_space<hbm>>
      %dma_start3A_77 = arith.constant 0 : i32
      %dma_start3A_78 = tpu.memref_slice %arg4[%mul3A_4, %dma_start3A_77] : memref<1280x128xi32, #tpu.memory_space<hbm>> -> memref<40x128xi32, #tpu.memory_space<hbm>>
      tpu.enqueue_dma source(%dma_start3A_78 : memref<40x128xi32, #tpu.memory_space<hbm>>) target(%arg7 : memref<40x128xi32, #tpu.memory_space<vmem>>) target_semaphore(%run_scoped3A : memref<!tpu.dma_semaphore, #tpu.memory_space<semaphore_mem>>)
      %dma_wait3A_79 = arith.constant 0 : i32
      %dma_wait3A_80 = tpu.memref_slice %arg4[%mul3A_4, %dma_wait3A_79] : memref<1280x128xi32, #tpu.memory_space<hbm>> -> memref<40x128xi32, #tpu.memory_space<hbm>>
      %dma_wait3A_81 = arith.constant 0 : i32
      %dma_wait3A_82 = tpu.memref_slice %arg4[%mul3A_4, %dma_wait3A_81] : memref<1280x128xi32, #tpu.memory_space<hbm>> -> memref<40x128xi32, #tpu.memory_space<hbm>>
      tpu.wait_dma2 semaphore(%run_scoped3A : memref<!tpu.dma_semaphore, #tpu.memory_space<semaphore_mem>>) src(%dma_wait3A_82 : memref<40x128xi32, #tpu.memory_space<hbm>>) dst(%arg7 : memref<40x128xi32, #tpu.memory_space<vmem>>)
      tpu.yield
    }) : () -> ()
    %broadcast_in_dim3A = arith.constant 0.000000e+00 : f32
    %broadcast_in_dim3A_5 = vector.broadcast %broadcast_in_dim3A : f32 to vector<16xf32>
    %while3A = arith.constant 0 : i32
    %while3A_6 = arith.constant 0 : i32
    %while3A_7 = arith.constant 128 : i32
    %while3A_8 = arith.subi %while3A_7, %while3A_6 : i32
    %while3A_9 = arith.addi %while3A_6, %while3A_8 : i32
    %while3A_10 = arith.constant 1 : i32
    %while3A_11 = arith.divsi %while3A_8, %while3A_10 : i32
    %while3A_12 = arith.muli %while3A_11, %while3A_10 : i32
    %while3A_13 = arith.addi %while3A_6, %while3A_12 : i32
    %while3A_14 = arith.constant 1 : i32
    scf.for %while3A_75 = %while3A_6 to %while3A_13 step %while3A_14  : i32 {
      %swap3A = arith.index_cast %while3A_75 : i32 to index
      %swap3A_76 = arith.constant 0 : index
      %swap3A_77 = tpu.vector_load %arg8[%swap3A, %swap3A_76] {strides = array<i32>} : memref<128x128xf32, #tpu.memory_space<vmem>>, vector<1x16xf32>,
      %swap3A_78 = vector.shape_cast %swap3A_77 : vector<1x16xf32> to vector<16xf32>
      %swap3A_79 = vector.shape_cast %broadcast_in_dim3A_5 : vector<16xf32> to vector<1x16xf32>
      tpu.vector_store %arg8[%swap3A, %swap3A_76], %swap3A_79 {strides = array<i32>} : memref<128x128xf32, #tpu.memory_space<vmem>>, vector<1x16xf32>,
      %swap3A_80 = arith.index_cast %while3A_75 : i32 to index
      %swap3A_81 = arith.constant 16 : index
      %swap3A_82 = tpu.vector_load %arg8[%swap3A_80, %swap3A_81] {strides = array<i32>} : memref<128x128xf32, #tpu.memory_space<vmem>>, vector<1x16xf32>,
      %swap3A_83 = vector.shape_cast %swap3A_82 : vector<1x16xf32> to vector<16xf32>
      %swap3A_84 = vector.shape_cast %broadcast_in_dim3A_5 : vector<16xf32> to vector<1x16xf32>
      tpu.vector_store %arg8[%swap3A_80, %swap3A_81], %swap3A_84 {strides = array<i32>} : memref<128x128xf32, #tpu.memory_space<vmem>>, vector<1x16xf32>,
      %swap3A_85 = arith.index_cast %while3A_75 : i32 to index
      %swap3A_86 = arith.constant 32 : index
      %swap3A_87 = tpu.vector_load %arg8[%swap3A_85, %swap3A_86] {strides = array<i32>} : memref<128x128xf32, #tpu.memory_space<vmem>>, vector<1x16xf32>,
      %swap3A_88 = vector.shape_cast %swap3A_87 : vector<1x16xf32> to vector<16xf32>
      %swap3A_89 = vector.shape_cast %broadcast_in_dim3A_5 : vector<16xf32> to vector<1x16xf32>
      tpu.vector_store %arg8[%swap3A_85, %swap3A_86], %swap3A_89 {strides = array<i32>} : memref<128x128xf32, #tpu.memory_space<vmem>>, vector<1x16xf32>,
      %swap3A_90 = arith.index_cast %while3A_75 : i32 to index
      %swap3A_91 = arith.constant 48 : index
      %swap3A_92 = tpu.vector_load %arg8[%swap3A_90, %swap3A_91] {strides = array<i32>} : memref<128x128xf32, #tpu.memory_space<vmem>>, vector<1x16xf32>,
      %swap3A_93 = vector.shape_cast %swap3A_92 : vector<1x16xf32> to vector<16xf32>
      %swap3A_94 = vector.shape_cast %broadcast_in_dim3A_5 : vector<16xf32> to vector<1x16xf32>
      tpu.vector_store %arg8[%swap3A_90, %swap3A_91], %swap3A_94 {strides = array<i32>} : memref<128x128xf32, #tpu.memory_space<vmem>>, vector<1x16xf32>,
      %swap3A_95 = arith.index_cast %while3A_75 : i32 to index
      %swap3A_96 = arith.constant 64 : index
      %swap3A_97 = tpu.vector_load %arg8[%swap3A_95, %swap3A_96] {strides = array<i32>} : memref<128x128xf32, #tpu.memory_space<vmem>>, vector<1x16xf32>,
      %swap3A_98 = vector.shape_cast %swap3A_97 : vector<1x16xf32> to vector<16xf32>
      %swap3A_99 = vector.shape_cast %broadcast_in_dim3A_5 : vector<16xf32> to vector<1x16xf32>
      tpu.vector_store %arg8[%swap3A_95, %swap3A_96], %swap3A_99 {strides = array<i32>} : memref<128x128xf32, #tpu.memory_space<vmem>>, vector<1x16xf32>,
      %swap3A_100 = arith.index_cast %while3A_75 : i32 to index
      %swap3A_101 = arith.constant 80 : index
      %swap3A_102 = tpu.vector_load %arg8[%swap3A_100, %swap3A_101] {strides = array<i32>} : memref<128x128xf32, #tpu.memory_space<vmem>>, vector<1x16xf32>,
      %swap3A_103 = vector.shape_cast %swap3A_102 : vector<1x16xf32> to vector<16xf32>
      %swap3A_104 = vector.shape_cast %broadcast_in_dim3A_5 : vector<16xf32> to vector<1x16xf32>
      tpu.vector_store %arg8[%swap3A_100, %swap3A_101], %swap3A_104 {strides = array<i32>} : memref<128x128xf32, #tpu.memory_space<vmem>>, vector<1x16xf32>,
      %swap3A_105 = arith.index_cast %while3A_75 : i32 to index
      %swap3A_106 = arith.constant 96 : index
      %swap3A_107 = tpu.vector_load %arg8[%swap3A_105, %swap3A_106] {strides = array<i32>} : memref<128x128xf32, #tpu.memory_space<vmem>>, vector<1x16xf32>,
      %swap3A_108 = vector.shape_cast %swap3A_107 : vector<1x16xf32> to vector<16xf32>
      %swap3A_109 = vector.shape_cast %broadcast_in_dim3A_5 : vector<16xf32> to vector<1x16xf32>
      tpu.vector_store %arg8[%swap3A_105, %swap3A_106], %swap3A_109 {strides = array<i32>} : memref<128x128xf32, #tpu.memory_space<vmem>>, vector<1x16xf32>,
      %swap3A_110 = arith.index_cast %while3A_75 : i32 to index
      %swap3A_111 = arith.constant 112 : index
      %swap3A_112 = tpu.vector_load %arg8[%swap3A_110, %swap3A_111] {strides = array<i32>} : memref<128x128xf32, #tpu.memory_space<vmem>>, vector<1x16xf32>,
      %swap3A_113 = vector.shape_cast %swap3A_112 : vector<1x16xf32> to vector<16xf32>
      %swap3A_114 = vector.shape_cast %broadcast_in_dim3A_5 : vector<16xf32> to vector<1x16xf32>
      tpu.vector_store %arg8[%swap3A_110, %swap3A_111], %swap3A_114 {strides = array<i32>} : memref<128x128xf32, #tpu.memory_space<vmem>>, vector<1x16xf32>,
    }
    %while3A_15 = arith.constant 1 : i32
    scf.for %while3A_75 = %while3A_13 to %while3A_9 step %while3A_15  : i32 {
      %swap3A = arith.index_cast %while3A_75 : i32 to index
      %swap3A_76 = arith.constant 0 : index
      %swap3A_77 = tpu.vector_load %arg8[%swap3A, %swap3A_76] {strides = array<i32>} : memref<128x128xf32, #tpu.memory_space<vmem>>, vector<1x16xf32>,
      %swap3A_78 = vector.shape_cast %swap3A_77 : vector<1x16xf32> to vector<16xf32>
      %swap3A_79 = vector.shape_cast %broadcast_in_dim3A_5 : vector<16xf32> to vector<1x16xf32>
      tpu.vector_store %arg8[%swap3A, %swap3A_76], %swap3A_79 {strides = array<i32>} : memref<128x128xf32, #tpu.memory_space<vmem>>, vector<1x16xf32>,
      %swap3A_80 = arith.index_cast %while3A_75 : i32 to index
      %swap3A_81 = arith.constant 16 : index
      %swap3A_82 = tpu.vector_load %arg8[%swap3A_80, %swap3A_81] {strides = array<i32>} : memref<128x128xf32, #tpu.memory_space<vmem>>, vector<1x16xf32>,
      %swap3A_83 = vector.shape_cast %swap3A_82 : vector<1x16xf32> to vector<16xf32>
      %swap3A_84 = vector.shape_cast %broadcast_in_dim3A_5 : vector<16xf32> to vector<1x16xf32>
      tpu.vector_store %arg8[%swap3A_80, %swap3A_81], %swap3A_84 {strides = array<i32>} : memref<128x128xf32, #tpu.memory_space<vmem>>, vector<1x16xf32>,
      %swap3A_85 = arith.index_cast %while3A_75 : i32 to index
      %swap3A_86 = arith.constant 32 : index
      %swap3A_87 = tpu.vector_load %arg8[%swap3A_85, %swap3A_86] {strides = array<i32>} : memref<128x128xf32, #tpu.memory_space<vmem>>, vector<1x16xf32>,
      %swap3A_88 = vector.shape_cast %swap3A_87 : vector<1x16xf32> to vector<16xf32>
      %swap3A_89 = vector.shape_cast %broadcast_in_dim3A_5 : vector<16xf32> to vector<1x16xf32>
      tpu.vector_store %arg8[%swap3A_85, %swap3A_86], %swap3A_89 {strides = array<i32>} : memref<128x128xf32, #tpu.memory_space<vmem>>, vector<1x16xf32>,
      %swap3A_90 = arith.index_cast %while3A_75 : i32 to index
      %swap3A_91 = arith.constant 48 : index
      %swap3A_92 = tpu.vector_load %arg8[%swap3A_90, %swap3A_91] {strides = array<i32>} : memref<128x128xf32, #tpu.memory_space<vmem>>, vector<1x16xf32>,
      %swap3A_93 = vector.shape_cast %swap3A_92 : vector<1x16xf32> to vector<16xf32>
      %swap3A_94 = vector.shape_cast %broadcast_in_dim3A_5 : vector<16xf32> to vector<1x16xf32>
      tpu.vector_store %arg8[%swap3A_90, %swap3A_91], %swap3A_94 {strides = array<i32>} : memref<128x128xf32, #tpu.memory_space<vmem>>, vector<1x16xf32>,
      %swap3A_95 = arith.index_cast %while3A_75 : i32 to index
      %swap3A_96 = arith.constant 64 : index
      %swap3A_97 = tpu.vector_load %arg8[%swap3A_95, %swap3A_96] {strides = array<i32>} : memref<128x128xf32, #tpu.memory_space<vmem>>, vector<1x16xf32>,
      %swap3A_98 = vector.shape_cast %swap3A_97 : vector<1x16xf32> to vector<16xf32>
      %swap3A_99 = vector.shape_cast %broadcast_in_dim3A_5 : vector<16xf32> to vector<1x16xf32>
      tpu.vector_store %arg8[%swap3A_95, %swap3A_96], %swap3A_99 {strides = array<i32>} : memref<128x128xf32, #tpu.memory_space<vmem>>, vector<1x16xf32>,
      %swap3A_100 = arith.index_cast %while3A_75 : i32 to index
      %swap3A_101 = arith.constant 80 : index
      %swap3A_102 = tpu.vector_load %arg8[%swap3A_100, %swap3A_101] {strides = array<i32>} : memref<128x128xf32, #tpu.memory_space<vmem>>, vector<1x16xf32>,
      %swap3A_103 = vector.shape_cast %swap3A_102 : vector<1x16xf32> to vector<16xf32>
      %swap3A_104 = vector.shape_cast %broadcast_in_dim3A_5 : vector<16xf32> to vector<1x16xf32>
      tpu.vector_store %arg8[%swap3A_100, %swap3A_101], %swap3A_104 {strides = array<i32>} : memref<128x128xf32, #tpu.memory_space<vmem>>, vector<1x16xf32>,
      %swap3A_105 = arith.index_cast %while3A_75 : i32 to index
      %swap3A_106 = arith.constant 96 : index
      %swap3A_107 = tpu.vector_load %arg8[%swap3A_105, %swap3A_106] {strides = array<i32>} : memref<128x128xf32, #tpu.memory_space<vmem>>, vector<1x16xf32>,
      %swap3A_108 = vector.shape_cast %swap3A_107 : vector<1x16xf32> to vector<16xf32>
      %swap3A_109 = vector.shape_cast %broadcast_in_dim3A_5 : vector<16xf32> to vector<1x16xf32>
      tpu.vector_store %arg8[%swap3A_105, %swap3A_106], %swap3A_109 {strides = array<i32>} : memref<128x128xf32, #tpu.memory_space<vmem>>, vector<1x16xf32>,
      %swap3A_110 = arith.index_cast %while3A_75 : i32 to index
      %swap3A_111 = arith.constant 112 : index
      %swap3A_112 = tpu.vector_load %arg8[%swap3A_110, %swap3A_111] {strides = array<i32>} : memref<128x128xf32, #tpu.memory_space<vmem>>, vector<1x16xf32>,
      %swap3A_113 = vector.shape_cast %swap3A_112 : vector<1x16xf32> to vector<16xf32>
      %swap3A_114 = vector.shape_cast %broadcast_in_dim3A_5 : vector<16xf32> to vector<1x16xf32>
      tpu.vector_store %arg8[%swap3A_110, %swap3A_111], %swap3A_114 {strides = array<i32>} : memref<128x128xf32, #tpu.memory_space<vmem>>, vector<1x16xf32>,
    }
    %mul3A_16 = arith.constant 640 : i32
    %mul3A_17 = arith.muli %arg1, %mul3A_16 : i32
    %add3A_18 = arith.constant 0 : i32
    %add3A_19 = arith.addi %mul3A_17, %add3A_18 : i32
    "tpu.region"() ({
      %run_scoped3A = tpu.sem_alloc : memref<!tpu.dma_semaphore, #tpu.memory_space<semaphore_mem>>
      %dma_start3A_75 = arith.constant 0 : i32
      %dma_start3A_76 = tpu.memref_slice %arg10[%add3A_19, %dma_start3A_75] : memref<10240x128xf32, #tpu.memory_space<vmem_shared>> -> memref<128x128xf32, #tpu.memory_space<vmem_shared>>
      %dma_start3A_77 = arith.constant 0 : i32
      %dma_start3A_78 = tpu.memref_slice %arg10[%add3A_19, %dma_start3A_77] : memref<10240x128xf32, #tpu.memory_space<vmem_shared>> -> memref<128x128xf32, #tpu.memory_space<vmem_shared>>
      tpu.enqueue_dma source(%arg8 : memref<128x128xf32, #tpu.memory_space<vmem>>) target(%dma_start3A_78 : memref<128x128xf32, #tpu.memory_space<vmem_shared>>) target_semaphore(%run_scoped3A : memref<!tpu.dma_semaphore, #tpu.memory_space<semaphore_mem>>)
      %dma_wait3A_79 = arith.constant 0 : i32
      %dma_wait3A_80 = tpu.memref_slice %arg10[%add3A_19, %dma_wait3A_79] : memref<10240x128xf32, #tpu.memory_space<vmem_shared>> -> memref<128x128xf32, #tpu.memory_space<vmem_shared>>
      %dma_wait3A_81 = arith.constant 0 : i32
      %dma_wait3A_82 = tpu.memref_slice %arg10[%add3A_19, %dma_wait3A_81] : memref<10240x128xf32, #tpu.memory_space<vmem_shared>> -> memref<128x128xf32, #tpu.memory_space<vmem_shared>>
      tpu.wait_dma2 semaphore(%run_scoped3A : memref<!tpu.dma_semaphore, #tpu.memory_space<semaphore_mem>>) src(%arg8 : memref<128x128xf32, #tpu.memory_space<vmem>>) dst(%dma_wait3A_82 : memref<128x128xf32, #tpu.memory_space<vmem_shared>>)
      tpu.yield
    }) : () -> ()
    %add3A_20 = arith.constant 128 : i32
    %add3A_21 = arith.addi %mul3A_17, %add3A_20 : i32
    "tpu.region"() ({
      %run_scoped3A = tpu.sem_alloc : memref<!tpu.dma_semaphore, #tpu.memory_space<semaphore_mem>>
      %dma_start3A_75 = arith.constant 0 : i32
      %dma_start3A_76 = tpu.memref_slice %arg10[%add3A_21, %dma_start3A_75] : memref<10240x128xf32, #tpu.memory_space<vmem_shared>> -> memref<128x128xf32, #tpu.memory_space<vmem_shared>>
      %dma_start3A_77 = arith.constant 0 : i32
      %dma_start3A_78 = tpu.memref_slice %arg10[%add3A_21, %dma_start3A_77] : memref<10240x128xf32, #tpu.memory_space<vmem_shared>> -> memref<128x128xf32, #tpu.memory_space<vmem_shared>>
      tpu.enqueue_dma source(%arg8 : memref<128x128xf32, #tpu.memory_space<vmem>>) target(%dma_start3A_78 : memref<128x128xf32, #tpu.memory_space<vmem_shared>>) target_semaphore(%run_scoped3A : memref<!tpu.dma_semaphore, #tpu.memory_space<semaphore_mem>>)
      %dma_wait3A_79 = arith.constant 0 : i32
      %dma_wait3A_80 = tpu.memref_slice %arg10[%add3A_21, %dma_wait3A_79] : memref<10240x128xf32, #tpu.memory_space<vmem_shared>> -> memref<128x128xf32, #tpu.memory_space<vmem_shared>>
      %dma_wait3A_81 = arith.constant 0 : i32
      %dma_wait3A_82 = tpu.memref_slice %arg10[%add3A_21, %dma_wait3A_81] : memref<10240x128xf32, #tpu.memory_space<vmem_shared>> -> memref<128x128xf32, #tpu.memory_space<vmem_shared>>
      tpu.wait_dma2 semaphore(%run_scoped3A : memref<!tpu.dma_semaphore, #tpu.memory_space<semaphore_mem>>) src(%arg8 : memref<128x128xf32, #tpu.memory_space<vmem>>) dst(%dma_wait3A_82 : memref<128x128xf32, #tpu.memory_space<vmem_shared>>)
      tpu.yield
    }) : () -> ()
    %add3A_22 = arith.constant 256 : i32
    %add3A_23 = arith.addi %mul3A_17, %add3A_22 : i32
    "tpu.region"() ({
      %run_scoped3A = tpu.sem_alloc : memref<!tpu.dma_semaphore, #tpu.memory_space<semaphore_mem>>
      %dma_start3A_75 = arith.constant 0 : i32
      %dma_start3A_76 = tpu.memref_slice %arg10[%add3A_23, %dma_start3A_75] : memref<10240x128xf32, #tpu.memory_space<vmem_shared>> -> memref<128x128xf32, #tpu.memory_space<vmem_shared>>
      %dma_start3A_77 = arith.constant 0 : i32
      %dma_start3A_78 = tpu.memref_slice %arg10[%add3A_23, %dma_start3A_77] : memref<10240x128xf32, #tpu.memory_space<vmem_shared>> -> memref<128x128xf32, #tpu.memory_space<vmem_shared>>
      tpu.enqueue_dma source(%arg8 : memref<128x128xf32, #tpu.memory_space<vmem>>) target(%dma_start3A_78 : memref<128x128xf32, #tpu.memory_space<vmem_shared>>) target_semaphore(%run_scoped3A : memref<!tpu.dma_semaphore, #tpu.memory_space<semaphore_mem>>)
      %dma_wait3A_79 = arith.constant 0 : i32
      %dma_wait3A_80 = tpu.memref_slice %arg10[%add3A_23, %dma_wait3A_79] : memref<10240x128xf32, #tpu.memory_space<vmem_shared>> -> memref<128x128xf32, #tpu.memory_space<vmem_shared>>
      %dma_wait3A_81 = arith.constant 0 : i32
      %dma_wait3A_82 = tpu.memref_slice %arg10[%add3A_23, %dma_wait3A_81] : memref<10240x128xf32, #tpu.memory_space<vmem_shared>> -> memref<128x128xf32, #tpu.memory_space<vmem_shared>>
      tpu.wait_dma2 semaphore(%run_scoped3A : memref<!tpu.dma_semaphore, #tpu.memory_space<semaphore_mem>>) src(%arg8 : memref<128x128xf32, #tpu.memory_space<vmem>>) dst(%dma_wait3A_82 : memref<128x128xf32, #tpu.memory_space<vmem_shared>>)
      tpu.yield
    }) : () -> ()
    %add3A_24 = arith.constant 384 : i32
    %add3A_25 = arith.addi %mul3A_17, %add3A_24 : i32
    "tpu.region"() ({
      %run_scoped3A = tpu.sem_alloc : memref<!tpu.dma_semaphore, #tpu.memory_space<semaphore_mem>>
      %dma_start3A_75 = arith.constant 0 : i32
      %dma_start3A_76 = tpu.memref_slice %arg10[%add3A_25, %dma_start3A_75] : memref<10240x128xf32, #tpu.memory_space<vmem_shared>> -> memref<128x128xf32, #tpu.memory_space<vmem_shared>>
      %dma_start3A_77 = arith.constant 0 : i32
      %dma_start3A_78 = tpu.memref_slice %arg10[%add3A_25, %dma_start3A_77] : memref<10240x128xf32, #tpu.memory_space<vmem_shared>> -> memref<128x128xf32, #tpu.memory_space<vmem_shared>>
      tpu.enqueue_dma source(%arg8 : memref<128x128xf32, #tpu.memory_space<vmem>>) target(%dma_start3A_78 : memref<128x128xf32, #tpu.memory_space<vmem_shared>>) target_semaphore(%run_scoped3A : memref<!tpu.dma_semaphore, #tpu.memory_space<semaphore_mem>>)
      %dma_wait3A_79 = arith.constant 0 : i32
      %dma_wait3A_80 = tpu.memref_slice %arg10[%add3A_25, %dma_wait3A_79] : memref<10240x128xf32, #tpu.memory_space<vmem_shared>> -> memref<128x128xf32, #tpu.memory_space<vmem_shared>>
      %dma_wait3A_81 = arith.constant 0 : i32
      %dma_wait3A_82 = tpu.memref_slice %arg10[%add3A_25, %dma_wait3A_81] : memref<10240x128xf32, #tpu.memory_space<vmem_shared>> -> memref<128x128xf32, #tpu.memory_space<vmem_shared>>
      tpu.wait_dma2 semaphore(%run_scoped3A : memref<!tpu.dma_semaphore, #tpu.memory_space<semaphore_mem>>) src(%arg8 : memref<128x128xf32, #tpu.memory_space<vmem>>) dst(%dma_wait3A_82 : memref<128x128xf32, #tpu.memory_space<vmem_shared>>)
      tpu.yield
    }) : () -> ()
    %add3A_26 = arith.constant 512 : i32
    %add3A_27 = arith.addi %mul3A_17, %add3A_26 : i32
    "tpu.region"() ({
      %run_scoped3A = tpu.sem_alloc : memref<!tpu.dma_semaphore, #tpu.memory_space<semaphore_mem>>
      %dma_start3A_75 = arith.constant 0 : i32
      %dma_start3A_76 = tpu.memref_slice %arg10[%add3A_27, %dma_start3A_75] : memref<10240x128xf32, #tpu.memory_space<vmem_shared>> -> memref<128x128xf32, #tpu.memory_space<vmem_shared>>
      %dma_start3A_77 = arith.constant 0 : i32
      %dma_start3A_78 = tpu.memref_slice %arg10[%add3A_27, %dma_start3A_77] : memref<10240x128xf32, #tpu.memory_space<vmem_shared>> -> memref<128x128xf32, #tpu.memory_space<vmem_shared>>
      tpu.enqueue_dma source(%arg8 : memref<128x128xf32, #tpu.memory_space<vmem>>) target(%dma_start3A_78 : memref<128x128xf32, #tpu.memory_space<vmem_shared>>) target_semaphore(%run_scoped3A : memref<!tpu.dma_semaphore, #tpu.memory_space<semaphore_mem>>)
      %dma_wait3A_79 = arith.constant 0 : i32
      %dma_wait3A_80 = tpu.memref_slice %arg10[%add3A_27, %dma_wait3A_79] : memref<10240x128xf32, #tpu.memory_space<vmem_shared>> -> memref<128x128xf32, #tpu.memory_space<vmem_shared>>
      %dma_wait3A_81 = arith.constant 0 : i32
      %dma_wait3A_82 = tpu.memref_slice %arg10[%add3A_27, %dma_wait3A_81] : memref<10240x128xf32, #tpu.memory_space<vmem_shared>> -> memref<128x128xf32, #tpu.memory_space<vmem_shared>>
      tpu.wait_dma2 semaphore(%run_scoped3A : memref<!tpu.dma_semaphore, #tpu.memory_space<semaphore_mem>>) src(%arg8 : memref<128x128xf32, #tpu.memory_space<vmem>>) dst(%dma_wait3A_82 : memref<128x128xf32, #tpu.memory_space<vmem_shared>>)
      tpu.yield
    }) : () -> ()
    %barrier3A = arith.constant 0 : index
    tpu.barrier barrier_id(%barrier3A)
    %dma_start3A = arith.constant 0 : i32
    %dma_start3A_28 = arith.constant 0 : i32
    %dma_start3A_29 = tpu.memref_slice %arg6[%dma_start3A, %dma_start3A_28] : memref<40x128xi32, #tpu.memory_space<vmem>> -> memref<1x128xi32, #tpu.memory_space<vmem>>
    %dma_start3A_30 = tpu.memref_squeeze %dma_start3A_29 : memref<1x128xi32, #tpu.memory_space<vmem>> -> memref<128xi32, #tpu.memory_space<vmem>>
    %dma_start3A_31 = arith.constant 0 : i32
    %dma_start3A_32 = arith.constant 0 : i32
    %dma_start3A_33 = tpu.memref_slice %arg2[%dma_start3A_31, %dma_start3A_32] : memref<10240x128xf32, #tpu.memory_space<hbm>> -> memref<10240x128xf32, #tpu.memory_space<hbm>>
    tpu.enqueue_indirect_dma source(%dma_start3A_33 : memref<10240x128xf32, #tpu.memory_space<hbm>>) target(%arg8 : memref<128x128xf32, #tpu.memory_space<vmem>>) offsets(%dma_start3A_30 : memref<128xi32, #tpu.memory_space<vmem>>) semaphore(%arg11 : memref<!tpu.dma_semaphore, #tpu.memory_space<semaphore_mem>>)
    %while3A_34 = arith.constant 0 : i32
    %while3A_35 = arith.constant 0 : i32
    %while3A_36 = arith.constant 20 : i32
    %while3A_37 = arith.subi %while3A_36, %while3A_35 : i32
    %while3A_38 = arith.addi %while3A_35, %while3A_37 : i32
    %while3A_39 = arith.constant 1 : i32
    %while3A_40 = arith.divsi %while3A_37, %while3A_39 : i32
    %while3A_41 = arith.muli %while3A_40, %while3A_39 : i32
    %while3A_42 = arith.addi %while3A_35, %while3A_41 : i32
    %while3A_43 = arith.constant 1 : i32
    scf.for %while3A_75 = %while3A_35 to %while3A_42 step %while3A_43  : i32 {
      %mul3A_76 = arith.constant 2 : i32
      %mul3A_77 = arith.muli %mul3A_76, %while3A_75 : i32
      %add3A_78 = arith.constant 1 : i32
      %add3A_79 = arith.addi %mul3A_77, %add3A_78 : i32
      %add3A_80 = arith.constant 2 : i32
      %add3A_81 = arith.addi %mul3A_77, %add3A_80 : i32
      %min3A = arith.constant 39 : i32
      %min3A_82 = arith.minsi %add3A_81, %min3A : i32
      %dma_wait3A_83 = arith.constant 0 : i32
      %dma_wait3A_84 = tpu.memref_slice %arg6[%mul3A_77, %dma_wait3A_83] : memref<40x128xi32, #tpu.memory_space<vmem>> -> memref<1x128xi32, #tpu.memory_space<vmem>>
      %dma_wait3A_85 = tpu.memref_squeeze %dma_wait3A_84 : memref<1x128xi32, #tpu.memory_space<vmem>> -> memref<128xi32, #tpu.memory_space<vmem>>
      %dma_wait3A_86 = arith.constant 0 : i32
      %dma_wait3A_87 = arith.constant 0 : i32
      %dma_wait3A_88 = tpu.memref_slice %arg2[%dma_wait3A_86, %dma_wait3A_87] : memref<10240x128xf32, #tpu.memory_space<hbm>> -> memref<10240x128xf32, #tpu.memory_space<hbm>>
      tpu.wait_indirect_dma semaphore(%arg11 : memref<!tpu.dma_semaphore, #tpu.memory_space<semaphore_mem>>) src(%dma_wait3A_88 : memref<10240x128xf32, #tpu.memory_space<hbm>>) dst(%arg8 : memref<128x128xf32, #tpu.memory_space<vmem>>)
      %dma_start3A_89 = arith.constant 0 : i32
      %dma_start3A_90 = tpu.memref_slice %arg6[%add3A_79, %dma_start3A_89] : memref<40x128xi32, #tpu.memory_space<vmem>> -> memref<1x128xi32, #tpu.memory_space<vmem>>
      %dma_start3A_91 = tpu.memref_squeeze %dma_start3A_90 : memref<1x128xi32, #tpu.memory_space<vmem>> -> memref<128xi32, #tpu.memory_space<vmem>>
      %dma_start3A_92 = arith.constant 0 : i32
      %dma_start3A_93 = arith.constant 0 : i32
      %dma_start3A_94 = tpu.memref_slice %arg2[%dma_start3A_92, %dma_start3A_93] : memref<10240x128xf32, #tpu.memory_space<hbm>> -> memref<10240x128xf32, #tpu.memory_space<hbm>>
      tpu.enqueue_indirect_dma source(%dma_start3A_94 : memref<10240x128xf32, #tpu.memory_space<hbm>>) target(%arg9 : memref<128x128xf32, #tpu.memory_space<vmem>>) offsets(%dma_start3A_91 : memref<128xi32, #tpu.memory_space<vmem>>) semaphore(%arg12 : memref<!tpu.dma_semaphore, #tpu.memory_space<semaphore_mem>>)
      "tpu.region"() ({
        %run_scoped3A = tpu.sem_alloc : memref<!tpu.dma_semaphore, #tpu.memory_space<semaphore_mem>>
        %dma_start3A_107 = arith.constant 0 : i32
        %dma_start3A_108 = tpu.memref_slice %arg7[%mul3A_77, %dma_start3A_107] : memref<40x128xi32, #tpu.memory_space<vmem>> -> memref<1x128xi32, #tpu.memory_space<vmem>>
        %dma_start3A_109 = tpu.memref_squeeze %dma_start3A_108 : memref<1x128xi32, #tpu.memory_space<vmem>> -> memref<128xi32, #tpu.memory_space<vmem>>
        %dma_start3A_110 = arith.constant 0 : i32
        %dma_start3A_111 = arith.constant 0 : i32
        %dma_start3A_112 = tpu.memref_slice %arg10[%dma_start3A_110, %dma_start3A_111] : memref<10240x128xf32, #tpu.memory_space<vmem_shared>> -> memref<10240x128xf32, #tpu.memory_space<vmem_shared>>
        tpu.enqueue_indirect_dma source(%arg8 : memref<128x128xf32, #tpu.memory_space<vmem>>) target(%dma_start3A_112 : memref<10240x128xf32, #tpu.memory_space<vmem_shared>>) offsets(%dma_start3A_109 : memref<128xi32, #tpu.memory_space<vmem>>) semaphore(%run_scoped3A : memref<!tpu.dma_semaphore, #tpu.memory_space<semaphore_mem>>) {add = true}
        %dma_wait3A_113 = arith.constant 0 : i32
        %dma_wait3A_114 = tpu.memref_slice %arg7[%mul3A_77, %dma_wait3A_113] : memref<40x128xi32, #tpu.memory_space<vmem>> -> memref<1x128xi32, #tpu.memory_space<vmem>>
        %dma_wait3A_115 = tpu.memref_squeeze %dma_wait3A_114 : memref<1x128xi32, #tpu.memory_space<vmem>> -> memref<128xi32, #tpu.memory_space<vmem>>
        %dma_wait3A_116 = arith.constant 0 : i32
        %dma_wait3A_117 = arith.constant 0 : i32
        %dma_wait3A_118 = tpu.memref_slice %arg10[%dma_wait3A_116, %dma_wait3A_117] : memref<10240x128xf32, #tpu.memory_space<vmem_shared>> -> memref<10240x128xf32, #tpu.memory_space<vmem_shared>>
        tpu.wait_indirect_dma semaphore(%run_scoped3A : memref<!tpu.dma_semaphore, #tpu.memory_space<semaphore_mem>>) src(%arg8 : memref<128x128xf32, #tpu.memory_space<vmem>>) dst(%dma_wait3A_118 : memref<10240x128xf32, #tpu.memory_space<vmem_shared>>)
        tpu.yield
      }) : () -> ()
      %dma_wait3A_95 = arith.constant 0 : i32
      %dma_wait3A_96 = tpu.memref_slice %arg6[%add3A_79, %dma_wait3A_95] : memref<40x128xi32, #tpu.memory_space<vmem>> -> memref<1x128xi32, #tpu.memory_space<vmem>>
      %dma_wait3A_97 = tpu.memref_squeeze %dma_wait3A_96 : memref<1x128xi32, #tpu.memory_space<vmem>> -> memref<128xi32, #tpu.memory_space<vmem>>
      %dma_wait3A_98 = arith.constant 0 : i32
      %dma_wait3A_99 = arith.constant 0 : i32
      %dma_wait3A_100 = tpu.memref_slice %arg2[%dma_wait3A_98, %dma_wait3A_99] : memref<10240x128xf32, #tpu.memory_space<hbm>> -> memref<10240x128xf32, #tpu.memory_space<hbm>>
      tpu.wait_indirect_dma semaphore(%arg12 : memref<!tpu.dma_semaphore, #tpu.memory_space<semaphore_mem>>) src(%dma_wait3A_100 : memref<10240x128xf32, #tpu.memory_space<hbm>>) dst(%arg9 : memref<128x128xf32, #tpu.memory_space<vmem>>)
      %dma_start3A_101 = arith.constant 0 : i32
      %dma_start3A_102 = tpu.memref_slice %arg6[%min3A_82, %dma_start3A_101] : memref<40x128xi32, #tpu.memory_space<vmem>> -> memref<1x128xi32, #tpu.memory_space<vmem>>
      %dma_start3A_103 = tpu.memref_squeeze %dma_start3A_102 : memref<1x128xi32, #tpu.memory_space<vmem>> -> memref<128xi32, #tpu.memory_space<vmem>>
      %dma_start3A_104 = arith.constant 0 : i32
      %dma_start3A_105 = arith.constant 0 : i32
      %dma_start3A_106 = tpu.memref_slice %arg2[%dma_start3A_104, %dma_start3A_105] : memref<10240x128xf32, #tpu.memory_space<hbm>> -> memref<10240x128xf32, #tpu.memory_space<hbm>>
      tpu.enqueue_indirect_dma source(%dma_start3A_106 : memref<10240x128xf32, #tpu.memory_space<hbm>>) target(%arg8 : memref<128x128xf32, #tpu.memory_space<vmem>>) offsets(%dma_start3A_103 : memref<128xi32, #tpu.memory_space<vmem>>) semaphore(%arg11 : memref<!tpu.dma_semaphore, #tpu.memory_space<semaphore_mem>>)
      "tpu.region"() ({
        %run_scoped3A = tpu.sem_alloc : memref<!tpu.dma_semaphore, #tpu.memory_space<semaphore_mem>>
        %dma_start3A_107 = arith.constant 0 : i32
        %dma_start3A_108 = tpu.memref_slice %arg7[%add3A_79, %dma_start3A_107] : memref<40x128xi32, #tpu.memory_space<vmem>> -> memref<1x128xi32, #tpu.memory_space<vmem>>
        %dma_start3A_109 = tpu.memref_squeeze %dma_start3A_108 : memref<1x128xi32, #tpu.memory_space<vmem>> -> memref<128xi32, #tpu.memory_space<vmem>>
        %dma_start3A_110 = arith.constant 0 : i32
        %dma_start3A_111 = arith.constant 0 : i32
        %dma_start3A_112 = tpu.memref_slice %arg10[%dma_start3A_110, %dma_start3A_111] : memref<10240x128xf32, #tpu.memory_space<vmem_shared>> -> memref<10240x128xf32, #tpu.memory_space<vmem_shared>>
        tpu.enqueue_indirect_dma source(%arg9 : memref<128x128xf32, #tpu.memory_space<vmem>>) target(%dma_start3A_112 : memref<10240x128xf32, #tpu.memory_space<vmem_shared>>) offsets(%dma_start3A_109 : memref<128xi32, #tpu.memory_space<vmem>>) semaphore(%run_scoped3A : memref<!tpu.dma_semaphore, #tpu.memory_space<semaphore_mem>>) {add = true}
        %dma_wait3A_113 = arith.constant 0 : i32
        %dma_wait3A_114 = tpu.memref_slice %arg7[%add3A_79, %dma_wait3A_113] : memref<40x128xi32, #tpu.memory_space<vmem>> -> memref<1x128xi32, #tpu.memory_space<vmem>>
        %dma_wait3A_115 = tpu.memref_squeeze %dma_wait3A_114 : memref<1x128xi32, #tpu.memory_space<vmem>> -> memref<128xi32, #tpu.memory_space<vmem>>
        %dma_wait3A_116 = arith.constant 0 : i32
        %dma_wait3A_117 = arith.constant 0 : i32
        %dma_wait3A_118 = tpu.memref_slice %arg10[%dma_wait3A_116, %dma_wait3A_117] : memref<10240x128xf32, #tpu.memory_space<vmem_shared>> -> memref<10240x128xf32, #tpu.memory_space<vmem_shared>>
        tpu.wait_indirect_dma semaphore(%run_scoped3A : memref<!tpu.dma_semaphore, #tpu.memory_space<semaphore_mem>>) src(%arg9 : memref<128x128xf32, #tpu.memory_space<vmem>>) dst(%dma_wait3A_118 : memref<10240x128xf32, #tpu.memory_space<vmem_shared>>)
        tpu.yield
      }) : () -> ()
    }
    %while3A_44 = arith.constant 1 : i32
    scf.for %while3A_75 = %while3A_42 to %while3A_38 step %while3A_44  : i32 {
      %mul3A_76 = arith.constant 2 : i32
      %mul3A_77 = arith.muli %mul3A_76, %while3A_75 : i32
      %add3A_78 = arith.constant 1 : i32
      %add3A_79 = arith.addi %mul3A_77, %add3A_78 : i32
      %add3A_80 = arith.constant 2 : i32
      %add3A_81 = arith.addi %mul3A_77, %add3A_80 : i32
      %min3A = arith.constant 39 : i32
      %min3A_82 = arith.minsi %add3A_81, %min3A : i32
      %dma_wait3A_83 = arith.constant 0 : i32
      %dma_wait3A_84 = tpu.memref_slice %arg6[%mul3A_77, %dma_wait3A_83] : memref<40x128xi32, #tpu.memory_space<vmem>> -> memref<1x128xi32, #tpu.memory_space<vmem>>
      %dma_wait3A_85 = tpu.memref_squeeze %dma_wait3A_84 : memref<1x128xi32, #tpu.memory_space<vmem>> -> memref<128xi32, #tpu.memory_space<vmem>>
      %dma_wait3A_86 = arith.constant 0 : i32
      %dma_wait3A_87 = arith.constant 0 : i32
      %dma_wait3A_88 = tpu.memref_slice %arg2[%dma_wait3A_86, %dma_wait3A_87] : memref<10240x128xf32, #tpu.memory_space<hbm>> -> memref<10240x128xf32, #tpu.memory_space<hbm>>
      tpu.wait_indirect_dma semaphore(%arg11 : memref<!tpu.dma_semaphore, #tpu.memory_space<semaphore_mem>>) src(%dma_wait3A_88 : memref<10240x128xf32, #tpu.memory_space<hbm>>) dst(%arg8 : memref<128x128xf32, #tpu.memory_space<vmem>>)
      %dma_start3A_89 = arith.constant 0 : i32
      %dma_start3A_90 = tpu.memref_slice %arg6[%add3A_79, %dma_start3A_89] : memref<40x128xi32, #tpu.memory_space<vmem>> -> memref<1x128xi32, #tpu.memory_space<vmem>>
      %dma_start3A_91 = tpu.memref_squeeze %dma_start3A_90 : memref<1x128xi32, #tpu.memory_space<vmem>> -> memref<128xi32, #tpu.memory_space<vmem>>
      %dma_start3A_92 = arith.constant 0 : i32
      %dma_start3A_93 = arith.constant 0 : i32
      %dma_start3A_94 = tpu.memref_slice %arg2[%dma_start3A_92, %dma_start3A_93] : memref<10240x128xf32, #tpu.memory_space<hbm>> -> memref<10240x128xf32, #tpu.memory_space<hbm>>
      tpu.enqueue_indirect_dma source(%dma_start3A_94 : memref<10240x128xf32, #tpu.memory_space<hbm>>) target(%arg9 : memref<128x128xf32, #tpu.memory_space<vmem>>) offsets(%dma_start3A_91 : memref<128xi32, #tpu.memory_space<vmem>>) semaphore(%arg12 : memref<!tpu.dma_semaphore, #tpu.memory_space<semaphore_mem>>)
      "tpu.region"() ({
        %run_scoped3A = tpu.sem_alloc : memref<!tpu.dma_semaphore, #tpu.memory_space<semaphore_mem>>
        %dma_start3A_107 = arith.constant 0 : i32
        %dma_start3A_108 = tpu.memref_slice %arg7[%mul3A_77, %dma_start3A_107] : memref<40x128xi32, #tpu.memory_space<vmem>> -> memref<1x128xi32, #tpu.memory_space<vmem>>
        %dma_start3A_109 = tpu.memref_squeeze %dma_start3A_108 : memref<1x128xi32, #tpu.memory_space<vmem>> -> memref<128xi32, #tpu.memory_space<vmem>>
        %dma_start3A_110 = arith.constant 0 : i32
        %dma_start3A_111 = arith.constant 0 : i32
        %dma_start3A_112 = tpu.memref_slice %arg10[%dma_start3A_110, %dma_start3A_111] : memref<10240x128xf32, #tpu.memory_space<vmem_shared>> -> memref<10240x128xf32, #tpu.memory_space<vmem_shared>>
        tpu.enqueue_indirect_dma source(%arg8 : memref<128x128xf32, #tpu.memory_space<vmem>>) target(%dma_start3A_112 : memref<10240x128xf32, #tpu.memory_space<vmem_shared>>) offsets(%dma_start3A_109 : memref<128xi32, #tpu.memory_space<vmem>>) semaphore(%run_scoped3A : memref<!tpu.dma_semaphore, #tpu.memory_space<semaphore_mem>>) {add = true}
        %dma_wait3A_113 = arith.constant 0 : i32
        %dma_wait3A_114 = tpu.memref_slice %arg7[%mul3A_77, %dma_wait3A_113] : memref<40x128xi32, #tpu.memory_space<vmem>> -> memref<1x128xi32, #tpu.memory_space<vmem>>
        %dma_wait3A_115 = tpu.memref_squeeze %dma_wait3A_114 : memref<1x128xi32, #tpu.memory_space<vmem>> -> memref<128xi32, #tpu.memory_space<vmem>>
        %dma_wait3A_116 = arith.constant 0 : i32
        %dma_wait3A_117 = arith.constant 0 : i32
        %dma_wait3A_118 = tpu.memref_slice %arg10[%dma_wait3A_116, %dma_wait3A_117] : memref<10240x128xf32, #tpu.memory_space<vmem_shared>> -> memref<10240x128xf32, #tpu.memory_space<vmem_shared>>
        tpu.wait_indirect_dma semaphore(%run_scoped3A : memref<!tpu.dma_semaphore, #tpu.memory_space<semaphore_mem>>) src(%arg8 : memref<128x128xf32, #tpu.memory_space<vmem>>) dst(%dma_wait3A_118 : memref<10240x128xf32, #tpu.memory_space<vmem_shared>>)
        tpu.yield
      }) : () -> ()
      %dma_wait3A_95 = arith.constant 0 : i32
      %dma_wait3A_96 = tpu.memref_slice %arg6[%add3A_79, %dma_wait3A_95] : memref<40x128xi32, #tpu.memory_space<vmem>> -> memref<1x128xi32, #tpu.memory_space<vmem>>
      %dma_wait3A_97 = tpu.memref_squeeze %dma_wait3A_96 : memref<1x128xi32, #tpu.memory_space<vmem>> -> memref<128xi32, #tpu.memory_space<vmem>>
      %dma_wait3A_98 = arith.constant 0 : i32
      %dma_wait3A_99 = arith.constant 0 : i32
      %dma_wait3A_100 = tpu.memref_slice %arg2[%dma_wait3A_98, %dma_wait3A_99] : memref<10240x128xf32, #tpu.memory_space<hbm>> -> memref<10240x128xf32, #tpu.memory_space<hbm>>
      tpu.wait_indirect_dma semaphore(%arg12 : memref<!tpu.dma_semaphore, #tpu.memory_space<semaphore_mem>>) src(%dma_wait3A_100 : memref<10240x128xf32, #tpu.memory_space<hbm>>) dst(%arg9 : memref<128x128xf32, #tpu.memory_space<vmem>>)
      %dma_start3A_101 = arith.constant 0 : i32
      %dma_start3A_102 = tpu.memref_slice %arg6[%min3A_82, %dma_start3A_101] : memref<40x128xi32, #tpu.memory_space<vmem>> -> memref<1x128xi32, #tpu.memory_space<vmem>>
      %dma_start3A_103 = tpu.memref_squeeze %dma_start3A_102 : memref<1x128xi32, #tpu.memory_space<vmem>> -> memref<128xi32, #tpu.memory_space<vmem>>
      %dma_start3A_104 = arith.constant 0 : i32
      %dma_start3A_105 = arith.constant 0 : i32
      %dma_start3A_106 = tpu.memref_slice %arg2[%dma_start3A_104, %dma_start3A_105] : memref<10240x128xf32, #tpu.memory_space<hbm>> -> memref<10240x128xf32, #tpu.memory_space<hbm>>
      tpu.enqueue_indirect_dma source(%dma_start3A_106 : memref<10240x128xf32, #tpu.memory_space<hbm>>) target(%arg8 : memref<128x128xf32, #tpu.memory_space<vmem>>) offsets(%dma_start3A_103 : memref<128xi32, #tpu.memory_space<vmem>>) semaphore(%arg11 : memref<!tpu.dma_semaphore, #tpu.memory_space<semaphore_mem>>)
      "tpu.region"() ({
        %run_scoped3A = tpu.sem_alloc : memref<!tpu.dma_semaphore, #tpu.memory_space<semaphore_mem>>
        %dma_start3A_107 = arith.constant 0 : i32
        %dma_start3A_108 = tpu.memref_slice %arg7[%add3A_79, %dma_start3A_107] : memref<40x128xi32, #tpu.memory_space<vmem>> -> memref<1x128xi32, #tpu.memory_space<vmem>>
        %dma_start3A_109 = tpu.memref_squeeze %dma_start3A_108 : memref<1x128xi32, #tpu.memory_space<vmem>> -> memref<128xi32, #tpu.memory_space<vmem>>
        %dma_start3A_110 = arith.constant 0 : i32
        %dma_start3A_111 = arith.constant 0 : i32
        %dma_start3A_112 = tpu.memref_slice %arg10[%dma_start3A_110, %dma_start3A_111] : memref<10240x128xf32, #tpu.memory_space<vmem_shared>> -> memref<10240x128xf32, #tpu.memory_space<vmem_shared>>
        tpu.enqueue_indirect_dma source(%arg9 : memref<128x128xf32, #tpu.memory_space<vmem>>) target(%dma_start3A_112 : memref<10240x128xf32, #tpu.memory_space<vmem_shared>>) offsets(%dma_start3A_109 : memref<128xi32, #tpu.memory_space<vmem>>) semaphore(%run_scoped3A : memref<!tpu.dma_semaphore, #tpu.memory_space<semaphore_mem>>) {add = true}
        %dma_wait3A_113 = arith.constant 0 : i32
        %dma_wait3A_114 = tpu.memref_slice %arg7[%add3A_79, %dma_wait3A_113] : memref<40x128xi32, #tpu.memory_space<vmem>> -> memref<1x128xi32, #tpu.memory_space<vmem>>
        %dma_wait3A_115 = tpu.memref_squeeze %dma_wait3A_114 : memref<1x128xi32, #tpu.memory_space<vmem>> -> memref<128xi32, #tpu.memory_space<vmem>>
        %dma_wait3A_116 = arith.constant 0 : i32
        %dma_wait3A_117 = arith.constant 0 : i32
        %dma_wait3A_118 = tpu.memref_slice %arg10[%dma_wait3A_116, %dma_wait3A_117] : memref<10240x128xf32, #tpu.memory_space<vmem_shared>> -> memref<10240x128xf32, #tpu.memory_space<vmem_shared>>
        tpu.wait_indirect_dma semaphore(%run_scoped3A : memref<!tpu.dma_semaphore, #tpu.memory_space<semaphore_mem>>) src(%arg9 : memref<128x128xf32, #tpu.memory_space<vmem>>) dst(%dma_wait3A_118 : memref<10240x128xf32, #tpu.memory_space<vmem_shared>>)
        tpu.yield
      }) : () -> ()
    }
    %dma_wait3A = arith.constant 39 : i32
    %dma_wait3A_45 = arith.constant 0 : i32
    %dma_wait3A_46 = tpu.memref_slice %arg6[%dma_wait3A, %dma_wait3A_45] : memref<40x128xi32, #tpu.memory_space<vmem>> -> memref<1x128xi32, #tpu.memory_space<vmem>>
    %dma_wait3A_47 = tpu.memref_squeeze %dma_wait3A_46 : memref<1x128xi32, #tpu.memory_space<vmem>> -> memref<128xi32, #tpu.memory_space<vmem>>
    %dma_wait3A_48 = arith.constant 0 : i32
    %dma_wait3A_49 = arith.constant 0 : i32
    %dma_wait3A_50 = tpu.memref_slice %arg2[%dma_wait3A_48, %dma_wait3A_49] : memref<10240x128xf32, #tpu.memory_space<hbm>> -> memref<10240x128xf32, #tpu.memory_space<hbm>>
    tpu.wait_indirect_dma semaphore(%arg11 : memref<!tpu.dma_semaphore, #tpu.memory_space<semaphore_mem>>) src(%dma_wait3A_50 : memref<10240x128xf32, #tpu.memory_space<hbm>>) dst(%arg8 : memref<128x128xf32, #tpu.memory_space<vmem>>)
    %barrier3A_51 = arith.constant 0 : index
    tpu.barrier barrier_id(%barrier3A_51)
    %mul3A_52 = arith.constant 10240 : i32
    %mul3A_53 = arith.muli %arg0, %mul3A_52 : i32
    %add3A_54 = arith.addi %mul3A_53, %mul3A_17 : i32
    %add3A_55 = arith.constant 0 : i32
    %add3A_56 = arith.addi %mul3A_17, %add3A_55 : i32
    %add3A_57 = arith.constant 0 : i32
    %add3A_58 = arith.addi %add3A_54, %add3A_57 : i32
    "tpu.region"() ({
      %run_scoped3A = tpu.sem_alloc : memref<!tpu.dma_semaphore, #tpu.memory_space<semaphore_mem>>
      %dma_start3A_75 = arith.constant 0 : i32
      %dma_start3A_76 = tpu.memref_slice %arg5[%add3A_58, %dma_start3A_75] : memref<20480x128xf32, #tpu.memory_space<hbm>> -> memref<128x128xf32, #tpu.memory_space<hbm>>
      %dma_start3A_77 = arith.constant 0 : i32
      %dma_start3A_78 = tpu.memref_slice %arg10[%add3A_56, %dma_start3A_77] : memref<10240x128xf32, #tpu.memory_space<vmem_shared>> -> memref<128x128xf32, #tpu.memory_space<vmem_shared>>
      tpu.enqueue_dma source(%dma_start3A_78 : memref<128x128xf32, #tpu.memory_space<vmem_shared>>) target(%dma_start3A_76 : memref<128x128xf32, #tpu.memory_space<hbm>>) target_semaphore(%run_scoped3A : memref<!tpu.dma_semaphore, #tpu.memory_space<semaphore_mem>>)
      %dma_wait3A_79 = arith.constant 0 : i32
      %dma_wait3A_80 = tpu.memref_slice %arg5[%add3A_58, %dma_wait3A_79] : memref<20480x128xf32, #tpu.memory_space<hbm>> -> memref<128x128xf32, #tpu.memory_space<hbm>>
      %dma_wait3A_81 = arith.constant 0 : i32
      %dma_wait3A_82 = tpu.memref_slice %arg10[%add3A_56, %dma_wait3A_81] : memref<10240x128xf32, #tpu.memory_space<vmem_shared>> -> memref<128x128xf32, #tpu.memory_space<vmem_shared>>
      tpu.wait_dma2 semaphore(%run_scoped3A : memref<!tpu.dma_semaphore, #tpu.memory_space<semaphore_mem>>) src(%dma_wait3A_82 : memref<128x128xf32, #tpu.memory_space<vmem_shared>>) dst(%dma_wait3A_80 : memref<128x128xf32, #tpu.memory_space<hbm>>)
      tpu.yield
    }) : () -> ()
    %add3A_59 = arith.constant 128 : i32
    %add3A_60 = arith.addi %mul3A_17, %add3A_59 : i32
    %add3A_61 = arith.constant 128 : i32
    %add3A_62 = arith.addi %add3A_54, %add3A_61 : i32
    "tpu.region"() ({
      %run_scoped3A = tpu.sem_alloc : memref<!tpu.dma_semaphore, #tpu.memory_space<semaphore_mem>>
      %dma_start3A_75 = arith.constant 0 : i32
      %dma_start3A_76 = tpu.memref_slice %arg5[%add3A_62, %dma_start3A_75] : memref<20480x128xf32, #tpu.memory_space<hbm>> -> memref<128x128xf32, #tpu.memory_space<hbm>>
      %dma_start3A_77 = arith.constant 0 : i32
      %dma_start3A_78 = tpu.memref_slice %arg10[%add3A_60, %dma_start3A_77] : memref<10240x128xf32, #tpu.memory_space<vmem_shared>> -> memref<128x128xf32, #tpu.memory_space<vmem_shared>>
      tpu.enqueue_dma source(%dma_start3A_78 : memref<128x128xf32, #tpu.memory_space<vmem_shared>>) target(%dma_start3A_76 : memref<128x128xf32, #tpu.memory_space<hbm>>) target_semaphore(%run_scoped3A : memref<!tpu.dma_semaphore, #tpu.memory_space<semaphore_mem>>)
      %dma_wait3A_79 = arith.constant 0 : i32
      %dma_wait3A_80 = tpu.memref_slice %arg5[%add3A_62, %dma_wait3A_79] : memref<20480x128xf32, #tpu.memory_space<hbm>> -> memref<128x128xf32, #tpu.memory_space<hbm>>
      %dma_wait3A_81 = arith.constant 0 : i32
      %dma_wait3A_82 = tpu.memref_slice %arg10[%add3A_60, %dma_wait3A_81] : memref<10240x128xf32, #tpu.memory_space<vmem_shared>> -> memref<128x128xf32, #tpu.memory_space<vmem_shared>>
      tpu.wait_dma2 semaphore(%run_scoped3A : memref<!tpu.dma_semaphore, #tpu.memory_space<semaphore_mem>>) src(%dma_wait3A_82 : memref<128x128xf32, #tpu.memory_space<vmem_shared>>) dst(%dma_wait3A_80 : memref<128x128xf32, #tpu.memory_space<hbm>>)
      tpu.yield
    }) : () -> ()
    %add3A_63 = arith.constant 256 : i32
    %add3A_64 = arith.addi %mul3A_17, %add3A_63 : i32
    %add3A_65 = arith.constant 256 : i32
    %add3A_66 = arith.addi %add3A_54, %add3A_65 : i32
    "tpu.region"() ({
      %run_scoped3A = tpu.sem_alloc : memref<!tpu.dma_semaphore, #tpu.memory_space<semaphore_mem>>
      %dma_start3A_75 = arith.constant 0 : i32
      %dma_start3A_76 = tpu.memref_slice %arg5[%add3A_66, %dma_start3A_75] : memref<20480x128xf32, #tpu.memory_space<hbm>> -> memref<128x128xf32, #tpu.memory_space<hbm>>
      %dma_start3A_77 = arith.constant 0 : i32
      %dma_start3A_78 = tpu.memref_slice %arg10[%add3A_64, %dma_start3A_77] : memref<10240x128xf32, #tpu.memory_space<vmem_shared>> -> memref<128x128xf32, #tpu.memory_space<vmem_shared>>
      tpu.enqueue_dma source(%dma_start3A_78 : memref<128x128xf32, #tpu.memory_space<vmem_shared>>) target(%dma_start3A_76 : memref<128x128xf32, #tpu.memory_space<hbm>>) target_semaphore(%run_scoped3A : memref<!tpu.dma_semaphore, #tpu.memory_space<semaphore_mem>>)
      %dma_wait3A_79 = arith.constant 0 : i32
      %dma_wait3A_80 = tpu.memref_slice %arg5[%add3A_66, %dma_wait3A_79] : memref<20480x128xf32, #tpu.memory_space<hbm>> -> memref<128x128xf32, #tpu.memory_space<hbm>>
      %dma_wait3A_81 = arith.constant 0 : i32
      %dma_wait3A_82 = tpu.memref_slice %arg10[%add3A_64, %dma_wait3A_81] : memref<10240x128xf32, #tpu.memory_space<vmem_shared>> -> memref<128x128xf32, #tpu.memory_space<vmem_shared>>
      tpu.wait_dma2 semaphore(%run_scoped3A : memref<!tpu.dma_semaphore, #tpu.memory_space<semaphore_mem>>) src(%dma_wait3A_82 : memref<128x128xf32, #tpu.memory_space<vmem_shared>>) dst(%dma_wait3A_80 : memref<128x128xf32, #tpu.memory_space<hbm>>)
      tpu.yield
    }) : () -> ()
    %add3A_67 = arith.constant 384 : i32
    %add3A_68 = arith.addi %mul3A_17, %add3A_67 : i32
    %add3A_69 = arith.constant 384 : i32
    %add3A_70 = arith.addi %add3A_54, %add3A_69 : i32
    "tpu.region"() ({
      %run_scoped3A = tpu.sem_alloc : memref<!tpu.dma_semaphore, #tpu.memory_space<semaphore_mem>>
      %dma_start3A_75 = arith.constant 0 : i32
      %dma_start3A_76 = tpu.memref_slice %arg5[%add3A_70, %dma_start3A_75] : memref<20480x128xf32, #tpu.memory_space<hbm>> -> memref<128x128xf32, #tpu.memory_space<hbm>>
      %dma_start3A_77 = arith.constant 0 : i32
      %dma_start3A_78 = tpu.memref_slice %arg10[%add3A_68, %dma_start3A_77] : memref<10240x128xf32, #tpu.memory_space<vmem_shared>> -> memref<128x128xf32, #tpu.memory_space<vmem_shared>>
      tpu.enqueue_dma source(%dma_start3A_78 : memref<128x128xf32, #tpu.memory_space<vmem_shared>>) target(%dma_start3A_76 : memref<128x128xf32, #tpu.memory_space<hbm>>) target_semaphore(%run_scoped3A : memref<!tpu.dma_semaphore, #tpu.memory_space<semaphore_mem>>)
      %dma_wait3A_79 = arith.constant 0 : i32
      %dma_wait3A_80 = tpu.memref_slice %arg5[%add3A_70, %dma_wait3A_79] : memref<20480x128xf32, #tpu.memory_space<hbm>> -> memref<128x128xf32, #tpu.memory_space<hbm>>
      %dma_wait3A_81 = arith.constant 0 : i32
      %dma_wait3A_82 = tpu.memref_slice %arg10[%add3A_68, %dma_wait3A_81] : memref<10240x128xf32, #tpu.memory_space<vmem_shared>> -> memref<128x128xf32, #tpu.memory_space<vmem_shared>>
      tpu.wait_dma2 semaphore(%run_scoped3A : memref<!tpu.dma_semaphore, #tpu.memory_space<semaphore_mem>>) src(%dma_wait3A_82 : memref<128x128xf32, #tpu.memory_space<vmem_shared>>) dst(%dma_wait3A_80 : memref<128x128xf32, #tpu.memory_space<hbm>>)
      tpu.yield
    }) : () -> ()
    %add3A_71 = arith.constant 512 : i32
    %add3A_72 = arith.addi %mul3A_17, %add3A_71 : i32
    %add3A_73 = arith.constant 512 : i32
    %add3A_74 = arith.addi %add3A_54, %add3A_73 : i32
    "tpu.region"() ({
      %run_scoped3A = tpu.sem_alloc : memref<!tpu.dma_semaphore, #tpu.memory_space<semaphore_mem>>
      %dma_start3A_75 = arith.constant 0 : i32
      %dma_start3A_76 = tpu.memref_slice %arg5[%add3A_74, %dma_start3A_75] : memref<20480x128xf32, #tpu.memory_space<hbm>> -> memref<128x128xf32, #tpu.memory_space<hbm>>
      %dma_start3A_77 = arith.constant 0 : i32
      %dma_start3A_78 = tpu.memref_slice %arg10[%add3A_72, %dma_start3A_77] : memref<10240x128xf32, #tpu.memory_space<vmem_shared>> -> memref<128x128xf32, #tpu.memory_space<vmem_shared>>
      tpu.enqueue_dma source(%dma_start3A_78 : memref<128x128xf32, #tpu.memory_space<vmem_shared>>) target(%dma_start3A_76 : memref<128x128xf32, #tpu.memory_space<hbm>>) target_semaphore(%run_scoped3A : memref<!tpu.dma_semaphore, #tpu.memory_space<semaphore_mem>>)
      %dma_wait3A_79 = arith.constant 0 : i32
      %dma_wait3A_80 = tpu.memref_slice %arg5[%add3A_74, %dma_wait3A_79] : memref<20480x128xf32, #tpu.memory_space<hbm>> -> memref<128x128xf32, #tpu.memory_space<hbm>>
      %dma_wait3A_81 = arith.constant 0 : i32
      %dma_wait3A_82 = tpu.memref_slice %arg10[%add3A_72, %dma_wait3A_81] : memref<10240x128xf32, #tpu.memory_space<vmem_shared>> -> memref<128x128xf32, #tpu.memory_space<vmem_shared>>
      tpu.wait_dma2 semaphore(%run_scoped3A : memref<!tpu.dma_semaphore, #tpu.memory_space<semaphore_mem>>) src(%dma_wait3A_82 : memref<128x128xf32, #tpu.memory_space<vmem_shared>>) dst(%dma_wait3A_80 : memref<128x128xf32, #tpu.memory_space<hbm>>)
      tpu.yield
    }) : () -> ()
    return
  }
}

module attributes {stable_mosaic.version = 14 : i64} {
  func.func @body(%arg0: i32, %arg1: memref<512x256xf32, #tpu.memory_space<vmem>>, %arg2: memref<256x256xf32, #tpu.memory_space<vmem>>, %arg3: memref<512x128xf32, #tpu.memory_space<vmem>>, %arg4: memref<512x128xf32, #tpu.memory_space<vmem>>, %arg5: memref<512x128xf32, #tpu.memory_space<vmem>>) attributes {dimension_semantics = [#tpu.dimension_semantics<arbitrary>], iteration_bounds = array<i64: 20>, scalar_prefetch = 0 : i64, scratch_operands = 0 : i64, tpu.core_type = #tpu.core_type<tc>, window_params = [{transform_indices = @transform_0, window_bounds = array<i64: 512, 256>}, {pipeline_mode = #tpu.pipeline_mode<synchronous>, transform_indices = @transform_1, window_bounds = array<i64: 256, 256>}, {transform_indices = @transform_2, window_bounds = array<i64: 512, 128>}, {transform_indices = @transform_3, window_bounds = array<i64: 512, 128>}, {transform_indices = @transform_4, window_bounds = array<i64: 512, 128>}]} {
    %get3A = arith.constant 0 : index
    %get3A_0 = arith.constant 0 : index
    %get3A_1 = vector.load %arg3[%get3A, %get3A_0] : memref<512x128xf32, #tpu.memory_space<vmem>>, vector<512x128xf32>
    %gt3A = arith.constant 5.000000e-01 : f32
    %gt3A_2 = vector.broadcast %gt3A : f32 to vector<512x128xf32>
    %gt3A_3 = arith.cmpf ogt, %get3A_1, %gt3A_2 : vector<512x128xf32>
    %rsqrt3A = math.rsqrt %get3A_1 : vector<512x128xf32>
    %jit3A = arith.constant 0.000000e+00 : f64
    %convert_element_type3A = arith.truncf %jit3A : f64 to f32
    %broadcast_in_dim3A = vector.broadcast %convert_element_type3A : f32 to vector<512x128xf32>
    %select_n3A = arith.select %gt3A_3, %rsqrt3A, %broadcast_in_dim3A : vector<512x128xi1>, vector<512x128xf32>
    %get3A_4 = arith.constant 0 : index
    %get3A_5 = arith.constant 0 : index
    %get3A_6 = vector.load %arg1[%get3A_4, %get3A_5] : memref<512x256xf32, #tpu.memory_space<vmem>>, vector<512x256xf32>
    %get3A_7 = arith.constant 0 : index
    %get3A_8 = arith.constant 0 : index
    %get3A_9 = vector.load %arg2[%get3A_7, %get3A_8] : memref<256x256xf32, #tpu.memory_space<vmem>>, vector<256x256xf32>
    %dot_general3A = arith.constant dense<0.000000e+00> : vector<512x256xf32>
    %dot_general3A_10 = tpu.matmul %get3A_6, %get3A_9, %dot_general3A {dimension_numbers = #tpu.dot_dimension_numbers<[1], [0], [0], [1], [0, 0, 1, 1], [], []>, transpose_lhs_hint = false} : vector<512x256xf32>, vector<256x256xf32>, vector<512x256xf32> -> vector<512x256xf32>
    %slice3A = vector.extract_strided_slice %dot_general3A_10 {offsets = [0, 0], sizes = [512, 128], strides = [1, 1]} : vector<512x256xf32> to vector<512x128xf32>
    %mul3A = arith.mulf %slice3A, %select_n3A : vector<512x128xf32>
    %swap3A = arith.constant 0 : index
    %swap3A_11 = arith.constant 0 : index
    %swap3A_12 = vector.load %arg4[%swap3A, %swap3A_11] : memref<512x128xf32, #tpu.memory_space<vmem>>, vector<512x128xf32>
    tpu.vector_store %arg4[%swap3A, %swap3A_11], %mul3A {strides = array<i32>} : memref<512x128xf32, #tpu.memory_space<vmem>>, vector<512x128xf32>,
    %slice3A_13 = vector.extract_strided_slice %dot_general3A_10 {offsets = [0, 128], sizes = [512, 128], strides = [1, 1]} : vector<512x256xf32> to vector<512x128xf32>
    %mul3A_14 = arith.mulf %slice3A_13, %select_n3A : vector<512x128xf32>
    %swap3A_15 = arith.constant 0 : index
    %swap3A_16 = arith.constant 0 : index
    %swap3A_17 = vector.load %arg5[%swap3A_15, %swap3A_16] : memref<512x128xf32, #tpu.memory_space<vmem>>, vector<512x128xf32>
    tpu.vector_store %arg5[%swap3A_15, %swap3A_16], %mul3A_14 {strides = array<i32>} : memref<512x128xf32, #tpu.memory_space<vmem>>, vector<512x128xf32>,
    return
  }
  func.func @transform_0(%arg0: i32) -> (i32, i32) {
    %c0_i32 = arith.constant 0 : i32
    %c0_i32_0 = arith.constant 0 : i32
    return %arg0, %c0_i32 : i32, i32
  }
  func.func @transform_1(%arg0: i32) -> (i32, i32) {
    %c0_i32 = arith.constant 0 : i32
    %c0_i32_0 = arith.constant 0 : i32
    %c0_i32_1 = arith.constant 0 : i32
    return %c0_i32, %c0_i32_0 : i32, i32
  }
  func.func @transform_2(%arg0: i32) -> (i32, i32) {
    %c0_i32 = arith.constant 0 : i32
    %c0_i32_0 = arith.constant 0 : i32
    return %arg0, %c0_i32 : i32, i32
  }
  func.func @transform_3(%arg0: i32) -> (i32, i32) {
    %c0_i32 = arith.constant 0 : i32
    %c0_i32_0 = arith.constant 0 : i32
    return %arg0, %c0_i32 : i32, i32
  }
  func.func @transform_4(%arg0: i32) -> (i32, i32) {
    %c0_i32 = arith.constant 0 : i32
    %c0_i32_0 = arith.constant 0 : i32
    return %arg0, %c0_i32 : i32, i32
  }
}

module attributes {stable_mosaic.version = 14 : i64} {
  func.func @body(%arg0: i32, %arg1: memref<2x512x128xf32, #tpu.memory_space<vmem>>, %arg2: memref<256x256xf32, #tpu.memory_space<vmem>>, %arg3: memref<1x256xf32, #tpu.memory_space<vmem>>, %arg4: memref<512x128xf32, #tpu.memory_space<vmem>>, %arg5: memref<512x128xf32, #tpu.memory_space<vmem>>, %arg6: memref<512x128xf32, #tpu.memory_space<vmem>>) attributes {dimension_semantics = [#tpu.dimension_semantics<arbitrary>], iteration_bounds = array<i64: 20>, scalar_prefetch = 0 : i64, scratch_operands = 0 : i64, tpu.core_type = #tpu.core_type<tc>, window_params = [{transform_indices = @transform_0, window_bounds = array<i64: 2, 512, 128>}, {pipeline_mode = #tpu.pipeline_mode<synchronous>, transform_indices = @transform_1, window_bounds = array<i64: 256, 256>}, {pipeline_mode = #tpu.pipeline_mode<synchronous>, transform_indices = @transform_2, window_bounds = array<i64: 1, 256>}, {transform_indices = @transform_3, window_bounds = array<i64: 512, 128>}, {transform_indices = @transform_4, window_bounds = array<i64: 512, 128>}, {transform_indices = @transform_5, window_bounds = array<i64: 512, 128>}]} {
    %get3A = arith.constant 0 : index
    %get3A_0 = arith.constant 0 : index
    %get3A_1 = vector.load %arg4[%get3A, %get3A_0] : memref<512x128xf32, #tpu.memory_space<vmem>>, vector<512x128xf32>
    %gt3A = arith.constant 5.000000e-01 : f32
    %gt3A_2 = vector.broadcast %gt3A : f32 to vector<512x128xf32>
    %gt3A_3 = arith.cmpf ogt, %get3A_1, %gt3A_2 : vector<512x128xf32>
    %rsqrt3A = math.rsqrt %get3A_1 : vector<512x128xf32>
    %jit3A = arith.constant 0.000000e+00 : f64
    %convert_element_type3A = arith.truncf %jit3A : f64 to f32
    %broadcast_in_dim3A = vector.broadcast %convert_element_type3A : f32 to vector<512x128xf32>
    %select_n3A = arith.select %gt3A_3, %rsqrt3A, %broadcast_in_dim3A : vector<512x128xi1>, vector<512x128xf32>
    %concatenate3A = tpu.concatenate %select_n3A, %select_n3A in 1 : vector<512x128xf32>, vector<512x128xf32> -> vector<512x256xf32>
    %get3A_4 = arith.constant 0 : index
    %get3A_5 = arith.constant 0 : index
    %get3A_6 = arith.constant 0 : index
    %get3A_7 = vector.load %arg1[%get3A_4, %get3A_5, %get3A_6] : memref<2x512x128xf32, #tpu.memory_space<vmem>>, vector<1x512x128xf32>
    %get3A_8 = vector.shape_cast %get3A_7 : vector<1x512x128xf32> to vector<512x128xf32>
    %get3A_9 = arith.constant 1 : index
    %get3A_10 = arith.constant 0 : index
    %get3A_11 = arith.constant 0 : index
    %get3A_12 = vector.load %arg1[%get3A_9, %get3A_10, %get3A_11] : memref<2x512x128xf32, #tpu.memory_space<vmem>>, vector<1x512x128xf32>
    %get3A_13 = vector.shape_cast %get3A_12 : vector<1x512x128xf32> to vector<512x128xf32>
    %concatenate3A_14 = tpu.concatenate %get3A_8, %get3A_13 in 1 : vector<512x128xf32>, vector<512x128xf32> -> vector<512x256xf32>
    %mul3A = arith.mulf %concatenate3A_14, %concatenate3A : vector<512x256xf32>
    %get3A_15 = arith.constant 0 : index
    %get3A_16 = arith.constant 0 : index
    %get3A_17 = vector.load %arg3[%get3A_15, %get3A_16] : memref<1x256xf32, #tpu.memory_space<vmem>>, vector<1x256xf32>
    %add3A = vector.broadcast %get3A_17 : vector<1x256xf32> to vector<512x256xf32>
    %add3A_18 = arith.addf %mul3A, %add3A : vector<512x256xf32>
    %max3A = arith.constant 0.000000e+00 : f32
    %max3A_19 = vector.broadcast %max3A : f32 to vector<512x256xf32>
    %max3A_20 = arith.maximumf %add3A_18, %max3A_19 : vector<512x256xf32>
    %get3A_21 = arith.constant 0 : index
    %get3A_22 = arith.constant 0 : index
    %get3A_23 = vector.load %arg2[%get3A_21, %get3A_22] : memref<256x256xf32, #tpu.memory_space<vmem>>, vector<256x256xf32>
    %dot_general3A = arith.constant dense<0.000000e+00> : vector<512x256xf32>
    %dot_general3A_24 = tpu.matmul %max3A_20, %get3A_23, %dot_general3A {dimension_numbers = #tpu.dot_dimension_numbers<[1], [0], [0], [1], [0, 0, 1, 1], [], []>, transpose_lhs_hint = false} : vector<512x256xf32>, vector<256x256xf32>, vector<512x256xf32> -> vector<512x256xf32>
    %slice3A = vector.extract_strided_slice %dot_general3A_24 {offsets = [0, 0], sizes = [512, 128], strides = [1, 1]} : vector<512x256xf32> to vector<512x128xf32>
    %mul3A_25 = arith.mulf %slice3A, %select_n3A : vector<512x128xf32>
    %swap3A = arith.constant 0 : index
    %swap3A_26 = arith.constant 0 : index
    %swap3A_27 = vector.load %arg5[%swap3A, %swap3A_26] : memref<512x128xf32, #tpu.memory_space<vmem>>, vector<512x128xf32>
    tpu.vector_store %arg5[%swap3A, %swap3A_26], %mul3A_25 {strides = array<i32>} : memref<512x128xf32, #tpu.memory_space<vmem>>, vector<512x128xf32>,
    %slice3A_28 = vector.extract_strided_slice %dot_general3A_24 {offsets = [0, 128], sizes = [512, 128], strides = [1, 1]} : vector<512x256xf32> to vector<512x128xf32>
    %mul3A_29 = arith.mulf %slice3A_28, %select_n3A : vector<512x128xf32>
    %swap3A_30 = arith.constant 0 : index
    %swap3A_31 = arith.constant 0 : index
    %swap3A_32 = vector.load %arg6[%swap3A_30, %swap3A_31] : memref<512x128xf32, #tpu.memory_space<vmem>>, vector<512x128xf32>
    tpu.vector_store %arg6[%swap3A_30, %swap3A_31], %mul3A_29 {strides = array<i32>} : memref<512x128xf32, #tpu.memory_space<vmem>>, vector<512x128xf32>,
    return
  }
  func.func @transform_0(%arg0: i32) -> (i32, i32, i32) {
    %c0_i32 = arith.constant 0 : i32
    %c0_i32_0 = arith.constant 0 : i32
    %c0_i32_1 = arith.constant 0 : i32
    return %c0_i32, %arg0, %c0_i32_0 : i32, i32, i32
  }
  func.func @transform_1(%arg0: i32) -> (i32, i32) {
    %c0_i32 = arith.constant 0 : i32
    %c0_i32_0 = arith.constant 0 : i32
    %c0_i32_1 = arith.constant 0 : i32
    return %c0_i32, %c0_i32_0 : i32, i32
  }
  func.func @transform_2(%arg0: i32) -> (i32, i32) {
    %c0_i32 = arith.constant 0 : i32
    %c0_i32_0 = arith.constant 0 : i32
    %c0_i32_1 = arith.constant 0 : i32
    return %c0_i32, %c0_i32_0 : i32, i32
  }
  func.func @transform_3(%arg0: i32) -> (i32, i32) {
    %c0_i32 = arith.constant 0 : i32
    %c0_i32_0 = arith.constant 0 : i32
    return %arg0, %c0_i32 : i32, i32
  }
  func.func @transform_4(%arg0: i32) -> (i32, i32) {
    %c0_i32 = arith.constant 0 : i32
    %c0_i32_0 = arith.constant 0 : i32
    return %arg0, %c0_i32 : i32, i32
  }
  func.func @transform_5(%arg0: i32) -> (i32, i32) {
    %c0_i32 = arith.constant 0 : i32
    %c0_i32_0 = arith.constant 0 : i32
    return %arg0, %c0_i32 : i32, i32
  }
}

module attributes {stable_mosaic.version = 14 : i64} {
  func.func @body(%arg0: i32, %arg1: memref<2x512x128xf32, #tpu.memory_space<vmem>>, %arg2: memref<256x128xf32, #tpu.memory_space<vmem>>, %arg3: memref<1x256xf32, #tpu.memory_space<vmem>>, %arg4: memref<512x128xf32, #tpu.memory_space<vmem>>, %arg5: memref<512x128xf32, #tpu.memory_space<vmem>>) attributes {dimension_semantics = [#tpu.dimension_semantics<arbitrary>], iteration_bounds = array<i64: 20>, scalar_prefetch = 0 : i64, scratch_operands = 0 : i64, tpu.core_type = #tpu.core_type<tc>, window_params = [{transform_indices = @transform_0, window_bounds = array<i64: 2, 512, 128>}, {pipeline_mode = #tpu.pipeline_mode<synchronous>, transform_indices = @transform_1, window_bounds = array<i64: 256, 128>}, {pipeline_mode = #tpu.pipeline_mode<synchronous>, transform_indices = @transform_2, window_bounds = array<i64: 1, 256>}, {transform_indices = @transform_3, window_bounds = array<i64: 512, 128>}, {transform_indices = @transform_4, window_bounds = array<i64: 512, 128>}]} {
    %get3A = arith.constant 0 : index
    %get3A_0 = arith.constant 0 : index
    %get3A_1 = vector.load %arg4[%get3A, %get3A_0] : memref<512x128xf32, #tpu.memory_space<vmem>>, vector<512x128xf32>
    %gt3A = arith.constant 5.000000e-01 : f32
    %gt3A_2 = vector.broadcast %gt3A : f32 to vector<512x128xf32>
    %gt3A_3 = arith.cmpf ogt, %get3A_1, %gt3A_2 : vector<512x128xf32>
    %rsqrt3A = math.rsqrt %get3A_1 : vector<512x128xf32>
    %jit3A = arith.constant 0.000000e+00 : f64
    %convert_element_type3A = arith.truncf %jit3A : f64 to f32
    %broadcast_in_dim3A = vector.broadcast %convert_element_type3A : f32 to vector<512x128xf32>
    %select_n3A = arith.select %gt3A_3, %rsqrt3A, %broadcast_in_dim3A : vector<512x128xi1>, vector<512x128xf32>
    %concatenate3A = tpu.concatenate %select_n3A, %select_n3A in 1 : vector<512x128xf32>, vector<512x128xf32> -> vector<512x256xf32>
    %get3A_4 = arith.constant 0 : index
    %get3A_5 = arith.constant 0 : index
    %get3A_6 = arith.constant 0 : index
    %get3A_7 = vector.load %arg1[%get3A_4, %get3A_5, %get3A_6] : memref<2x512x128xf32, #tpu.memory_space<vmem>>, vector<1x512x128xf32>
    %get3A_8 = vector.shape_cast %get3A_7 : vector<1x512x128xf32> to vector<512x128xf32>
    %get3A_9 = arith.constant 1 : index
    %get3A_10 = arith.constant 0 : index
    %get3A_11 = arith.constant 0 : index
    %get3A_12 = vector.load %arg1[%get3A_9, %get3A_10, %get3A_11] : memref<2x512x128xf32, #tpu.memory_space<vmem>>, vector<1x512x128xf32>
    %get3A_13 = vector.shape_cast %get3A_12 : vector<1x512x128xf32> to vector<512x128xf32>
    %concatenate3A_14 = tpu.concatenate %get3A_8, %get3A_13 in 1 : vector<512x128xf32>, vector<512x128xf32> -> vector<512x256xf32>
    %mul3A = arith.mulf %concatenate3A_14, %concatenate3A : vector<512x256xf32>
    %get3A_15 = arith.constant 0 : index
    %get3A_16 = arith.constant 0 : index
    %get3A_17 = vector.load %arg3[%get3A_15, %get3A_16] : memref<1x256xf32, #tpu.memory_space<vmem>>, vector<1x256xf32>
    %add3A = vector.broadcast %get3A_17 : vector<1x256xf32> to vector<512x256xf32>
    %add3A_18 = arith.addf %mul3A, %add3A : vector<512x256xf32>
    %max3A = arith.constant 0.000000e+00 : f32
    %max3A_19 = vector.broadcast %max3A : f32 to vector<512x256xf32>
    %max3A_20 = arith.maximumf %add3A_18, %max3A_19 : vector<512x256xf32>
    %get3A_21 = arith.constant 0 : index
    %get3A_22 = arith.constant 0 : index
    %get3A_23 = vector.load %arg2[%get3A_21, %get3A_22] : memref<256x128xf32, #tpu.memory_space<vmem>>, vector<256x128xf32>
    %dot_general3A = arith.constant dense<0.000000e+00> : vector<512x128xf32>
    %dot_general3A_24 = tpu.matmul %max3A_20, %get3A_23, %dot_general3A {dimension_numbers = #tpu.dot_dimension_numbers<[1], [0], [0], [1], [0, 0, 1, 1], [], []>, transpose_lhs_hint = false} : vector<512x256xf32>, vector<256x128xf32>, vector<512x128xf32> -> vector<512x128xf32>
    %mul3A_25 = arith.mulf %dot_general3A_24, %select_n3A : vector<512x128xf32>
    %swap3A = arith.constant 0 : index
    %swap3A_26 = arith.constant 0 : index
    %swap3A_27 = vector.load %arg5[%swap3A, %swap3A_26] : memref<512x128xf32, #tpu.memory_space<vmem>>, vector<512x128xf32>
    tpu.vector_store %arg5[%swap3A, %swap3A_26], %mul3A_25 {strides = array<i32>} : memref<512x128xf32, #tpu.memory_space<vmem>>, vector<512x128xf32>,
    return
  }
  func.func @transform_0(%arg0: i32) -> (i32, i32, i32) {
    %c0_i32 = arith.constant 0 : i32
    %c0_i32_0 = arith.constant 0 : i32
    %c0_i32_1 = arith.constant 0 : i32
    return %c0_i32, %arg0, %c0_i32_0 : i32, i32, i32
  }
  func.func @transform_1(%arg0: i32) -> (i32, i32) {
    %c0_i32 = arith.constant 0 : i32
    %c0_i32_0 = arith.constant 0 : i32
    %c0_i32_1 = arith.constant 0 : i32
    return %c0_i32, %c0_i32_0 : i32, i32
  }
  func.func @transform_2(%arg0: i32) -> (i32, i32) {
    %c0_i32 = arith.constant 0 : i32
    %c0_i32_0 = arith.constant 0 : i32
    %c0_i32_1 = arith.constant 0 : i32
    return %c0_i32, %c0_i32_0 : i32, i32
  }
  func.func @transform_3(%arg0: i32) -> (i32, i32) {
    %c0_i32 = arith.constant 0 : i32
    %c0_i32_0 = arith.constant 0 : i32
    return %arg0, %c0_i32 : i32, i32
  }
  func.func @transform_4(%arg0: i32) -> (i32, i32) {
    %c0_i32 = arith.constant 0 : i32
    %c0_i32_0 = arith.constant 0 : i32
    return %arg0, %c0_i32 : i32, i32
  }
}

module attributes {stable_mosaic.version = 14 : i64} {
  func.func @body(%arg0: i32, %arg1: memref<2x512x128xf32, #tpu.memory_space<vmem>>, %arg2: memref<1x128xf32, #tpu.memory_space<vmem>>, %arg3: memref<512x128xf32, #tpu.memory_space<vmem>>, %arg4: memref<512x128xf32, #tpu.memory_space<vmem>>) attributes {dimension_semantics = [#tpu.dimension_semantics<arbitrary>], iteration_bounds = array<i64: 20>, scalar_prefetch = 0 : i64, scratch_operands = 0 : i64, tpu.core_type = #tpu.core_type<tc>, window_params = [{transform_indices = @transform_0, window_bounds = array<i64: 2, 512, 128>}, {pipeline_mode = #tpu.pipeline_mode<synchronous>, transform_indices = @transform_1, window_bounds = array<i64: 1, 128>}, {transform_indices = @transform_2, window_bounds = array<i64: 512, 128>}, {transform_indices = @transform_3, window_bounds = array<i64: 512, 128>}]} {
    %get3A = arith.constant 0 : index
    %get3A_0 = arith.constant 0 : index
    %get3A_1 = vector.load %arg3[%get3A, %get3A_0] : memref<512x128xf32, #tpu.memory_space<vmem>>, vector<512x128xf32>
    %gt3A = arith.constant 5.000000e-01 : f32
    %gt3A_2 = vector.broadcast %gt3A : f32 to vector<512x128xf32>
    %gt3A_3 = arith.cmpf ogt, %get3A_1, %gt3A_2 : vector<512x128xf32>
    %rsqrt3A = math.rsqrt %get3A_1 : vector<512x128xf32>
    %jit3A = arith.constant 0.000000e+00 : f64
    %convert_element_type3A = arith.truncf %jit3A : f64 to f32
    %broadcast_in_dim3A = vector.broadcast %convert_element_type3A : f32 to vector<512x128xf32>
    %select_n3A = arith.select %gt3A_3, %rsqrt3A, %broadcast_in_dim3A : vector<512x128xi1>, vector<512x128xf32>
    %get3A_4 = arith.constant 0 : index
    %get3A_5 = arith.constant 0 : index
    %get3A_6 = arith.constant 0 : index
    %get3A_7 = vector.load %arg1[%get3A_4, %get3A_5, %get3A_6] : memref<2x512x128xf32, #tpu.memory_space<vmem>>, vector<1x512x128xf32>
    %get3A_8 = vector.shape_cast %get3A_7 : vector<1x512x128xf32> to vector<512x128xf32>
    %get3A_9 = arith.constant 1 : index
    %get3A_10 = arith.constant 0 : index
    %get3A_11 = arith.constant 0 : index
    %get3A_12 = vector.load %arg1[%get3A_9, %get3A_10, %get3A_11] : memref<2x512x128xf32, #tpu.memory_space<vmem>>, vector<1x512x128xf32>
    %get3A_13 = vector.shape_cast %get3A_12 : vector<1x512x128xf32> to vector<512x128xf32>
    %add3A = arith.addf %get3A_8, %get3A_13 : vector<512x128xf32>
    %mul3A = arith.mulf %add3A, %select_n3A : vector<512x128xf32>
    %get3A_14 = arith.constant 0 : index
    %get3A_15 = arith.constant 0 : index
    %get3A_16 = vector.load %arg2[%get3A_14, %get3A_15] : memref<1x128xf32, #tpu.memory_space<vmem>>, vector<1x128xf32>
    %add3A_17 = vector.broadcast %get3A_16 : vector<1x128xf32> to vector<512x128xf32>
    %add3A_18 = arith.addf %mul3A, %add3A_17 : vector<512x128xf32>
    %swap3A = arith.constant 0 : index
    %swap3A_19 = arith.constant 0 : index
    %swap3A_20 = vector.load %arg4[%swap3A, %swap3A_19] : memref<512x128xf32, #tpu.memory_space<vmem>>, vector<512x128xf32>
    tpu.vector_store %arg4[%swap3A, %swap3A_19], %add3A_18 {strides = array<i32>} : memref<512x128xf32, #tpu.memory_space<vmem>>, vector<512x128xf32>,
    return
  }
  func.func @transform_0(%arg0: i32) -> (i32, i32, i32) {
    %c0_i32 = arith.constant 0 : i32
    %c0_i32_0 = arith.constant 0 : i32
    %c0_i32_1 = arith.constant 0 : i32
    return %c0_i32, %arg0, %c0_i32_0 : i32, i32, i32
  }
  func.func @transform_1(%arg0: i32) -> (i32, i32) {
    %c0_i32 = arith.constant 0 : i32
    %c0_i32_0 = arith.constant 0 : i32
    %c0_i32_1 = arith.constant 0 : i32
    return %c0_i32, %c0_i32_0 : i32, i32
  }
  func.func @transform_2(%arg0: i32) -> (i32, i32) {
    %c0_i32 = arith.constant 0 : i32
    %c0_i32_0 = arith.constant 0 : i32
    return %arg0, %c0_i32 : i32, i32
  }
  func.func @transform_3(%arg0: i32) -> (i32, i32) {
    %c0_i32 = arith.constant 0 : i32
    %c0_i32_0 = arith.constant 0 : i32
    return %arg0, %c0_i32 : i32, i32
  }
}

</mosaic_0001>

<sc_bundles>
// kernel: kernel.10.cloned.1.call-start
scs
__scs_entry_jumppad:
0x0: {  	(pc) =	sbr.rel $0x88, $3  }
0x1: {  	(tag) =	ssettag $0x0;
	lr =	simm.s32 $0x1  }
0x2: {  	[smem:$0x3F99] =	sst lr;
	_ =	strace $0xD0000000  }
0x3: {  	_ = 	snop  }
0x4: {  	_ = 	snop  }
0x5: {  	_ = 	snop  }
0x6: {  	_ = 	snop  }
0x7: {  	_ = 	snop  }
__scs_overlays_trampoline_lowered:
0x8: {  	[smem:$0x3FA8] =	sst s0  }
0x9: {  	[smem:$0x3FA9] =	sst s1  }
0xa: {  	[smem:$0x3FAA] =	sst s2  }
0xb: {  	[smem:$0x3FAB] =	sst s3  }
0xc: {  	[smem:$0x3FAC] =	sst s4  }
0xd: {  	[smem:$0x3FAD] =	sst s5  }
0xe: {  	[smem:$0x3FAE] =	sst s6  }
0xf: {  	[smem:$0x3FAF] =	sst s7  }
0x10: {  	[smem:$0x3FB0] =	sst s8  }
0x11: {  	[smem:$0x3FB1] =	sst s9;
	s0 =	simm.s32 @!p0 $0x0  }
0x12: {  	s1 =	sld [smem:$0x3F97];
	s0 =	simm.s32 @p0 $0x1  }
0x13: {  	[smem:$0x3FB2] =	sst s0;
	s0 =	simm.s32 @!p1 $0x0  }
0x14: {  	s2 =	sld [smem:$0x3F96];
	s0 =	simm.s32 @p1 $0x1  }
0x15: {  	[smem:$0x3FB3] =	sst s0;
	s0 =	simm.s32 @!p2 $0x0  }
0x16: {  	s3 =	sld [smem:$0x3FDB];
	s0 =	simm.s32 @p2 $0x1  }
0x17: {  	s4 =	simm.s32 $0x1BF5;
	[smem:$0x3FB5] =	sst s0  }
0x18: {  	s0 =	sld [smem:$0x3F98];
	_ =	swait.ge [sflag:s4], $0x0  }
0x19: {  	s7 =	sld [smem:$0x3F99]  }
0x1a: {  	s8 =	sadd.s32 $0xFFFFE003, lr  }
0x1b: {  	s9 =	sadd.s32 $0xFFFFFEF7, lr;
	s5 =	simm.s32 $0xFFFFFFFF;
	p2 =	slt.u32 s8, $0xFFFFF086  }
0x1c: {  	p1 =	slt.u32 s9, $0xF7A;
	s5 =	simm.s32 @!p2 $0x0  }
0x1d: {  	s5 =	simm.s32 @p1 $0x1;
	p0 =	seq.s32 s7, s2  }
0x1e: {  	s7 =	smul.u32 @!p0 $0xF7A, s2;
	p2 =	seq.s32 @!p0 s5, $0x0  }
0x1f: {  	s9 =	smul.u32 $0xF7A, s1;
	s8 =	simm.s32 @!p0 $0x1BF5;
	p2 =	por !p2, p0  }
0x20: {  	[sflag:s8] =	ssyncset.s32 @!p0 $0xFFFFF086;
	s6 =	sadd.s32 @!p0 s3, s7;
	s7 =	simm.s32 @!p0 $0x108  }
0x21: {  	s3 =	sadd.s32 s3, s9;
	s6 =	sadd.s32 @!p0 $0x88, s6;
	s7 =	simm.s32 @p2 $0x1082  }
0x22: {  	[simem:s7], [sflag:s8] =	dma.local @!p0 [hbm:s6], $0xF7A  }
0x23: {  	s9 =	sor.u32 $0xD0000000, s2;
	s6 =	simm.s32 $0x108;
	_ =	swait.ge @!p0 [sflag:s8], $0x0  }
0x24: {  	s3 =	sadd.s32 $0x88, s3;
	s6 =	simm.s32 @!p1 $0x1082;
	[sflag:s4] =	ssyncset.s32 $0xFFFFF086  }
0x25: {  	[simem:s6], [sflag:s4] =	dma.local [hbm:s3], $0xF7A  }
0x26: {  	[smem:$0x3F99] =	sst s1;
	(tag) =	ssettag s2;
	_ =	strace s9  }
0x27: {  	s1 =	sld [smem:$0x3FA9]  }
0x28: {  	s2 =	sld [smem:$0x3FAA]  }
0x29: {  	s4 =	sld [smem:$0x3FAC]  }
0x2a: {  	p0 =	seq.s32 s5, $0x0;
	s5 =	sld [smem:$0x3FAD]  }
0x2b: {  	s6 =	sld [smem:$0x3FAE]  }
0x2c: {  	s7 =	sld [smem:$0x3FAF]  }
0x2d: {  	s3 =	simm.s32 $0x108;
	s8 =	sld [smem:$0x3FB0]  }
0x2e: {  	s3 =	simm.s32 @!p0 $0x1082;
	s9 =	sld [smem:$0x3FB1]  }
0x2f: {  	lr =	sadd.s32 s0, s3;
	s0 =	sld [smem:$0x3FA8]  }
0x30: {  	s3 =	sld [smem:$0x3FAB]  }
0x31: {  	[smem:$0x3FB4] =	sst s10  }
0x32: {  	s10 =	sld [smem:$0x3FB2];
	_ =	sdelay $0x3  }
0x33: {  	p0 =	seq.s32 s10, $0x1;
	s10 =	sld [smem:$0x3FB4];
	_ =	sdelay $0x3  }
0x34: {  	[smem:$0x3FB4] =	sst s10  }
0x35: {  	s10 =	sld [smem:$0x3FB3];
	_ =	sdelay $0x3  }
0x36: {  	p1 =	seq.s32 s10, $0x1;
	s10 =	sld [smem:$0x3FB4];
	_ =	sdelay $0x3  }
0x37: {  	[smem:$0x3FB4] =	sst s10  }
0x38: {  	s10 =	sld [smem:$0x3FB5]  }
0x39: {  	_ = 	snop;
	(pc) =	sbr.ind lr, $3  }
0x3a: {  	_ = 	snop  }
0x3b: {  	_ = 	snop  }
0x3c: {  	p2 =	seq.s32 s10, $0x1;
	s10 =	sld [smem:$0x3FB4]  }
0x3d: {  	_ =	shalt  }
0x3e: {  	_ =	shalt  }
0x3f: {  	_ =	shalt  }
0x40: {  	_ =	shalt  }
0x41: {  	_ =	shalt  }
0x42: {  	_ =	shalt  }
0x43: {  	_ =	shalt  }
0x44: {  	_ =	shalt  }
0x45: {  	_ =	shalt  }
0x46: {  	_ =	shalt  }
0x47: {  	_ =	shalt  }
0x48: {  	_ =	shalt  }
0x49: {  	_ =	shalt  }
0x4a: {  	_ =	shalt  }
0x4b: {  	_ =	shalt  }
0x4c: {  	_ =	shalt  }
0x4d: {  	_ =	shalt  }
0x4e: {  	_ =	shalt  }
0x4f: {  	_ =	shalt  }
0x50: {  	_ =	shalt  }
0x51: {  	_ =	shalt  }
0x52: {  	_ =	shalt  }
0x53: {  	_ =	shalt  }
0x54: {  	_ =	shalt  }
0x55: {  	_ =	shalt  }
0x56: {  	_ =	shalt  }
0x57: {  	_ =	shalt  }
0x58: {  	_ =	shalt  }
0x59: {  	_ =	shalt  }
0x5a: {  	_ =	shalt  }
0x5b: {  	_ =	shalt  }
0x5c: {  	_ =	shalt  }
0x5d: {  	_ =	shalt  }
0x5e: {  	_ =	shalt  }
0x5f: {  	_ =	shalt  }
0x60: {  	_ =	shalt  }
0x61: {  	_ =	shalt  }
0x62: {  	_ =	shalt  }
0x63: {  	_ =	shalt  }
0x64: {  	_ =	shalt  }
0x65: {  	_ =	shalt  }
0x66: {  	_ =	shalt  }
0x67: {  	_ =	shalt  }
0x68: {  	_ =	shalt  }
0x69: {  	_ =	shalt  }
0x6a: {  	_ =	shalt  }
0x6b: {  	_ =	shalt  }
0x6c: {  	_ =	shalt  }
0x6d: {  	_ =	shalt  }
0x6e: {  	_ =	shalt  }
0x6f: {  	_ =	shalt  }
0x70: {  	_ =	shalt  }
0x71: {  	_ =	shalt  }
0x72: {  	_ =	shalt  }
0x73: {  	_ =	shalt  }
0x74: {  	_ =	shalt  }
0x75: {  	_ =	shalt  }
0x76: {  	_ =	shalt  }
0x77: {  	_ =	shalt  }
0x78: {  	_ =	shalt  }
0x79: {  	_ =	shalt  }
0x7a: {  	_ =	shalt  }
0x7b: {  	_ =	shalt  }
0x7c: {  	_ =	shalt  }
0x7d: {  	_ =	shalt  }
0x7e: {  	_ =	shalt  }
0x7f: {  	_ =	shalt  }
0x80: {  	_ =	shalt  }
0x81: {  	_ =	shalt  }
0x82: {  	_ =	shalt  }
0x83: {  	_ =	shalt  }
0x84: {  	_ =	shalt  }
0x85: {  	_ =	shalt  }
0x86: {  	_ =	shalt  }
0x87: {  	_ =	shalt  }
.Lfunc_end0:
.L_simem_size_0:
called_computation_lowered:
.L_overlay_start_0:
0x88: {  	s2 =	sld [smem:$0x3FD9]  }
0x89: {  	s3 =	sld [smem:$0x3FFE];
	_ =	sdelay $0x1  }
0x8a: {  	s1 =	srdreg.scid  }
0x8b: {  	s0 =	sand.u32 $0x1, s1  }
0x8c: {  	s16 =	sshll.u32 s0, $0xA;
	s2 =	sadd.s32 s3, s2  }
0x8d: {  	s2 =	sadd.s32 s2, s16  }
0x8e: {  	[smem:$0x3FC0] =	sst s2  }
0x8f: {  	_ = 	snop  }
0x90: {  	(tm) =	ssettm $0x1  }
0x91: {  	s17 =	sld [smem:$0x3FFB];
	_ =	sdelay $0x3  }
0x92: {  	_ =	strace s17  }
0x93: {  	s2 =	sld [smem:$0x3FFC];
	_ =	sdelay $0x3  }
0x94: {  	_ =	strace s2  }
0x95: {  	s2 =	sld [smem:$0x3FFD];
	_ =	sdelay $0x3  }
0x96: {  	_ =	strace s2  }
0x97: {  	_ =	strace $0x8FFFFFFF  }
0x98: {  	s18 =	sld [smem:$0x3FDB];
	_ =	sdelay $0x1  }
0x99: {  	s19 =	simm.s32 $_scs_section_size  }
0x9a: {  	s4 =	simm.s32 $_size__tile_overlayer_lowered;
	s5 =	simm.s32 $_tile_overlayer_lowered  }
0x9b: {  	s22 =	simm.s32 $0x1BFF;
	s21 =	sshll.u32 s5, $0x1;
	s2 =	sadd.s32 s19, s18  }
0x9c: {  	s6 =	simm.s32 $0x0;
	s20 =	sshll.u32 s4, $0x1;
	s4 =	sadd.s32 s21, s2  }
0x9d: {  	[timem:s6], [sflag:s22] =	dma.local [hbm:s4], s20  }
0x9e: {  	_ =	swait.ge [sflag:s22], s20  }
0x9f: {  	s3 =	ssub.s32 $0x0, s20;
	[sflag:s22] =	ssyncset.done $0x0  }
0xa0: {  	[sflag:s22] =	ssyncadd.s32 s3;
	_ =	sdelay $0x1  }
0xa1: {  	s23 =	simm.s32 $0x1B8B  }
0xa2: {  	_ =	swait.ge [sflag:s23], $0x1  }
0xa3: {  	[sflag:s23] =	ssyncset.done $0x0  }
0xa4: {  	s25 =	simm.s32 $0x1B8E;
	s24 =	sld [smem:$0x3FFE];
	[sflag:s23] =	ssyncadd.s32 $0xFFFFFFFF  }
0xa5: {  	s26 =	simm.s32 $execute0_lowered;
	[smem:$0x3FD2] =	sst s25  }
0xa6: {  	s4 =	sshll.u32 s26, $0x1;
	_ =	strace $0x80000046;
	[dreg:$0x1] =	wrdreg $0xFFFFFFFF  }
0xa7: {  	s28 =	simm.s32 $_size_execute0_lowered;
	s2 =	sadd.s32 s2, s4;
	[dreg:$0x0] =	wrdreg $0x0  }
0xa8: {  	s4 =	sshll.u32 s28, $0x1;
	[dreg:$0x2] =	wrdreg s2  }
0xa9: {  	[dreg:$0x3] =	wrdreg s4  }
0xaa: {  	[dreg:$0x4] =	wrdreg $0xC0  }
0xab: {  	_ =	task [dreg:s6], $0x5FFFF  }
0xac: {  	[dreg:$0x1] =	wrdreg $0xFFFFFFFF  }
0xad: {  	[dreg:$0x0] =	wrdreg $0x60  }
0xae: {  	[dreg:$0x2] =	wrdreg s24  }
0xaf: {  	[dreg:$0x3] =	wrdreg $0x68000  }
0xb0: {  	[dreg:$0x4] =	wrdreg $0x9  }
0xb1: {  	_ =	task.clear_ibuf [dreg:s6], $0x5FFFF;
	_ =	strace $0x90000046  }
0xb2: {  	s29 =	simm.s32 $0x9;
	_ =	strace $0x80000048  }
0xb3: {  	_ =	swait.ge [sflag:s29], $0x1  }
0xb4: {  	[sflag:s29] =	ssyncadd.s32 $0xFFFFFFFF  }
0xb5: {  	_ =	strace $0x90000048  }
0xb6: {  	_ =	sfence  }
0xb7: {  	s30 =	sld [smem:$0x0];
	_ =	sdelay $0x2  }
0xb8: {  	s31 =	sshll.u32 s1, $0xD;
	s1 =	sshrl.u32 s1, $0x2  }
0xb9: {  	s3 =	sand.u32 $0x4000, s31;
	s1 =	sadd.s32 s1, s30  }
0xba: {  	s0 =	sor.u32 s3, s0;
	s1 =	sshll.u32 s1, $0x11  }
0xbb: {  	s0 =	sor.u32 s1, s0  }
0xbc: {  	s0 =	sadd.s32 $0x8F2B, s0  }
0xbd: {  	[sflag:s0] =	ssyncadd.remote.s32 $0x1  }
0xbe: {  	_ =	sfence.sel $0xFFFF  }
0xbf: {  	[dreg:$0x0] =	wrdreg $0xFFFFFFFF;
	(pc) =	sbr.abs _section_cstart, $3  }
0xc0: {  	[dreg:$0x1] =	wrdreg $0xFFFFFFFF  }
0xc1: {  	_ =	task.clear_ibuf [dreg:s6], $0x2FFFF;
	_ =	strace $0x9FFFFFFF  }
0xc2: {  	(tm) =	ssettm $0x7FFFFFFF  }
0xc3: {  	_ =	shalt  }
tec
execute0_lowered:
.L_overlay_start_1:
0x0: {  	(tag) =	ssettag $0x1  }
0x1: {  	s4 =	rddreg [dreg:$0x0]  }
0x2: {  	s2 =	rddreg [dreg:$0x1]  }
0x3: {  	s0 =	rddreg [dreg:$0x2];
	s1 =	stileid.u32  }
0x4: {  	s6 =	srdreg.scid;
	s3 =	simm.s32 $0x0;
	s5 =	smul.u32 $0x500, s1  }
0x5: {  	s16 =	simm.s32 $0x1;
	s17 =	simm.s32 $0x2800;
	s7 =	smul.u32 $0x280, s1  }
0x6: {  	s18 =	simm.s32 $0x80;
	s6 =	sand.u32 $0x1, s6;
	s9 =	smul.u32 $0x50000, s1  }
0x7: {  	s19 =	simm.s32 $0x0;
	[smem:$0x7FF] =	sst s3;
	s8 =	smul.u32 $0x2800, s6  }
0x8: {  	_ =	strace $0x80000047;
	s6 =	ssub.s32 $0x2, s6;
	s5 =	sadd.s32 s5, s4  }
0x9: {  	s31 =	sshrl.u32 s6, $0x1;
	s9 =	sshrl.u32 s9, $0x2;
	s7 =	sadd.s32 s7, s8  }
0xa: {  	s15 =	ssub.s32 s6, s31;
	s5 =	sadd.s32 $0x7E00, s5;
	s7 =	sshll.u32 s7, $0x4  }
0xb: {  	s15 =	smax.u32 s15, $0x1;
	s14 =	sadd.s32 s7, s4;
	s4 =	sadd.s32 s9, s2  }
0xc: {  	s6 =	sadd.s32 $0x4000, s4;
	s7 =	sadd.s32 $0x8000, s4;
	s8 =	sadd.s32 $0xC000, s4  }
0xd: {  	s9 =	sadd.s32 $0x10000, s4;
	s10 =	sadd.s32 $0xCE00, s14;
	s11 =	sadd.s32 $0xD600, s14  }
0xe: {  	v0 =	vimm.f32 $0.0e+00;
	v1 =	vimm.f32 $1.000000000e+00;
	s12 =	sadd.s32 $0xDE00, s14;
	s13 =	sadd.s32 $0xE600, s14;
	s14 =	sadd.s32 $0xEE00, s14  }
.LBB2_1:
0xf: {  	[tilespmem:s3], [sflag:$0x1] =	stream.linear.gather [hbm4b:s5+s3], $0x2800, $0x38;
	[tilespmem:$0x1A800] =	vst v63  }
0x10: {  	_ =	swait.ge [sflag:s16], $0x2800  }
0x11: {  	[sflag:s16] =	ssyncset.done $0x0  }
0x12: {  	s20 =	simm.s32 $0x0;
	s21 =	simm.s32 $0x200;
	[sflag:s16] =	ssyncadd.s32 $0xFFFFD800  }
.LBB2_2:
0x13: {  	p0 =	sne.s32 s21, $0xFE00;
	[tilespmem:s20+$0x2870] =	vst v0  }
0x14: {  	[tilespmem:s20+$0x2800] =	vst v0  }
0x15: {  	[tilespmem:s20+$0x2810] =	vst v0  }
.Ltmp0:
0x16: {  	[tilespmem:s20+$0x2820] =	vst v0;
	(pc) =	sbr.rel @p0 .LBB2_2-.Ltmp0, $4  }
0x17: {  	[tilespmem:s20+$0x2830] =	vst v0  }
0x18: {  	[tilespmem:s20+$0x2840] =	vst v0  }
0x19: {  	[tilespmem:s20+$0x2850] =	vst v0  }
0x1a: {  	[tilespmem:s20+$0x2860] =	vst v0;
	s20 =	sshra.s32 s21, $0x2;
	s21 =	sadd.s32 $0x200, s21  }
0x1b: {  	[tilespmem:s20+$0x2870] =	vst v0  }
0x1c: {  	[tilespmem:s20+$0x2800] =	vst v0  }
0x1d: {  	[tilespmem:s20+$0x2810] =	vst v0  }
0x1e: {  	[tilespmem:s20+$0x2820] =	vst v0  }
0x1f: {  	[tilespmem:s20+$0x2830] =	vst v0  }
0x20: {  	[tilespmem:s20+$0x2840] =	vst v0  }
0x21: {  	[tilespmem:s20+$0x2850] =	vst v0  }
0x22: {  	[tilespmem:s20+$0x2860] =	vst v0  }
0x23: {  	[spmem:s4] =	stream.linear.scatter [tilespmem:s17], [sflag:$0x1], $0x4000, $0x38;
	[tilespmem:$0x1A800] =	vst v63  }
0x24: {  	_ =	swait.ge [sflag:s16], $0x4000  }
0x25: {  	[sflag:s16] =	ssyncset.done $0x0  }
0x26: {  	[sflag:s16] =	ssyncadd.s32 $0xFFFFC000  }
0x27: {  	[spmem:s6] =	stream.linear.scatter [tilespmem:s17], [sflag:$0x1], $0x4000, $0x38;
	[tilespmem:$0x1A800] =	vst v63  }
0x28: {  	_ =	swait.ge [sflag:s16], $0x4000  }
0x29: {  	[sflag:s16] =	ssyncset.done $0x0  }
0x2a: {  	[sflag:s16] =	ssyncadd.s32 $0xFFFFC000  }
0x2b: {  	[spmem:s7] =	stream.linear.scatter [tilespmem:s17], [sflag:$0x1], $0x4000, $0x38;
	[tilespmem:$0x1A800] =	vst v63  }
0x2c: {  	_ =	swait.ge [sflag:s16], $0x4000  }
0x2d: {  	[sflag:s16] =	ssyncset.done $0x0  }
0x2e: {  	[sflag:s16] =	ssyncadd.s32 $0xFFFFC000  }
0x2f: {  	[spmem:s8] =	stream.linear.scatter [tilespmem:s17], [sflag:$0x1], $0x4000, $0x38;
	[tilespmem:$0x1A800] =	vst v63  }
0x30: {  	_ =	swait.ge [sflag:s16], $0x4000  }
0x31: {  	[sflag:s16] =	ssyncset.done $0x0  }
0x32: {  	[sflag:s16] =	ssyncadd.s32 $0xFFFFC000  }
0x33: {  	[spmem:s9] =	stream.linear.scatter [tilespmem:s17], [sflag:$0x1], $0x4000, $0x38;
	[tilespmem:$0x1A800] =	vst v63  }
0x34: {  	_ =	swait.ge [sflag:s16], $0x4000  }
0x35: {  	[sflag:s16] =	ssyncset.done $0x0  }
0x36: {  	s20 =	simm.s32 $0x0;
	s21 =	simm.s32 $0x200;
	[sflag:s16] =	ssyncadd.s32 $0xFFFFC000  }
.LBB2_4:
0x37: {  	p0 =	sne.s32 s21, $0xFE00;
	[tilespmem:s20+$0x2870] =	vst v1  }
0x38: {  	[tilespmem:s20+$0x2800] =	vst v1  }
0x39: {  	[tilespmem:s20+$0x2810] =	vst v1  }
.Ltmp1:
0x3a: {  	[tilespmem:s20+$0x2820] =	vst v1;
	(pc) =	sbr.rel @p0 .LBB2_4-.Ltmp1, $4  }
0x3b: {  	[tilespmem:s20+$0x2830] =	vst v1  }
0x3c: {  	[tilespmem:s20+$0x2840] =	vst v1  }
0x3d: {  	[tilespmem:s20+$0x2850] =	vst v1  }
0x3e: {  	[tilespmem:s20+$0x2860] =	vst v1;
	s20 =	sshra.s32 s21, $0x2;
	s21 =	sadd.s32 $0x200, s21  }
0x3f: {  	[tilespmem:s20+$0x2870] =	vst v1  }
0x40: {  	[tilespmem:s20+$0x2800] =	vst v1  }
0x41: {  	[tilespmem:s20+$0x2810] =	vst v1  }
0x42: {  	[tilespmem:s20+$0x2820] =	vst v1  }
0x43: {  	[tilespmem:s20+$0x2830] =	vst v1  }
0x44: {  	[tilespmem:s20+$0x2840] =	vst v1  }
0x45: {  	[tilespmem:s20+$0x2850] =	vst v1  }
0x46: {  	[tilespmem:s20+$0x2860] =	vst v1  }
0x47: {  	s31 =	simm.s32 $0x0;
	[bflag:$0x0] =	sbarrier.arrive $0xFFFF  }
0x48: {  	[spmem:s2] =	stream.indirect.scatter.add.f32 [tilespmem:s17], [sflag:$0x1], $0x80, s31, s18, $0xb8;
	[tilespmem:$0x1A800] =	vst v63  }
0x49: {  	_ =	swait.ge [sflag:s16], $0x4000  }
0x4a: {  	s20 =	simm.s32 $0x200;
	[sflag:s16] =	ssyncset.done $0x0  }
.LBB2_6:
0x4b: {  	s21 =	sshra.s32 s20, $0x2;
	[sflag:s16] =	ssyncadd.s32 $0xFFFFC000;
	p0 =	sne.s32 s20, $0x9E00  }
0x4c: {  	[spmem:s2] =	stream.indirect.scatter.add.f32 [tilespmem:s17], [sflag:$0x1], $0x80, s21, s18, $0xb8;
	[tilespmem:$0x1A800] =	vst v63  }
.Ltmp2:
0x4d: {  	_ = 	snop;
	(pc) =	sbr.rel @p0 .LBB2_6-.Ltmp2, $4  }
0x4e: {  	_ = 	snop  }
0x4f: {  	s20 =	sadd.s32 $0x200, s20  }
0x50: {  	_ =	swait.ge [sflag:s16], $0x4000  }
0x51: {  	[sflag:s16] =	ssyncset.done $0x0  }
0x52: {  	[sflag:s16] =	ssyncadd.s32 $0xFFFFC000;
	s20 =	sshll.u32 s1, $0x6  }
0x53: {  	s21 =	sshrl.u32 s4, $0x3;
	[bflag:$0x0] =	sbarrier.arrive $0xFFFF;
	s20 =	sor.u32 $0x1C01, s20  }
0x54: {  	[hbm:s10], [sflag:s20] =	dma.local [spmem:s21], $0x800  }
0x55: {  	_ =	swait.ge [sflag:s16], $0x800  }
0x56: {  	[sflag:s16] =	ssyncset.done $0x0  }
0x57: {  	s28 =	sshrl.u32 s6, $0x3;
	[sflag:s16] =	ssyncadd.s32 $0xFFFFF800  }
0x58: {  	[hbm:s11], [sflag:s20] =	dma.local [spmem:s28], $0x800  }
0x59: {  	_ =	swait.ge [sflag:s16], $0x800  }
0x5a: {  	[sflag:s16] =	ssyncset.done $0x0  }
0x5b: {  	s29 =	sshrl.u32 s7, $0x3;
	[sflag:s16] =	ssyncadd.s32 $0xFFFFF800  }
0x5c: {  	[hbm:s12], [sflag:s20] =	dma.local [spmem:s29], $0x800  }
0x5d: {  	_ =	swait.ge [sflag:s16], $0x800  }
0x5e: {  	[sflag:s16] =	ssyncset.done $0x0  }
0x5f: {  	s30 =	sshrl.u32 s8, $0x3;
	[sflag:s16] =	ssyncadd.s32 $0xFFFFF800  }
0x60: {  	[hbm:s13], [sflag:s20] =	dma.local [spmem:s30], $0x800  }
0x61: {  	s19 =	sadd.s32 $0x1, s19;
	_ =	swait.ge [sflag:s16], $0x800  }
0x62: {  	p0 =	sne.s32 s19, s15;
	[sflag:s16] =	ssyncset.done $0x0  }
.Ltmp3:
0x63: {  	s31 =	sshrl.u32 s9, $0x3;
	[sflag:s16] =	ssyncadd.s32 $0xFFFFF800;
	(pc) =	sbr.rel @p0 .LBB2_1-.Ltmp3, $4  }
0x64: {  	[hbm:s14], [sflag:s20] =	dma.local [spmem:s31], $0x800  }
0x65: {  	_ =	swait.ge [sflag:s16], $0x800  }
0x66: {  	[sflag:s16] =	ssyncset.done $0x0  }
0x67: {  	[sflag:s16] =	ssyncadd.s32 $0xFFFFF800  }
0x68: {  	_ =	sfence.sel $0x180000  }
0x69: {  	[bflag:$0x0] =	sbarrier.arrive $0xFFFF  }
0x6a: {  	p0 =	sne.s32 s1, $0x0;
	_ =	strace $0x90000047  }
0x6b: {  	s0 =	sadd.s32 @!p0 $0x100000, s0;
	[bflag:$0x2] =	sbarrier.arrive $0xFFFF  }
0x6c: {  	[sflag:s0] =	ssyncadd.tile.s32 @!p0 $0x1;
	_ =	shalt  }
.Lfunc_end2:
_tile_overlayer_lowered:
.L_overlay_start_2:
0x6d: {  	(tag) =	ssettag $0x2  }
0x6e: {  	s0 =	rddreg [dreg:$0x0];
	s2 =	stileid.u32  }
0x6f: {  	s1 =	rddreg [dreg:$0x1];
	p0 =	sne.s32 s2, $0x0  }
0x70: {  	s3 =	rddreg [dreg:$0x2];
	[bflag:$0x3] =	sbarrier.arrive $0xFFFF;
	s2 =	simm.s32 @!p0 $0x1C01  }
0x71: {  	[timem:s3], [sflag:s2] =	dma.local @!p0 [hbm:s0], s1  }
0x72: {  	s0 =	simm.s32 @!p0 $0x1  }
0x73: {  	_ =	swait.ge @!p0 [sflag:s0], s1  }
0x74: {  	s1 =	ssub.s32 @!p0 $0x0, s1;
	[sflag:s0] =	ssyncset.done @!p0 $0x0  }
0x75: {  	[sflag:s0] =	ssyncadd.s32 @!p0 s1  }
0x76: {  	[bflag:$0x3] =	sbarrier.arrive $0xFFFF  }
0x77: {  	_ =	shalt  }

// kernel: kernel.13.cloned.1.call-start
scs
__scs_entry_jumppad:
0x0: {  	(pc) =	sbr.rel $0x88, $3  }
0x1: {  	(tag) =	ssettag $0x0;
	lr =	simm.s32 $0x1  }
0x2: {  	[smem:$0x3F99] =	sst lr;
	_ =	strace $0xD0000000  }
0x3: {  	_ = 	snop  }
0x4: {  	_ = 	snop  }
0x5: {  	_ = 	snop  }
0x6: {  	_ = 	snop  }
0x7: {  	_ = 	snop  }
__scs_overlays_trampoline_lowered:
0x8: {  	[smem:$0x3FA8] =	sst s0  }
0x9: {  	[smem:$0x3FA9] =	sst s1  }
0xa: {  	[smem:$0x3FAA] =	sst s2  }
0xb: {  	[smem:$0x3FAB] =	sst s3  }
0xc: {  	[smem:$0x3FAC] =	sst s4  }
0xd: {  	[smem:$0x3FAD] =	sst s5  }
0xe: {  	[smem:$0x3FAE] =	sst s6  }
0xf: {  	[smem:$0x3FAF] =	sst s7  }
0x10: {  	[smem:$0x3FB0] =	sst s8  }
0x11: {  	[smem:$0x3FB1] =	sst s9;
	s0 =	simm.s32 @!p0 $0x0  }
0x12: {  	s1 =	sld [smem:$0x3F97];
	s0 =	simm.s32 @p0 $0x1  }
0x13: {  	[smem:$0x3FB2] =	sst s0;
	s0 =	simm.s32 @!p1 $0x0  }
0x14: {  	s2 =	sld [smem:$0x3F96];
	s0 =	simm.s32 @p1 $0x1  }
0x15: {  	[smem:$0x3FB3] =	sst s0;
	s0 =	simm.s32 @!p2 $0x0  }
0x16: {  	s3 =	sld [smem:$0x3FDB];
	s0 =	simm.s32 @p2 $0x1  }
0x17: {  	s4 =	simm.s32 $0x1BF5;
	[smem:$0x3FB5] =	sst s0  }
0x18: {  	s0 =	sld [smem:$0x3F98];
	_ =	swait.ge [sflag:s4], $0x0  }
0x19: {  	s7 =	sld [smem:$0x3F99]  }
0x1a: {  	s8 =	sadd.s32 $0xFFFFE003, lr  }
0x1b: {  	s9 =	sadd.s32 $0xFFFFFEF7, lr;
	s5 =	simm.s32 $0xFFFFFFFF;
	p2 =	slt.u32 s8, $0xFFFFF086  }
0x1c: {  	p1 =	slt.u32 s9, $0xF7A;
	s5 =	simm.s32 @!p2 $0x0  }
0x1d: {  	s5 =	simm.s32 @p1 $0x1;
	p0 =	seq.s32 s7, s2  }
0x1e: {  	s7 =	smul.u32 @!p0 $0xF7A, s2;
	p2 =	seq.s32 @!p0 s5, $0x0  }
0x1f: {  	s9 =	smul.u32 $0xF7A, s1;
	s8 =	simm.s32 @!p0 $0x1BF5;
	p2 =	por !p2, p0  }
0x20: {  	[sflag:s8] =	ssyncset.s32 @!p0 $0xFFFFF086;
	s6 =	sadd.s32 @!p0 s3, s7;
	s7 =	simm.s32 @!p0 $0x108  }
0x21: {  	s3 =	sadd.s32 s3, s9;
	s6 =	sadd.s32 @!p0 $0x88, s6;
	s7 =	simm.s32 @p2 $0x1082  }
0x22: {  	[simem:s7], [sflag:s8] =	dma.local @!p0 [hbm:s6], $0xF7A  }
0x23: {  	s9 =	sor.u32 $0xD0000000, s2;
	s6 =	simm.s32 $0x108;
	_ =	swait.ge @!p0 [sflag:s8], $0x0  }
0x24: {  	s3 =	sadd.s32 $0x88, s3;
	s6 =	simm.s32 @!p1 $0x1082;
	[sflag:s4] =	ssyncset.s32 $0xFFFFF086  }
0x25: {  	[simem:s6], [sflag:s4] =	dma.local [hbm:s3], $0xF7A  }
0x26: {  	[smem:$0x3F99] =	sst s1;
	(tag) =	ssettag s2;
	_ =	strace s9  }
0x27: {  	s1 =	sld [smem:$0x3FA9]  }
0x28: {  	s2 =	sld [smem:$0x3FAA]  }
0x29: {  	s4 =	sld [smem:$0x3FAC]  }
0x2a: {  	p0 =	seq.s32 s5, $0x0;
	s5 =	sld [smem:$0x3FAD]  }
0x2b: {  	s6 =	sld [smem:$0x3FAE]  }
0x2c: {  	s7 =	sld [smem:$0x3FAF]  }
0x2d: {  	s3 =	simm.s32 $0x108;
	s8 =	sld [smem:$0x3FB0]  }
0x2e: {  	s3 =	simm.s32 @!p0 $0x1082;
	s9 =	sld [smem:$0x3FB1]  }
0x2f: {  	lr =	sadd.s32 s0, s3;
	s0 =	sld [smem:$0x3FA8]  }
0x30: {  	s3 =	sld [smem:$0x3FAB]  }
0x31: {  	[smem:$0x3FB4] =	sst s10  }
0x32: {  	s10 =	sld [smem:$0x3FB2];
	_ =	sdelay $0x3  }
0x33: {  	p0 =	seq.s32 s10, $0x1;
	s10 =	sld [smem:$0x3FB4];
	_ =	sdelay $0x3  }
0x34: {  	[smem:$0x3FB4] =	sst s10  }
0x35: {  	s10 =	sld [smem:$0x3FB3];
	_ =	sdelay $0x3  }
0x36: {  	p1 =	seq.s32 s10, $0x1;
	s10 =	sld [smem:$0x3FB4];
	_ =	sdelay $0x3  }
0x37: {  	[smem:$0x3FB4] =	sst s10  }
0x38: {  	s10 =	sld [smem:$0x3FB5]  }
0x39: {  	_ = 	snop;
	(pc) =	sbr.ind lr, $3  }
0x3a: {  	_ = 	snop  }
0x3b: {  	_ = 	snop  }
0x3c: {  	p2 =	seq.s32 s10, $0x1;
	s10 =	sld [smem:$0x3FB4]  }
0x3d: {  	_ =	shalt  }
0x3e: {  	_ =	shalt  }
0x3f: {  	_ =	shalt  }
0x40: {  	_ =	shalt  }
0x41: {  	_ =	shalt  }
0x42: {  	_ =	shalt  }
0x43: {  	_ =	shalt  }
0x44: {  	_ =	shalt  }
0x45: {  	_ =	shalt  }
0x46: {  	_ =	shalt  }
0x47: {  	_ =	shalt  }
0x48: {  	_ =	shalt  }
0x49: {  	_ =	shalt  }
0x4a: {  	_ =	shalt  }
0x4b: {  	_ =	shalt  }
0x4c: {  	_ =	shalt  }
0x4d: {  	_ =	shalt  }
0x4e: {  	_ =	shalt  }
0x4f: {  	_ =	shalt  }
0x50: {  	_ =	shalt  }
0x51: {  	_ =	shalt  }
0x52: {  	_ =	shalt  }
0x53: {  	_ =	shalt  }
0x54: {  	_ =	shalt  }
0x55: {  	_ =	shalt  }
0x56: {  	_ =	shalt  }
0x57: {  	_ =	shalt  }
0x58: {  	_ =	shalt  }
0x59: {  	_ =	shalt  }
0x5a: {  	_ =	shalt  }
0x5b: {  	_ =	shalt  }
0x5c: {  	_ =	shalt  }
0x5d: {  	_ =	shalt  }
0x5e: {  	_ =	shalt  }
0x5f: {  	_ =	shalt  }
0x60: {  	_ =	shalt  }
0x61: {  	_ =	shalt  }
0x62: {  	_ =	shalt  }
0x63: {  	_ =	shalt  }
0x64: {  	_ =	shalt  }
0x65: {  	_ =	shalt  }
0x66: {  	_ =	shalt  }
0x67: {  	_ =	shalt  }
0x68: {  	_ =	shalt  }
0x69: {  	_ =	shalt  }
0x6a: {  	_ =	shalt  }
0x6b: {  	_ =	shalt  }
0x6c: {  	_ =	shalt  }
0x6d: {  	_ =	shalt  }
0x6e: {  	_ =	shalt  }
0x6f: {  	_ =	shalt  }
0x70: {  	_ =	shalt  }
0x71: {  	_ =	shalt  }
0x72: {  	_ =	shalt  }
0x73: {  	_ =	shalt  }
0x74: {  	_ =	shalt  }
0x75: {  	_ =	shalt  }
0x76: {  	_ =	shalt  }
0x77: {  	_ =	shalt  }
0x78: {  	_ =	shalt  }
0x79: {  	_ =	shalt  }
0x7a: {  	_ =	shalt  }
0x7b: {  	_ =	shalt  }
0x7c: {  	_ =	shalt  }
0x7d: {  	_ =	shalt  }
0x7e: {  	_ =	shalt  }
0x7f: {  	_ =	shalt  }
0x80: {  	_ =	shalt  }
0x81: {  	_ =	shalt  }
0x82: {  	_ =	shalt  }
0x83: {  	_ =	shalt  }
0x84: {  	_ =	shalt  }
0x85: {  	_ =	shalt  }
0x86: {  	_ =	shalt  }
0x87: {  	_ =	shalt  }
.Lfunc_end0:
.L_simem_size_0:
called_computation.1_lowered:
.L_overlay_start_0:
0x88: {  	s2 =	sld [smem:$0x3FD9]  }
0x89: {  	s3 =	sld [smem:$0x3FFE];
	_ =	sdelay $0x1  }
0x8a: {  	s1 =	srdreg.scid  }
0x8b: {  	s0 =	sand.u32 $0x1, s1  }
0x8c: {  	s17 =	sshll.u32 s0, $0xA;
	s2 =	sadd.s32 s3, s2  }
0x8d: {  	s2 =	sadd.s32 s2, s17  }
0x8e: {  	[smem:$0x3FC0] =	sst s2  }
0x8f: {  	_ = 	snop  }
0x90: {  	s2 =	sld [smem:$0x3FD0];
	(tm) =	ssettm $0x1  }
0x91: {  	s18 =	sld [smem:$0x3FFB];
	_ =	sdelay $0x3  }
0x92: {  	_ =	strace s18  }
0x93: {  	s3 =	sld [smem:$0x3FFC];
	_ =	sdelay $0x3  }
0x94: {  	_ =	strace s3  }
0x95: {  	s3 =	sld [smem:$0x3FFD];
	_ =	sdelay $0x3  }
0x96: {  	_ =	strace s3  }
0x97: {  	_ =	strace $0x8FFFFFFF  }
0x98: {  	s19 =	sld [smem:$0x3FDB];
	_ =	sdelay $0x1  }
0x99: {  	s4 =	simm.s32 $_scs_section_size  }
0x9a: {  	s5 =	simm.s32 $_size__tile_overlayer_lowered;
	s6 =	simm.s32 $_tile_overlayer_lowered  }
0x9b: {  	s22 =	simm.s32 $0x1BFF;
	s21 =	sshll.u32 s6, $0x1;
	s3 =	sadd.s32 s4, s19  }
0x9c: {  	s7 =	simm.s32 $0x0;
	s20 =	sshll.u32 s5, $0x1;
	s5 =	sadd.s32 s21, s3  }
0x9d: {  	[timem:s7], [sflag:s22] =	dma.local [hbm:s5], s20  }
0x9e: {  	_ =	swait.ge [sflag:s22], s20  }
0x9f: {  	s4 =	ssub.s32 $0x0, s20;
	[sflag:s22] =	ssyncset.done $0x0  }
0xa0: {  	[sflag:s22] =	ssyncadd.s32 s4;
	_ =	sdelay $0x1  }
0xa1: {  	s23 =	simm.s32 $0x1B8B  }
0xa2: {  	_ =	swait.ge [sflag:s23], $0x1  }
0xa3: {  	[sflag:s23] =	ssyncset.done $0x0  }
0xa4: {  	s25 =	simm.s32 $0x1B8E;
	s24 =	sld [smem:$0x3FFE];
	[sflag:s23] =	ssyncadd.s32 $0xFFFFFFFF  }
0xa5: {  	s26 =	simm.s32 $execute0_lowered;
	[smem:$0x3FD2] =	sst s25  }
0xa6: {  	s5 =	sshll.u32 s26, $0x1;
	_ =	strace $0x80000049;
	[dreg:$0x1] =	wrdreg $0xFFFFFFFF  }
0xa7: {  	s28 =	simm.s32 $_size_execute0_lowered;
	s3 =	sadd.s32 s3, s5;
	[dreg:$0x0] =	wrdreg $0x0  }
0xa8: {  	s5 =	sshll.u32 s28, $0x1;
	[dreg:$0x2] =	wrdreg s3  }
0xa9: {  	[dreg:$0x3] =	wrdreg s5  }
0xaa: {  	[dreg:$0x4] =	wrdreg $0xC0  }
0xab: {  	_ =	task [dreg:s7], $0x5FFFF  }
0xac: {  	[dreg:$0x1] =	wrdreg $0xFFFFFFFF  }
0xad: {  	[dreg:$0x0] =	wrdreg $0x60  }
0xae: {  	[dreg:$0x2] =	wrdreg s2  }
0xaf: {  	[dreg:$0x3] =	wrdreg s24  }
0xb0: {  	[dreg:$0x4] =	wrdreg $0xA8000  }
0xb1: {  	[dreg:$0x5] =	wrdreg $0x9  }
0xb2: {  	_ =	task.clear_ibuf [dreg:s7], $0x6FFFF;
	_ =	strace $0x90000049  }
0xb3: {  	s29 =	simm.s32 $0x9;
	_ =	strace $0x8000004B  }
0xb4: {  	_ =	swait.ge [sflag:s29], $0x1  }
0xb5: {  	[sflag:s29] =	ssyncadd.s32 $0xFFFFFFFF  }
0xb6: {  	_ =	strace $0x9000004B  }
0xb7: {  	_ =	sfence  }
0xb8: {  	s30 =	sld [smem:$0x0];
	_ =	sdelay $0x2  }
0xb9: {  	s31 =	sshll.u32 s1, $0xD;
	s1 =	sshrl.u32 s1, $0x2  }
0xba: {  	s3 =	sand.u32 $0x4000, s31;
	s1 =	sadd.s32 s1, s30  }
0xbb: {  	s0 =	sor.u32 s3, s0;
	s1 =	sshll.u32 s1, $0x11  }
0xbc: {  	s0 =	sor.u32 s1, s0  }
0xbd: {  	s0 =	sadd.s32 $0x8F2B, s0  }
0xbe: {  	[sflag:s0] =	ssyncadd.remote.s32 $0x1  }
0xbf: {  	_ =	sfence.sel $0xFFFF  }
0xc0: {  	[dreg:$0x0] =	wrdreg $0xFFFFFFFF;
	(pc) =	sbr.abs _section_cstart, $3  }
0xc1: {  	[dreg:$0x1] =	wrdreg $0xFFFFFFFF  }
0xc2: {  	_ =	task.clear_ibuf [dreg:s7], $0x2FFFF;
	_ =	strace $0x9FFFFFFF  }
0xc3: {  	(tm) =	ssettm $0x7FFFFFFF  }
tec
execute0_lowered:
.L_overlay_start_1:
0x0: {  	(tag) =	ssettag $0x1  }
0x1: {  	s1 =	rddreg [dreg:$0x0]  }
0x2: {  	s0 =	rddreg [dreg:$0x1]  }
0x3: {  	s3 =	rddreg [dreg:$0x2];
	s2 =	srdreg.scid  }
0x4: {  	s11 =	stileid.u32;
	s5 =	simm.s32 $0x0;
	s21 =	simm.s32 $0x2800  }
0x5: {  	s28 =	simm.s32 $0x2;
	s29 =	simm.s32 $0x1380;
	s4 =	smul.u32 $0x280, s11  }
0x6: {  	s30 =	simm.s32 $0x2700;
	s31 =	simm.s32 $0x2780;
	s22 =	smul.u32 $0x50000, s11  }
0x7: {  	s2 =	sand.u32 $0x1, s2;
	[smem:$0x7FF] =	sst s5;
	s10 =	smul.u32 $0x2800, s11  }
0x8: {  	s5 =	sadd.s32 $0xCE00, s0;
	s13 =	sadd.s32 $0x2E00, s0;
	s12 =	smul.u32 $0x500, s11  }
0x9: {  	s14 =	sadd.s32 $0x7E00, s0;
	s6 =	smul.u32 $0x2800, s2;
	s23 =	ssub.s32 $0x2, s2  }
0xa: {  	_ =	strace $0x8000004A;
	p0 =	seq.s32 s2, $0x1;
	s7 =	sshrl.u32 s23, $0x1  }
0xb: {  	s24 =	sshrl.u32 s10, $0x3;
	s26 =	sadd.s32 s13, s12;
	s12 =	sadd.s32 s14, s12  }
0xc: {  	s4 =	sadd.s32 s4, s6;
	s6 =	sshrl.u32 s22, $0x2;
	s25 =	sadd.s32 $0x280, s24  }
0xd: {  	[dreg:$0x4] =	wrdreg s26;
	s22 =	simm.s32 $0x3;
	s24 =	simm.s32 $0x80  }
0xe: {  	s26 =	simm.s32 $0x6800;
	s4 =	sshll.u32 s4, $0x4;
	s6 =	sadd.s32 s6, s3  }
0xf: {  	s13 =	sadd.s32 s13, s25;
	s14 =	sadd.s32 s14, s25;
	s25 =	simm.s32 $0x1  }
.Ltmp0:
0x10: {  	s0 =	sadd.s32 s4, s0;
	s4 =	ssub.s32 s23, s7;
	(pc) =	sbr.rel .LBB2_1-.Ltmp0, $4  }
0x11: {  	s7 =	sadd.s32 $0x4000, s6;
	s8 =	sadd.s32 $0x8000, s6;
	s9 =	sadd.s32 $0xC000, s6  }
0x12: {  	s10 =	sadd.s32 $0x10000, s6;
	s23 =	simm.s32 $0x1400;
	s15 =	sadd.s32 $0x34E00, s0  }
0x13: {  	s16 =	sadd.s32 $0x35600, s0;
	s17 =	sadd.s32 $0x35E00, s0;
	s18 =	sadd.s32 $0x36600, s0  }
0x14: {  	v0 =	vimm.f32 $0.0e+00;
	s19 =	sadd.s32 $0x36E00, s0;
	s20 =	smax.u32 s4, $0x1;
	s0 =	simm.s32 $0x0  }
.LBB2_8:
0x15: {  	[sflag:s22] =	ssyncadd.s32 $0xFFFFC000  }
0x16: {  	_ =	swait.ge [sflag:s25], $0x4000  }
0x17: {  	[sflag:s25] =	ssyncset.done $0x0  }
0x18: {  	[sflag:s25] =	ssyncadd.s32 $0xFFFFC000  }
0x19: {  	[tilespmem:s26], [sflag:$0x2] =	stream.indirect.gather [hbm4b:s1+s24], $0x80, s29, s24, $0xb8;
	[tilespmem:$0x1E800] =	vst v63  }
0x1a: {  	_ = 	snop  }
0x1b: {  	[spmem:s3] =	stream.indirect.scatter.add.f32 [tilespmem:s21], [sflag:$0x3], $0x80, s30, s24, $0xb8;
	[tilespmem:$0x1E800] =	vst v63  }
0x1c: {  	_ =	swait.ge [sflag:s22], $0x4000  }
0x1d: {  	[sflag:s22] =	ssyncset.done $0x0  }
0x1e: {  	[sflag:s22] =	ssyncadd.s32 $0xFFFFC000  }
0x1f: {  	_ =	swait.ge [sflag:s28], $0x4000  }
0x20: {  	[sflag:s28] =	ssyncset.done $0x0  }
0x21: {  	[sflag:s28] =	ssyncadd.s32 $0xFFFFC000  }
0x22: {  	[tilespmem:s21], [sflag:$0x1] =	stream.indirect.gather [hbm4b:s1+s24], $0x80, s29, s24, $0xb8;
	[tilespmem:$0x1E800] =	vst v63  }
.LBB2_14:
0x23: {  	[spmem:s3] =	stream.indirect.scatter.add.f32 [tilespmem:s26], [sflag:$0x3], $0x80, s31, s24, $0xb8;
	[tilespmem:$0x1E800] =	vst v63  }
0x24: {  	_ =	swait.ge [sflag:s22], $0x4000  }
0x25: {  	[sflag:s22] =	ssyncset.done $0x0  }
0x26: {  	[sflag:s22] =	ssyncadd.s32 $0xFFFFC000  }
0x27: {  	_ =	swait.ge [sflag:s25], $0x4000  }
0x28: {  	s2 =	stileid.u32;
	[sflag:s25] =	ssyncset.done $0x0  }
0x29: {  	s2 =	sshll.u32 s2, $0x6;
	[sflag:s25] =	ssyncadd.s32 $0xFFFFC000  }
0x2a: {  	s4 =	sshrl.u32 s6, $0x3;
	s2 =	sor.u32 $0x1C03, s2;
	[bflag:$0x0] =	sbarrier.arrive $0xFFFF  }
0x2b: {  	[hbm:s15], [sflag:s2] =	dma.local [spmem:s4], $0x800  }
0x2c: {  	_ =	swait.ge [sflag:s22], $0x800  }
0x2d: {  	[sflag:s22] =	ssyncset.done $0x0  }
0x2e: {  	s11 =	sshrl.u32 s7, $0x3;
	[sflag:s22] =	ssyncadd.s32 $0xFFFFF800  }
0x2f: {  	[hbm:s16], [sflag:s2] =	dma.local [spmem:s11], $0x800  }
0x30: {  	_ =	swait.ge [sflag:s22], $0x800  }
0x31: {  	[sflag:s22] =	ssyncset.done $0x0  }
0x32: {  	s11 =	sshrl.u32 s8, $0x3;
	[sflag:s22] =	ssyncadd.s32 $0xFFFFF800  }
0x33: {  	[hbm:s17], [sflag:s2] =	dma.local [spmem:s11], $0x800  }
0x34: {  	_ =	swait.ge [sflag:s22], $0x800  }
0x35: {  	[sflag:s22] =	ssyncset.done $0x0  }
0x36: {  	s11 =	sshrl.u32 s9, $0x3;
	[sflag:s22] =	ssyncadd.s32 $0xFFFFF800  }
0x37: {  	[hbm:s18], [sflag:s2] =	dma.local [spmem:s11], $0x800  }
0x38: {  	s0 =	sadd.s32 $0x1, s0;
	_ =	swait.ge [sflag:s22], $0x800  }
0x39: {  	p1 =	sne.s32 s0, s20;
	[sflag:s22] =	ssyncset.done $0x0  }
.Ltmp1:
0x3a: {  	s11 =	sshrl.u32 s10, $0x3;
	[sflag:s22] =	ssyncadd.s32 $0xFFFFF800;
	(pc) =	sbr.rel @!p1 .LBB2_15-.Ltmp1, $4  }
0x3b: {  	[hbm:s19], [sflag:s2] =	dma.local [spmem:s11], $0x800  }
0x3c: {  	_ =	swait.ge [sflag:s22], $0x800  }
0x3d: {  	[sflag:s22] =	ssyncset.done $0x0  }
0x3e: {  	[sflag:s22] =	ssyncadd.s32 $0xFFFFF800  }
.LBB2_1:
0x3f: {  	s2 =	simm.s32 $0x0;
	s4 =	simm.s32 $0x200  }
.LBB2_2:
0x40: {  	p1 =	sne.s32 s4, $0xFE00;
	[tilespmem:s2+$0x2870] =	vst v0  }
0x41: {  	[tilespmem:s2+$0x2800] =	vst v0  }
0x42: {  	[tilespmem:s2+$0x2810] =	vst v0  }
.Ltmp2:
0x43: {  	[tilespmem:s2+$0x2820] =	vst v0;
	(pc) =	sbr.rel @p1 .LBB2_2-.Ltmp2, $4  }
0x44: {  	[tilespmem:s2+$0x2830] =	vst v0  }
0x45: {  	[tilespmem:s2+$0x2840] =	vst v0  }
0x46: {  	[tilespmem:s2+$0x2850] =	vst v0  }
0x47: {  	[tilespmem:s2+$0x2860] =	vst v0;
	s2 =	sshra.s32 s4, $0x2;
	s4 =	sadd.s32 $0x200, s4  }
0x48: {  	[tilespmem:s2+$0x2870] =	vst v0  }
0x49: {  	[tilespmem:s2+$0x2800] =	vst v0  }
0x4a: {  	[tilespmem:s2+$0x2810] =	vst v0  }
0x4b: {  	[tilespmem:s2+$0x2820] =	vst v0  }
0x4c: {  	[tilespmem:s2+$0x2830] =	vst v0  }
0x4d: {  	[tilespmem:s2+$0x2840] =	vst v0  }
0x4e: {  	[tilespmem:s2+$0x2850] =	vst v0  }
0x4f: {  	[tilespmem:s2+$0x2860] =	vst v0  }
0x50: {  	[spmem:s6] =	stream.linear.scatter [tilespmem:s21], [sflag:$0x3], $0x4000, $0x38;
	[tilespmem:$0x1E800] =	vst v63  }
0x51: {  	_ =	swait.ge [sflag:s22], $0x4000  }
0x52: {  	[sflag:s22] =	ssyncset.done $0x0  }
0x53: {  	[sflag:s22] =	ssyncadd.s32 $0xFFFFC000  }
0x54: {  	[spmem:s7] =	stream.linear.scatter [tilespmem:s21], [sflag:$0x3], $0x4000, $0x38;
	[tilespmem:$0x1E800] =	vst v63  }
0x55: {  	_ =	swait.ge [sflag:s22], $0x4000  }
0x56: {  	[sflag:s22] =	ssyncset.done $0x0  }
0x57: {  	[sflag:s22] =	ssyncadd.s32 $0xFFFFC000  }
0x58: {  	[spmem:s8] =	stream.linear.scatter [tilespmem:s21], [sflag:$0x3], $0x4000, $0x38;
	[tilespmem:$0x1E800] =	vst v63  }
0x59: {  	_ =	swait.ge [sflag:s22], $0x4000  }
0x5a: {  	[sflag:s22] =	ssyncset.done $0x0  }
0x5b: {  	[sflag:s22] =	ssyncadd.s32 $0xFFFFC000  }
0x5c: {  	[spmem:s9] =	stream.linear.scatter [tilespmem:s21], [sflag:$0x3], $0x4000, $0x38;
	[tilespmem:$0x1E800] =	vst v63  }
0x5d: {  	_ =	swait.ge [sflag:s22], $0x4000  }
0x5e: {  	[sflag:s22] =	ssyncset.done $0x0  }
0x5f: {  	[sflag:s22] =	ssyncadd.s32 $0xFFFFC000  }
0x60: {  	[spmem:s10] =	stream.linear.scatter [tilespmem:s21], [sflag:$0x3], $0x4000, $0x38;
	[tilespmem:$0x1E800] =	vst v63  }
0x61: {  	_ =	swait.ge [sflag:s22], $0x4000  }
0x62: {  	[sflag:s22] =	ssyncset.done $0x0  }
0x63: {  	[sflag:s22] =	ssyncadd.s32 $0xFFFFC000  }
0x64: {  	[bflag:$0x0] =	sbarrier.arrive $0xFFFF  }
0x65: {  	s11 =	simm.s32 $0x0;
	s4 =	rddreg [dreg:$0x4]  }
0x66: {  	[tilespmem:s11], [sflag:$0x3] =	stream.linear.gather [hbm4b:s4+s11], $0x1400, $0x38;
	[tilespmem:$0x1E800] =	vst v63  }
0x67: {  	_ =	swait.ge [sflag:s22], $0x1400  }
0x68: {  	[sflag:s22] =	ssyncset.done $0x0  }
.Ltmp3:
0x69: {  	[sflag:s22] =	ssyncadd.s32 $0xFFFFEC00;
	(pc) =	sbr.rel @!p0 .LBB2_4-.Ltmp3, $4  }
0x6a: {  	[tilespmem:s23], [sflag:$0x3] =	stream.linear.gather [hbm4b:s12+s11], $0x1400, $0x38;
	[tilespmem:$0x1E800] =	vst v63  }
0x6b: {  	_ =	swait.ge [sflag:s22], $0x1400  }
0x6c: {  	[sflag:s22] =	ssyncset.done $0x0  }
0x6d: {  	s2 =	simm.s32 $0x0;
	[sflag:s22] =	ssyncadd.s32 $0xFFFFEC00  }
0x6e: {  	[tilespmem:s21], [sflag:$0x1] =	stream.indirect.gather [hbm4b:s5+s24], $0x80, s2, s24, $0xb8;
	[tilespmem:$0x1E800] =	vst v63  }
0x6f: {  	_ =	swait.ge [sflag:s25], $0x4000  }
0x70: {  	[sflag:s25] =	ssyncset.done $0x0  }
0x71: {  	s4 =	simm.s32 $0x80;
	[sflag:s25] =	ssyncadd.s32 $0xFFFFC000  }
0x72: {  	[tilespmem:s26], [sflag:$0x2] =	stream.indirect.gather [hbm4b:s5+s24], $0x80, s4, s24, $0xb8;
	[tilespmem:$0x1E800] =	vst v63  }
0x73: {  	s11 =	simm.s32 $0x1400  }
0x74: {  	[spmem:s3] =	stream.indirect.scatter.add.f32 [tilespmem:s21], [sflag:$0x3], $0x80, s11, s24, $0xb8;
	[tilespmem:$0x1E800] =	vst v63  }
0x75: {  	_ =	swait.ge [sflag:s22], $0x4000  }
0x76: {  	[sflag:s22] =	ssyncset.done $0x0  }
0x77: {  	[sflag:s22] =	ssyncadd.s32 $0xFFFFC000  }
0x78: {  	_ =	swait.ge [sflag:s28], $0x4000  }
0x79: {  	[sflag:s28] =	ssyncset.done $0x0  }
0x7a: {  	s4 =	simm.s32 $0x100;
	[sflag:s28] =	ssyncadd.s32 $0xFFFFC000  }
0x7b: {  	[tilespmem:s21], [sflag:$0x1] =	stream.indirect.gather [hbm4b:s5+s24], $0x80, s4, s24, $0xb8;
	[tilespmem:$0x1E800] =	vst v63  }
0x7c: {  	s11 =	simm.s32 $0x1480  }
0x7d: {  	[spmem:s3] =	stream.indirect.scatter.add.f32 [tilespmem:s26], [sflag:$0x3], $0x80, s11, s24, $0xb8;
	[tilespmem:$0x1E800] =	vst v63  }
0x7e: {  	_ =	swait.ge [sflag:s22], $0x4000  }
0x7f: {  	s2 =	simm.s32 $0x400;
	[sflag:s22] =	ssyncset.done $0x0  }
.LBB2_10:
0x80: {  	p1 =	sne.s32 s2, $0x4800  }
0x81: {  	[sflag:s22] =	ssyncadd.s32 $0xFFFFC000;
	s4 =	smov.u32 s2;
	s2 =	sadd.s32 $0x400, s2  }
0x82: {  	_ = 	snop  }
0x83: {  	_ =	swait.ge [sflag:s25], $0x4000  }
0x84: {  	s4 =	sshra.s32 s4, $0x2;
	[sflag:s25] =	ssyncset.done $0x0  }
0x85: {  	s11 =	sadd.s32 $0x80, s4;
	[sflag:s25] =	ssyncadd.s32 $0xFFFFC000  }
0x86: {  	[tilespmem:s26], [sflag:$0x2] =	stream.indirect.gather [hbm4b:s5+s24], $0x80, s11, s24, $0xb8;
	[tilespmem:$0x1E800] =	vst v63  }
0x87: {  	s11 =	sadd.s32 $0x1400, s4  }
0x88: {  	[spmem:s3] =	stream.indirect.scatter.add.f32 [tilespmem:s21], [sflag:$0x3], $0x80, s11, s24, $0xb8;
	[tilespmem:$0x1E800] =	vst v63  }
0x89: {  	_ =	swait.ge [sflag:s22], $0x4000  }
0x8a: {  	[sflag:s22] =	ssyncset.done $0x0  }
0x8b: {  	[sflag:s22] =	ssyncadd.s32 $0xFFFFC000  }
0x8c: {  	_ =	swait.ge [sflag:s28], $0x4000  }
0x8d: {  	[sflag:s28] =	ssyncset.done $0x0  }
0x8e: {  	s11 =	sadd.s32 $0x100, s4;
	[sflag:s28] =	ssyncadd.s32 $0xFFFFC000  }
0x8f: {  	[tilespmem:s21], [sflag:$0x1] =	stream.indirect.gather [hbm4b:s5+s24], $0x80, s11, s24, $0xb8;
	[tilespmem:$0x1E800] =	vst v63  }
.Ltmp4:
0x90: {  	_ = 	snop;
	(pc) =	sbr.rel @p1 .LBB2_10-.Ltmp4, $4  }
0x91: {  	s4 =	sadd.s32 $0x1480, s4  }
0x92: {  	[spmem:s3] =	stream.indirect.scatter.add.f32 [tilespmem:s26], [sflag:$0x3], $0x80, s4, s24, $0xb8;
	[tilespmem:$0x1E800] =	vst v63  }
0x93: {  	_ =	swait.ge [sflag:s22], $0x4000  }
0x94: {  	[sflag:s22] =	ssyncset.done $0x0  }
0x95: {  	[sflag:s22] =	ssyncadd.s32 $0xFFFFC000  }
0x96: {  	_ =	swait.ge [sflag:s25], $0x4000  }
0x97: {  	[sflag:s25] =	ssyncset.done $0x0  }
0x98: {  	[sflag:s25] =	ssyncadd.s32 $0xFFFFC000  }
0x99: {  	[tilespmem:s26], [sflag:$0x2] =	stream.indirect.gather [hbm4b:s5+s24], $0x80, s29, s24, $0xb8;
	[tilespmem:$0x1E800] =	vst v63  }
0x9a: {  	_ = 	snop  }
0x9b: {  	[spmem:s3] =	stream.indirect.scatter.add.f32 [tilespmem:s21], [sflag:$0x3], $0x80, s30, s24, $0xb8;
	[tilespmem:$0x1E800] =	vst v63  }
0x9c: {  	_ =	swait.ge [sflag:s22], $0x4000  }
0x9d: {  	[sflag:s22] =	ssyncset.done $0x0  }
0x9e: {  	[sflag:s22] =	ssyncadd.s32 $0xFFFFC000  }
0x9f: {  	_ =	swait.ge [sflag:s28], $0x4000  }
0xa0: {  	[sflag:s28] =	ssyncset.done $0x0  }
0xa1: {  	[sflag:s28] =	ssyncadd.s32 $0xFFFFC000  }
0xa2: {  	[tilespmem:s21], [sflag:$0x1] =	stream.indirect.gather [hbm4b:s5+s24], $0x80, s29, s24, $0xb8;
	[tilespmem:$0x1E800] =	vst v63  }
0xa3: {  	_ = 	snop  }
0xa4: {  	[spmem:s3] =	stream.indirect.scatter.add.f32 [tilespmem:s26], [sflag:$0x3], $0x80, s31, s24, $0xb8;
	[tilespmem:$0x1E800] =	vst v63  }
0xa5: {  	_ =	swait.ge [sflag:s22], $0x4000  }
0xa6: {  	[sflag:s22] =	ssyncset.done $0x0  }
0xa7: {  	[sflag:s22] =	ssyncadd.s32 $0xFFFFC000  }
0xa8: {  	_ =	swait.ge [sflag:s25], $0x4000  }
0xa9: {  	[sflag:s25] =	ssyncset.done $0x0  }
0xaa: {  	s2 =	simm.s32 $0x0;
	[sflag:s25] =	ssyncadd.s32 $0xFFFFC000  }
0xab: {  	[tilespmem:s2], [sflag:$0x3] =	stream.linear.gather [hbm4b:s13+s2], $0x1400, $0x38;
	[tilespmem:$0x1E800] =	vst v63  }
0xac: {  	_ =	swait.ge [sflag:s22], $0x1400  }
0xad: {  	[sflag:s22] =	ssyncset.done $0x0  }
0xae: {  	[sflag:s22] =	ssyncadd.s32 $0xFFFFEC00  }
0xaf: {  	[tilespmem:s23], [sflag:$0x3] =	stream.linear.gather [hbm4b:s14+s2], $0x1400, $0x38;
	[tilespmem:$0x1E800] =	vst v63  }
0xb0: {  	_ =	swait.ge [sflag:s22], $0x1400  }
0xb1: {  	[sflag:s22] =	ssyncset.done $0x0  }
0xb2: {  	[sflag:s22] =	ssyncadd.s32 $0xFFFFEC00  }
0xb3: {  	[tilespmem:s21], [sflag:$0x1] =	stream.indirect.gather [hbm4b:s5+s24], $0x80, s2, s24, $0xb8;
	[tilespmem:$0x1E800] =	vst v63  }
0xb4: {  	_ =	swait.ge [sflag:s25], $0x4000  }
0xb5: {  	[sflag:s25] =	ssyncset.done $0x0  }
0xb6: {  	s4 =	simm.s32 $0x80;
	[sflag:s25] =	ssyncadd.s32 $0xFFFFC000  }
0xb7: {  	[tilespmem:s26], [sflag:$0x2] =	stream.indirect.gather [hbm4b:s5+s24], $0x80, s4, s24, $0xb8;
	[tilespmem:$0x1E800] =	vst v63  }
0xb8: {  	s11 =	simm.s32 $0x1400  }
0xb9: {  	[spmem:s3] =	stream.indirect.scatter.add.f32 [tilespmem:s21], [sflag:$0x3], $0x80, s11, s24, $0xb8;
	[tilespmem:$0x1E800] =	vst v63  }
0xba: {  	_ =	swait.ge [sflag:s22], $0x4000  }
0xbb: {  	[sflag:s22] =	ssyncset.done $0x0  }
0xbc: {  	[sflag:s22] =	ssyncadd.s32 $0xFFFFC000  }
0xbd: {  	_ =	swait.ge [sflag:s28], $0x4000  }
0xbe: {  	[sflag:s28] =	ssyncset.done $0x0  }
0xbf: {  	s4 =	simm.s32 $0x100;
	[sflag:s28] =	ssyncadd.s32 $0xFFFFC000  }
0xc0: {  	[tilespmem:s21], [sflag:$0x1] =	stream.indirect.gather [hbm4b:s5+s24], $0x80, s4, s24, $0xb8;
	[tilespmem:$0x1E800] =	vst v63  }
0xc1: {  	s11 =	simm.s32 $0x1480  }
0xc2: {  	[spmem:s3] =	stream.indirect.scatter.add.f32 [tilespmem:s26], [sflag:$0x3], $0x80, s11, s24, $0xb8;
	[tilespmem:$0x1E800] =	vst v63  }
0xc3: {  	_ =	swait.ge [sflag:s22], $0x4000  }
0xc4: {  	s2 =	simm.s32 $0x400;
	[sflag:s22] =	ssyncset.done $0x0  }
.LBB2_12:
0xc5: {  	p1 =	sne.s32 s2, $0x4800  }
0xc6: {  	[sflag:s22] =	ssyncadd.s32 $0xFFFFC000;
	s4 =	smov.u32 s2;
	s2 =	sadd.s32 $0x400, s2  }
0xc7: {  	_ = 	snop  }
0xc8: {  	_ =	swait.ge [sflag:s25], $0x4000  }
0xc9: {  	s4 =	sshra.s32 s4, $0x2;
	[sflag:s25] =	ssyncset.done $0x0  }
0xca: {  	s11 =	sadd.s32 $0x80, s4;
	[sflag:s25] =	ssyncadd.s32 $0xFFFFC000  }
0xcb: {  	[tilespmem:s26], [sflag:$0x2] =	stream.indirect.gather [hbm4b:s5+s24], $0x80, s11, s24, $0xb8;
	[tilespmem:$0x1E800] =	vst v63  }
0xcc: {  	s11 =	sadd.s32 $0x1400, s4  }
0xcd: {  	[spmem:s3] =	stream.indirect.scatter.add.f32 [tilespmem:s21], [sflag:$0x3], $0x80, s11, s24, $0xb8;
	[tilespmem:$0x1E800] =	vst v63  }
0xce: {  	_ =	swait.ge [sflag:s22], $0x4000  }
0xcf: {  	[sflag:s22] =	ssyncset.done $0x0  }
0xd0: {  	[sflag:s22] =	ssyncadd.s32 $0xFFFFC000  }
0xd1: {  	_ =	swait.ge [sflag:s28], $0x4000  }
0xd2: {  	[sflag:s28] =	ssyncset.done $0x0  }
0xd3: {  	s11 =	sadd.s32 $0x100, s4;
	[sflag:s28] =	ssyncadd.s32 $0xFFFFC000  }
0xd4: {  	[tilespmem:s21], [sflag:$0x1] =	stream.indirect.gather [hbm4b:s5+s24], $0x80, s11, s24, $0xb8;
	[tilespmem:$0x1E800] =	vst v63  }
.Ltmp5:
0xd5: {  	_ = 	snop;
	(pc) =	sbr.rel @p1 .LBB2_12-.Ltmp5, $4  }
0xd6: {  	s4 =	sadd.s32 $0x1480, s4  }
0xd7: {  	[spmem:s3] =	stream.indirect.scatter.add.f32 [tilespmem:s26], [sflag:$0x3], $0x80, s4, s24, $0xb8;
	[tilespmem:$0x1E800] =	vst v63  }
0xd8: {  	_ =	swait.ge [sflag:s22], $0x4000  }
0xd9: {  	[sflag:s22] =	ssyncset.done $0x0  }
0xda: {  	[sflag:s22] =	ssyncadd.s32 $0xFFFFC000  }
0xdb: {  	_ =	swait.ge [sflag:s25], $0x4000  }
0xdc: {  	[sflag:s25] =	ssyncset.done $0x0  }
0xdd: {  	[sflag:s25] =	ssyncadd.s32 $0xFFFFC000  }
0xde: {  	[tilespmem:s26], [sflag:$0x2] =	stream.indirect.gather [hbm4b:s5+s24], $0x80, s29, s24, $0xb8;
	[tilespmem:$0x1E800] =	vst v63  }
0xdf: {  	_ = 	snop  }
0xe0: {  	[spmem:s3] =	stream.indirect.scatter.add.f32 [tilespmem:s21], [sflag:$0x3], $0x80, s30, s24, $0xb8;
	[tilespmem:$0x1E800] =	vst v63  }
0xe1: {  	_ =	swait.ge [sflag:s22], $0x4000  }
0xe2: {  	[sflag:s22] =	ssyncset.done $0x0  }
.Ltmp6:
0xe3: {  	[sflag:s22] =	ssyncadd.s32 $0xFFFFC000;
	(pc) =	sbr.rel .LBB2_14-.Ltmp6, $4  }
0xe4: {  	_ =	swait.ge [sflag:s28], $0x4000  }
0xe5: {  	[sflag:s28] =	ssyncset.done $0x0  }
0xe6: {  	[sflag:s28] =	ssyncadd.s32 $0xFFFFC000  }
0xe7: {  	[tilespmem:s21], [sflag:$0x1] =	stream.indirect.gather [hbm4b:s5+s24], $0x80, s29, s24, $0xb8;
	[tilespmem:$0x1E800] =	vst v63  }
.LBB2_4:
0xe8: {  	[tilespmem:s21], [sflag:$0x1] =	stream.indirect.gather [hbm4b:s1+s24], $0x80, s2, s24, $0xb8;
	[tilespmem:$0x1E800] =	vst v63  }
0xe9: {  	_ =	swait.ge [sflag:s25], $0x4000  }
0xea: {  	[sflag:s25] =	ssyncset.done $0x0  }
0xeb: {  	s4 =	simm.s32 $0x80;
	[sflag:s25] =	ssyncadd.s32 $0xFFFFC000  }
0xec: {  	[tilespmem:s26], [sflag:$0x2] =	stream.indirect.gather [hbm4b:s1+s24], $0x80, s4, s24, $0xb8;
	[tilespmem:$0x1E800] =	vst v63  }
0xed: {  	s11 =	simm.s32 $0x1400  }
0xee: {  	[spmem:s3] =	stream.indirect.scatter.add.f32 [tilespmem:s21], [sflag:$0x3], $0x80, s11, s24, $0xb8;
	[tilespmem:$0x1E800] =	vst v63  }
0xef: {  	_ =	swait.ge [sflag:s22], $0x4000  }
0xf0: {  	[sflag:s22] =	ssyncset.done $0x0  }
0xf1: {  	[sflag:s22] =	ssyncadd.s32 $0xFFFFC000  }
0xf2: {  	_ =	swait.ge [sflag:s28], $0x4000  }
0xf3: {  	[sflag:s28] =	ssyncset.done $0x0  }
0xf4: {  	s4 =	simm.s32 $0x100;
	[sflag:s28] =	ssyncadd.s32 $0xFFFFC000  }
0xf5: {  	[tilespmem:s21], [sflag:$0x1] =	stream.indirect.gather [hbm4b:s1+s24], $0x80, s4, s24, $0xb8;
	[tilespmem:$0x1E800] =	vst v63  }
0xf6: {  	s11 =	simm.s32 $0x1480  }
0xf7: {  	[spmem:s3] =	stream.indirect.scatter.add.f32 [tilespmem:s26], [sflag:$0x3], $0x80, s11, s24, $0xb8;
	[tilespmem:$0x1E800] =	vst v63  }
0xf8: {  	_ =	swait.ge [sflag:s22], $0x4000  }
0xf9: {  	s2 =	simm.s32 $0x400;
	[sflag:s22] =	ssyncset.done $0x0  }
.LBB2_5:
0xfa: {  	p1 =	sne.s32 s2, $0x4800  }
0xfb: {  	[sflag:s22] =	ssyncadd.s32 $0xFFFFC000;
	s4 =	smov.u32 s2;
	s2 =	sadd.s32 $0x400, s2  }
0xfc: {  	_ = 	snop  }
0xfd: {  	_ =	swait.ge [sflag:s25], $0x4000  }
0xfe: {  	s4 =	sshra.s32 s4, $0x2;
	[sflag:s25] =	ssyncset.done $0x0  }
0xff: {  	s11 =	sadd.s32 $0x80, s4;
	[sflag:s25] =	ssyncadd.s32 $0xFFFFC000  }
0x100: {  	[tilespmem:s26], [sflag:$0x2] =	stream.indirect.gather [hbm4b:s1+s24], $0x80, s11, s24, $0xb8;
	[tilespmem:$0x1E800] =	vst v63  }
0x101: {  	s11 =	sadd.s32 $0x1400, s4  }
0x102: {  	[spmem:s3] =	stream.indirect.scatter.add.f32 [tilespmem:s21], [sflag:$0x3], $0x80, s11, s24, $0xb8;
	[tilespmem:$0x1E800] =	vst v63  }
0x103: {  	_ =	swait.ge [sflag:s22], $0x4000  }
0x104: {  	[sflag:s22] =	ssyncset.done $0x0  }
0x105: {  	[sflag:s22] =	ssyncadd.s32 $0xFFFFC000  }
0x106: {  	_ =	swait.ge [sflag:s28], $0x4000  }
0x107: {  	[sflag:s28] =	ssyncset.done $0x0  }
0x108: {  	s11 =	sadd.s32 $0x100, s4;
	[sflag:s28] =	ssyncadd.s32 $0xFFFFC000  }
0x109: {  	[tilespmem:s21], [sflag:$0x1] =	stream.indirect.gather [hbm4b:s1+s24], $0x80, s11, s24, $0xb8;
	[tilespmem:$0x1E800] =	vst v63  }
.Ltmp7:
0x10a: {  	_ = 	snop;
	(pc) =	sbr.rel @p1 .LBB2_5-.Ltmp7, $4  }
0x10b: {  	s4 =	sadd.s32 $0x1480, s4  }
0x10c: {  	[spmem:s3] =	stream.indirect.scatter.add.f32 [tilespmem:s26], [sflag:$0x3], $0x80, s4, s24, $0xb8;
	[tilespmem:$0x1E800] =	vst v63  }
0x10d: {  	_ =	swait.ge [sflag:s22], $0x4000  }
0x10e: {  	[sflag:s22] =	ssyncset.done $0x0  }
0x10f: {  	[sflag:s22] =	ssyncadd.s32 $0xFFFFC000  }
0x110: {  	_ =	swait.ge [sflag:s25], $0x4000  }
0x111: {  	[sflag:s25] =	ssyncset.done $0x0  }
0x112: {  	[sflag:s25] =	ssyncadd.s32 $0xFFFFC000  }
0x113: {  	[tilespmem:s26], [sflag:$0x2] =	stream.indirect.gather [hbm4b:s1+s24], $0x80, s29, s24, $0xb8;
	[tilespmem:$0x1E800] =	vst v63  }
0x114: {  	_ = 	snop  }
0x115: {  	[spmem:s3] =	stream.indirect.scatter.add.f32 [tilespmem:s21], [sflag:$0x3], $0x80, s30, s24, $0xb8;
	[tilespmem:$0x1E800] =	vst v63  }
0x116: {  	_ =	swait.ge [sflag:s22], $0x4000  }
0x117: {  	[sflag:s22] =	ssyncset.done $0x0  }
0x118: {  	[sflag:s22] =	ssyncadd.s32 $0xFFFFC000  }
0x119: {  	_ =	swait.ge [sflag:s28], $0x4000  }
0x11a: {  	[sflag:s28] =	ssyncset.done $0x0  }
0x11b: {  	[sflag:s28] =	ssyncadd.s32 $0xFFFFC000  }
0x11c: {  	[tilespmem:s21], [sflag:$0x1] =	stream.indirect.gather [hbm4b:s1+s24], $0x80, s29, s24, $0xb8;
	[tilespmem:$0x1E800] =	vst v63  }
0x11d: {  	_ = 	snop  }
0x11e: {  	[spmem:s3] =	stream.indirect.scatter.add.f32 [tilespmem:s26], [sflag:$0x3], $0x80, s31, s24, $0xb8;
	[tilespmem:$0x1E800] =	vst v63  }
0x11f: {  	_ =	swait.ge [sflag:s22], $0x4000  }
0x120: {  	[sflag:s22] =	ssyncset.done $0x0  }
0x121: {  	[sflag:s22] =	ssyncadd.s32 $0xFFFFC000  }
0x122: {  	_ =	swait.ge [sflag:s25], $0x4000  }
0x123: {  	[sflag:s25] =	ssyncset.done $0x0  }
0x124: {  	s2 =	simm.s32 $0x0;
	[sflag:s25] =	ssyncadd.s32 $0xFFFFC000  }
0x125: {  	[tilespmem:s2], [sflag:$0x3] =	stream.linear.gather [hbm4b:s13+s2], $0x1400, $0x38;
	[tilespmem:$0x1E800] =	vst v63  }
0x126: {  	_ =	swait.ge [sflag:s22], $0x1400  }
0x127: {  	[sflag:s22] =	ssyncset.done $0x0  }
0x128: {  	[sflag:s22] =	ssyncadd.s32 $0xFFFFEC00  }
0x129: {  	[tilespmem:s23], [sflag:$0x3] =	stream.linear.gather [hbm4b:s14+s2], $0x1400, $0x38;
	[tilespmem:$0x1E800] =	vst v63  }
0x12a: {  	_ =	swait.ge [sflag:s22], $0x1400  }
0x12b: {  	[sflag:s22] =	ssyncset.done $0x0  }
0x12c: {  	[sflag:s22] =	ssyncadd.s32 $0xFFFFEC00  }
0x12d: {  	[tilespmem:s21], [sflag:$0x1] =	stream.indirect.gather [hbm4b:s1+s24], $0x80, s2, s24, $0xb8;
	[tilespmem:$0x1E800] =	vst v63  }
0x12e: {  	_ =	swait.ge [sflag:s25], $0x4000  }
0x12f: {  	[sflag:s25] =	ssyncset.done $0x0  }
0x130: {  	s4 =	simm.s32 $0x80;
	[sflag:s25] =	ssyncadd.s32 $0xFFFFC000  }
0x131: {  	[tilespmem:s26], [sflag:$0x2] =	stream.indirect.gather [hbm4b:s1+s24], $0x80, s4, s24, $0xb8;
	[tilespmem:$0x1E800] =	vst v63  }
0x132: {  	s11 =	simm.s32 $0x1400  }
0x133: {  	[spmem:s3] =	stream.indirect.scatter.add.f32 [tilespmem:s21], [sflag:$0x3], $0x80, s11, s24, $0xb8;
	[tilespmem:$0x1E800] =	vst v63  }
0x134: {  	_ =	swait.ge [sflag:s22], $0x4000  }
0x135: {  	[sflag:s22] =	ssyncset.done $0x0  }
0x136: {  	[sflag:s22] =	ssyncadd.s32 $0xFFFFC000  }
0x137: {  	_ =	swait.ge [sflag:s28], $0x4000  }
0x138: {  	[sflag:s28] =	ssyncset.done $0x0  }
0x139: {  	s4 =	simm.s32 $0x100;
	[sflag:s28] =	ssyncadd.s32 $0xFFFFC000  }
0x13a: {  	[tilespmem:s21], [sflag:$0x1] =	stream.indirect.gather [hbm4b:s1+s24], $0x80, s4, s24, $0xb8;
	[tilespmem:$0x1E800] =	vst v63  }
0x13b: {  	s11 =	simm.s32 $0x1480  }
0x13c: {  	[spmem:s3] =	stream.indirect.scatter.add.f32 [tilespmem:s26], [sflag:$0x3], $0x80, s11, s24, $0xb8;
	[tilespmem:$0x1E800] =	vst v63  }
0x13d: {  	_ =	swait.ge [sflag:s22], $0x4000  }
0x13e: {  	s2 =	simm.s32 $0x400;
	[sflag:s22] =	ssyncset.done $0x0  }
.LBB2_7:
0x13f: {  	p1 =	sne.s32 s2, $0x4800  }
0x140: {  	[sflag:s22] =	ssyncadd.s32 $0xFFFFC000;
	s4 =	smov.u32 s2;
	s2 =	sadd.s32 $0x400, s2  }
0x141: {  	_ = 	snop  }
0x142: {  	_ =	swait.ge [sflag:s25], $0x4000  }
0x143: {  	s4 =	sshra.s32 s4, $0x2;
	[sflag:s25] =	ssyncset.done $0x0  }
0x144: {  	s11 =	sadd.s32 $0x80, s4;
	[sflag:s25] =	ssyncadd.s32 $0xFFFFC000  }
0x145: {  	[tilespmem:s26], [sflag:$0x2] =	stream.indirect.gather [hbm4b:s1+s24], $0x80, s11, s24, $0xb8;
	[tilespmem:$0x1E800] =	vst v63  }
0x146: {  	s11 =	sadd.s32 $0x1400, s4  }
0x147: {  	[spmem:s3] =	stream.indirect.scatter.add.f32 [tilespmem:s21], [sflag:$0x3], $0x80, s11, s24, $0xb8;
	[tilespmem:$0x1E800] =	vst v63  }
0x148: {  	_ =	swait.ge [sflag:s22], $0x4000  }
0x149: {  	[sflag:s22] =	ssyncset.done $0x0  }
0x14a: {  	[sflag:s22] =	ssyncadd.s32 $0xFFFFC000  }
0x14b: {  	_ =	swait.ge [sflag:s28], $0x4000  }
0x14c: {  	[sflag:s28] =	ssyncset.done $0x0  }
0x14d: {  	s11 =	sadd.s32 $0x100, s4;
	[sflag:s28] =	ssyncadd.s32 $0xFFFFC000  }
0x14e: {  	[tilespmem:s21], [sflag:$0x1] =	stream.indirect.gather [hbm4b:s1+s24], $0x80, s11, s24, $0xb8;
	[tilespmem:$0x1E800] =	vst v63  }
.Ltmp8:
0x14f: {  	_ = 	snop;
	(pc) =	sbr.rel @p1 .LBB2_7-.Ltmp8, $4  }
0x150: {  	s4 =	sadd.s32 $0x1480, s4  }
0x151: {  	[spmem:s3] =	stream.indirect.scatter.add.f32 [tilespmem:s26], [sflag:$0x3], $0x80, s4, s24, $0xb8;
	[tilespmem:$0x1E800] =	vst v63  }
0x152: {  	_ =	swait.ge [sflag:s22], $0x4000  }
0x153: {  	[sflag:s22] =	ssyncset.done $0x0  }
.Ltmp9:
0x154: {  	_ = 	snop;
	(pc) =	sbr.rel .LBB2_8-.Ltmp9, $1  }
0x155: {  	_ =	sdelay $0x3  }
.LBB2_15:
0x156: {  	_ =	sfence.sel $0x180000  }
0x157: {  	[bflag:$0x0] =	sbarrier.arrive $0xFFFF  }
0x158: {  	_ =	strace $0x9000004A  }
0x159: {  	s0 =	stileid.u32;
	[bflag:$0x2] =	sbarrier.arrive $0xFFFF  }
0x15a: {  	p0 =	sne.s32 s0, $0x0;
	s0 =	rddreg [dreg:$0x3]  }
0x15b: {  	s0 =	sadd.s32 @!p0 $0x100000, s0  }
0x15c: {  	[sflag:s0] =	ssyncadd.tile.s32 @!p0 $0x1;
	_ =	shalt  }
.Lfunc_end2:
_tile_overlayer_lowered:
.L_overlay_start_2:
0x15d: {  	(tag) =	ssettag $0x2  }
0x15e: {  	s0 =	rddreg [dreg:$0x0];
	s2 =	stileid.u32  }
0x15f: {  	s1 =	rddreg [dreg:$0x1];
	p0 =	sne.s32 s2, $0x0  }
0x160: {  	s3 =	rddreg [dreg:$0x2];
	[bflag:$0x3] =	sbarrier.arrive $0xFFFF;
	s2 =	simm.s32 @!p0 $0x1C03  }
0x161: {  	[timem:s3], [sflag:s2] =	dma.local @!p0 [hbm:s0], s1  }
0x162: {  	s0 =	simm.s32 @!p0 $0x3  }
0x163: {  	_ =	swait.ge @!p0 [sflag:s0], s1  }
0x164: {  	s1 =	ssub.s32 @!p0 $0x0, s1;
	[sflag:s0] =	ssyncset.done @!p0 $0x0  }
0x165: {  	[sflag:s0] =	ssyncadd.s32 @!p0 s1  }
0x166: {  	[bflag:$0x3] =	sbarrier.arrive $0xFFFF  }
0x167: {  	_ =	shalt  }

// kernel: kernel.16.cloned.1.call-start
scs
__scs_entry_jumppad:
0x0: {  	(pc) =	sbr.rel $0x88, $3  }
0x1: {  	(tag) =	ssettag $0x0;
	lr =	simm.s32 $0x1  }
0x2: {  	[smem:$0x3F99] =	sst lr;
	_ =	strace $0xD0000000  }
0x3: {  	_ = 	snop  }
0x4: {  	_ = 	snop  }
0x5: {  	_ = 	snop  }
0x6: {  	_ = 	snop  }
0x7: {  	_ = 	snop  }
__scs_overlays_trampoline_lowered:
0x8: {  	[smem:$0x3FA8] =	sst s0  }
0x9: {  	[smem:$0x3FA9] =	sst s1  }
0xa: {  	[smem:$0x3FAA] =	sst s2  }
0xb: {  	[smem:$0x3FAB] =	sst s3  }
0xc: {  	[smem:$0x3FAC] =	sst s4  }
0xd: {  	[smem:$0x3FAD] =	sst s5  }
0xe: {  	[smem:$0x3FAE] =	sst s6  }
0xf: {  	[smem:$0x3FAF] =	sst s7  }
0x10: {  	[smem:$0x3FB0] =	sst s8  }
0x11: {  	[smem:$0x3FB1] =	sst s9;
	s0 =	simm.s32 @!p0 $0x0  }
0x12: {  	s1 =	sld [smem:$0x3F97];
	s0 =	simm.s32 @p0 $0x1  }
0x13: {  	[smem:$0x3FB2] =	sst s0;
	s0 =	simm.s32 @!p1 $0x0  }
0x14: {  	s2 =	sld [smem:$0x3F96];
	s0 =	simm.s32 @p1 $0x1  }
0x15: {  	[smem:$0x3FB3] =	sst s0;
	s0 =	simm.s32 @!p2 $0x0  }
0x16: {  	s3 =	sld [smem:$0x3FDB];
	s0 =	simm.s32 @p2 $0x1  }
0x17: {  	s4 =	simm.s32 $0x1BF5;
	[smem:$0x3FB5] =	sst s0  }
0x18: {  	s0 =	sld [smem:$0x3F98];
	_ =	swait.ge [sflag:s4], $0x0  }
0x19: {  	s7 =	sld [smem:$0x3F99]  }
0x1a: {  	s8 =	sadd.s32 $0xFFFFE003, lr  }
0x1b: {  	s9 =	sadd.s32 $0xFFFFFEF7, lr;
	s5 =	simm.s32 $0xFFFFFFFF;
	p2 =	slt.u32 s8, $0xFFFFF086  }
0x1c: {  	p1 =	slt.u32 s9, $0xF7A;
	s5 =	simm.s32 @!p2 $0x0  }
0x1d: {  	s5 =	simm.s32 @p1 $0x1;
	p0 =	seq.s32 s7, s2  }
0x1e: {  	s7 =	smul.u32 @!p0 $0xF7A, s2;
	p2 =	seq.s32 @!p0 s5, $0x0  }
0x1f: {  	s9 =	smul.u32 $0xF7A, s1;
	s8 =	simm.s32 @!p0 $0x1BF5;
	p2 =	por !p2, p0  }
0x20: {  	[sflag:s8] =	ssyncset.s32 @!p0 $0xFFFFF086;
	s6 =	sadd.s32 @!p0 s3, s7;
	s7 =	simm.s32 @!p0 $0x108  }
0x21: {  	s3 =	sadd.s32 s3, s9;
	s6 =	sadd.s32 @!p0 $0x88, s6;
	s7 =	simm.s32 @p2 $0x1082  }
0x22: {  	[simem:s7], [sflag:s8] =	dma.local @!p0 [hbm:s6], $0xF7A  }
0x23: {  	s9 =	sor.u32 $0xD0000000, s2;
	s6 =	simm.s32 $0x108;
	_ =	swait.ge @!p0 [sflag:s8], $0x0  }
0x24: {  	s3 =	sadd.s32 $0x88, s3;
	s6 =	simm.s32 @!p1 $0x1082;
	[sflag:s4] =	ssyncset.s32 $0xFFFFF086  }
0x25: {  	[simem:s6], [sflag:s4] =	dma.local [hbm:s3], $0xF7A  }
0x26: {  	[smem:$0x3F99] =	sst s1;
	(tag) =	ssettag s2;
	_ =	strace s9  }
0x27: {  	s1 =	sld [smem:$0x3FA9]  }
0x28: {  	s2 =	sld [smem:$0x3FAA]  }
0x29: {  	s4 =	sld [smem:$0x3FAC]  }
0x2a: {  	p0 =	seq.s32 s5, $0x0;
	s5 =	sld [smem:$0x3FAD]  }
0x2b: {  	s6 =	sld [smem:$0x3FAE]  }
0x2c: {  	s7 =	sld [smem:$0x3FAF]  }
0x2d: {  	s3 =	simm.s32 $0x108;
	s8 =	sld [smem:$0x3FB0]  }
0x2e: {  	s3 =	simm.s32 @!p0 $0x1082;
	s9 =	sld [smem:$0x3FB1]  }
0x2f: {  	lr =	sadd.s32 s0, s3;
	s0 =	sld [smem:$0x3FA8]  }
0x30: {  	s3 =	sld [smem:$0x3FAB]  }
0x31: {  	[smem:$0x3FB4] =	sst s10  }
0x32: {  	s10 =	sld [smem:$0x3FB2];
	_ =	sdelay $0x3  }
0x33: {  	p0 =	seq.s32 s10, $0x1;
	s10 =	sld [smem:$0x3FB4];
	_ =	sdelay $0x3  }
0x34: {  	[smem:$0x3FB4] =	sst s10  }
0x35: {  	s10 =	sld [smem:$0x3FB3];
	_ =	sdelay $0x3  }
0x36: {  	p1 =	seq.s32 s10, $0x1;
	s10 =	sld [smem:$0x3FB4];
	_ =	sdelay $0x3  }
0x37: {  	[smem:$0x3FB4] =	sst s10  }
0x38: {  	s10 =	sld [smem:$0x3FB5]  }
0x39: {  	_ = 	snop;
	(pc) =	sbr.ind lr, $3  }
0x3a: {  	_ = 	snop  }
0x3b: {  	_ = 	snop  }
0x3c: {  	p2 =	seq.s32 s10, $0x1;
	s10 =	sld [smem:$0x3FB4]  }
0x3d: {  	_ =	shalt  }
0x3e: {  	_ =	shalt  }
0x3f: {  	_ =	shalt  }
0x40: {  	_ =	shalt  }
0x41: {  	_ =	shalt  }
0x42: {  	_ =	shalt  }
0x43: {  	_ =	shalt  }
0x44: {  	_ =	shalt  }
0x45: {  	_ =	shalt  }
0x46: {  	_ =	shalt  }
0x47: {  	_ =	shalt  }
0x48: {  	_ =	shalt  }
0x49: {  	_ =	shalt  }
0x4a: {  	_ =	shalt  }
0x4b: {  	_ =	shalt  }
0x4c: {  	_ =	shalt  }
0x4d: {  	_ =	shalt  }
0x4e: {  	_ =	shalt  }
0x4f: {  	_ =	shalt  }
0x50: {  	_ =	shalt  }
0x51: {  	_ =	shalt  }
0x52: {  	_ =	shalt  }
0x53: {  	_ =	shalt  }
0x54: {  	_ =	shalt  }
0x55: {  	_ =	shalt  }
0x56: {  	_ =	shalt  }
0x57: {  	_ =	shalt  }
0x58: {  	_ =	shalt  }
0x59: {  	_ =	shalt  }
0x5a: {  	_ =	shalt  }
0x5b: {  	_ =	shalt  }
0x5c: {  	_ =	shalt  }
0x5d: {  	_ =	shalt  }
0x5e: {  	_ =	shalt  }
0x5f: {  	_ =	shalt  }
0x60: {  	_ =	shalt  }
0x61: {  	_ =	shalt  }
0x62: {  	_ =	shalt  }
0x63: {  	_ =	shalt  }
0x64: {  	_ =	shalt  }
0x65: {  	_ =	shalt  }
0x66: {  	_ =	shalt  }
0x67: {  	_ =	shalt  }
0x68: {  	_ =	shalt  }
0x69: {  	_ =	shalt  }
0x6a: {  	_ =	shalt  }
0x6b: {  	_ =	shalt  }
0x6c: {  	_ =	shalt  }
0x6d: {  	_ =	shalt  }
0x6e: {  	_ =	shalt  }
0x6f: {  	_ =	shalt  }
0x70: {  	_ =	shalt  }
0x71: {  	_ =	shalt  }
0x72: {  	_ =	shalt  }
0x73: {  	_ =	shalt  }
0x74: {  	_ =	shalt  }
0x75: {  	_ =	shalt  }
0x76: {  	_ =	shalt  }
0x77: {  	_ =	shalt  }
0x78: {  	_ =	shalt  }
0x79: {  	_ =	shalt  }
0x7a: {  	_ =	shalt  }
0x7b: {  	_ =	shalt  }
0x7c: {  	_ =	shalt  }
0x7d: {  	_ =	shalt  }
0x7e: {  	_ =	shalt  }
0x7f: {  	_ =	shalt  }
0x80: {  	_ =	shalt  }
0x81: {  	_ =	shalt  }
0x82: {  	_ =	shalt  }
0x83: {  	_ =	shalt  }
0x84: {  	_ =	shalt  }
0x85: {  	_ =	shalt  }
0x86: {  	_ =	shalt  }
0x87: {  	_ =	shalt  }
.Lfunc_end0:
.L_simem_size_0:
called_computation.2_lowered:
.L_overlay_start_0:
0x88: {  	s2 =	sld [smem:$0x3FD9]  }
0x89: {  	s3 =	sld [smem:$0x3FFE];
	_ =	sdelay $0x1  }
0x8a: {  	s1 =	srdreg.scid  }
0x8b: {  	s0 =	sand.u32 $0x1, s1  }
0x8c: {  	s17 =	sshll.u32 s0, $0xA;
	s2 =	sadd.s32 s3, s2  }
0x8d: {  	s2 =	sadd.s32 s2, s17  }
0x8e: {  	[smem:$0x3FC0] =	sst s2  }
0x8f: {  	_ = 	snop  }
0x90: {  	s2 =	sld [smem:$0x3FD0];
	(tm) =	ssettm $0x1  }
0x91: {  	s18 =	sld [smem:$0x3FFB];
	_ =	sdelay $0x3  }
0x92: {  	_ =	strace s18  }
0x93: {  	s3 =	sld [smem:$0x3FFC];
	_ =	sdelay $0x3  }
0x94: {  	_ =	strace s3  }
0x95: {  	s3 =	sld [smem:$0x3FFD];
	_ =	sdelay $0x3  }
0x96: {  	_ =	strace s3  }
0x97: {  	_ =	strace $0x8FFFFFFF  }
0x98: {  	s19 =	sld [smem:$0x3FDB];
	_ =	sdelay $0x1  }
0x99: {  	s4 =	simm.s32 $_scs_section_size  }
0x9a: {  	s5 =	simm.s32 $_size__tile_overlayer_lowered;
	s6 =	simm.s32 $_tile_overlayer_lowered  }
0x9b: {  	s22 =	simm.s32 $0x1BFF;
	s21 =	sshll.u32 s6, $0x1;
	s3 =	sadd.s32 s4, s19  }
0x9c: {  	s7 =	simm.s32 $0x0;
	s20 =	sshll.u32 s5, $0x1;
	s5 =	sadd.s32 s21, s3  }
0x9d: {  	[timem:s7], [sflag:s22] =	dma.local [hbm:s5], s20  }
0x9e: {  	_ =	swait.ge [sflag:s22], s20  }
0x9f: {  	s4 =	ssub.s32 $0x0, s20;
	[sflag:s22] =	ssyncset.done $0x0  }
0xa0: {  	[sflag:s22] =	ssyncadd.s32 s4;
	_ =	sdelay $0x1  }
0xa1: {  	s23 =	simm.s32 $0x1B8B  }
0xa2: {  	_ =	swait.ge [sflag:s23], $0x1  }
0xa3: {  	[sflag:s23] =	ssyncset.done $0x0  }
0xa4: {  	s25 =	simm.s32 $0x1B8E;
	s24 =	sld [smem:$0x3FFE];
	[sflag:s23] =	ssyncadd.s32 $0xFFFFFFFF  }
0xa5: {  	s26 =	simm.s32 $execute0_lowered;
	[smem:$0x3FD2] =	sst s25  }
0xa6: {  	s5 =	sshll.u32 s26, $0x1;
	_ =	strace $0x8000004C;
	[dreg:$0x1] =	wrdreg $0xFFFFFFFF  }
0xa7: {  	s28 =	simm.s32 $_size_execute0_lowered;
	s3 =	sadd.s32 s3, s5;
	[dreg:$0x0] =	wrdreg $0x0  }
0xa8: {  	s5 =	sshll.u32 s28, $0x1;
	[dreg:$0x2] =	wrdreg s3  }
0xa9: {  	[dreg:$0x3] =	wrdreg s5  }
0xaa: {  	[dreg:$0x4] =	wrdreg $0xC0  }
0xab: {  	_ =	task [dreg:s7], $0x5FFFF  }
0xac: {  	[dreg:$0x1] =	wrdreg $0xFFFFFFFF  }
0xad: {  	[dreg:$0x0] =	wrdreg $0x60  }
0xae: {  	[dreg:$0x2] =	wrdreg s2  }
0xaf: {  	[dreg:$0x3] =	wrdreg s24  }
0xb0: {  	[dreg:$0x4] =	wrdreg $0xA8000  }
0xb1: {  	[dreg:$0x5] =	wrdreg $0x9  }
0xb2: {  	_ =	task.clear_ibuf [dreg:s7], $0x6FFFF;
	_ =	strace $0x9000004C  }
0xb3: {  	s29 =	simm.s32 $0x9;
	_ =	strace $0x8000004E  }
0xb4: {  	_ =	swait.ge [sflag:s29], $0x1  }
0xb5: {  	[sflag:s29] =	ssyncadd.s32 $0xFFFFFFFF  }
0xb6: {  	_ =	strace $0x9000004E  }
0xb7: {  	_ =	sfence  }
0xb8: {  	s30 =	sld [smem:$0x0];
	_ =	sdelay $0x2  }
0xb9: {  	s31 =	sshll.u32 s1, $0xD;
	s1 =	sshrl.u32 s1, $0x2  }
0xba: {  	s3 =	sand.u32 $0x4000, s31;
	s1 =	sadd.s32 s1, s30  }
0xbb: {  	s0 =	sor.u32 s3, s0;
	s1 =	sshll.u32 s1, $0x11  }
0xbc: {  	s0 =	sor.u32 s1, s0  }
0xbd: {  	s0 =	sadd.s32 $0x8F2B, s0  }
0xbe: {  	[sflag:s0] =	ssyncadd.remote.s32 $0x1  }
0xbf: {  	_ =	sfence.sel $0xFFFF  }
0xc0: {  	[dreg:$0x0] =	wrdreg $0xFFFFFFFF;
	(pc) =	sbr.abs _section_cstart, $3  }
0xc1: {  	[dreg:$0x1] =	wrdreg $0xFFFFFFFF  }
0xc2: {  	_ =	task.clear_ibuf [dreg:s7], $0x2FFFF;
	_ =	strace $0x9FFFFFFF  }
0xc3: {  	(tm) =	ssettm $0x7FFFFFFF  }
tec
execute0_lowered:
.L_overlay_start_1:
0x0: {  	(tag) =	ssettag $0x1  }
0x1: {  	s1 =	rddreg [dreg:$0x0]  }
0x2: {  	s0 =	rddreg [dreg:$0x1]  }
0x3: {  	s3 =	rddreg [dreg:$0x2];
	s2 =	srdreg.scid  }
0x4: {  	s11 =	stileid.u32;
	s5 =	simm.s32 $0x0;
	s21 =	simm.s32 $0x2800  }
0x5: {  	s28 =	simm.s32 $0x2;
	s29 =	simm.s32 $0x1380;
	s4 =	smul.u32 $0x280, s11  }
0x6: {  	s30 =	simm.s32 $0x2700;
	s31 =	simm.s32 $0x2780;
	s22 =	smul.u32 $0x50000, s11  }
0x7: {  	s2 =	sand.u32 $0x1, s2;
	[smem:$0x7FF] =	sst s5;
	s10 =	smul.u32 $0x2800, s11  }
0x8: {  	s5 =	sadd.s32 $0xCE00, s0;
	s13 =	sadd.s32 $0x2E00, s0;
	s12 =	smul.u32 $0x500, s11  }
0x9: {  	s14 =	sadd.s32 $0x7E00, s0;
	s6 =	smul.u32 $0x2800, s2;
	s23 =	ssub.s32 $0x2, s2  }
0xa: {  	_ =	strace $0x8000004D;
	p0 =	seq.s32 s2, $0x1;
	s7 =	sshrl.u32 s23, $0x1  }
0xb: {  	s24 =	sshrl.u32 s10, $0x3;
	s26 =	sadd.s32 s13, s12;
	s12 =	sadd.s32 s14, s12  }
0xc: {  	s4 =	sadd.s32 s4, s6;
	s6 =	sshrl.u32 s22, $0x2;
	s25 =	sadd.s32 $0x280, s24  }
0xd: {  	[dreg:$0x4] =	wrdreg s26;
	s22 =	simm.s32 $0x3;
	s24 =	simm.s32 $0x80  }
0xe: {  	s26 =	simm.s32 $0x6800;
	s4 =	sshll.u32 s4, $0x4;
	s6 =	sadd.s32 s6, s3  }
0xf: {  	s13 =	sadd.s32 s13, s25;
	s14 =	sadd.s32 s14, s25;
	s25 =	simm.s32 $0x1  }
.Ltmp0:
0x10: {  	s0 =	sadd.s32 s4, s0;
	s4 =	ssub.s32 s23, s7;
	(pc) =	sbr.rel .LBB2_1-.Ltmp0, $4  }
0x11: {  	s7 =	sadd.s32 $0x4000, s6;
	s8 =	sadd.s32 $0x8000, s6;
	s9 =	sadd.s32 $0xC000, s6  }
0x12: {  	s10 =	sadd.s32 $0x10000, s6;
	s23 =	simm.s32 $0x1400;
	s15 =	sadd.s32 $0x34E00, s0  }
0x13: {  	s16 =	sadd.s32 $0x35600, s0;
	s17 =	sadd.s32 $0x35E00, s0;
	s18 =	sadd.s32 $0x36600, s0  }
0x14: {  	v0 =	vimm.f32 $0.0e+00;
	s19 =	sadd.s32 $0x36E00, s0;
	s20 =	smax.u32 s4, $0x1;
	s0 =	simm.s32 $0x0  }
.LBB2_8:
0x15: {  	[sflag:s22] =	ssyncadd.s32 $0xFFFFC000  }
0x16: {  	_ =	swait.ge [sflag:s25], $0x4000  }
0x17: {  	[sflag:s25] =	ssyncset.done $0x0  }
0x18: {  	[sflag:s25] =	ssyncadd.s32 $0xFFFFC000  }
0x19: {  	[tilespmem:s26], [sflag:$0x2] =	stream.indirect.gather [hbm4b:s1+s24], $0x80, s29, s24, $0xb8;
	[tilespmem:$0x1E800] =	vst v63  }
0x1a: {  	_ = 	snop  }
0x1b: {  	[spmem:s3] =	stream.indirect.scatter.add.f32 [tilespmem:s21], [sflag:$0x3], $0x80, s30, s24, $0xb8;
	[tilespmem:$0x1E800] =	vst v63  }
0x1c: {  	_ =	swait.ge [sflag:s22], $0x4000  }
0x1d: {  	[sflag:s22] =	ssyncset.done $0x0  }
0x1e: {  	[sflag:s22] =	ssyncadd.s32 $0xFFFFC000  }
0x1f: {  	_ =	swait.ge [sflag:s28], $0x4000  }
0x20: {  	[sflag:s28] =	ssyncset.done $0x0  }
0x21: {  	[sflag:s28] =	ssyncadd.s32 $0xFFFFC000  }
0x22: {  	[tilespmem:s21], [sflag:$0x1] =	stream.indirect.gather [hbm4b:s1+s24], $0x80, s29, s24, $0xb8;
	[tilespmem:$0x1E800] =	vst v63  }
.LBB2_14:
0x23: {  	[spmem:s3] =	stream.indirect.scatter.add.f32 [tilespmem:s26], [sflag:$0x3], $0x80, s31, s24, $0xb8;
	[tilespmem:$0x1E800] =	vst v63  }
0x24: {  	_ =	swait.ge [sflag:s22], $0x4000  }
0x25: {  	[sflag:s22] =	ssyncset.done $0x0  }
0x26: {  	[sflag:s22] =	ssyncadd.s32 $0xFFFFC000  }
0x27: {  	_ =	swait.ge [sflag:s25], $0x4000  }
0x28: {  	s2 =	stileid.u32;
	[sflag:s25] =	ssyncset.done $0x0  }
0x29: {  	s2 =	sshll.u32 s2, $0x6;
	[sflag:s25] =	ssyncadd.s32 $0xFFFFC000  }
0x2a: {  	s4 =	sshrl.u32 s6, $0x3;
	s2 =	sor.u32 $0x1C03, s2;
	[bflag:$0x0] =	sbarrier.arrive $0xFFFF  }
0x2b: {  	[hbm:s15], [sflag:s2] =	dma.local [spmem:s4], $0x800  }
0x2c: {  	_ =	swait.ge [sflag:s22], $0x800  }
0x2d: {  	[sflag:s22] =	ssyncset.done $0x0  }
0x2e: {  	s11 =	sshrl.u32 s7, $0x3;
	[sflag:s22] =	ssyncadd.s32 $0xFFFFF800  }
0x2f: {  	[hbm:s16], [sflag:s2] =	dma.local [spmem:s11], $0x800  }
0x30: {  	_ =	swait.ge [sflag:s22], $0x800  }
0x31: {  	[sflag:s22] =	ssyncset.done $0x0  }
0x32: {  	s11 =	sshrl.u32 s8, $0x3;
	[sflag:s22] =	ssyncadd.s32 $0xFFFFF800  }
0x33: {  	[hbm:s17], [sflag:s2] =	dma.local [spmem:s11], $0x800  }
0x34: {  	_ =	swait.ge [sflag:s22], $0x800  }
0x35: {  	[sflag:s22] =	ssyncset.done $0x0  }
0x36: {  	s11 =	sshrl.u32 s9, $0x3;
	[sflag:s22] =	ssyncadd.s32 $0xFFFFF800  }
0x37: {  	[hbm:s18], [sflag:s2] =	dma.local [spmem:s11], $0x800  }
0x38: {  	s0 =	sadd.s32 $0x1, s0;
	_ =	swait.ge [sflag:s22], $0x800  }
0x39: {  	p1 =	sne.s32 s0, s20;
	[sflag:s22] =	ssyncset.done $0x0  }
.Ltmp1:
0x3a: {  	s11 =	sshrl.u32 s10, $0x3;
	[sflag:s22] =	ssyncadd.s32 $0xFFFFF800;
	(pc) =	sbr.rel @!p1 .LBB2_15-.Ltmp1, $4  }
0x3b: {  	[hbm:s19], [sflag:s2] =	dma.local [spmem:s11], $0x800  }
0x3c: {  	_ =	swait.ge [sflag:s22], $0x800  }
0x3d: {  	[sflag:s22] =	ssyncset.done $0x0  }
0x3e: {  	[sflag:s22] =	ssyncadd.s32 $0xFFFFF800  }
.LBB2_1:
0x3f: {  	s2 =	simm.s32 $0x0;
	s4 =	simm.s32 $0x200  }
.LBB2_2:
0x40: {  	p1 =	sne.s32 s4, $0xFE00;
	[tilespmem:s2+$0x2870] =	vst v0  }
0x41: {  	[tilespmem:s2+$0x2800] =	vst v0  }
0x42: {  	[tilespmem:s2+$0x2810] =	vst v0  }
.Ltmp2:
0x43: {  	[tilespmem:s2+$0x2820] =	vst v0;
	(pc) =	sbr.rel @p1 .LBB2_2-.Ltmp2, $4  }
0x44: {  	[tilespmem:s2+$0x2830] =	vst v0  }
0x45: {  	[tilespmem:s2+$0x2840] =	vst v0  }
0x46: {  	[tilespmem:s2+$0x2850] =	vst v0  }
0x47: {  	[tilespmem:s2+$0x2860] =	vst v0;
	s2 =	sshra.s32 s4, $0x2;
	s4 =	sadd.s32 $0x200, s4  }
0x48: {  	[tilespmem:s2+$0x2870] =	vst v0  }
0x49: {  	[tilespmem:s2+$0x2800] =	vst v0  }
0x4a: {  	[tilespmem:s2+$0x2810] =	vst v0  }
0x4b: {  	[tilespmem:s2+$0x2820] =	vst v0  }
0x4c: {  	[tilespmem:s2+$0x2830] =	vst v0  }
0x4d: {  	[tilespmem:s2+$0x2840] =	vst v0  }
0x4e: {  	[tilespmem:s2+$0x2850] =	vst v0  }
0x4f: {  	[tilespmem:s2+$0x2860] =	vst v0  }
0x50: {  	[spmem:s6] =	stream.linear.scatter [tilespmem:s21], [sflag:$0x3], $0x4000, $0x38;
	[tilespmem:$0x1E800] =	vst v63  }
0x51: {  	_ =	swait.ge [sflag:s22], $0x4000  }
0x52: {  	[sflag:s22] =	ssyncset.done $0x0  }
0x53: {  	[sflag:s22] =	ssyncadd.s32 $0xFFFFC000  }
0x54: {  	[spmem:s7] =	stream.linear.scatter [tilespmem:s21], [sflag:$0x3], $0x4000, $0x38;
	[tilespmem:$0x1E800] =	vst v63  }
0x55: {  	_ =	swait.ge [sflag:s22], $0x4000  }
0x56: {  	[sflag:s22] =	ssyncset.done $0x0  }
0x57: {  	[sflag:s22] =	ssyncadd.s32 $0xFFFFC000  }
0x58: {  	[spmem:s8] =	stream.linear.scatter [tilespmem:s21], [sflag:$0x3], $0x4000, $0x38;
	[tilespmem:$0x1E800] =	vst v63  }
0x59: {  	_ =	swait.ge [sflag:s22], $0x4000  }
0x5a: {  	[sflag:s22] =	ssyncset.done $0x0  }
0x5b: {  	[sflag:s22] =	ssyncadd.s32 $0xFFFFC000  }
0x5c: {  	[spmem:s9] =	stream.linear.scatter [tilespmem:s21], [sflag:$0x3], $0x4000, $0x38;
	[tilespmem:$0x1E800] =	vst v63  }
0x5d: {  	_ =	swait.ge [sflag:s22], $0x4000  }
0x5e: {  	[sflag:s22] =	ssyncset.done $0x0  }
0x5f: {  	[sflag:s22] =	ssyncadd.s32 $0xFFFFC000  }
0x60: {  	[spmem:s10] =	stream.linear.scatter [tilespmem:s21], [sflag:$0x3], $0x4000, $0x38;
	[tilespmem:$0x1E800] =	vst v63  }
0x61: {  	_ =	swait.ge [sflag:s22], $0x4000  }
0x62: {  	[sflag:s22] =	ssyncset.done $0x0  }
0x63: {  	[sflag:s22] =	ssyncadd.s32 $0xFFFFC000  }
0x64: {  	[bflag:$0x0] =	sbarrier.arrive $0xFFFF  }
0x65: {  	s11 =	simm.s32 $0x0;
	s4 =	rddreg [dreg:$0x4]  }
0x66: {  	[tilespmem:s11], [sflag:$0x3] =	stream.linear.gather [hbm4b:s4+s11], $0x1400, $0x38;
	[tilespmem:$0x1E800] =	vst v63  }
0x67: {  	_ =	swait.ge [sflag:s22], $0x1400  }
0x68: {  	[sflag:s22] =	ssyncset.done $0x0  }
.Ltmp3:
0x69: {  	[sflag:s22] =	ssyncadd.s32 $0xFFFFEC00;
	(pc) =	sbr.rel @!p0 .LBB2_4-.Ltmp3, $4  }
0x6a: {  	[tilespmem:s23], [sflag:$0x3] =	stream.linear.gather [hbm4b:s12+s11], $0x1400, $0x38;
	[tilespmem:$0x1E800] =	vst v63  }
0x6b: {  	_ =	swait.ge [sflag:s22], $0x1400  }
0x6c: {  	[sflag:s22] =	ssyncset.done $0x0  }
0x6d: {  	s2 =	simm.s32 $0x0;
	[sflag:s22] =	ssyncadd.s32 $0xFFFFEC00  }
0x6e: {  	[tilespmem:s21], [sflag:$0x1] =	stream.indirect.gather [hbm4b:s5+s24], $0x80, s2, s24, $0xb8;
	[tilespmem:$0x1E800] =	vst v63  }
0x6f: {  	_ =	swait.ge [sflag:s25], $0x4000  }
0x70: {  	[sflag:s25] =	ssyncset.done $0x0  }
0x71: {  	s4 =	simm.s32 $0x80;
	[sflag:s25] =	ssyncadd.s32 $0xFFFFC000  }
0x72: {  	[tilespmem:s26], [sflag:$0x2] =	stream.indirect.gather [hbm4b:s5+s24], $0x80, s4, s24, $0xb8;
	[tilespmem:$0x1E800] =	vst v63  }
0x73: {  	s11 =	simm.s32 $0x1400  }
0x74: {  	[spmem:s3] =	stream.indirect.scatter.add.f32 [tilespmem:s21], [sflag:$0x3], $0x80, s11, s24, $0xb8;
	[tilespmem:$0x1E800] =	vst v63  }
0x75: {  	_ =	swait.ge [sflag:s22], $0x4000  }
0x76: {  	[sflag:s22] =	ssyncset.done $0x0  }
0x77: {  	[sflag:s22] =	ssyncadd.s32 $0xFFFFC000  }
0x78: {  	_ =	swait.ge [sflag:s28], $0x4000  }
0x79: {  	[sflag:s28] =	ssyncset.done $0x0  }
0x7a: {  	s4 =	simm.s32 $0x100;
	[sflag:s28] =	ssyncadd.s32 $0xFFFFC000  }
0x7b: {  	[tilespmem:s21], [sflag:$0x1] =	stream.indirect.gather [hbm4b:s5+s24], $0x80, s4, s24, $0xb8;
	[tilespmem:$0x1E800] =	vst v63  }
0x7c: {  	s11 =	simm.s32 $0x1480  }
0x7d: {  	[spmem:s3] =	stream.indirect.scatter.add.f32 [tilespmem:s26], [sflag:$0x3], $0x80, s11, s24, $0xb8;
	[tilespmem:$0x1E800] =	vst v63  }
0x7e: {  	_ =	swait.ge [sflag:s22], $0x4000  }
0x7f: {  	s2 =	simm.s32 $0x400;
	[sflag:s22] =	ssyncset.done $0x0  }
.LBB2_10:
0x80: {  	p1 =	sne.s32 s2, $0x4800  }
0x81: {  	[sflag:s22] =	ssyncadd.s32 $0xFFFFC000;
	s4 =	smov.u32 s2;
	s2 =	sadd.s32 $0x400, s2  }
0x82: {  	_ = 	snop  }
0x83: {  	_ =	swait.ge [sflag:s25], $0x4000  }
0x84: {  	s4 =	sshra.s32 s4, $0x2;
	[sflag:s25] =	ssyncset.done $0x0  }
0x85: {  	s11 =	sadd.s32 $0x80, s4;
	[sflag:s25] =	ssyncadd.s32 $0xFFFFC000  }
0x86: {  	[tilespmem:s26], [sflag:$0x2] =	stream.indirect.gather [hbm4b:s5+s24], $0x80, s11, s24, $0xb8;
	[tilespmem:$0x1E800] =	vst v63  }
0x87: {  	s11 =	sadd.s32 $0x1400, s4  }
0x88: {  	[spmem:s3] =	stream.indirect.scatter.add.f32 [tilespmem:s21], [sflag:$0x3], $0x80, s11, s24, $0xb8;
	[tilespmem:$0x1E800] =	vst v63  }
0x89: {  	_ =	swait.ge [sflag:s22], $0x4000  }
0x8a: {  	[sflag:s22] =	ssyncset.done $0x0  }
0x8b: {  	[sflag:s22] =	ssyncadd.s32 $0xFFFFC000  }
0x8c: {  	_ =	swait.ge [sflag:s28], $0x4000  }
0x8d: {  	[sflag:s28] =	ssyncset.done $0x0  }
0x8e: {  	s11 =	sadd.s32 $0x100, s4;
	[sflag:s28] =	ssyncadd.s32 $0xFFFFC000  }
0x8f: {  	[tilespmem:s21], [sflag:$0x1] =	stream.indirect.gather [hbm4b:s5+s24], $0x80, s11, s24, $0xb8;
	[tilespmem:$0x1E800] =	vst v63  }
.Ltmp4:
0x90: {  	_ = 	snop;
	(pc) =	sbr.rel @p1 .LBB2_10-.Ltmp4, $4  }
0x91: {  	s4 =	sadd.s32 $0x1480, s4  }
0x92: {  	[spmem:s3] =	stream.indirect.scatter.add.f32 [tilespmem:s26], [sflag:$0x3], $0x80, s4, s24, $0xb8;
	[tilespmem:$0x1E800] =	vst v63  }
0x93: {  	_ =	swait.ge [sflag:s22], $0x4000  }
0x94: {  	[sflag:s22] =	ssyncset.done $0x0  }
0x95: {  	[sflag:s22] =	ssyncadd.s32 $0xFFFFC000  }
0x96: {  	_ =	swait.ge [sflag:s25], $0x4000  }
0x97: {  	[sflag:s25] =	ssyncset.done $0x0  }
0x98: {  	[sflag:s25] =	ssyncadd.s32 $0xFFFFC000  }
0x99: {  	[tilespmem:s26], [sflag:$0x2] =	stream.indirect.gather [hbm4b:s5+s24], $0x80, s29, s24, $0xb8;
	[tilespmem:$0x1E800] =	vst v63  }
0x9a: {  	_ = 	snop  }
0x9b: {  	[spmem:s3] =	stream.indirect.scatter.add.f32 [tilespmem:s21], [sflag:$0x3], $0x80, s30, s24, $0xb8;
	[tilespmem:$0x1E800] =	vst v63  }
0x9c: {  	_ =	swait.ge [sflag:s22], $0x4000  }
0x9d: {  	[sflag:s22] =	ssyncset.done $0x0  }
0x9e: {  	[sflag:s22] =	ssyncadd.s32 $0xFFFFC000  }
0x9f: {  	_ =	swait.ge [sflag:s28], $0x4000  }
0xa0: {  	[sflag:s28] =	ssyncset.done $0x0  }
0xa1: {  	[sflag:s28] =	ssyncadd.s32 $0xFFFFC000  }
0xa2: {  	[tilespmem:s21], [sflag:$0x1] =	stream.indirect.gather [hbm4b:s5+s24], $0x80, s29, s24, $0xb8;
	[tilespmem:$0x1E800] =	vst v63  }
0xa3: {  	_ = 	snop  }
0xa4: {  	[spmem:s3] =	stream.indirect.scatter.add.f32 [tilespmem:s26], [sflag:$0x3], $0x80, s31, s24, $0xb8;
	[tilespmem:$0x1E800] =	vst v63  }
0xa5: {  	_ =	swait.ge [sflag:s22], $0x4000  }
0xa6: {  	[sflag:s22] =	ssyncset.done $0x0  }
0xa7: {  	[sflag:s22] =	ssyncadd.s32 $0xFFFFC000  }
0xa8: {  	_ =	swait.ge [sflag:s25], $0x4000  }
0xa9: {  	[sflag:s25] =	ssyncset.done $0x0  }
0xaa: {  	s2 =	simm.s32 $0x0;
	[sflag:s25] =	ssyncadd.s32 $0xFFFFC000  }
0xab: {  	[tilespmem:s2], [sflag:$0x3] =	stream.linear.gather [hbm4b:s13+s2], $0x1400, $0x38;
	[tilespmem:$0x1E800] =	vst v63  }
0xac: {  	_ =	swait.ge [sflag:s22], $0x1400  }
0xad: {  	[sflag:s22] =	ssyncset.done $0x0  }
0xae: {  	[sflag:s22] =	ssyncadd.s32 $0xFFFFEC00  }
0xaf: {  	[tilespmem:s23], [sflag:$0x3] =	stream.linear.gather [hbm4b:s14+s2], $0x1400, $0x38;
	[tilespmem:$0x1E800] =	vst v63  }
0xb0: {  	_ =	swait.ge [sflag:s22], $0x1400  }
0xb1: {  	[sflag:s22] =	ssyncset.done $0x0  }
0xb2: {  	[sflag:s22] =	ssyncadd.s32 $0xFFFFEC00  }
0xb3: {  	[tilespmem:s21], [sflag:$0x1] =	stream.indirect.gather [hbm4b:s5+s24], $0x80, s2, s24, $0xb8;
	[tilespmem:$0x1E800] =	vst v63  }
0xb4: {  	_ =	swait.ge [sflag:s25], $0x4000  }
0xb5: {  	[sflag:s25] =	ssyncset.done $0x0  }
0xb6: {  	s4 =	simm.s32 $0x80;
	[sflag:s25] =	ssyncadd.s32 $0xFFFFC000  }
0xb7: {  	[tilespmem:s26], [sflag:$0x2] =	stream.indirect.gather [hbm4b:s5+s24], $0x80, s4, s24, $0xb8;
	[tilespmem:$0x1E800] =	vst v63  }
0xb8: {  	s11 =	simm.s32 $0x1400  }
0xb9: {  	[spmem:s3] =	stream.indirect.scatter.add.f32 [tilespmem:s21], [sflag:$0x3], $0x80, s11, s24, $0xb8;
	[tilespmem:$0x1E800] =	vst v63  }
0xba: {  	_ =	swait.ge [sflag:s22], $0x4000  }
0xbb: {  	[sflag:s22] =	ssyncset.done $0x0  }
0xbc: {  	[sflag:s22] =	ssyncadd.s32 $0xFFFFC000  }
0xbd: {  	_ =	swait.ge [sflag:s28], $0x4000  }
0xbe: {  	[sflag:s28] =	ssyncset.done $0x0  }
0xbf: {  	s4 =	simm.s32 $0x100;
	[sflag:s28] =	ssyncadd.s32 $0xFFFFC000  }
0xc0: {  	[tilespmem:s21], [sflag:$0x1] =	stream.indirect.gather [hbm4b:s5+s24], $0x80, s4, s24, $0xb8;
	[tilespmem:$0x1E800] =	vst v63  }
0xc1: {  	s11 =	simm.s32 $0x1480  }
0xc2: {  	[spmem:s3] =	stream.indirect.scatter.add.f32 [tilespmem:s26], [sflag:$0x3], $0x80, s11, s24, $0xb8;
	[tilespmem:$0x1E800] =	vst v63  }
0xc3: {  	_ =	swait.ge [sflag:s22], $0x4000  }
0xc4: {  	s2 =	simm.s32 $0x400;
	[sflag:s22] =	ssyncset.done $0x0  }
.LBB2_12:
0xc5: {  	p1 =	sne.s32 s2, $0x4800  }
0xc6: {  	[sflag:s22] =	ssyncadd.s32 $0xFFFFC000;
	s4 =	smov.u32 s2;
	s2 =	sadd.s32 $0x400, s2  }
0xc7: {  	_ = 	snop  }
0xc8: {  	_ =	swait.ge [sflag:s25], $0x4000  }
0xc9: {  	s4 =	sshra.s32 s4, $0x2;
	[sflag:s25] =	ssyncset.done $0x0  }
0xca: {  	s11 =	sadd.s32 $0x80, s4;
	[sflag:s25] =	ssyncadd.s32 $0xFFFFC000  }
0xcb: {  	[tilespmem:s26], [sflag:$0x2] =	stream.indirect.gather [hbm4b:s5+s24], $0x80, s11, s24, $0xb8;
	[tilespmem:$0x1E800] =	vst v63  }
0xcc: {  	s11 =	sadd.s32 $0x1400, s4  }
0xcd: {  	[spmem:s3] =	stream.indirect.scatter.add.f32 [tilespmem:s21], [sflag:$0x3], $0x80, s11, s24, $0xb8;
	[tilespmem:$0x1E800] =	vst v63  }
0xce: {  	_ =	swait.ge [sflag:s22], $0x4000  }
0xcf: {  	[sflag:s22] =	ssyncset.done $0x0  }
0xd0: {  	[sflag:s22] =	ssyncadd.s32 $0xFFFFC000  }
0xd1: {  	_ =	swait.ge [sflag:s28], $0x4000  }
0xd2: {  	[sflag:s28] =	ssyncset.done $0x0  }
0xd3: {  	s11 =	sadd.s32 $0x100, s4;
	[sflag:s28] =	ssyncadd.s32 $0xFFFFC000  }
0xd4: {  	[tilespmem:s21], [sflag:$0x1] =	stream.indirect.gather [hbm4b:s5+s24], $0x80, s11, s24, $0xb8;
	[tilespmem:$0x1E800] =	vst v63  }
.Ltmp5:
0xd5: {  	_ = 	snop;
	(pc) =	sbr.rel @p1 .LBB2_12-.Ltmp5, $4  }
0xd6: {  	s4 =	sadd.s32 $0x1480, s4  }
0xd7: {  	[spmem:s3] =	stream.indirect.scatter.add.f32 [tilespmem:s26], [sflag:$0x3], $0x80, s4, s24, $0xb8;
	[tilespmem:$0x1E800] =	vst v63  }
0xd8: {  	_ =	swait.ge [sflag:s22], $0x4000  }
0xd9: {  	[sflag:s22] =	ssyncset.done $0x0  }
0xda: {  	[sflag:s22] =	ssyncadd.s32 $0xFFFFC000  }
0xdb: {  	_ =	swait.ge [sflag:s25], $0x4000  }
0xdc: {  	[sflag:s25] =	ssyncset.done $0x0  }
0xdd: {  	[sflag:s25] =	ssyncadd.s32 $0xFFFFC000  }
0xde: {  	[tilespmem:s26], [sflag:$0x2] =	stream.indirect.gather [hbm4b:s5+s24], $0x80, s29, s24, $0xb8;
	[tilespmem:$0x1E800] =	vst v63  }
0xdf: {  	_ = 	snop  }
0xe0: {  	[spmem:s3] =	stream.indirect.scatter.add.f32 [tilespmem:s21], [sflag:$0x3], $0x80, s30, s24, $0xb8;
	[tilespmem:$0x1E800] =	vst v63  }
0xe1: {  	_ =	swait.ge [sflag:s22], $0x4000  }
0xe2: {  	[sflag:s22] =	ssyncset.done $0x0  }
.Ltmp6:
0xe3: {  	[sflag:s22] =	ssyncadd.s32 $0xFFFFC000;
	(pc) =	sbr.rel .LBB2_14-.Ltmp6, $4  }
0xe4: {  	_ =	swait.ge [sflag:s28], $0x4000  }
0xe5: {  	[sflag:s28] =	ssyncset.done $0x0  }
0xe6: {  	[sflag:s28] =	ssyncadd.s32 $0xFFFFC000  }
0xe7: {  	[tilespmem:s21], [sflag:$0x1] =	stream.indirect.gather [hbm4b:s5+s24], $0x80, s29, s24, $0xb8;
	[tilespmem:$0x1E800] =	vst v63  }
.LBB2_4:
0xe8: {  	[tilespmem:s21], [sflag:$0x1] =	stream.indirect.gather [hbm4b:s1+s24], $0x80, s2, s24, $0xb8;
	[tilespmem:$0x1E800] =	vst v63  }
0xe9: {  	_ =	swait.ge [sflag:s25], $0x4000  }
0xea: {  	[sflag:s25] =	ssyncset.done $0x0  }
0xeb: {  	s4 =	simm.s32 $0x80;
	[sflag:s25] =	ssyncadd.s32 $0xFFFFC000  }
0xec: {  	[tilespmem:s26], [sflag:$0x2] =	stream.indirect.gather [hbm4b:s1+s24], $0x80, s4, s24, $0xb8;
	[tilespmem:$0x1E800] =	vst v63  }
0xed: {  	s11 =	simm.s32 $0x1400  }
0xee: {  	[spmem:s3] =	stream.indirect.scatter.add.f32 [tilespmem:s21], [sflag:$0x3], $0x80, s11, s24, $0xb8;
	[tilespmem:$0x1E800] =	vst v63  }
0xef: {  	_ =	swait.ge [sflag:s22], $0x4000  }
0xf0: {  	[sflag:s22] =	ssyncset.done $0x0  }
0xf1: {  	[sflag:s22] =	ssyncadd.s32 $0xFFFFC000  }
0xf2: {  	_ =	swait.ge [sflag:s28], $0x4000  }
0xf3: {  	[sflag:s28] =	ssyncset.done $0x0  }
0xf4: {  	s4 =	simm.s32 $0x100;
	[sflag:s28] =	ssyncadd.s32 $0xFFFFC000  }
0xf5: {  	[tilespmem:s21], [sflag:$0x1] =	stream.indirect.gather [hbm4b:s1+s24], $0x80, s4, s24, $0xb8;
	[tilespmem:$0x1E800] =	vst v63  }
0xf6: {  	s11 =	simm.s32 $0x1480  }
0xf7: {  	[spmem:s3] =	stream.indirect.scatter.add.f32 [tilespmem:s26], [sflag:$0x3], $0x80, s11, s24, $0xb8;
	[tilespmem:$0x1E800] =	vst v63  }
0xf8: {  	_ =	swait.ge [sflag:s22], $0x4000  }
0xf9: {  	s2 =	simm.s32 $0x400;
	[sflag:s22] =	ssyncset.done $0x0  }
.LBB2_5:
0xfa: {  	p1 =	sne.s32 s2, $0x4800  }
0xfb: {  	[sflag:s22] =	ssyncadd.s32 $0xFFFFC000;
	s4 =	smov.u32 s2;
	s2 =	sadd.s32 $0x400, s2  }
0xfc: {  	_ = 	snop  }
0xfd: {  	_ =	swait.ge [sflag:s25], $0x4000  }
0xfe: {  	s4 =	sshra.s32 s4, $0x2;
	[sflag:s25] =	ssyncset.done $0x0  }
0xff: {  	s11 =	sadd.s32 $0x80, s4;
	[sflag:s25] =	ssyncadd.s32 $0xFFFFC000  }
0x100: {  	[tilespmem:s26], [sflag:$0x2] =	stream.indirect.gather [hbm4b:s1+s24], $0x80, s11, s24, $0xb8;
	[tilespmem:$0x1E800] =	vst v63  }
0x101: {  	s11 =	sadd.s32 $0x1400, s4  }
0x102: {  	[spmem:s3] =	stream.indirect.scatter.add.f32 [tilespmem:s21], [sflag:$0x3], $0x80, s11, s24, $0xb8;
	[tilespmem:$0x1E800] =	vst v63  }
0x103: {  	_ =	swait.ge [sflag:s22], $0x4000  }
0x104: {  	[sflag:s22] =	ssyncset.done $0x0  }
0x105: {  	[sflag:s22] =	ssyncadd.s32 $0xFFFFC000  }
0x106: {  	_ =	swait.ge [sflag:s28], $0x4000  }
0x107: {  	[sflag:s28] =	ssyncset.done $0x0  }
0x108: {  	s11 =	sadd.s32 $0x100, s4;
	[sflag:s28] =	ssyncadd.s32 $0xFFFFC000  }
0x109: {  	[tilespmem:s21], [sflag:$0x1] =	stream.indirect.gather [hbm4b:s1+s24], $0x80, s11, s24, $0xb8;
	[tilespmem:$0x1E800] =	vst v63  }
.Ltmp7:
0x10a: {  	_ = 	snop;
	(pc) =	sbr.rel @p1 .LBB2_5-.Ltmp7, $4  }
0x10b: {  	s4 =	sadd.s32 $0x1480, s4  }
0x10c: {  	[spmem:s3] =	stream.indirect.scatter.add.f32 [tilespmem:s26], [sflag:$0x3], $0x80, s4, s24, $0xb8;
	[tilespmem:$0x1E800] =	vst v63  }
0x10d: {  	_ =	swait.ge [sflag:s22], $0x4000  }
0x10e: {  	[sflag:s22] =	ssyncset.done $0x0  }
0x10f: {  	[sflag:s22] =	ssyncadd.s32 $0xFFFFC000  }
0x110: {  	_ =	swait.ge [sflag:s25], $0x4000  }
0x111: {  	[sflag:s25] =	ssyncset.done $0x0  }
0x112: {  	[sflag:s25] =	ssyncadd.s32 $0xFFFFC000  }
0x113: {  	[tilespmem:s26], [sflag:$0x2] =	stream.indirect.gather [hbm4b:s1+s24], $0x80, s29, s24, $0xb8;
	[tilespmem:$0x1E800] =	vst v63  }
0x114: {  	_ = 	snop  }
0x115: {  	[spmem:s3] =	stream.indirect.scatter.add.f32 [tilespmem:s21], [sflag:$0x3], $0x80, s30, s24, $0xb8;
	[tilespmem:$0x1E800] =	vst v63  }
0x116: {  	_ =	swait.ge [sflag:s22], $0x4000  }
0x117: {  	[sflag:s22] =	ssyncset.done $0x0  }
0x118: {  	[sflag:s22] =	ssyncadd.s32 $0xFFFFC000  }
0x119: {  	_ =	swait.ge [sflag:s28], $0x4000  }
0x11a: {  	[sflag:s28] =	ssyncset.done $0x0  }
0x11b: {  	[sflag:s28] =	ssyncadd.s32 $0xFFFFC000  }
0x11c: {  	[tilespmem:s21], [sflag:$0x1] =	stream.indirect.gather [hbm4b:s1+s24], $0x80, s29, s24, $0xb8;
	[tilespmem:$0x1E800] =	vst v63  }
0x11d: {  	_ = 	snop  }
0x11e: {  	[spmem:s3] =	stream.indirect.scatter.add.f32 [tilespmem:s26], [sflag:$0x3], $0x80, s31, s24, $0xb8;
	[tilespmem:$0x1E800] =	vst v63  }
0x11f: {  	_ =	swait.ge [sflag:s22], $0x4000  }
0x120: {  	[sflag:s22] =	ssyncset.done $0x0  }
0x121: {  	[sflag:s22] =	ssyncadd.s32 $0xFFFFC000  }
0x122: {  	_ =	swait.ge [sflag:s25], $0x4000  }
0x123: {  	[sflag:s25] =	ssyncset.done $0x0  }
0x124: {  	s2 =	simm.s32 $0x0;
	[sflag:s25] =	ssyncadd.s32 $0xFFFFC000  }
0x125: {  	[tilespmem:s2], [sflag:$0x3] =	stream.linear.gather [hbm4b:s13+s2], $0x1400, $0x38;
	[tilespmem:$0x1E800] =	vst v63  }
0x126: {  	_ =	swait.ge [sflag:s22], $0x1400  }
0x127: {  	[sflag:s22] =	ssyncset.done $0x0  }
0x128: {  	[sflag:s22] =	ssyncadd.s32 $0xFFFFEC00  }
0x129: {  	[tilespmem:s23], [sflag:$0x3] =	stream.linear.gather [hbm4b:s14+s2], $0x1400, $0x38;
	[tilespmem:$0x1E800] =	vst v63  }
0x12a: {  	_ =	swait.ge [sflag:s22], $0x1400  }
0x12b: {  	[sflag:s22] =	ssyncset.done $0x0  }
0x12c: {  	[sflag:s22] =	ssyncadd.s32 $0xFFFFEC00  }
0x12d: {  	[tilespmem:s21], [sflag:$0x1] =	stream.indirect.gather [hbm4b:s1+s24], $0x80, s2, s24, $0xb8;
	[tilespmem:$0x1E800] =	vst v63  }
0x12e: {  	_ =	swait.ge [sflag:s25], $0x4000  }
0x12f: {  	[sflag:s25] =	ssyncset.done $0x0  }
0x130: {  	s4 =	simm.s32 $0x80;
	[sflag:s25] =	ssyncadd.s32 $0xFFFFC000  }
0x131: {  	[tilespmem:s26], [sflag:$0x2] =	stream.indirect.gather [hbm4b:s1+s24], $0x80, s4, s24, $0xb8;
	[tilespmem:$0x1E800] =	vst v63  }
0x132: {  	s11 =	simm.s32 $0x1400  }
0x133: {  	[spmem:s3] =	stream.indirect.scatter.add.f32 [tilespmem:s21], [sflag:$0x3], $0x80, s11, s24, $0xb8;
	[tilespmem:$0x1E800] =	vst v63  }
0x134: {  	_ =	swait.ge [sflag:s22], $0x4000  }
0x135: {  	[sflag:s22] =	ssyncset.done $0x0  }
0x136: {  	[sflag:s22] =	ssyncadd.s32 $0xFFFFC000  }
0x137: {  	_ =	swait.ge [sflag:s28], $0x4000  }
0x138: {  	[sflag:s28] =	ssyncset.done $0x0  }
0x139: {  	s4 =	simm.s32 $0x100;
	[sflag:s28] =	ssyncadd.s32 $0xFFFFC000  }
0x13a: {  	[tilespmem:s21], [sflag:$0x1] =	stream.indirect.gather [hbm4b:s1+s24], $0x80, s4, s24, $0xb8;
	[tilespmem:$0x1E800] =	vst v63  }
0x13b: {  	s11 =	simm.s32 $0x1480  }
0x13c: {  	[spmem:s3] =	stream.indirect.scatter.add.f32 [tilespmem:s26], [sflag:$0x3], $0x80, s11, s24, $0xb8;
	[tilespmem:$0x1E800] =	vst v63  }
0x13d: {  	_ =	swait.ge [sflag:s22], $0x4000  }
0x13e: {  	s2 =	simm.s32 $0x400;
	[sflag:s22] =	ssyncset.done $0x0  }
.LBB2_7:
0x13f: {  	p1 =	sne.s32 s2, $0x4800  }
0x140: {  	[sflag:s22] =	ssyncadd.s32 $0xFFFFC000;
	s4 =	smov.u32 s2;
	s2 =	sadd.s32 $0x400, s2  }
0x141: {  	_ = 	snop  }
0x142: {  	_ =	swait.ge [sflag:s25], $0x4000  }
0x143: {  	s4 =	sshra.s32 s4, $0x2;
	[sflag:s25] =	ssyncset.done $0x0  }
0x144: {  	s11 =	sadd.s32 $0x80, s4;
	[sflag:s25] =	ssyncadd.s32 $0xFFFFC000  }
0x145: {  	[tilespmem:s26], [sflag:$0x2] =	stream.indirect.gather [hbm4b:s1+s24], $0x80, s11, s24, $0xb8;
	[tilespmem:$0x1E800] =	vst v63  }
0x146: {  	s11 =	sadd.s32 $0x1400, s4  }
0x147: {  	[spmem:s3] =	stream.indirect.scatter.add.f32 [tilespmem:s21], [sflag:$0x3], $0x80, s11, s24, $0xb8;
	[tilespmem:$0x1E800] =	vst v63  }
0x148: {  	_ =	swait.ge [sflag:s22], $0x4000  }
0x149: {  	[sflag:s22] =	ssyncset.done $0x0  }
0x14a: {  	[sflag:s22] =	ssyncadd.s32 $0xFFFFC000  }
0x14b: {  	_ =	swait.ge [sflag:s28], $0x4000  }
0x14c: {  	[sflag:s28] =	ssyncset.done $0x0  }
0x14d: {  	s11 =	sadd.s32 $0x100, s4;
	[sflag:s28] =	ssyncadd.s32 $0xFFFFC000  }
0x14e: {  	[tilespmem:s21], [sflag:$0x1] =	stream.indirect.gather [hbm4b:s1+s24], $0x80, s11, s24, $0xb8;
	[tilespmem:$0x1E800] =	vst v63  }
.Ltmp8:
0x14f: {  	_ = 	snop;
	(pc) =	sbr.rel @p1 .LBB2_7-.Ltmp8, $4  }
0x150: {  	s4 =	sadd.s32 $0x1480, s4  }
0x151: {  	[spmem:s3] =	stream.indirect.scatter.add.f32 [tilespmem:s26], [sflag:$0x3], $0x80, s4, s24, $0xb8;
	[tilespmem:$0x1E800] =	vst v63  }
0x152: {  	_ =	swait.ge [sflag:s22], $0x4000  }
0x153: {  	[sflag:s22] =	ssyncset.done $0x0  }
.Ltmp9:
0x154: {  	_ = 	snop;
	(pc) =	sbr.rel .LBB2_8-.Ltmp9, $1  }
0x155: {  	_ =	sdelay $0x3  }
.LBB2_15:
0x156: {  	_ =	sfence.sel $0x180000  }
0x157: {  	[bflag:$0x0] =	sbarrier.arrive $0xFFFF  }
0x158: {  	_ =	strace $0x9000004D  }
0x159: {  	s0 =	stileid.u32;
	[bflag:$0x2] =	sbarrier.arrive $0xFFFF  }
0x15a: {  	p0 =	sne.s32 s0, $0x0;
	s0 =	rddreg [dreg:$0x3]  }
0x15b: {  	s0 =	sadd.s32 @!p0 $0x100000, s0  }
0x15c: {  	[sflag:s0] =	ssyncadd.tile.s32 @!p0 $0x1;
	_ =	shalt  }
.Lfunc_end2:
_tile_overlayer_lowered:
.L_overlay_start_2:
0x15d: {  	(tag) =	ssettag $0x2  }
0x15e: {  	s0 =	rddreg [dreg:$0x0];
	s2 =	stileid.u32  }
0x15f: {  	s1 =	rddreg [dreg:$0x1];
	p0 =	sne.s32 s2, $0x0  }
0x160: {  	s3 =	rddreg [dreg:$0x2];
	[bflag:$0x3] =	sbarrier.arrive $0xFFFF;
	s2 =	simm.s32 @!p0 $0x1C03  }
0x161: {  	[timem:s3], [sflag:s2] =	dma.local @!p0 [hbm:s0], s1  }
0x162: {  	s0 =	simm.s32 @!p0 $0x3  }
0x163: {  	_ =	swait.ge @!p0 [sflag:s0], s1  }
0x164: {  	s1 =	ssub.s32 @!p0 $0x0, s1;
	[sflag:s0] =	ssyncset.done @!p0 $0x0  }
0x165: {  	[sflag:s0] =	ssyncadd.s32 @!p0 s1  }
0x166: {  	[bflag:$0x3] =	sbarrier.arrive $0xFFFF  }
0x167: {  	_ =	shalt  }

// kernel: kernel.19.cloned.1.call-start
scs
__scs_entry_jumppad:
0x0: {  	(pc) =	sbr.rel $0x88, $3  }
0x1: {  	(tag) =	ssettag $0x0;
	lr =	simm.s32 $0x1  }
0x2: {  	[smem:$0x3F99] =	sst lr;
	_ =	strace $0xD0000000  }
0x3: {  	_ = 	snop  }
0x4: {  	_ = 	snop  }
0x5: {  	_ = 	snop  }
0x6: {  	_ = 	snop  }
0x7: {  	_ = 	snop  }
__scs_overlays_trampoline_lowered:
0x8: {  	[smem:$0x3FA8] =	sst s0  }
0x9: {  	[smem:$0x3FA9] =	sst s1  }
0xa: {  	[smem:$0x3FAA] =	sst s2  }
0xb: {  	[smem:$0x3FAB] =	sst s3  }
0xc: {  	[smem:$0x3FAC] =	sst s4  }
0xd: {  	[smem:$0x3FAD] =	sst s5  }
0xe: {  	[smem:$0x3FAE] =	sst s6  }
0xf: {  	[smem:$0x3FAF] =	sst s7  }
0x10: {  	[smem:$0x3FB0] =	sst s8  }
0x11: {  	[smem:$0x3FB1] =	sst s9;
	s0 =	simm.s32 @!p0 $0x0  }
0x12: {  	s1 =	sld [smem:$0x3F97];
	s0 =	simm.s32 @p0 $0x1  }
0x13: {  	[smem:$0x3FB2] =	sst s0;
	s0 =	simm.s32 @!p1 $0x0  }
0x14: {  	s2 =	sld [smem:$0x3F96];
	s0 =	simm.s32 @p1 $0x1  }
0x15: {  	[smem:$0x3FB3] =	sst s0;
	s0 =	simm.s32 @!p2 $0x0  }
0x16: {  	s3 =	sld [smem:$0x3FDB];
	s0 =	simm.s32 @p2 $0x1  }
0x17: {  	s4 =	simm.s32 $0x1BF5;
	[smem:$0x3FB5] =	sst s0  }
0x18: {  	s0 =	sld [smem:$0x3F98];
	_ =	swait.ge [sflag:s4], $0x0  }
0x19: {  	s7 =	sld [smem:$0x3F99]  }
0x1a: {  	s8 =	sadd.s32 $0xFFFFE003, lr  }
0x1b: {  	s9 =	sadd.s32 $0xFFFFFEF7, lr;
	s5 =	simm.s32 $0xFFFFFFFF;
	p2 =	slt.u32 s8, $0xFFFFF086  }
0x1c: {  	p1 =	slt.u32 s9, $0xF7A;
	s5 =	simm.s32 @!p2 $0x0  }
0x1d: {  	s5 =	simm.s32 @p1 $0x1;
	p0 =	seq.s32 s7, s2  }
0x1e: {  	s7 =	smul.u32 @!p0 $0xF7A, s2;
	p2 =	seq.s32 @!p0 s5, $0x0  }
0x1f: {  	s9 =	smul.u32 $0xF7A, s1;
	s8 =	simm.s32 @!p0 $0x1BF5;
	p2 =	por !p2, p0  }
0x20: {  	[sflag:s8] =	ssyncset.s32 @!p0 $0xFFFFF086;
	s6 =	sadd.s32 @!p0 s3, s7;
	s7 =	simm.s32 @!p0 $0x108  }
0x21: {  	s3 =	sadd.s32 s3, s9;
	s6 =	sadd.s32 @!p0 $0x88, s6;
	s7 =	simm.s32 @p2 $0x1082  }
0x22: {  	[simem:s7], [sflag:s8] =	dma.local @!p0 [hbm:s6], $0xF7A  }
0x23: {  	s9 =	sor.u32 $0xD0000000, s2;
	s6 =	simm.s32 $0x108;
	_ =	swait.ge @!p0 [sflag:s8], $0x0  }
0x24: {  	s3 =	sadd.s32 $0x88, s3;
	s6 =	simm.s32 @!p1 $0x1082;
	[sflag:s4] =	ssyncset.s32 $0xFFFFF086  }
0x25: {  	[simem:s6], [sflag:s4] =	dma.local [hbm:s3], $0xF7A  }
0x26: {  	[smem:$0x3F99] =	sst s1;
	(tag) =	ssettag s2;
	_ =	strace s9  }
0x27: {  	s1 =	sld [smem:$0x3FA9]  }
0x28: {  	s2 =	sld [smem:$0x3FAA]  }
0x29: {  	s4 =	sld [smem:$0x3FAC]  }
0x2a: {  	p0 =	seq.s32 s5, $0x0;
	s5 =	sld [smem:$0x3FAD]  }
0x2b: {  	s6 =	sld [smem:$0x3FAE]  }
0x2c: {  	s7 =	sld [smem:$0x3FAF]  }
0x2d: {  	s3 =	simm.s32 $0x108;
	s8 =	sld [smem:$0x3FB0]  }
0x2e: {  	s3 =	simm.s32 @!p0 $0x1082;
	s9 =	sld [smem:$0x3FB1]  }
0x2f: {  	lr =	sadd.s32 s0, s3;
	s0 =	sld [smem:$0x3FA8]  }
0x30: {  	s3 =	sld [smem:$0x3FAB]  }
0x31: {  	[smem:$0x3FB4] =	sst s10  }
0x32: {  	s10 =	sld [smem:$0x3FB2];
	_ =	sdelay $0x3  }
0x33: {  	p0 =	seq.s32 s10, $0x1;
	s10 =	sld [smem:$0x3FB4];
	_ =	sdelay $0x3  }
0x34: {  	[smem:$0x3FB4] =	sst s10  }
0x35: {  	s10 =	sld [smem:$0x3FB3];
	_ =	sdelay $0x3  }
0x36: {  	p1 =	seq.s32 s10, $0x1;
	s10 =	sld [smem:$0x3FB4];
	_ =	sdelay $0x3  }
0x37: {  	[smem:$0x3FB4] =	sst s10  }
0x38: {  	s10 =	sld [smem:$0x3FB5]  }
0x39: {  	_ = 	snop;
	(pc) =	sbr.ind lr, $3  }
0x3a: {  	_ = 	snop  }
0x3b: {  	_ = 	snop  }
0x3c: {  	p2 =	seq.s32 s10, $0x1;
	s10 =	sld [smem:$0x3FB4]  }
0x3d: {  	_ =	shalt  }
0x3e: {  	_ =	shalt  }
0x3f: {  	_ =	shalt  }
0x40: {  	_ =	shalt  }
0x41: {  	_ =	shalt  }
0x42: {  	_ =	shalt  }
0x43: {  	_ =	shalt  }
0x44: {  	_ =	shalt  }
0x45: {  	_ =	shalt  }
0x46: {  	_ =	shalt  }
0x47: {  	_ =	shalt  }
0x48: {  	_ =	shalt  }
0x49: {  	_ =	shalt  }
0x4a: {  	_ =	shalt  }
0x4b: {  	_ =	shalt  }
0x4c: {  	_ =	shalt  }
0x4d: {  	_ =	shalt  }
0x4e: {  	_ =	shalt  }
0x4f: {  	_ =	shalt  }
0x50: {  	_ =	shalt  }
0x51: {  	_ =	shalt  }
0x52: {  	_ =	shalt  }
0x53: {  	_ =	shalt  }
0x54: {  	_ =	shalt  }
0x55: {  	_ =	shalt  }
0x56: {  	_ =	shalt  }
0x57: {  	_ =	shalt  }
0x58: {  	_ =	shalt  }
0x59: {  	_ =	shalt  }
0x5a: {  	_ =	shalt  }
0x5b: {  	_ =	shalt  }
0x5c: {  	_ =	shalt  }
0x5d: {  	_ =	shalt  }
0x5e: {  	_ =	shalt  }
0x5f: {  	_ =	shalt  }
0x60: {  	_ =	shalt  }
0x61: {  	_ =	shalt  }
0x62: {  	_ =	shalt  }
0x63: {  	_ =	shalt  }
0x64: {  	_ =	shalt  }
0x65: {  	_ =	shalt  }
0x66: {  	_ =	shalt  }
0x67: {  	_ =	shalt  }
0x68: {  	_ =	shalt  }
0x69: {  	_ =	shalt  }
0x6a: {  	_ =	shalt  }
0x6b: {  	_ =	shalt  }
0x6c: {  	_ =	shalt  }
0x6d: {  	_ =	shalt  }
0x6e: {  	_ =	shalt  }
0x6f: {  	_ =	shalt  }
0x70: {  	_ =	shalt  }
0x71: {  	_ =	shalt  }
0x72: {  	_ =	shalt  }
0x73: {  	_ =	shalt  }
0x74: {  	_ =	shalt  }
0x75: {  	_ =	shalt  }
0x76: {  	_ =	shalt  }
0x77: {  	_ =	shalt  }
0x78: {  	_ =	shalt  }
0x79: {  	_ =	shalt  }
0x7a: {  	_ =	shalt  }
0x7b: {  	_ =	shalt  }
0x7c: {  	_ =	shalt  }
0x7d: {  	_ =	shalt  }
0x7e: {  	_ =	shalt  }
0x7f: {  	_ =	shalt  }
0x80: {  	_ =	shalt  }
0x81: {  	_ =	shalt  }
0x82: {  	_ =	shalt  }
0x83: {  	_ =	shalt  }
0x84: {  	_ =	shalt  }
0x85: {  	_ =	shalt  }
0x86: {  	_ =	shalt  }
0x87: {  	_ =	shalt  }
.Lfunc_end0:
.L_simem_size_0:
called_computation.3_lowered:
.L_overlay_start_0:
0x88: {  	s2 =	sld [smem:$0x3FD9]  }
0x89: {  	s3 =	sld [smem:$0x3FFE];
	_ =	sdelay $0x1  }
0x8a: {  	s1 =	srdreg.scid  }
0x8b: {  	s0 =	sand.u32 $0x1, s1  }
0x8c: {  	s17 =	sshll.u32 s0, $0xA;
	s2 =	sadd.s32 s3, s2  }
0x8d: {  	s2 =	sadd.s32 s2, s17  }
0x8e: {  	[smem:$0x3FC0] =	sst s2  }
0x8f: {  	_ = 	snop  }
0x90: {  	s2 =	sld [smem:$0x3FD0];
	(tm) =	ssettm $0x1  }
0x91: {  	s18 =	sld [smem:$0x3FFB];
	_ =	sdelay $0x3  }
0x92: {  	_ =	strace s18  }
0x93: {  	s3 =	sld [smem:$0x3FFC];
	_ =	sdelay $0x3  }
0x94: {  	_ =	strace s3  }
0x95: {  	s3 =	sld [smem:$0x3FFD];
	_ =	sdelay $0x3  }
0x96: {  	_ =	strace s3  }
0x97: {  	_ =	strace $0x8FFFFFFF  }
0x98: {  	s19 =	sld [smem:$0x3FDB];
	_ =	sdelay $0x1  }
0x99: {  	s4 =	simm.s32 $_scs_section_size  }
0x9a: {  	s5 =	simm.s32 $_size__tile_overlayer_lowered;
	s6 =	simm.s32 $_tile_overlayer_lowered  }
0x9b: {  	s22 =	simm.s32 $0x1BFF;
	s21 =	sshll.u32 s6, $0x1;
	s3 =	sadd.s32 s4, s19  }
0x9c: {  	s7 =	simm.s32 $0x0;
	s20 =	sshll.u32 s5, $0x1;
	s5 =	sadd.s32 s21, s3  }
0x9d: {  	[timem:s7], [sflag:s22] =	dma.local [hbm:s5], s20  }
0x9e: {  	_ =	swait.ge [sflag:s22], s20  }
0x9f: {  	s4 =	ssub.s32 $0x0, s20;
	[sflag:s22] =	ssyncset.done $0x0  }
0xa0: {  	[sflag:s22] =	ssyncadd.s32 s4;
	_ =	sdelay $0x1  }
0xa1: {  	s23 =	simm.s32 $0x1B8B  }
0xa2: {  	_ =	swait.ge [sflag:s23], $0x1  }
0xa3: {  	[sflag:s23] =	ssyncset.done $0x0  }
0xa4: {  	s25 =	simm.s32 $0x1B8E;
	s24 =	sld [smem:$0x3FFE];
	[sflag:s23] =	ssyncadd.s32 $0xFFFFFFFF  }
0xa5: {  	s26 =	simm.s32 $execute0_lowered;
	[smem:$0x3FD2] =	sst s25  }
0xa6: {  	s5 =	sshll.u32 s26, $0x1;
	_ =	strace $0x8000004F;
	[dreg:$0x1] =	wrdreg $0xFFFFFFFF  }
0xa7: {  	s28 =	simm.s32 $_size_execute0_lowered;
	s3 =	sadd.s32 s3, s5;
	[dreg:$0x0] =	wrdreg $0x0  }
0xa8: {  	s5 =	sshll.u32 s28, $0x1;
	[dreg:$0x2] =	wrdreg s3  }
0xa9: {  	[dreg:$0x3] =	wrdreg s5  }
0xaa: {  	[dreg:$0x4] =	wrdreg $0xC0  }
0xab: {  	_ =	task [dreg:s7], $0x5FFFF  }
0xac: {  	[dreg:$0x1] =	wrdreg $0xFFFFFFFF  }
0xad: {  	[dreg:$0x0] =	wrdreg $0x60  }
0xae: {  	[dreg:$0x2] =	wrdreg s2  }
0xaf: {  	[dreg:$0x3] =	wrdreg s24  }
0xb0: {  	[dreg:$0x4] =	wrdreg $0xA8000  }
0xb1: {  	[dreg:$0x5] =	wrdreg $0x9  }
0xb2: {  	_ =	task.clear_ibuf [dreg:s7], $0x6FFFF;
	_ =	strace $0x9000004F  }
0xb3: {  	s29 =	simm.s32 $0x9;
	_ =	strace $0x80000051  }
0xb4: {  	_ =	swait.ge [sflag:s29], $0x1  }
0xb5: {  	[sflag:s29] =	ssyncadd.s32 $0xFFFFFFFF  }
0xb6: {  	_ =	strace $0x90000051  }
0xb7: {  	_ =	sfence  }
0xb8: {  	s30 =	sld [smem:$0x0];
	_ =	sdelay $0x2  }
0xb9: {  	s31 =	sshll.u32 s1, $0xD;
	s1 =	sshrl.u32 s1, $0x2  }
0xba: {  	s3 =	sand.u32 $0x4000, s31;
	s1 =	sadd.s32 s1, s30  }
0xbb: {  	s0 =	sor.u32 s3, s0;
	s1 =	sshll.u32 s1, $0x11  }
0xbc: {  	s0 =	sor.u32 s1, s0  }
0xbd: {  	s0 =	sadd.s32 $0x8F2B, s0  }
0xbe: {  	[sflag:s0] =	ssyncadd.remote.s32 $0x1  }
0xbf: {  	_ =	sfence.sel $0xFFFF  }
0xc0: {  	[dreg:$0x0] =	wrdreg $0xFFFFFFFF;
	(pc) =	sbr.abs _section_cstart, $3  }
0xc1: {  	[dreg:$0x1] =	wrdreg $0xFFFFFFFF  }
0xc2: {  	_ =	task.clear_ibuf [dreg:s7], $0x2FFFF;
	_ =	strace $0x9FFFFFFF  }
0xc3: {  	(tm) =	ssettm $0x7FFFFFFF  }
tec
execute0_lowered:
.L_overlay_start_1:
0x0: {  	(tag) =	ssettag $0x1  }
0x1: {  	s1 =	rddreg [dreg:$0x0]  }
0x2: {  	s5 =	rddreg [dreg:$0x1]  }
0x3: {  	s3 =	rddreg [dreg:$0x2]  }
0x4: {  	s4 =	srdreg.scid;
	s2 =	stileid.u32  }
0x5: {  	s18 =	simm.s32 $0x3;
	s19 =	simm.s32 $0x1400;
	s20 =	simm.s32 $0x2800  }
0x6: {  	s21 =	simm.s32 $0x80;
	s22 =	simm.s32 $0x1;
	s23 =	simm.s32 $0x6800  }
0x7: {  	s24 =	simm.s32 $0x2;
	s25 =	simm.s32 $0x1380;
	s26 =	simm.s32 $0x2700  }
0x8: {  	s28 =	simm.s32 $0x2780;
	s29 =	simm.s32 $0x0;
	s8 =	smul.u32 $0x280, s2  }
0x9: {  	s6 =	sand.u32 $0x1, s4;
	s4 =	simm.s32 $0x0;
	s30 =	smul.u32 $0x50000, s2  }
0xa: {  	s7 =	sshll.u32 s6, $0x4;
	[smem:$0x7FF] =	sst s4;
	s9 =	smul.u32 $0x2800, s6  }
0xb: {  	s6 =	ssub.s32 $0x2, s6;
	s7 =	sor.u32 s2, s7;
	_ =	strace $0x80000050  }
0xc: {  	s10 =	sshrl.u32 s6, $0x1;
	s7 =	smul.u32 $0x280, s7;
	s8 =	sadd.s32 s8, s9  }
0xd: {  	s31 =	sshrl.u32 s30, $0x2;
	s17 =	ssub.s32 s6, s10;
	s8 =	sshll.u32 s8, $0x4  }
0xe: {  	s17 =	smax.u32 s17, $0x1;
	s7 =	sadd.s32 s7, s5;
	s16 =	sadd.s32 s8, s5  }
0xf: {  	s5 =	sadd.s32 $0x2E00, s7;
	s6 =	sadd.s32 $0x7E00, s7;
	s7 =	sadd.s32 s31, s3  }
0x10: {  	s12 =	sadd.s32 $0xCE00, s16;
	s13 =	sadd.s32 $0xD600, s16;
	s14 =	sadd.s32 $0xDE00, s16  }
0x11: {  	s15 =	sadd.s32 $0xE600, s16;
	s16 =	sadd.s32 $0xEE00, s16;
	s8 =	sadd.s32 $0x4000, s7  }
0x12: {  	v0 =	vimm.f32 $0.0e+00;
	s9 =	sadd.s32 $0x8000, s7;
	s10 =	sadd.s32 $0xC000, s7;
	s11 =	sadd.s32 $0x10000, s7  }
.LBB2_1:
0x13: {  	[tilespmem:s4], [sflag:$0x3] =	stream.linear.gather [hbm4b:s5+s4], $0x1400, $0x38;
	[tilespmem:$0x1E800] =	vst v63  }
0x14: {  	_ =	swait.ge [sflag:s18], $0x1400  }
0x15: {  	[sflag:s18] =	ssyncset.done $0x0  }
0x16: {  	[sflag:s18] =	ssyncadd.s32 $0xFFFFEC00  }
0x17: {  	[tilespmem:s19], [sflag:$0x3] =	stream.linear.gather [hbm4b:s6+s4], $0x1400, $0x38;
	[tilespmem:$0x1E800] =	vst v63  }
0x18: {  	_ =	swait.ge [sflag:s18], $0x1400  }
0x19: {  	[sflag:s18] =	ssyncset.done $0x0  }
0x1a: {  	s30 =	simm.s32 $0x0;
	s31 =	simm.s32 $0x200;
	[sflag:s18] =	ssyncadd.s32 $0xFFFFEC00  }
.LBB2_2:
0x1b: {  	p0 =	sne.s32 s31, $0xFE00;
	[tilespmem:s30+$0x2870] =	vst v0  }
0x1c: {  	[tilespmem:s30+$0x2800] =	vst v0  }
0x1d: {  	[tilespmem:s30+$0x2810] =	vst v0  }
.Ltmp0:
0x1e: {  	[tilespmem:s30+$0x2820] =	vst v0;
	(pc) =	sbr.rel @p0 .LBB2_2-.Ltmp0, $4  }
0x1f: {  	[tilespmem:s30+$0x2830] =	vst v0  }
0x20: {  	[tilespmem:s30+$0x2840] =	vst v0  }
0x21: {  	[tilespmem:s30+$0x2850] =	vst v0  }
0x22: {  	[tilespmem:s30+$0x2860] =	vst v0;
	s30 =	sshra.s32 s31, $0x2;
	s31 =	sadd.s32 $0x200, s31  }
0x23: {  	[tilespmem:s30+$0x2870] =	vst v0  }
0x24: {  	[tilespmem:s30+$0x2800] =	vst v0  }
0x25: {  	[tilespmem:s30+$0x2810] =	vst v0  }
0x26: {  	[tilespmem:s30+$0x2820] =	vst v0  }
0x27: {  	[tilespmem:s30+$0x2830] =	vst v0  }
0x28: {  	[tilespmem:s30+$0x2840] =	vst v0  }
0x29: {  	[tilespmem:s30+$0x2850] =	vst v0  }
0x2a: {  	[tilespmem:s30+$0x2860] =	vst v0  }
0x2b: {  	[spmem:s7] =	stream.linear.scatter [tilespmem:s20], [sflag:$0x3], $0x4000, $0x38;
	[tilespmem:$0x1E800] =	vst v63  }
0x2c: {  	_ =	swait.ge [sflag:s18], $0x4000  }
0x2d: {  	[sflag:s18] =	ssyncset.done $0x0  }
0x2e: {  	[sflag:s18] =	ssyncadd.s32 $0xFFFFC000  }
0x2f: {  	[spmem:s8] =	stream.linear.scatter [tilespmem:s20], [sflag:$0x3], $0x4000, $0x38;
	[tilespmem:$0x1E800] =	vst v63  }
0x30: {  	_ =	swait.ge [sflag:s18], $0x4000  }
0x31: {  	[sflag:s18] =	ssyncset.done $0x0  }
0x32: {  	[sflag:s18] =	ssyncadd.s32 $0xFFFFC000  }
0x33: {  	[spmem:s9] =	stream.linear.scatter [tilespmem:s20], [sflag:$0x3], $0x4000, $0x38;
	[tilespmem:$0x1E800] =	vst v63  }
0x34: {  	_ =	swait.ge [sflag:s18], $0x4000  }
0x35: {  	[sflag:s18] =	ssyncset.done $0x0  }
0x36: {  	[sflag:s18] =	ssyncadd.s32 $0xFFFFC000  }
0x37: {  	[spmem:s10] =	stream.linear.scatter [tilespmem:s20], [sflag:$0x3], $0x4000, $0x38;
	[tilespmem:$0x1E800] =	vst v63  }
0x38: {  	_ =	swait.ge [sflag:s18], $0x4000  }
0x39: {  	[sflag:s18] =	ssyncset.done $0x0  }
0x3a: {  	[sflag:s18] =	ssyncadd.s32 $0xFFFFC000  }
0x3b: {  	[spmem:s11] =	stream.linear.scatter [tilespmem:s20], [sflag:$0x3], $0x4000, $0x38;
	[tilespmem:$0x1E800] =	vst v63  }
0x3c: {  	_ =	swait.ge [sflag:s18], $0x4000  }
0x3d: {  	[sflag:s18] =	ssyncset.done $0x0  }
0x3e: {  	[sflag:s18] =	ssyncadd.s32 $0xFFFFC000  }
0x3f: {  	s30 =	simm.s32 $0x0;
	[bflag:$0x0] =	sbarrier.arrive $0xFFFF  }
0x40: {  	[tilespmem:s20], [sflag:$0x1] =	stream.indirect.gather [hbm4b:s1+s21], $0x80, s30, s21, $0xb8;
	[tilespmem:$0x1E800] =	vst v63  }
0x41: {  	_ =	swait.ge [sflag:s22], $0x4000  }
0x42: {  	[sflag:s22] =	ssyncset.done $0x0  }
0x43: {  	s30 =	simm.s32 $0x80;
	[sflag:s22] =	ssyncadd.s32 $0xFFFFC000  }
0x44: {  	[tilespmem:s23], [sflag:$0x2] =	stream.indirect.gather [hbm4b:s1+s21], $0x80, s30, s21, $0xb8;
	[tilespmem:$0x1E800] =	vst v63  }
0x45: {  	s30 =	simm.s32 $0x1400  }
0x46: {  	[spmem:s3] =	stream.indirect.scatter.add.f32 [tilespmem:s20], [sflag:$0x3], $0x80, s30, s21, $0xb8;
	[tilespmem:$0x1E800] =	vst v63  }
0x47: {  	_ =	swait.ge [sflag:s18], $0x4000  }
0x48: {  	[sflag:s18] =	ssyncset.done $0x0  }
0x49: {  	[sflag:s18] =	ssyncadd.s32 $0xFFFFC000  }
0x4a: {  	_ =	swait.ge [sflag:s24], $0x4000  }
0x4b: {  	[sflag:s24] =	ssyncset.done $0x0  }
0x4c: {  	s30 =	simm.s32 $0x100;
	[sflag:s24] =	ssyncadd.s32 $0xFFFFC000  }
0x4d: {  	[tilespmem:s20], [sflag:$0x1] =	stream.indirect.gather [hbm4b:s1+s21], $0x80, s30, s21, $0xb8;
	[tilespmem:$0x1E800] =	vst v63  }
0x4e: {  	s30 =	simm.s32 $0x1480  }
0x4f: {  	[spmem:s3] =	stream.indirect.scatter.add.f32 [tilespmem:s23], [sflag:$0x3], $0x80, s30, s21, $0xb8;
	[tilespmem:$0x1E800] =	vst v63  }
0x50: {  	_ =	swait.ge [sflag:s18], $0x4000  }
0x51: {  	s30 =	simm.s32 $0x400;
	[sflag:s18] =	ssyncset.done $0x0  }
.LBB2_4:
0x52: {  	p0 =	sne.s32 s30, $0x4800  }
0x53: {  	[sflag:s18] =	ssyncadd.s32 $0xFFFFC000;
	s31 =	smov.u32 s30;
	s30 =	sadd.s32 $0x400, s30  }
0x54: {  	_ = 	snop  }
0x55: {  	_ =	swait.ge [sflag:s22], $0x4000  }
0x56: {  	s31 =	sshra.s32 s31, $0x2;
	[sflag:s22] =	ssyncset.done $0x0  }
0x57: {  	s0 =	sadd.s32 $0x80, s31;
	[sflag:s22] =	ssyncadd.s32 $0xFFFFC000  }
0x58: {  	[tilespmem:s23], [sflag:$0x2] =	stream.indirect.gather [hbm4b:s1+s21], $0x80, s0, s21, $0xb8;
	[tilespmem:$0x1E800] =	vst v63  }
0x59: {  	s0 =	sadd.s32 $0x1400, s31  }
0x5a: {  	[spmem:s3] =	stream.indirect.scatter.add.f32 [tilespmem:s20], [sflag:$0x3], $0x80, s0, s21, $0xb8;
	[tilespmem:$0x1E800] =	vst v63  }
0x5b: {  	_ =	swait.ge [sflag:s18], $0x4000  }
0x5c: {  	[sflag:s18] =	ssyncset.done $0x0  }
0x5d: {  	[sflag:s18] =	ssyncadd.s32 $0xFFFFC000  }
0x5e: {  	_ =	swait.ge [sflag:s24], $0x4000  }
0x5f: {  	[sflag:s24] =	ssyncset.done $0x0  }
0x60: {  	s0 =	sadd.s32 $0x100, s31;
	[sflag:s24] =	ssyncadd.s32 $0xFFFFC000  }
0x61: {  	[tilespmem:s20], [sflag:$0x1] =	stream.indirect.gather [hbm4b:s1+s21], $0x80, s0, s21, $0xb8;
	[tilespmem:$0x1E800] =	vst v63  }
.Ltmp1:
0x62: {  	_ = 	snop;
	(pc) =	sbr.rel @p0 .LBB2_4-.Ltmp1, $4  }
0x63: {  	s0 =	sadd.s32 $0x1480, s31  }
0x64: {  	[spmem:s3] =	stream.indirect.scatter.add.f32 [tilespmem:s23], [sflag:$0x3], $0x80, s0, s21, $0xb8;
	[tilespmem:$0x1E800] =	vst v63  }
0x65: {  	_ =	swait.ge [sflag:s18], $0x4000  }
0x66: {  	[sflag:s18] =	ssyncset.done $0x0  }
0x67: {  	[sflag:s18] =	ssyncadd.s32 $0xFFFFC000  }
0x68: {  	_ =	swait.ge [sflag:s22], $0x4000  }
0x69: {  	[sflag:s22] =	ssyncset.done $0x0  }
0x6a: {  	[sflag:s22] =	ssyncadd.s32 $0xFFFFC000  }
0x6b: {  	[tilespmem:s23], [sflag:$0x2] =	stream.indirect.gather [hbm4b:s1+s21], $0x80, s25, s21, $0xb8;
	[tilespmem:$0x1E800] =	vst v63  }
0x6c: {  	_ = 	snop  }
0x6d: {  	[spmem:s3] =	stream.indirect.scatter.add.f32 [tilespmem:s20], [sflag:$0x3], $0x80, s26, s21, $0xb8;
	[tilespmem:$0x1E800] =	vst v63  }
0x6e: {  	_ =	swait.ge [sflag:s18], $0x4000  }
0x6f: {  	[sflag:s18] =	ssyncset.done $0x0  }
0x70: {  	[sflag:s18] =	ssyncadd.s32 $0xFFFFC000  }
0x71: {  	_ =	swait.ge [sflag:s24], $0x4000  }
0x72: {  	[sflag:s24] =	ssyncset.done $0x0  }
0x73: {  	[sflag:s24] =	ssyncadd.s32 $0xFFFFC000  }
0x74: {  	[tilespmem:s20], [sflag:$0x1] =	stream.indirect.gather [hbm4b:s1+s21], $0x80, s25, s21, $0xb8;
	[tilespmem:$0x1E800] =	vst v63  }
0x75: {  	_ = 	snop  }
0x76: {  	[spmem:s3] =	stream.indirect.scatter.add.f32 [tilespmem:s23], [sflag:$0x3], $0x80, s28, s21, $0xb8;
	[tilespmem:$0x1E800] =	vst v63  }
0x77: {  	_ =	swait.ge [sflag:s18], $0x4000  }
0x78: {  	[sflag:s18] =	ssyncset.done $0x0  }
0x79: {  	[sflag:s18] =	ssyncadd.s32 $0xFFFFC000  }
0x7a: {  	_ =	swait.ge [sflag:s22], $0x4000  }
0x7b: {  	[sflag:s22] =	ssyncset.done $0x0  }
0x7c: {  	s0 =	sshll.u32 s2, $0x6;
	[sflag:s22] =	ssyncadd.s32 $0xFFFFC000  }
0x7d: {  	s30 =	sshrl.u32 s7, $0x3;
	s0 =	sor.u32 $0x1C03, s0;
	[bflag:$0x0] =	sbarrier.arrive $0xFFFF  }
0x7e: {  	[hbm:s12], [sflag:s0] =	dma.local [spmem:s30], $0x800  }
0x7f: {  	_ =	swait.ge [sflag:s18], $0x800  }
0x80: {  	[sflag:s18] =	ssyncset.done $0x0  }
0x81: {  	s31 =	sshrl.u32 s8, $0x3;
	[sflag:s18] =	ssyncadd.s32 $0xFFFFF800  }
0x82: {  	[hbm:s13], [sflag:s0] =	dma.local [spmem:s31], $0x800  }
0x83: {  	_ =	swait.ge [sflag:s18], $0x800  }
0x84: {  	[sflag:s18] =	ssyncset.done $0x0  }
0x85: {  	s31 =	sshrl.u32 s9, $0x3;
	[sflag:s18] =	ssyncadd.s32 $0xFFFFF800  }
0x86: {  	[hbm:s14], [sflag:s0] =	dma.local [spmem:s31], $0x800  }
0x87: {  	_ =	swait.ge [sflag:s18], $0x800  }
0x88: {  	[sflag:s18] =	ssyncset.done $0x0  }
0x89: {  	s31 =	sshrl.u32 s10, $0x3;
	[sflag:s18] =	ssyncadd.s32 $0xFFFFF800  }
0x8a: {  	[hbm:s15], [sflag:s0] =	dma.local [spmem:s31], $0x800  }
0x8b: {  	s29 =	sadd.s32 $0x1, s29;
	_ =	swait.ge [sflag:s18], $0x800  }
0x8c: {  	p0 =	sne.s32 s29, s17;
	[sflag:s18] =	ssyncset.done $0x0  }
.Ltmp2:
0x8d: {  	s31 =	sshrl.u32 s11, $0x3;
	[sflag:s18] =	ssyncadd.s32 $0xFFFFF800;
	(pc) =	sbr.rel @p0 .LBB2_1-.Ltmp2, $4  }
0x8e: {  	[hbm:s16], [sflag:s0] =	dma.local [spmem:s31], $0x800  }
0x8f: {  	_ =	swait.ge [sflag:s18], $0x800  }
0x90: {  	[sflag:s18] =	ssyncset.done $0x0  }
0x91: {  	[sflag:s18] =	ssyncadd.s32 $0xFFFFF800  }
0x92: {  	_ =	sfence.sel $0x180000  }
0x93: {  	[bflag:$0x0] =	sbarrier.arrive $0xFFFF  }
0x94: {  	_ =	strace $0x90000050  }
0x95: {  	[bflag:$0x2] =	sbarrier.arrive $0xFFFF  }
0x96: {  	p0 =	sne.s32 s2, $0x0;
	s0 =	rddreg [dreg:$0x3]  }
0x97: {  	s0 =	sadd.s32 @!p0 $0x100000, s0  }
0x98: {  	[sflag:s0] =	ssyncadd.tile.s32 @!p0 $0x1;
	_ =	shalt  }
.Lfunc_end2:
_tile_overlayer_lowered:
.L_overlay_start_2:
0x99: {  	(tag) =	ssettag $0x2  }
0x9a: {  	s0 =	rddreg [dreg:$0x0];
	s2 =	stileid.u32  }
0x9b: {  	s1 =	rddreg [dreg:$0x1];
	p0 =	sne.s32 s2, $0x0  }
0x9c: {  	s3 =	rddreg [dreg:$0x2];
	[bflag:$0x3] =	sbarrier.arrive $0xFFFF;
	s2 =	simm.s32 @!p0 $0x1C03  }
0x9d: {  	[timem:s3], [sflag:s2] =	dma.local @!p0 [hbm:s0], s1  }
0x9e: {  	s0 =	simm.s32 @!p0 $0x3  }
0x9f: {  	_ =	swait.ge @!p0 [sflag:s0], s1  }
0xa0: {  	s1 =	ssub.s32 @!p0 $0x0, s1;
	[sflag:s0] =	ssyncset.done @!p0 $0x0  }
0xa1: {  	[sflag:s0] =	ssyncadd.s32 @!p0 s1  }
0xa2: {  	[bflag:$0x3] =	sbarrier.arrive $0xFFFF  }
0xa3: {  	_ =	shalt  }

</sc_bundles>
